<compile_context>
chip_gen: v7x
topology: tpu7x:2x2x1
jax: 0.10.2.dev20260603
libtpu: 0.0.44.dev20260713+nightly
codegen_flags: <defaults>
</compile_context>

<pallas_src>
import functools

import jax
import jax.numpy as jnp
from jax import lax
from jax.experimental import pallas as pl
from jax.experimental.pallas import tpu as pltpu
from jax.experimental.pallas import tpu_sc as plsc

B, Q, KV, H = 1, 2048, 2048, 12
NC, NS = 2, 16
NW = NC * NS
CHUNK = 256
N_ITEMS = H * (Q // CHUNK)
K_ITEMS = N_ITEMS // NW
GROUPS = CHUNK // 16


def _scalar_at(ref, idx):
    return ref[pl.ds(idx, 16)][0]


def _sc_kernel(qid_hbm, kvid_hbm, w_hbm, out_hbm, kvid_v, qid_v, w_v, tab_v,
               sem, sem_in):
    wid = lax.axis_index("s") * NC + lax.axis_index("c")

    def item_params(k):
        t = wid + NW * k
        h = t // (Q // CHUNK)
        c = t % (Q // CHUNK)
        return h, c

    in_copies = [pltpu.make_async_copy(w_hbm, w_v.at[pl.ds(0, 24)], sem_in)]
    for k in range(K_ITEMS):
        _, c = item_params(k)
        in_copies.append(pltpu.make_async_copy(
            qid_hbm.at[0, 0, pl.ds(c * CHUNK, CHUNK)],
            qid_v.at[pl.ds(k * CHUNK, CHUNK)],
            sem_in,
        ))
    for cp in in_copies:
        cp.start()
    pltpu.sync_copy(kvid_hbm.at[0, 0], kvid_v)
    for cp in in_copies:
        cp.wait()

    def build_table(k):
        h, _ = item_params(k)
        w0 = _scalar_at(w_v, h)
        w1 = _scalar_at(w_v, 12 + h)
        w0v = jnp.full((16,), w0, dtype=jnp.float32)
        w1v = jnp.full((16,), w1, dtype=jnp.float32)

        def build(j, _):
            kvc = kvid_v[pl.ds(j * 16, 16)]
            for v in range(4):
                tab_v[k, v, pl.ds(j * 16, 16)] = jnp.where(kvc == v, w1v, w0v)
            return 0

        lax.fori_loop(0, KV // 16, build, 0)

    def drain16():
        for _ in range(16):
            pltpu.make_async_copy(tab_v.at[0, 0], out_hbm.at[0, 0, 0], sem).wait()

    def drain_rows(n):
        def body(i, _):
            pltpu.make_async_copy(tab_v.at[0, 0], out_hbm.at[0, 0, 0], sem).wait()
            return 0

        lax.fori_loop(0, n, body, 0)

    build_table(0)
    for k in range(K_ITEMS):
        h, c = item_params(k)

        def fire_group(g, _):
            base = c * CHUNK + g * 16
            qv = qid_v[pl.ds(k * CHUNK + g * 16, 16)]
            for j in range(16):
                pltpu.make_async_copy(
                    tab_v.at[k, qv[j]], out_hbm.at[0, h, base + j], sem
                ).start()

            @pl.when(g >= 3)
            def _():
                drain16()

            return 0

        lax.fori_loop(0, GROUPS, fire_group, 0)
        if k + 1 < K_ITEMS:
            build_table(k + 1)
    drain_rows(K_ITEMS * CHUNK - K_ITEMS * (GROUPS - 3) * 16)


def kernel(query_id, kv_id, emb_weight):
    mesh = plsc.VectorSubcoreMesh(core_axis_name="c", subcore_axis_name="s")
    run = functools.partial(
        pl.kernel,
        mesh=mesh,
        out_type=jax.ShapeDtypeStruct((B, H, Q, KV), jnp.float32),
        scratch_types=[
            pltpu.VMEM((KV,), jnp.int32),
            pltpu.VMEM((K_ITEMS * CHUNK + 16,), jnp.int32),
            pltpu.VMEM((40,), jnp.float32),
            pltpu.VMEM((K_ITEMS, 4, KV), jnp.float32),
            pltpu.SemaphoreType.DMA,
            pltpu.SemaphoreType.DMA,
        ],
    )(_sc_kernel)
    return run(query_id, kv_id, jnp.reshape(emb_weight, (24,)))

# --- scband reference (transcript-rebuilt; emitter-appended) ---
"""Pipeline reference for scband-binary-attention-bias-4449586118925 (READ-ONLY COPY).

The authoritative reference and input builder live on the scoring server;
editing this copy changes nothing except your own understanding.
"""

import jax, jax.numpy as jnp
import numpy as np

B, Q, KV, H = 1, 2048, 2048, 12


def setup_inputs(seed: int = 0) -> dict:
    key = jax.random.key(seed)
    k1, k2, k3 = jax.random.split(key, 3)
    query_id = jax.random.randint(k1, (B, 1, Q), 0, 4, dtype=jnp.int32)
    kv_id = jax.random.randint(k2, (B, 1, KV), 0, 4, dtype=jnp.int32)
    # learned parameter: nn.Embedding(2, num_heads).weight
    emb_weight = jax.random.normal(k3, (2, H), dtype=jnp.float32)
    return {"query_id": query_id, "kv_id": kv_id, "emb_weight": emb_weight}


def reference(query_id, kv_id, emb_weight):
    # ind: (*batch, q_len, kv_len)
    ind = jnp.equal(query_id[..., :, None], kv_id[..., None, :])
    # rearrange 'two num_heads -> two num_heads 1 1'
    weight = emb_weight[:, :, None, None]
    # torch.where(ind, weight[1:], weight[:1]) -> broadcast to (B, H, q, kv)
    bias = jnp.where(ind, weight[1:], weight[:1])
    return bias

if __name__ == "__main__":
    import jax
    _d = setup_inputs()
    print(jax.jit(kernel)(*tuple(_d.values())))

</pallas_src>

<mosaic_0001>
#map = affine_map<(d0, d1) -> (0, 0, 0)>
#map1 = affine_map<(d0, d1) -> (0)>
#map2 = affine_map<(d0, d1) -> (0, 0, 0, 0)>
module attributes {stable_mosaic.version = 14 : i64} {
  func.func @_sc_kernel(%arg0: i32, %arg1: i32, %arg2: memref<1x1x2048xi32, #tpu.memory_space<hbm>>, %arg3: memref<1x1x2048xi32, #tpu.memory_space<hbm>>, %arg4: memref<24xf32, #tpu.memory_space<hbm>>, %arg5: memref<1x12x2048x2048xf32, #tpu.memory_space<hbm>>, %arg6: memref<2048xi32, #tpu.memory_space<vmem>>, %arg7: memref<784xi32, #tpu.memory_space<vmem>>, %arg8: memref<40xf32, #tpu.memory_space<vmem>>, %arg9: memref<3x4x2048xf32, #tpu.memory_space<vmem>>, %arg10: memref<!tpu.dma_semaphore, #tpu.memory_space<semaphore_mem>>, %arg11: memref<!tpu.dma_semaphore, #tpu.memory_space<semaphore_mem>>) attributes {dimension_semantics = [#tpu.dimension_semantics<core_parallel>, #tpu.dimension_semantics<subcore_parallel>], iteration_bounds = array<i64: 2, 16>, scalar_prefetch = 0 : i64, scratch_operands = 6 : i64, tpu.core_type = #tpu.core_type<sc_vector_subcore>, window_params = [{transform_indices = #map}, {transform_indices = #map}, {transform_indices = #map1}, {transform_indices = #map2}]} {
    %mul3A = arith.constant 2 : i32
    %mul3A_0 = arith.muli %arg1, %mul3A : i32
    %add3A = arith.addi %mul3A_0, %arg0 : i32
    %add3A_1 = arith.constant 0 : i32
    %add3A_2 = arith.addi %add3A, %add3A_1 : i32
    %jit3A = arith.constant 8 : i32
    %div3A = arith.divsi %add3A_2, %jit3A : i32
    %sign3A = arith.constant 0 : i32
    %sign3A_3 = arith.cmpi sgt, %add3A_2, %sign3A : i32
    %sign3A_4 = arith.extui %sign3A_3 : i1 to i32
    %sign3A_5 = arith.constant 0 : i32
    %sign3A_6 = arith.cmpi slt, %add3A_2, %sign3A_5 : i32
    %sign3A_7 = arith.extui %sign3A_6 : i1 to i32
    %sign3A_8 = arith.subi %sign3A_4, %sign3A_7 : i32
    %sign3A_9 = arith.constant 0 : i32
    %sign3A_10 = arith.cmpi sgt, %jit3A, %sign3A_9 : i32
    %sign3A_11 = arith.extui %sign3A_10 : i1 to i32
    %sign3A_12 = arith.constant 0 : i32
    %sign3A_13 = arith.cmpi slt, %jit3A, %sign3A_12 : i32
    %sign3A_14 = arith.extui %sign3A_13 : i1 to i32
    %sign3A_15 = arith.subi %sign3A_11, %sign3A_14 : i32
    %ne3A = arith.cmpi ne, %sign3A_8, %sign3A_15 : i32
    %rem3A = arith.remsi %add3A_2, %jit3A : i32
    %ne3A_16 = arith.constant 0 : i32
    %ne3A_17 = arith.cmpi ne, %rem3A, %ne3A_16 : i32
    %and3A = arith.andi %ne3A, %ne3A_17 : i1
    %sub3A = arith.constant 1 : i32
    %sub3A_18 = arith.subi %div3A, %sub3A : i32
    %select_n3A = arith.select %and3A, %sub3A_18, %div3A : i32
    %jit3A_19 = arith.constant 8 : i32
    %eq3A = arith.constant 0 : i32
    %eq3A_20 = arith.cmpi eq, %jit3A_19, %eq3A : i32
    %jit3A_21 = arith.constant 1 : i32
    %select_n3A_22 = arith.select %eq3A_20, %jit3A_21, %jit3A_19 : i32
    %rem3A_23 = arith.remsi %add3A_2, %select_n3A_22 : i32
    %ne3A_24 = arith.constant 0 : i32
    %ne3A_25 = arith.cmpi ne, %rem3A_23, %ne3A_24 : i32
    %lt3A = arith.constant 0 : i32
    %lt3A_26 = arith.cmpi slt, %rem3A_23, %lt3A : i32
    %lt3A_27 = arith.constant 0 : i32
    %lt3A_28 = arith.cmpi slt, %select_n3A_22, %lt3A_27 : i32
    %ne3A_29 = arith.xori %lt3A_26, %lt3A_28 : i1
    %and3A_30 = arith.andi %ne3A_29, %ne3A_25 : i1
    %add3A_31 = arith.addi %rem3A_23, %select_n3A_22 : i32
    %select_n3A_32 = arith.select %and3A_30, %add3A_31, %rem3A_23 : i32
    %mul3A_33 = arith.constant 256 : i32
    %mul3A_34 = arith.muli %select_n3A_32, %mul3A_33 : i32
    %add3A_35 = arith.constant 32 : i32
    %add3A_36 = arith.addi %add3A, %add3A_35 : i32
    %jit3A_37 = arith.constant 8 : i32
    %div3A_38 = arith.divsi %add3A_36, %jit3A_37 : i32
    %sign3A_39 = arith.constant 0 : i32
    %sign3A_40 = arith.cmpi sgt, %add3A_36, %sign3A_39 : i32
    %sign3A_41 = arith.extui %sign3A_40 : i1 to i32
    %sign3A_42 = arith.constant 0 : i32
    %sign3A_43 = arith.cmpi slt, %add3A_36, %sign3A_42 : i32
    %sign3A_44 = arith.extui %sign3A_43 : i1 to i32
    %sign3A_45 = arith.subi %sign3A_41, %sign3A_44 : i32
    %sign3A_46 = arith.constant 0 : i32
    %sign3A_47 = arith.cmpi sgt, %jit3A_37, %sign3A_46 : i32
    %sign3A_48 = arith.extui %sign3A_47 : i1 to i32
    %sign3A_49 = arith.constant 0 : i32
    %sign3A_50 = arith.cmpi slt, %jit3A_37, %sign3A_49 : i32
    %sign3A_51 = arith.extui %sign3A_50 : i1 to i32
    %sign3A_52 = arith.subi %sign3A_48, %sign3A_51 : i32
    %ne3A_53 = arith.cmpi ne, %sign3A_45, %sign3A_52 : i32
    %rem3A_54 = arith.remsi %add3A_36, %jit3A_37 : i32
    %ne3A_55 = arith.constant 0 : i32
    %ne3A_56 = arith.cmpi ne, %rem3A_54, %ne3A_55 : i32
    %and3A_57 = arith.andi %ne3A_53, %ne3A_56 : i1
    %sub3A_58 = arith.constant 1 : i32
    %sub3A_59 = arith.subi %div3A_38, %sub3A_58 : i32
    %select_n3A_60 = arith.select %and3A_57, %sub3A_59, %div3A_38 : i32
    %jit3A_61 = arith.constant 8 : i32
    %eq3A_62 = arith.constant 0 : i32
    %eq3A_63 = arith.cmpi eq, %jit3A_61, %eq3A_62 : i32
    %jit3A_64 = arith.constant 1 : i32
    %select_n3A_65 = arith.select %eq3A_63, %jit3A_64, %jit3A_61 : i32
    %rem3A_66 = arith.remsi %add3A_36, %select_n3A_65 : i32
    %ne3A_67 = arith.constant 0 : i32
    %ne3A_68 = arith.cmpi ne, %rem3A_66, %ne3A_67 : i32
    %lt3A_69 = arith.constant 0 : i32
    %lt3A_70 = arith.cmpi slt, %rem3A_66, %lt3A_69 : i32
    %lt3A_71 = arith.constant 0 : i32
    %lt3A_72 = arith.cmpi slt, %select_n3A_65, %lt3A_71 : i32
    %ne3A_73 = arith.xori %lt3A_70, %lt3A_72 : i1
    %and3A_74 = arith.andi %ne3A_73, %ne3A_68 : i1
    %add3A_75 = arith.addi %rem3A_66, %select_n3A_65 : i32
    %select_n3A_76 = arith.select %and3A_74, %add3A_75, %rem3A_66 : i32
    %mul3A_77 = arith.constant 256 : i32
    %mul3A_78 = arith.muli %select_n3A_76, %mul3A_77 : i32
    %add3A_79 = arith.constant 64 : i32
    %add3A_80 = arith.addi %add3A, %add3A_79 : i32
    %jit3A_81 = arith.constant 8 : i32
    %div3A_82 = arith.divsi %add3A_80, %jit3A_81 : i32
    %sign3A_83 = arith.constant 0 : i32
    %sign3A_84 = arith.cmpi sgt, %add3A_80, %sign3A_83 : i32
    %sign3A_85 = arith.extui %sign3A_84 : i1 to i32
    %sign3A_86 = arith.constant 0 : i32
    %sign3A_87 = arith.cmpi slt, %add3A_80, %sign3A_86 : i32
    %sign3A_88 = arith.extui %sign3A_87 : i1 to i32
    %sign3A_89 = arith.subi %sign3A_85, %sign3A_88 : i32
    %sign3A_90 = arith.constant 0 : i32
    %sign3A_91 = arith.cmpi sgt, %jit3A_81, %sign3A_90 : i32
    %sign3A_92 = arith.extui %sign3A_91 : i1 to i32
    %sign3A_93 = arith.constant 0 : i32
    %sign3A_94 = arith.cmpi slt, %jit3A_81, %sign3A_93 : i32
    %sign3A_95 = arith.extui %sign3A_94 : i1 to i32
    %sign3A_96 = arith.subi %sign3A_92, %sign3A_95 : i32
    %ne3A_97 = arith.cmpi ne, %sign3A_89, %sign3A_96 : i32
    %rem3A_98 = arith.remsi %add3A_80, %jit3A_81 : i32
    %ne3A_99 = arith.constant 0 : i32
    %ne3A_100 = arith.cmpi ne, %rem3A_98, %ne3A_99 : i32
    %and3A_101 = arith.andi %ne3A_97, %ne3A_100 : i1
    %sub3A_102 = arith.constant 1 : i32
    %sub3A_103 = arith.subi %div3A_82, %sub3A_102 : i32
    %select_n3A_104 = arith.select %and3A_101, %sub3A_103, %div3A_82 : i32
    %jit3A_105 = arith.constant 8 : i32
    %eq3A_106 = arith.constant 0 : i32
    %eq3A_107 = arith.cmpi eq, %jit3A_105, %eq3A_106 : i32
    %jit3A_108 = arith.constant 1 : i32
    %select_n3A_109 = arith.select %eq3A_107, %jit3A_108, %jit3A_105 : i32
    %rem3A_110 = arith.remsi %add3A_80, %select_n3A_109 : i32
    %ne3A_111 = arith.constant 0 : i32
    %ne3A_112 = arith.cmpi ne, %rem3A_110, %ne3A_111 : i32
    %lt3A_113 = arith.constant 0 : i32
    %lt3A_114 = arith.cmpi slt, %rem3A_110, %lt3A_113 : i32
    %lt3A_115 = arith.constant 0 : i32
    %lt3A_116 = arith.cmpi slt, %select_n3A_109, %lt3A_115 : i32
    %ne3A_117 = arith.xori %lt3A_114, %lt3A_116 : i1
    %and3A_118 = arith.andi %ne3A_117, %ne3A_112 : i1
    %add3A_119 = arith.addi %rem3A_110, %select_n3A_109 : i32
    %select_n3A_120 = arith.select %and3A_118, %add3A_119, %rem3A_110 : i32
    %mul3A_121 = arith.constant 256 : i32
    %mul3A_122 = arith.muli %select_n3A_120, %mul3A_121 : i32
    %dma_start3A = arith.constant 0 : i32
    %dma_start3A_123 = tpu.memref_slice %arg8[%dma_start3A] : memref<40xf32, #tpu.memory_space<vmem>> -> memref<24xf32, #tpu.memory_space<vmem>>
    %dma_start3A_124 = arith.constant 0 : i32
    %dma_start3A_125 = tpu.memref_slice %arg8[%dma_start3A_124] : memref<40xf32, #tpu.memory_space<vmem>> -> memref<24xf32, #tpu.memory_space<vmem>>
    tpu.enqueue_dma source(%arg4 : memref<24xf32, #tpu.memory_space<hbm>>) target(%dma_start3A_125 : memref<24xf32, #tpu.memory_space<vmem>>) target_semaphore(%arg11 : memref<!tpu.dma_semaphore, #tpu.memory_space<semaphore_mem>>)
    %dma_start3A_126 = arith.constant 0 : i32
    %dma_start3A_127 = arith.constant 0 : i32
    %dma_start3A_128 = arith.constant 0 : i32
    %dma_start3A_129 = tpu.memref_slice %arg7[%dma_start3A_128] : memref<784xi32, #tpu.memory_space<vmem>> -> memref<256xi32, #tpu.memory_space<vmem>>
    %dma_start3A_130 = tpu.memref_slice %arg2[%dma_start3A_126, %dma_start3A_127, %mul3A_34] : memref<1x1x2048xi32, #tpu.memory_space<hbm>> -> memref<1x1x256xi32, #tpu.memory_space<hbm>>
    %dma_start3A_131 = tpu.memref_squeeze %dma_start3A_130 : memref<1x1x256xi32, #tpu.memory_space<hbm>> -> memref<256xi32, #tpu.memory_space<hbm>>
    %dma_start3A_132 = arith.constant 0 : i32
    %dma_start3A_133 = tpu.memref_slice %arg7[%dma_start3A_132] : memref<784xi32, #tpu.memory_space<vmem>> -> memref<256xi32, #tpu.memory_space<vmem>>
    %dma_start3A_134 = tpu.memref_slice %arg2[%dma_start3A_126, %dma_start3A_127, %mul3A_34] : memref<1x1x2048xi32, #tpu.memory_space<hbm>> -> memref<1x1x256xi32, #tpu.memory_space<hbm>>
    %dma_start3A_135 = tpu.memref_squeeze %dma_start3A_134 : memref<1x1x256xi32, #tpu.memory_space<hbm>> -> memref<256xi32, #tpu.memory_space<hbm>>
    tpu.enqueue_dma source(%dma_start3A_135 : memref<256xi32, #tpu.memory_space<hbm>>) target(%dma_start3A_133 : memref<256xi32, #tpu.memory_space<vmem>>) target_semaphore(%arg11 : memref<!tpu.dma_semaphore, #tpu.memory_space<semaphore_mem>>)
    %dma_start3A_136 = arith.constant 0 : i32
    %dma_start3A_137 = arith.constant 0 : i32
    %dma_start3A_138 = arith.constant 256 : i32
    %dma_start3A_139 = tpu.memref_slice %arg7[%dma_start3A_138] : memref<784xi32, #tpu.memory_space<vmem>> -> memref<256xi32, #tpu.memory_space<vmem>>
    %dma_start3A_140 = tpu.memref_slice %arg2[%dma_start3A_136, %dma_start3A_137, %mul3A_78] : memref<1x1x2048xi32, #tpu.memory_space<hbm>> -> memref<1x1x256xi32, #tpu.memory_space<hbm>>
    %dma_start3A_141 = tpu.memref_squeeze %dma_start3A_140 : memref<1x1x256xi32, #tpu.memory_space<hbm>> -> memref<256xi32, #tpu.memory_space<hbm>>
    %dma_start3A_142 = arith.constant 256 : i32
    %dma_start3A_143 = tpu.memref_slice %arg7[%dma_start3A_142] : memref<784xi32, #tpu.memory_space<vmem>> -> memref<256xi32, #tpu.memory_space<vmem>>
    %dma_start3A_144 = tpu.memref_slice %arg2[%dma_start3A_136, %dma_start3A_137, %mul3A_78] : memref<1x1x2048xi32, #tpu.memory_space<hbm>> -> memref<1x1x256xi32, #tpu.memory_space<hbm>>
    %dma_start3A_145 = tpu.memref_squeeze %dma_start3A_144 : memref<1x1x256xi32, #tpu.memory_space<hbm>> -> memref<256xi32, #tpu.memory_space<hbm>>
    tpu.enqueue_dma source(%dma_start3A_145 : memref<256xi32, #tpu.memory_space<hbm>>) target(%dma_start3A_143 : memref<256xi32, #tpu.memory_space<vmem>>) target_semaphore(%arg11 : memref<!tpu.dma_semaphore, #tpu.memory_space<semaphore_mem>>)
    %dma_start3A_146 = arith.constant 0 : i32
    %dma_start3A_147 = arith.constant 0 : i32
    %dma_start3A_148 = arith.constant 512 : i32
    %dma_start3A_149 = tpu.memref_slice %arg7[%dma_start3A_148] : memref<784xi32, #tpu.memory_space<vmem>> -> memref<256xi32, #tpu.memory_space<vmem>>
    %dma_start3A_150 = tpu.memref_slice %arg2[%dma_start3A_146, %dma_start3A_147, %mul3A_122] : memref<1x1x2048xi32, #tpu.memory_space<hbm>> -> memref<1x1x256xi32, #tpu.memory_space<hbm>>
    %dma_start3A_151 = tpu.memref_squeeze %dma_start3A_150 : memref<1x1x256xi32, #tpu.memory_space<hbm>> -> memref<256xi32, #tpu.memory_space<hbm>>
    %dma_start3A_152 = arith.constant 512 : i32
    %dma_start3A_153 = tpu.memref_slice %arg7[%dma_start3A_152] : memref<784xi32, #tpu.memory_space<vmem>> -> memref<256xi32, #tpu.memory_space<vmem>>
    %dma_start3A_154 = tpu.memref_slice %arg2[%dma_start3A_146, %dma_start3A_147, %mul3A_122] : memref<1x1x2048xi32, #tpu.memory_space<hbm>> -> memref<1x1x256xi32, #tpu.memory_space<hbm>>
    %dma_start3A_155 = tpu.memref_squeeze %dma_start3A_154 : memref<1x1x256xi32, #tpu.memory_space<hbm>> -> memref<256xi32, #tpu.memory_space<hbm>>
    tpu.enqueue_dma source(%dma_start3A_155 : memref<256xi32, #tpu.memory_space<hbm>>) target(%dma_start3A_153 : memref<256xi32, #tpu.memory_space<vmem>>) target_semaphore(%arg11 : memref<!tpu.dma_semaphore, #tpu.memory_space<semaphore_mem>>)
    %run_scoped3A = arith.constant 0 : i32
    %run_scoped3A_156 = arith.constant 0 : i32
    "tpu.region"() ({
      %run_scoped3A_528 = tpu.sem_alloc : memref<!tpu.dma_semaphore, #tpu.memory_space<semaphore_mem>>
      %dma_start3A_529 = arith.constant 0 : i32
      %dma_start3A_530 = tpu.memref_slice %arg3[%run_scoped3A, %run_scoped3A_156, %dma_start3A_529] : memref<1x1x2048xi32, #tpu.memory_space<hbm>> -> memref<1x1x2048xi32, #tpu.memory_space<hbm>>
      %dma_start3A_531 = tpu.memref_squeeze %dma_start3A_530 : memref<1x1x2048xi32, #tpu.memory_space<hbm>> -> memref<2048xi32, #tpu.memory_space<hbm>>
      %dma_start3A_532 = arith.constant 0 : i32
      %dma_start3A_533 = tpu.memref_slice %arg3[%run_scoped3A, %run_scoped3A_156, %dma_start3A_532] : memref<1x1x2048xi32, #tpu.memory_space<hbm>> -> memref<1x1x2048xi32, #tpu.memory_space<hbm>>
      %dma_start3A_534 = tpu.memref_squeeze %dma_start3A_533 : memref<1x1x2048xi32, #tpu.memory_space<hbm>> -> memref<2048xi32, #tpu.memory_space<hbm>>
      tpu.enqueue_dma source(%dma_start3A_534 : memref<2048xi32, #tpu.memory_space<hbm>>) target(%arg6 : memref<2048xi32, #tpu.memory_space<vmem>>) target_semaphore(%run_scoped3A_528 : memref<!tpu.dma_semaphore, #tpu.memory_space<semaphore_mem>>)
      %dma_wait3A_535 = arith.constant 0 : i32
      %dma_wait3A_536 = tpu.memref_slice %arg3[%run_scoped3A, %run_scoped3A_156, %dma_wait3A_535] : memref<1x1x2048xi32, #tpu.memory_space<hbm>> -> memref<1x1x2048xi32, #tpu.memory_space<hbm>>
      %dma_wait3A_537 = tpu.memref_squeeze %dma_wait3A_536 : memref<1x1x2048xi32, #tpu.memory_space<hbm>> -> memref<2048xi32, #tpu.memory_space<hbm>>
      %dma_wait3A_538 = arith.constant 0 : i32
      %dma_wait3A_539 = tpu.memref_slice %arg3[%run_scoped3A, %run_scoped3A_156, %dma_wait3A_538] : memref<1x1x2048xi32, #tpu.memory_space<hbm>> -> memref<1x1x2048xi32, #tpu.memory_space<hbm>>
      %dma_wait3A_540 = tpu.memref_squeeze %dma_wait3A_539 : memref<1x1x2048xi32, #tpu.memory_space<hbm>> -> memref<2048xi32, #tpu.memory_space<hbm>>
      tpu.wait_dma2 semaphore(%run_scoped3A_528 : memref<!tpu.dma_semaphore, #tpu.memory_space<semaphore_mem>>) src(%dma_wait3A_540 : memref<2048xi32, #tpu.memory_space<hbm>>) dst(%arg6 : memref<2048xi32, #tpu.memory_space<vmem>>)
      tpu.yield
    }) : () -> ()
    %dma_wait3A = arith.constant 0 : i32
    %dma_wait3A_157 = tpu.memref_slice %arg8[%dma_wait3A] : memref<40xf32, #tpu.memory_space<vmem>> -> memref<24xf32, #tpu.memory_space<vmem>>
    %dma_wait3A_158 = arith.constant 0 : i32
    %dma_wait3A_159 = tpu.memref_slice %arg8[%dma_wait3A_158] : memref<40xf32, #tpu.memory_space<vmem>> -> memref<24xf32, #tpu.memory_space<vmem>>
    tpu.wait_dma2 semaphore(%arg11 : memref<!tpu.dma_semaphore, #tpu.memory_space<semaphore_mem>>) src(%arg4 : memref<24xf32, #tpu.memory_space<hbm>>) dst(%dma_wait3A_159 : memref<24xf32, #tpu.memory_space<vmem>>)
    %dma_wait3A_160 = arith.constant 0 : i32
    %dma_wait3A_161 = arith.constant 0 : i32
    %dma_wait3A_162 = arith.constant 0 : i32
    %dma_wait3A_163 = tpu.memref_slice %arg7[%dma_wait3A_162] : memref<784xi32, #tpu.memory_space<vmem>> -> memref<256xi32, #tpu.memory_space<vmem>>
    %dma_wait3A_164 = tpu.memref_slice %arg2[%dma_wait3A_160, %dma_wait3A_161, %mul3A_34] : memref<1x1x2048xi32, #tpu.memory_space<hbm>> -> memref<1x1x256xi32, #tpu.memory_space<hbm>>
    %dma_wait3A_165 = tpu.memref_squeeze %dma_wait3A_164 : memref<1x1x256xi32, #tpu.memory_space<hbm>> -> memref<256xi32, #tpu.memory_space<hbm>>
    %dma_wait3A_166 = arith.constant 0 : i32
    %dma_wait3A_167 = tpu.memref_slice %arg7[%dma_wait3A_166] : memref<784xi32, #tpu.memory_space<vmem>> -> memref<256xi32, #tpu.memory_space<vmem>>
    %dma_wait3A_168 = tpu.memref_slice %arg2[%dma_wait3A_160, %dma_wait3A_161, %mul3A_34] : memref<1x1x2048xi32, #tpu.memory_space<hbm>> -> memref<1x1x256xi32, #tpu.memory_space<hbm>>
    %dma_wait3A_169 = tpu.memref_squeeze %dma_wait3A_168 : memref<1x1x256xi32, #tpu.memory_space<hbm>> -> memref<256xi32, #tpu.memory_space<hbm>>
    tpu.wait_dma2 semaphore(%arg11 : memref<!tpu.dma_semaphore, #tpu.memory_space<semaphore_mem>>) src(%dma_wait3A_169 : memref<256xi32, #tpu.memory_space<hbm>>) dst(%dma_wait3A_167 : memref<256xi32, #tpu.memory_space<vmem>>)
    %dma_wait3A_170 = arith.constant 0 : i32
    %dma_wait3A_171 = arith.constant 0 : i32
    %dma_wait3A_172 = arith.constant 256 : i32
    %dma_wait3A_173 = tpu.memref_slice %arg7[%dma_wait3A_172] : memref<784xi32, #tpu.memory_space<vmem>> -> memref<256xi32, #tpu.memory_space<vmem>>
    %dma_wait3A_174 = tpu.memref_slice %arg2[%dma_wait3A_170, %dma_wait3A_171, %mul3A_78] : memref<1x1x2048xi32, #tpu.memory_space<hbm>> -> memref<1x1x256xi32, #tpu.memory_space<hbm>>
    %dma_wait3A_175 = tpu.memref_squeeze %dma_wait3A_174 : memref<1x1x256xi32, #tpu.memory_space<hbm>> -> memref<256xi32, #tpu.memory_space<hbm>>
    %dma_wait3A_176 = arith.constant 256 : i32
    %dma_wait3A_177 = tpu.memref_slice %arg7[%dma_wait3A_176] : memref<784xi32, #tpu.memory_space<vmem>> -> memref<256xi32, #tpu.memory_space<vmem>>
    %dma_wait3A_178 = tpu.memref_slice %arg2[%dma_wait3A_170, %dma_wait3A_171, %mul3A_78] : memref<1x1x2048xi32, #tpu.memory_space<hbm>> -> memref<1x1x256xi32, #tpu.memory_space<hbm>>
    %dma_wait3A_179 = tpu.memref_squeeze %dma_wait3A_178 : memref<1x1x256xi32, #tpu.memory_space<hbm>> -> memref<256xi32, #tpu.memory_space<hbm>>
    tpu.wait_dma2 semaphore(%arg11 : memref<!tpu.dma_semaphore, #tpu.memory_space<semaphore_mem>>) src(%dma_wait3A_179 : memref<256xi32, #tpu.memory_space<hbm>>) dst(%dma_wait3A_177 : memref<256xi32, #tpu.memory_space<vmem>>)
    %dma_wait3A_180 = arith.constant 0 : i32
    %dma_wait3A_181 = arith.constant 0 : i32
    %dma_wait3A_182 = arith.constant 512 : i32
    %dma_wait3A_183 = tpu.memref_slice %arg7[%dma_wait3A_182] : memref<784xi32, #tpu.memory_space<vmem>> -> memref<256xi32, #tpu.memory_space<vmem>>
    %dma_wait3A_184 = tpu.memref_slice %arg2[%dma_wait3A_180, %dma_wait3A_181, %mul3A_122] : memref<1x1x2048xi32, #tpu.memory_space<hbm>> -> memref<1x1x256xi32, #tpu.memory_space<hbm>>
    %dma_wait3A_185 = tpu.memref_squeeze %dma_wait3A_184 : memref<1x1x256xi32, #tpu.memory_space<hbm>> -> memref<256xi32, #tpu.memory_space<hbm>>
    %dma_wait3A_186 = arith.constant 512 : i32
    %dma_wait3A_187 = tpu.memref_slice %arg7[%dma_wait3A_186] : memref<784xi32, #tpu.memory_space<vmem>> -> memref<256xi32, #tpu.memory_space<vmem>>
    %dma_wait3A_188 = tpu.memref_slice %arg2[%dma_wait3A_180, %dma_wait3A_181, %mul3A_122] : memref<1x1x2048xi32, #tpu.memory_space<hbm>> -> memref<1x1x256xi32, #tpu.memory_space<hbm>>
    %dma_wait3A_189 = tpu.memref_squeeze %dma_wait3A_188 : memref<1x1x256xi32, #tpu.memory_space<hbm>> -> memref<256xi32, #tpu.memory_space<hbm>>
    tpu.wait_dma2 semaphore(%arg11 : memref<!tpu.dma_semaphore, #tpu.memory_space<semaphore_mem>>) src(%dma_wait3A_189 : memref<256xi32, #tpu.memory_space<hbm>>) dst(%dma_wait3A_187 : memref<256xi32, #tpu.memory_space<vmem>>)
    %add3A_190 = arith.constant 0 : i32
    %add3A_191 = arith.addi %add3A, %add3A_190 : i32
    %jit3A_192 = arith.constant 8 : i32
    %div3A_193 = arith.divsi %add3A_191, %jit3A_192 : i32
    %sign3A_194 = arith.constant 0 : i32
    %sign3A_195 = arith.cmpi sgt, %add3A_191, %sign3A_194 : i32
    %sign3A_196 = arith.extui %sign3A_195 : i1 to i32
    %sign3A_197 = arith.constant 0 : i32
    %sign3A_198 = arith.cmpi slt, %add3A_191, %sign3A_197 : i32
    %sign3A_199 = arith.extui %sign3A_198 : i1 to i32
    %sign3A_200 = arith.subi %sign3A_196, %sign3A_199 : i32
    %sign3A_201 = arith.constant 0 : i32
    %sign3A_202 = arith.cmpi sgt, %jit3A_192, %sign3A_201 : i32
    %sign3A_203 = arith.extui %sign3A_202 : i1 to i32
    %sign3A_204 = arith.constant 0 : i32
    %sign3A_205 = arith.cmpi slt, %jit3A_192, %sign3A_204 : i32
    %sign3A_206 = arith.extui %sign3A_205 : i1 to i32
    %sign3A_207 = arith.subi %sign3A_203, %sign3A_206 : i32
    %ne3A_208 = arith.cmpi ne, %sign3A_200, %sign3A_207 : i32
    %rem3A_209 = arith.remsi %add3A_191, %jit3A_192 : i32
    %ne3A_210 = arith.constant 0 : i32
    %ne3A_211 = arith.cmpi ne, %rem3A_209, %ne3A_210 : i32
    %and3A_212 = arith.andi %ne3A_208, %ne3A_211 : i1
    %sub3A_213 = arith.constant 1 : i32
    %sub3A_214 = arith.subi %div3A_193, %sub3A_213 : i32
    %select_n3A_215 = arith.select %and3A_212, %sub3A_214, %div3A_193 : i32
    %jit3A_216 = arith.constant 8 : i32
    %eq3A_217 = arith.constant 0 : i32
    %eq3A_218 = arith.cmpi eq, %jit3A_216, %eq3A_217 : i32
    %jit3A_219 = arith.constant 1 : i32
    %select_n3A_220 = arith.select %eq3A_218, %jit3A_219, %jit3A_216 : i32
    %rem3A_221 = arith.remsi %add3A_191, %select_n3A_220 : i32
    %ne3A_222 = arith.constant 0 : i32
    %ne3A_223 = arith.cmpi ne, %rem3A_221, %ne3A_222 : i32
    %lt3A_224 = arith.constant 0 : i32
    %lt3A_225 = arith.cmpi slt, %rem3A_221, %lt3A_224 : i32
    %lt3A_226 = arith.constant 0 : i32
    %lt3A_227 = arith.cmpi slt, %select_n3A_220, %lt3A_226 : i32
    %ne3A_228 = arith.xori %lt3A_225, %lt3A_227 : i1
    %and3A_229 = arith.andi %ne3A_228, %ne3A_223 : i1
    %add3A_230 = arith.addi %rem3A_221, %select_n3A_220 : i32
    %select_n3A_231 = arith.select %and3A_229, %add3A_230, %rem3A_221 : i32
    %get3A = arith.index_cast %select_n3A_215 : i32 to index
    %get3A_232 = tpu.vector_load %arg8[%get3A] {strides = array<i32>} : memref<40xf32, #tpu.memory_space<vmem>>, vector<16xf32>,
    %get3A_233 = vector.shape_cast %get3A_232 : vector<16xf32> to vector<16xf32>
    %slice3A = vector.extract_strided_slice %get3A_233 {offsets = [0], sizes = [1], strides = [1]} : vector<16xf32> to vector<1xf32>
    %squeeze3A = vector.extract %slice3A[0] : f32 from vector<1xf32>
    %add3A_234 = arith.constant 12 : i32
    %add3A_235 = arith.addi %add3A_234, %select_n3A_215 : i32
    %get3A_236 = arith.index_cast %add3A_235 : i32 to index
    %get3A_237 = tpu.vector_load %arg8[%get3A_236] {strides = array<i32>} : memref<40xf32, #tpu.memory_space<vmem>>, vector<16xf32>,
    %get3A_238 = vector.shape_cast %get3A_237 : vector<16xf32> to vector<16xf32>
    %slice3A_239 = vector.extract_strided_slice %get3A_238 {offsets = [0], sizes = [1], strides = [1]} : vector<16xf32> to vector<1xf32>
    %squeeze3A_240 = vector.extract %slice3A_239[0] : f32 from vector<1xf32>
    %broadcast_in_dim3A = vector.broadcast %squeeze3A : f32 to vector<16xf32>
    %broadcast_in_dim3A_241 = vector.broadcast %squeeze3A_240 : f32 to vector<16xf32>
    %scan3A = arith.constant 0 : i32
    %scan3A_242 = arith.constant 0 : i32
    %scan3A_243 = arith.constant 128 : i32
    %scan3A_244 = arith.addi %scan3A_242, %scan3A_243 : i32
    %scan3A_245 = arith.constant 1 : i32
    %scan3A_246 = scf.for %scan3A_528 = %scan3A_242 to %scan3A_244 step %scan3A_245 iter_args(%scan3A_529 = %scan3A) -> (i32)  : i32 {
      %mul3A_530 = arith.constant 16 : i32
      %mul3A_531 = arith.muli %scan3A_528, %mul3A_530 : i32
      %get3A_532 = arith.index_cast %mul3A_531 : i32 to index
      %get3A_533 = tpu.vector_load %arg6[%get3A_532] {strides = array<i32>} : memref<2048xi32, #tpu.memory_space<vmem>>, vector<16xi32>,
      %get3A_534 = vector.shape_cast %get3A_533 : vector<16xi32> to vector<16xi32>
      %eq3A_535 = arith.constant 0 : i32
      %eq3A_536 = vector.broadcast %eq3A_535 : i32 to vector<16xi32>
      %eq3A_537 = arith.cmpi eq, %get3A_534, %eq3A_536 : vector<16xi32>
      %select_n3A_538 = arith.select %eq3A_537, %broadcast_in_dim3A_241, %broadcast_in_dim3A : vector<16xi1>, vector<16xf32>
      %mul3A_539 = arith.constant 16 : i32
      %mul3A_540 = arith.muli %scan3A_528, %mul3A_539 : i32
      %swap3A = arith.constant 0 : i32
      %swap3A_541 = arith.constant 0 : i32
      %swap3A_542 = arith.index_cast %swap3A : i32 to index
      %swap3A_543 = arith.index_cast %swap3A_541 : i32 to index
      %swap3A_544 = arith.index_cast %mul3A_540 : i32 to index
      %swap3A_545 = tpu.vector_load %arg9[%swap3A_542, %swap3A_543, %swap3A_544] {strides = array<i32>} : memref<3x4x2048xf32, #tpu.memory_space<vmem>>, vector<1x1x16xf32>,
      %swap3A_546 = vector.shape_cast %swap3A_545 : vector<1x1x16xf32> to vector<16xf32>
      %swap3A_547 = vector.shape_cast %select_n3A_538 : vector<16xf32> to vector<1x1x16xf32>
      tpu.vector_store %arg9[%swap3A_542, %swap3A_543, %swap3A_544], %swap3A_547 {strides = array<i32>} : memref<3x4x2048xf32, #tpu.memory_space<vmem>>, vector<1x1x16xf32>,
      %eq3A_548 = arith.constant 1 : i32
      %eq3A_549 = vector.broadcast %eq3A_548 : i32 to vector<16xi32>
      %eq3A_550 = arith.cmpi eq, %get3A_534, %eq3A_549 : vector<16xi32>
      %select_n3A_551 = arith.select %eq3A_550, %broadcast_in_dim3A_241, %broadcast_in_dim3A : vector<16xi1>, vector<16xf32>
      %mul3A_552 = arith.constant 16 : i32
      %mul3A_553 = arith.muli %scan3A_528, %mul3A_552 : i32
      %swap3A_554 = arith.constant 0 : i32
      %swap3A_555 = arith.constant 1 : i32
      %swap3A_556 = arith.index_cast %swap3A_554 : i32 to index
      %swap3A_557 = arith.index_cast %swap3A_555 : i32 to index
      %swap3A_558 = arith.index_cast %mul3A_553 : i32 to index
      %swap3A_559 = tpu.vector_load %arg9[%swap3A_556, %swap3A_557, %swap3A_558] {strides = array<i32>} : memref<3x4x2048xf32, #tpu.memory_space<vmem>>, vector<1x1x16xf32>,
      %swap3A_560 = vector.shape_cast %swap3A_559 : vector<1x1x16xf32> to vector<16xf32>
      %swap3A_561 = vector.shape_cast %select_n3A_551 : vector<16xf32> to vector<1x1x16xf32>
      tpu.vector_store %arg9[%swap3A_556, %swap3A_557, %swap3A_558], %swap3A_561 {strides = array<i32>} : memref<3x4x2048xf32, #tpu.memory_space<vmem>>, vector<1x1x16xf32>,
      %eq3A_562 = arith.constant 2 : i32
      %eq3A_563 = vector.broadcast %eq3A_562 : i32 to vector<16xi32>
      %eq3A_564 = arith.cmpi eq, %get3A_534, %eq3A_563 : vector<16xi32>
      %select_n3A_565 = arith.select %eq3A_564, %broadcast_in_dim3A_241, %broadcast_in_dim3A : vector<16xi1>, vector<16xf32>
      %mul3A_566 = arith.constant 16 : i32
      %mul3A_567 = arith.muli %scan3A_528, %mul3A_566 : i32
      %swap3A_568 = arith.constant 0 : i32
      %swap3A_569 = arith.constant 2 : i32
      %swap3A_570 = arith.index_cast %swap3A_568 : i32 to index
      %swap3A_571 = arith.index_cast %swap3A_569 : i32 to index
      %swap3A_572 = arith.index_cast %mul3A_567 : i32 to index
      %swap3A_573 = tpu.vector_load %arg9[%swap3A_570, %swap3A_571, %swap3A_572] {strides = array<i32>} : memref<3x4x2048xf32, #tpu.memory_space<vmem>>, vector<1x1x16xf32>,
      %swap3A_574 = vector.shape_cast %swap3A_573 : vector<1x1x16xf32> to vector<16xf32>
      %swap3A_575 = vector.shape_cast %select_n3A_565 : vector<16xf32> to vector<1x1x16xf32>
      tpu.vector_store %arg9[%swap3A_570, %swap3A_571, %swap3A_572], %swap3A_575 {strides = array<i32>} : memref<3x4x2048xf32, #tpu.memory_space<vmem>>, vector<1x1x16xf32>,
      %eq3A_576 = arith.constant 3 : i32
      %eq3A_577 = vector.broadcast %eq3A_576 : i32 to vector<16xi32>
      %eq3A_578 = arith.cmpi eq, %get3A_534, %eq3A_577 : vector<16xi32>
      %select_n3A_579 = arith.select %eq3A_578, %broadcast_in_dim3A_241, %broadcast_in_dim3A : vector<16xi1>, vector<16xf32>
      %mul3A_580 = arith.constant 16 : i32
      %mul3A_581 = arith.muli %scan3A_528, %mul3A_580 : i32
      %swap3A_582 = arith.constant 0 : i32
      %swap3A_583 = arith.constant 3 : i32
      %swap3A_584 = arith.index_cast %swap3A_582 : i32 to index
      %swap3A_585 = arith.index_cast %swap3A_583 : i32 to index
      %swap3A_586 = arith.index_cast %mul3A_581 : i32 to index
      %swap3A_587 = tpu.vector_load %arg9[%swap3A_584, %swap3A_585, %swap3A_586] {strides = array<i32>} : memref<3x4x2048xf32, #tpu.memory_space<vmem>>, vector<1x1x16xf32>,
      %swap3A_588 = vector.shape_cast %swap3A_587 : vector<1x1x16xf32> to vector<16xf32>
      %swap3A_589 = vector.shape_cast %select_n3A_579 : vector<16xf32> to vector<1x1x16xf32>
      tpu.vector_store %arg9[%swap3A_584, %swap3A_585, %swap3A_586], %swap3A_589 {strides = array<i32>} : memref<3x4x2048xf32, #tpu.memory_space<vmem>>, vector<1x1x16xf32>,
      %scan3A_590 = arith.constant 0 : i32
      scf.yield %scan3A_590 : i32
    }
    %scan3A_247 = arith.constant 128 : i32
    %add3A_248 = arith.constant 0 : i32
    %add3A_249 = arith.addi %add3A, %add3A_248 : i32
    %jit3A_250 = arith.constant 8 : i32
    %div3A_251 = arith.divsi %add3A_249, %jit3A_250 : i32
    %sign3A_252 = arith.constant 0 : i32
    %sign3A_253 = arith.cmpi sgt, %add3A_249, %sign3A_252 : i32
    %sign3A_254 = arith.extui %sign3A_253 : i1 to i32
    %sign3A_255 = arith.constant 0 : i32
    %sign3A_256 = arith.cmpi slt, %add3A_249, %sign3A_255 : i32
    %sign3A_257 = arith.extui %sign3A_256 : i1 to i32
    %sign3A_258 = arith.subi %sign3A_254, %sign3A_257 : i32
    %sign3A_259 = arith.constant 0 : i32
    %sign3A_260 = arith.cmpi sgt, %jit3A_250, %sign3A_259 : i32
    %sign3A_261 = arith.extui %sign3A_260 : i1 to i32
    %sign3A_262 = arith.constant 0 : i32
    %sign3A_263 = arith.cmpi slt, %jit3A_250, %sign3A_262 : i32
    %sign3A_264 = arith.extui %sign3A_263 : i1 to i32
    %sign3A_265 = arith.subi %sign3A_261, %sign3A_264 : i32
    %ne3A_266 = arith.cmpi ne, %sign3A_258, %sign3A_265 : i32
    %rem3A_267 = arith.remsi %add3A_249, %jit3A_250 : i32
    %ne3A_268 = arith.constant 0 : i32
    %ne3A_269 = arith.cmpi ne, %rem3A_267, %ne3A_268 : i32
    %and3A_270 = arith.andi %ne3A_266, %ne3A_269 : i1
    %sub3A_271 = arith.constant 1 : i32
    %sub3A_272 = arith.subi %div3A_251, %sub3A_271 : i32
    %select_n3A_273 = arith.select %and3A_270, %sub3A_272, %div3A_251 : i32
    %jit3A_274 = arith.constant 8 : i32
    %eq3A_275 = arith.constant 0 : i32
    %eq3A_276 = arith.cmpi eq, %jit3A_274, %eq3A_275 : i32
    %jit3A_277 = arith.constant 1 : i32
    %select_n3A_278 = arith.select %eq3A_276, %jit3A_277, %jit3A_274 : i32
    %rem3A_279 = arith.remsi %add3A_249, %select_n3A_278 : i32
    %ne3A_280 = arith.constant 0 : i32
    %ne3A_281 = arith.cmpi ne, %rem3A_279, %ne3A_280 : i32
    %lt3A_282 = arith.constant 0 : i32
    %lt3A_283 = arith.cmpi slt, %rem3A_279, %lt3A_282 : i32
    %lt3A_284 = arith.constant 0 : i32
    %lt3A_285 = arith.cmpi slt, %select_n3A_278, %lt3A_284 : i32
    %ne3A_286 = arith.xori %lt3A_283, %lt3A_285 : i1
    %and3A_287 = arith.andi %ne3A_286, %ne3A_281 : i1
    %add3A_288 = arith.addi %rem3A_279, %select_n3A_278 : i32
    %select_n3A_289 = arith.select %and3A_287, %add3A_288, %rem3A_279 : i32
    %scan3A_290 = arith.constant 0 : i32
    %scan3A_291 = arith.constant 0 : i32
    %scan3A_292 = arith.constant 16 : i32
    %scan3A_293 = arith.addi %scan3A_291, %scan3A_292 : i32
    %scan3A_294 = arith.constant 1 : i32
    %scan3A_295 = scf.for %scan3A_528 = %scan3A_291 to %scan3A_293 step %scan3A_294 iter_args(%scan3A_529 = %scan3A_290) -> (i32)  : i32 {
      %mul3A_530 = arith.constant 256 : i32
      %mul3A_531 = arith.muli %select_n3A_289, %mul3A_530 : i32
      %mul3A_532 = arith.constant 16 : i32
      %mul3A_533 = arith.muli %scan3A_528, %mul3A_532 : i32
      %add3A_534 = arith.addi %mul3A_531, %mul3A_533 : i32
      %mul3A_535 = arith.constant 16 : i32
      %mul3A_536 = arith.muli %scan3A_528, %mul3A_535 : i32
      %add3A_537 = arith.constant 0 : i32
      %add3A_538 = arith.addi %add3A_537, %mul3A_536 : i32
      %get3A_539 = arith.index_cast %add3A_538 : i32 to index
      %get3A_540 = tpu.vector_load %arg7[%get3A_539] {strides = array<i32>} : memref<784xi32, #tpu.memory_space<vmem>>, vector<16xi32>,
      %get3A_541 = vector.shape_cast %get3A_540 : vector<16xi32> to vector<16xi32>
      %slice3A_542 = vector.extract_strided_slice %get3A_541 {offsets = [0], sizes = [1], strides = [1]} : vector<16xi32> to vector<1xi32>
      %squeeze3A_543 = vector.extract %slice3A_542[0] : i32 from vector<1xi32>
      %add3A_544 = arith.constant 0 : i32
      %add3A_545 = arith.addi %add3A_534, %add3A_544 : i32
      %dma_start3A_546 = arith.constant 0 : i32
      %dma_start3A_547 = arith.constant 0 : i32
      %dma_start3A_548 = arith.constant 0 : i32
      %dma_start3A_549 = tpu.memref_slice %arg9[%dma_start3A_546, %squeeze3A_543, %dma_start3A_548] : memref<3x4x2048xf32, #tpu.memory_space<vmem>> -> memref<1x1x2048xf32, #tpu.memory_space<vmem>>
      %dma_start3A_550 = tpu.memref_squeeze %dma_start3A_549 : memref<1x1x2048xf32, #tpu.memory_space<vmem>> -> memref<2048xf32, #tpu.memory_space<vmem>>
      %dma_start3A_551 = arith.constant 0 : i32
      %dma_start3A_552 = tpu.memref_slice %arg5[%dma_start3A_547, %select_n3A_273, %add3A_545, %dma_start3A_551] : memref<1x12x2048x2048xf32, #tpu.memory_space<hbm>> -> memref<1x1x1x2048xf32, #tpu.memory_space<hbm>>
      %dma_start3A_553 = tpu.memref_squeeze %dma_start3A_552 : memref<1x1x1x2048xf32, #tpu.memory_space<hbm>> -> memref<2048xf32, #tpu.memory_space<hbm>>
      %dma_start3A_554 = arith.constant 0 : i32
      %dma_start3A_555 = tpu.memref_slice %arg5[%dma_start3A_547, %select_n3A_273, %add3A_545, %dma_start3A_554] : memref<1x12x2048x2048xf32, #tpu.memory_space<hbm>> -> memref<1x1x1x2048xf32, #tpu.memory_space<hbm>>
      %dma_start3A_556 = tpu.memref_squeeze %dma_start3A_555 : memref<1x1x1x2048xf32, #tpu.memory_space<hbm>> -> memref<2048xf32, #tpu.memory_space<hbm>>
      %dma_start3A_557 = arith.constant 0 : i32
      %dma_start3A_558 = tpu.memref_slice %arg9[%dma_start3A_546, %squeeze3A_543, %dma_start3A_557] : memref<3x4x2048xf32, #tpu.memory_space<vmem>> -> memref<1x1x2048xf32, #tpu.memory_space<vmem>>
      %dma_start3A_559 = tpu.memref_squeeze %dma_start3A_558 : memref<1x1x2048xf32, #tpu.memory_space<vmem>> -> memref<2048xf32, #tpu.memory_space<vmem>>
      tpu.enqueue_dma source(%dma_start3A_559 : memref<2048xf32, #tpu.memory_space<vmem>>) target(%dma_start3A_556 : memref<2048xf32, #tpu.memory_space<hbm>>) target_semaphore(%arg10 : memref<!tpu.dma_semaphore, #tpu.memory_space<semaphore_mem>>)
      %slice3A_560 = vector.extract_strided_slice %get3A_541 {offsets = [1], sizes = [1], strides = [1]} : vector<16xi32> to vector<1xi32>
      %squeeze3A_561 = vector.extract %slice3A_560[0] : i32 from vector<1xi32>
      %add3A_562 = arith.constant 1 : i32
      %add3A_563 = arith.addi %add3A_534, %add3A_562 : i32
      %dma_start3A_564 = arith.constant 0 : i32
      %dma_start3A_565 = arith.constant 0 : i32
      %dma_start3A_566 = arith.constant 0 : i32
      %dma_start3A_567 = tpu.memref_slice %arg9[%dma_start3A_564, %squeeze3A_561, %dma_start3A_566] : memref<3x4x2048xf32, #tpu.memory_space<vmem>> -> memref<1x1x2048xf32, #tpu.memory_space<vmem>>
      %dma_start3A_568 = tpu.memref_squeeze %dma_start3A_567 : memref<1x1x2048xf32, #tpu.memory_space<vmem>> -> memref<2048xf32, #tpu.memory_space<vmem>>
      %dma_start3A_569 = arith.constant 0 : i32
      %dma_start3A_570 = tpu.memref_slice %arg5[%dma_start3A_565, %select_n3A_273, %add3A_563, %dma_start3A_569] : memref<1x12x2048x2048xf32, #tpu.memory_space<hbm>> -> memref<1x1x1x2048xf32, #tpu.memory_space<hbm>>
      %dma_start3A_571 = tpu.memref_squeeze %dma_start3A_570 : memref<1x1x1x2048xf32, #tpu.memory_space<hbm>> -> memref<2048xf32, #tpu.memory_space<hbm>>
      %dma_start3A_572 = arith.constant 0 : i32
      %dma_start3A_573 = tpu.memref_slice %arg5[%dma_start3A_565, %select_n3A_273, %add3A_563, %dma_start3A_572] : memref<1x12x2048x2048xf32, #tpu.memory_space<hbm>> -> memref<1x1x1x2048xf32, #tpu.memory_space<hbm>>
      %dma_start3A_574 = tpu.memref_squeeze %dma_start3A_573 : memref<1x1x1x2048xf32, #tpu.memory_space<hbm>> -> memref<2048xf32, #tpu.memory_space<hbm>>
      %dma_start3A_575 = arith.constant 0 : i32
      %dma_start3A_576 = tpu.memref_slice %arg9[%dma_start3A_564, %squeeze3A_561, %dma_start3A_575] : memref<3x4x2048xf32, #tpu.memory_space<vmem>> -> memref<1x1x2048xf32, #tpu.memory_space<vmem>>
      %dma_start3A_577 = tpu.memref_squeeze %dma_start3A_576 : memref<1x1x2048xf32, #tpu.memory_space<vmem>> -> memref<2048xf32, #tpu.memory_space<vmem>>
      tpu.enqueue_dma source(%dma_start3A_577 : memref<2048xf32, #tpu.memory_space<vmem>>) target(%dma_start3A_574 : memref<2048xf32, #tpu.memory_space<hbm>>) target_semaphore(%arg10 : memref<!tpu.dma_semaphore, #tpu.memory_space<semaphore_mem>>)
      %slice3A_578 = vector.extract_strided_slice %get3A_541 {offsets = [2], sizes = [1], strides = [1]} : vector<16xi32> to vector<1xi32>
      %squeeze3A_579 = vector.extract %slice3A_578[0] : i32 from vector<1xi32>
      %add3A_580 = arith.constant 2 : i32
      %add3A_581 = arith.addi %add3A_534, %add3A_580 : i32
      %dma_start3A_582 = arith.constant 0 : i32
      %dma_start3A_583 = arith.constant 0 : i32
      %dma_start3A_584 = arith.constant 0 : i32
      %dma_start3A_585 = tpu.memref_slice %arg9[%dma_start3A_582, %squeeze3A_579, %dma_start3A_584] : memref<3x4x2048xf32, #tpu.memory_space<vmem>> -> memref<1x1x2048xf32, #tpu.memory_space<vmem>>
      %dma_start3A_586 = tpu.memref_squeeze %dma_start3A_585 : memref<1x1x2048xf32, #tpu.memory_space<vmem>> -> memref<2048xf32, #tpu.memory_space<vmem>>
      %dma_start3A_587 = arith.constant 0 : i32
      %dma_start3A_588 = tpu.memref_slice %arg5[%dma_start3A_583, %select_n3A_273, %add3A_581, %dma_start3A_587] : memref<1x12x2048x2048xf32, #tpu.memory_space<hbm>> -> memref<1x1x1x2048xf32, #tpu.memory_space<hbm>>
      %dma_start3A_589 = tpu.memref_squeeze %dma_start3A_588 : memref<1x1x1x2048xf32, #tpu.memory_space<hbm>> -> memref<2048xf32, #tpu.memory_space<hbm>>
      %dma_start3A_590 = arith.constant 0 : i32
      %dma_start3A_591 = tpu.memref_slice %arg5[%dma_start3A_583, %select_n3A_273, %add3A_581, %dma_start3A_590] : memref<1x12x2048x2048xf32, #tpu.memory_space<hbm>> -> memref<1x1x1x2048xf32, #tpu.memory_space<hbm>>
      %dma_start3A_592 = tpu.memref_squeeze %dma_start3A_591 : memref<1x1x1x2048xf32, #tpu.memory_space<hbm>> -> memref<2048xf32, #tpu.memory_space<hbm>>
      %dma_start3A_593 = arith.constant 0 : i32
      %dma_start3A_594 = tpu.memref_slice %arg9[%dma_start3A_582, %squeeze3A_579, %dma_start3A_593] : memref<3x4x2048xf32, #tpu.memory_space<vmem>> -> memref<1x1x2048xf32, #tpu.memory_space<vmem>>
      %dma_start3A_595 = tpu.memref_squeeze %dma_start3A_594 : memref<1x1x2048xf32, #tpu.memory_space<vmem>> -> memref<2048xf32, #tpu.memory_space<vmem>>
      tpu.enqueue_dma source(%dma_start3A_595 : memref<2048xf32, #tpu.memory_space<vmem>>) target(%dma_start3A_592 : memref<2048xf32, #tpu.memory_space<hbm>>) target_semaphore(%arg10 : memref<!tpu.dma_semaphore, #tpu.memory_space<semaphore_mem>>)
      %slice3A_596 = vector.extract_strided_slice %get3A_541 {offsets = [3], sizes = [1], strides = [1]} : vector<16xi32> to vector<1xi32>
      %squeeze3A_597 = vector.extract %slice3A_596[0] : i32 from vector<1xi32>
      %add3A_598 = arith.constant 3 : i32
      %add3A_599 = arith.addi %add3A_534, %add3A_598 : i32
      %dma_start3A_600 = arith.constant 0 : i32
      %dma_start3A_601 = arith.constant 0 : i32
      %dma_start3A_602 = arith.constant 0 : i32
      %dma_start3A_603 = tpu.memref_slice %arg9[%dma_start3A_600, %squeeze3A_597, %dma_start3A_602] : memref<3x4x2048xf32, #tpu.memory_space<vmem>> -> memref<1x1x2048xf32, #tpu.memory_space<vmem>>
      %dma_start3A_604 = tpu.memref_squeeze %dma_start3A_603 : memref<1x1x2048xf32, #tpu.memory_space<vmem>> -> memref<2048xf32, #tpu.memory_space<vmem>>
      %dma_start3A_605 = arith.constant 0 : i32
      %dma_start3A_606 = tpu.memref_slice %arg5[%dma_start3A_601, %select_n3A_273, %add3A_599, %dma_start3A_605] : memref<1x12x2048x2048xf32, #tpu.memory_space<hbm>> -> memref<1x1x1x2048xf32, #tpu.memory_space<hbm>>
      %dma_start3A_607 = tpu.memref_squeeze %dma_start3A_606 : memref<1x1x1x2048xf32, #tpu.memory_space<hbm>> -> memref<2048xf32, #tpu.memory_space<hbm>>
      %dma_start3A_608 = arith.constant 0 : i32
      %dma_start3A_609 = tpu.memref_slice %arg5[%dma_start3A_601, %select_n3A_273, %add3A_599, %dma_start3A_608] : memref<1x12x2048x2048xf32, #tpu.memory_space<hbm>> -> memref<1x1x1x2048xf32, #tpu.memory_space<hbm>>
      %dma_start3A_610 = tpu.memref_squeeze %dma_start3A_609 : memref<1x1x1x2048xf32, #tpu.memory_space<hbm>> -> memref<2048xf32, #tpu.memory_space<hbm>>
      %dma_start3A_611 = arith.constant 0 : i32
      %dma_start3A_612 = tpu.memref_slice %arg9[%dma_start3A_600, %squeeze3A_597, %dma_start3A_611] : memref<3x4x2048xf32, #tpu.memory_space<vmem>> -> memref<1x1x2048xf32, #tpu.memory_space<vmem>>
      %dma_start3A_613 = tpu.memref_squeeze %dma_start3A_612 : memref<1x1x2048xf32, #tpu.memory_space<vmem>> -> memref<2048xf32, #tpu.memory_space<vmem>>
      tpu.enqueue_dma source(%dma_start3A_613 : memref<2048xf32, #tpu.memory_space<vmem>>) target(%dma_start3A_610 : memref<2048xf32, #tpu.memory_space<hbm>>) target_semaphore(%arg10 : memref<!tpu.dma_semaphore, #tpu.memory_space<semaphore_mem>>)
      %slice3A_614 = vector.extract_strided_slice %get3A_541 {offsets = [4], sizes = [1], strides = [1]} : vector<16xi32> to vector<1xi32>
      %squeeze3A_615 = vector.extract %slice3A_614[0] : i32 from vector<1xi32>
      %add3A_616 = arith.constant 4 : i32
      %add3A_617 = arith.addi %add3A_534, %add3A_616 : i32
      %dma_start3A_618 = arith.constant 0 : i32
      %dma_start3A_619 = arith.constant 0 : i32
      %dma_start3A_620 = arith.constant 0 : i32
      %dma_start3A_621 = tpu.memref_slice %arg9[%dma_start3A_618, %squeeze3A_615, %dma_start3A_620] : memref<3x4x2048xf32, #tpu.memory_space<vmem>> -> memref<1x1x2048xf32, #tpu.memory_space<vmem>>
      %dma_start3A_622 = tpu.memref_squeeze %dma_start3A_621 : memref<1x1x2048xf32, #tpu.memory_space<vmem>> -> memref<2048xf32, #tpu.memory_space<vmem>>
      %dma_start3A_623 = arith.constant 0 : i32
      %dma_start3A_624 = tpu.memref_slice %arg5[%dma_start3A_619, %select_n3A_273, %add3A_617, %dma_start3A_623] : memref<1x12x2048x2048xf32, #tpu.memory_space<hbm>> -> memref<1x1x1x2048xf32, #tpu.memory_space<hbm>>
      %dma_start3A_625 = tpu.memref_squeeze %dma_start3A_624 : memref<1x1x1x2048xf32, #tpu.memory_space<hbm>> -> memref<2048xf32, #tpu.memory_space<hbm>>
      %dma_start3A_626 = arith.constant 0 : i32
      %dma_start3A_627 = tpu.memref_slice %arg5[%dma_start3A_619, %select_n3A_273, %add3A_617, %dma_start3A_626] : memref<1x12x2048x2048xf32, #tpu.memory_space<hbm>> -> memref<1x1x1x2048xf32, #tpu.memory_space<hbm>>
      %dma_start3A_628 = tpu.memref_squeeze %dma_start3A_627 : memref<1x1x1x2048xf32, #tpu.memory_space<hbm>> -> memref<2048xf32, #tpu.memory_space<hbm>>
      %dma_start3A_629 = arith.constant 0 : i32
      %dma_start3A_630 = tpu.memref_slice %arg9[%dma_start3A_618, %squeeze3A_615, %dma_start3A_629] : memref<3x4x2048xf32, #tpu.memory_space<vmem>> -> memref<1x1x2048xf32, #tpu.memory_space<vmem>>
      %dma_start3A_631 = tpu.memref_squeeze %dma_start3A_630 : memref<1x1x2048xf32, #tpu.memory_space<vmem>> -> memref<2048xf32, #tpu.memory_space<vmem>>
      tpu.enqueue_dma source(%dma_start3A_631 : memref<2048xf32, #tpu.memory_space<vmem>>) target(%dma_start3A_628 : memref<2048xf32, #tpu.memory_space<hbm>>) target_semaphore(%arg10 : memref<!tpu.dma_semaphore, #tpu.memory_space<semaphore_mem>>)
      %slice3A_632 = vector.extract_strided_slice %get3A_541 {offsets = [5], sizes = [1], strides = [1]} : vector<16xi32> to vector<1xi32>
      %squeeze3A_633 = vector.extract %slice3A_632[0] : i32 from vector<1xi32>
      %add3A_634 = arith.constant 5 : i32
      %add3A_635 = arith.addi %add3A_534, %add3A_634 : i32
      %dma_start3A_636 = arith.constant 0 : i32
      %dma_start3A_637 = arith.constant 0 : i32
      %dma_start3A_638 = arith.constant 0 : i32
      %dma_start3A_639 = tpu.memref_slice %arg9[%dma_start3A_636, %squeeze3A_633, %dma_start3A_638] : memref<3x4x2048xf32, #tpu.memory_space<vmem>> -> memref<1x1x2048xf32, #tpu.memory_space<vmem>>
      %dma_start3A_640 = tpu.memref_squeeze %dma_start3A_639 : memref<1x1x2048xf32, #tpu.memory_space<vmem>> -> memref<2048xf32, #tpu.memory_space<vmem>>
      %dma_start3A_641 = arith.constant 0 : i32
      %dma_start3A_642 = tpu.memref_slice %arg5[%dma_start3A_637, %select_n3A_273, %add3A_635, %dma_start3A_641] : memref<1x12x2048x2048xf32, #tpu.memory_space<hbm>> -> memref<1x1x1x2048xf32, #tpu.memory_space<hbm>>
      %dma_start3A_643 = tpu.memref_squeeze %dma_start3A_642 : memref<1x1x1x2048xf32, #tpu.memory_space<hbm>> -> memref<2048xf32, #tpu.memory_space<hbm>>
      %dma_start3A_644 = arith.constant 0 : i32
      %dma_start3A_645 = tpu.memref_slice %arg5[%dma_start3A_637, %select_n3A_273, %add3A_635, %dma_start3A_644] : memref<1x12x2048x2048xf32, #tpu.memory_space<hbm>> -> memref<1x1x1x2048xf32, #tpu.memory_space<hbm>>
      %dma_start3A_646 = tpu.memref_squeeze %dma_start3A_645 : memref<1x1x1x2048xf32, #tpu.memory_space<hbm>> -> memref<2048xf32, #tpu.memory_space<hbm>>
      %dma_start3A_647 = arith.constant 0 : i32
      %dma_start3A_648 = tpu.memref_slice %arg9[%dma_start3A_636, %squeeze3A_633, %dma_start3A_647] : memref<3x4x2048xf32, #tpu.memory_space<vmem>> -> memref<1x1x2048xf32, #tpu.memory_space<vmem>>
      %dma_start3A_649 = tpu.memref_squeeze %dma_start3A_648 : memref<1x1x2048xf32, #tpu.memory_space<vmem>> -> memref<2048xf32, #tpu.memory_space<vmem>>
      tpu.enqueue_dma source(%dma_start3A_649 : memref<2048xf32, #tpu.memory_space<vmem>>) target(%dma_start3A_646 : memref<2048xf32, #tpu.memory_space<hbm>>) target_semaphore(%arg10 : memref<!tpu.dma_semaphore, #tpu.memory_space<semaphore_mem>>)
      %slice3A_650 = vector.extract_strided_slice %get3A_541 {offsets = [6], sizes = [1], strides = [1]} : vector<16xi32> to vector<1xi32>
      %squeeze3A_651 = vector.extract %slice3A_650[0] : i32 from vector<1xi32>
      %add3A_652 = arith.constant 6 : i32
      %add3A_653 = arith.addi %add3A_534, %add3A_652 : i32
      %dma_start3A_654 = arith.constant 0 : i32
      %dma_start3A_655 = arith.constant 0 : i32
      %dma_start3A_656 = arith.constant 0 : i32
      %dma_start3A_657 = tpu.memref_slice %arg9[%dma_start3A_654, %squeeze3A_651, %dma_start3A_656] : memref<3x4x2048xf32, #tpu.memory_space<vmem>> -> memref<1x1x2048xf32, #tpu.memory_space<vmem>>
      %dma_start3A_658 = tpu.memref_squeeze %dma_start3A_657 : memref<1x1x2048xf32, #tpu.memory_space<vmem>> -> memref<2048xf32, #tpu.memory_space<vmem>>
      %dma_start3A_659 = arith.constant 0 : i32
      %dma_start3A_660 = tpu.memref_slice %arg5[%dma_start3A_655, %select_n3A_273, %add3A_653, %dma_start3A_659] : memref<1x12x2048x2048xf32, #tpu.memory_space<hbm>> -> memref<1x1x1x2048xf32, #tpu.memory_space<hbm>>
      %dma_start3A_661 = tpu.memref_squeeze %dma_start3A_660 : memref<1x1x1x2048xf32, #tpu.memory_space<hbm>> -> memref<2048xf32, #tpu.memory_space<hbm>>
      %dma_start3A_662 = arith.constant 0 : i32
      %dma_start3A_663 = tpu.memref_slice %arg5[%dma_start3A_655, %select_n3A_273, %add3A_653, %dma_start3A_662] : memref<1x12x2048x2048xf32, #tpu.memory_space<hbm>> -> memref<1x1x1x2048xf32, #tpu.memory_space<hbm>>
      %dma_start3A_664 = tpu.memref_squeeze %dma_start3A_663 : memref<1x1x1x2048xf32, #tpu.memory_space<hbm>> -> memref<2048xf32, #tpu.memory_space<hbm>>
      %dma_start3A_665 = arith.constant 0 : i32
      %dma_start3A_666 = tpu.memref_slice %arg9[%dma_start3A_654, %squeeze3A_651, %dma_start3A_665] : memref<3x4x2048xf32, #tpu.memory_space<vmem>> -> memref<1x1x2048xf32, #tpu.memory_space<vmem>>
      %dma_start3A_667 = tpu.memref_squeeze %dma_start3A_666 : memref<1x1x2048xf32, #tpu.memory_space<vmem>> -> memref<2048xf32, #tpu.memory_space<vmem>>
      tpu.enqueue_dma source(%dma_start3A_667 : memref<2048xf32, #tpu.memory_space<vmem>>) target(%dma_start3A_664 : memref<2048xf32, #tpu.memory_space<hbm>>) target_semaphore(%arg10 : memref<!tpu.dma_semaphore, #tpu.memory_space<semaphore_mem>>)
      %slice3A_668 = vector.extract_strided_slice %get3A_541 {offsets = [7], sizes = [1], strides = [1]} : vector<16xi32> to vector<1xi32>
      %squeeze3A_669 = vector.extract %slice3A_668[0] : i32 from vector<1xi32>
      %add3A_670 = arith.constant 7 : i32
      %add3A_671 = arith.addi %add3A_534, %add3A_670 : i32
      %dma_start3A_672 = arith.constant 0 : i32
      %dma_start3A_673 = arith.constant 0 : i32
      %dma_start3A_674 = arith.constant 0 : i32
      %dma_start3A_675 = tpu.memref_slice %arg9[%dma_start3A_672, %squeeze3A_669, %dma_start3A_674] : memref<3x4x2048xf32, #tpu.memory_space<vmem>> -> memref<1x1x2048xf32, #tpu.memory_space<vmem>>
      %dma_start3A_676 = tpu.memref_squeeze %dma_start3A_675 : memref<1x1x2048xf32, #tpu.memory_space<vmem>> -> memref<2048xf32, #tpu.memory_space<vmem>>
      %dma_start3A_677 = arith.constant 0 : i32
      %dma_start3A_678 = tpu.memref_slice %arg5[%dma_start3A_673, %select_n3A_273, %add3A_671, %dma_start3A_677] : memref<1x12x2048x2048xf32, #tpu.memory_space<hbm>> -> memref<1x1x1x2048xf32, #tpu.memory_space<hbm>>
      %dma_start3A_679 = tpu.memref_squeeze %dma_start3A_678 : memref<1x1x1x2048xf32, #tpu.memory_space<hbm>> -> memref<2048xf32, #tpu.memory_space<hbm>>
      %dma_start3A_680 = arith.constant 0 : i32
      %dma_start3A_681 = tpu.memref_slice %arg5[%dma_start3A_673, %select_n3A_273, %add3A_671, %dma_start3A_680] : memref<1x12x2048x2048xf32, #tpu.memory_space<hbm>> -> memref<1x1x1x2048xf32, #tpu.memory_space<hbm>>
      %dma_start3A_682 = tpu.memref_squeeze %dma_start3A_681 : memref<1x1x1x2048xf32, #tpu.memory_space<hbm>> -> memref<2048xf32, #tpu.memory_space<hbm>>
      %dma_start3A_683 = arith.constant 0 : i32
      %dma_start3A_684 = tpu.memref_slice %arg9[%dma_start3A_672, %squeeze3A_669, %dma_start3A_683] : memref<3x4x2048xf32, #tpu.memory_space<vmem>> -> memref<1x1x2048xf32, #tpu.memory_space<vmem>>
      %dma_start3A_685 = tpu.memref_squeeze %dma_start3A_684 : memref<1x1x2048xf32, #tpu.memory_space<vmem>> -> memref<2048xf32, #tpu.memory_space<vmem>>
      tpu.enqueue_dma source(%dma_start3A_685 : memref<2048xf32, #tpu.memory_space<vmem>>) target(%dma_start3A_682 : memref<2048xf32, #tpu.memory_space<hbm>>) target_semaphore(%arg10 : memref<!tpu.dma_semaphore, #tpu.memory_space<semaphore_mem>>)
      %slice3A_686 = vector.extract_strided_slice %get3A_541 {offsets = [8], sizes = [1], strides = [1]} : vector<16xi32> to vector<1xi32>
      %squeeze3A_687 = vector.extract %slice3A_686[0] : i32 from vector<1xi32>
      %add3A_688 = arith.constant 8 : i32
      %add3A_689 = arith.addi %add3A_534, %add3A_688 : i32
      %dma_start3A_690 = arith.constant 0 : i32
      %dma_start3A_691 = arith.constant 0 : i32
      %dma_start3A_692 = arith.constant 0 : i32
      %dma_start3A_693 = tpu.memref_slice %arg9[%dma_start3A_690, %squeeze3A_687, %dma_start3A_692] : memref<3x4x2048xf32, #tpu.memory_space<vmem>> -> memref<1x1x2048xf32, #tpu.memory_space<vmem>>
      %dma_start3A_694 = tpu.memref_squeeze %dma_start3A_693 : memref<1x1x2048xf32, #tpu.memory_space<vmem>> -> memref<2048xf32, #tpu.memory_space<vmem>>
      %dma_start3A_695 = arith.constant 0 : i32
      %dma_start3A_696 = tpu.memref_slice %arg5[%dma_start3A_691, %select_n3A_273, %add3A_689, %dma_start3A_695] : memref<1x12x2048x2048xf32, #tpu.memory_space<hbm>> -> memref<1x1x1x2048xf32, #tpu.memory_space<hbm>>
      %dma_start3A_697 = tpu.memref_squeeze %dma_start3A_696 : memref<1x1x1x2048xf32, #tpu.memory_space<hbm>> -> memref<2048xf32, #tpu.memory_space<hbm>>
      %dma_start3A_698 = arith.constant 0 : i32
      %dma_start3A_699 = tpu.memref_slice %arg5[%dma_start3A_691, %select_n3A_273, %add3A_689, %dma_start3A_698] : memref<1x12x2048x2048xf32, #tpu.memory_space<hbm>> -> memref<1x1x1x2048xf32, #tpu.memory_space<hbm>>
      %dma_start3A_700 = tpu.memref_squeeze %dma_start3A_699 : memref<1x1x1x2048xf32, #tpu.memory_space<hbm>> -> memref<2048xf32, #tpu.memory_space<hbm>>
      %dma_start3A_701 = arith.constant 0 : i32
      %dma_start3A_702 = tpu.memref_slice %arg9[%dma_start3A_690, %squeeze3A_687, %dma_start3A_701] : memref<3x4x2048xf32, #tpu.memory_space<vmem>> -> memref<1x1x2048xf32, #tpu.memory_space<vmem>>
      %dma_start3A_703 = tpu.memref_squeeze %dma_start3A_702 : memref<1x1x2048xf32, #tpu.memory_space<vmem>> -> memref<2048xf32, #tpu.memory_space<vmem>>
      tpu.enqueue_dma source(%dma_start3A_703 : memref<2048xf32, #tpu.memory_space<vmem>>) target(%dma_start3A_700 : memref<2048xf32, #tpu.memory_space<hbm>>) target_semaphore(%arg10 : memref<!tpu.dma_semaphore, #tpu.memory_space<semaphore_mem>>)
      %slice3A_704 = vector.extract_strided_slice %get3A_541 {offsets = [9], sizes = [1], strides = [1]} : vector<16xi32> to vector<1xi32>
      %squeeze3A_705 = vector.extract %slice3A_704[0] : i32 from vector<1xi32>
      %add3A_706 = arith.constant 9 : i32
      %add3A_707 = arith.addi %add3A_534, %add3A_706 : i32
      %dma_start3A_708 = arith.constant 0 : i32
      %dma_start3A_709 = arith.constant 0 : i32
      %dma_start3A_710 = arith.constant 0 : i32
      %dma_start3A_711 = tpu.memref_slice %arg9[%dma_start3A_708, %squeeze3A_705, %dma_start3A_710] : memref<3x4x2048xf32, #tpu.memory_space<vmem>> -> memref<1x1x2048xf32, #tpu.memory_space<vmem>>
      %dma_start3A_712 = tpu.memref_squeeze %dma_start3A_711 : memref<1x1x2048xf32, #tpu.memory_space<vmem>> -> memref<2048xf32, #tpu.memory_space<vmem>>
      %dma_start3A_713 = arith.constant 0 : i32
      %dma_start3A_714 = tpu.memref_slice %arg5[%dma_start3A_709, %select_n3A_273, %add3A_707, %dma_start3A_713] : memref<1x12x2048x2048xf32, #tpu.memory_space<hbm>> -> memref<1x1x1x2048xf32, #tpu.memory_space<hbm>>
      %dma_start3A_715 = tpu.memref_squeeze %dma_start3A_714 : memref<1x1x1x2048xf32, #tpu.memory_space<hbm>> -> memref<2048xf32, #tpu.memory_space<hbm>>
      %dma_start3A_716 = arith.constant 0 : i32
      %dma_start3A_717 = tpu.memref_slice %arg5[%dma_start3A_709, %select_n3A_273, %add3A_707, %dma_start3A_716] : memref<1x12x2048x2048xf32, #tpu.memory_space<hbm>> -> memref<1x1x1x2048xf32, #tpu.memory_space<hbm>>
      %dma_start3A_718 = tpu.memref_squeeze %dma_start3A_717 : memref<1x1x1x2048xf32, #tpu.memory_space<hbm>> -> memref<2048xf32, #tpu.memory_space<hbm>>
      %dma_start3A_719 = arith.constant 0 : i32
      %dma_start3A_720 = tpu.memref_slice %arg9[%dma_start3A_708, %squeeze3A_705, %dma_start3A_719] : memref<3x4x2048xf32, #tpu.memory_space<vmem>> -> memref<1x1x2048xf32, #tpu.memory_space<vmem>>
      %dma_start3A_721 = tpu.memref_squeeze %dma_start3A_720 : memref<1x1x2048xf32, #tpu.memory_space<vmem>> -> memref<2048xf32, #tpu.memory_space<vmem>>
      tpu.enqueue_dma source(%dma_start3A_721 : memref<2048xf32, #tpu.memory_space<vmem>>) target(%dma_start3A_718 : memref<2048xf32, #tpu.memory_space<hbm>>) target_semaphore(%arg10 : memref<!tpu.dma_semaphore, #tpu.memory_space<semaphore_mem>>)
      %slice3A_722 = vector.extract_strided_slice %get3A_541 {offsets = [10], sizes = [1], strides = [1]} : vector<16xi32> to vector<1xi32>
      %squeeze3A_723 = vector.extract %slice3A_722[0] : i32 from vector<1xi32>
      %add3A_724 = arith.constant 10 : i32
      %add3A_725 = arith.addi %add3A_534, %add3A_724 : i32
      %dma_start3A_726 = arith.constant 0 : i32
      %dma_start3A_727 = arith.constant 0 : i32
      %dma_start3A_728 = arith.constant 0 : i32
      %dma_start3A_729 = tpu.memref_slice %arg9[%dma_start3A_726, %squeeze3A_723, %dma_start3A_728] : memref<3x4x2048xf32, #tpu.memory_space<vmem>> -> memref<1x1x2048xf32, #tpu.memory_space<vmem>>
      %dma_start3A_730 = tpu.memref_squeeze %dma_start3A_729 : memref<1x1x2048xf32, #tpu.memory_space<vmem>> -> memref<2048xf32, #tpu.memory_space<vmem>>
      %dma_start3A_731 = arith.constant 0 : i32
      %dma_start3A_732 = tpu.memref_slice %arg5[%dma_start3A_727, %select_n3A_273, %add3A_725, %dma_start3A_731] : memref<1x12x2048x2048xf32, #tpu.memory_space<hbm>> -> memref<1x1x1x2048xf32, #tpu.memory_space<hbm>>
      %dma_start3A_733 = tpu.memref_squeeze %dma_start3A_732 : memref<1x1x1x2048xf32, #tpu.memory_space<hbm>> -> memref<2048xf32, #tpu.memory_space<hbm>>
      %dma_start3A_734 = arith.constant 0 : i32
      %dma_start3A_735 = tpu.memref_slice %arg5[%dma_start3A_727, %select_n3A_273, %add3A_725, %dma_start3A_734] : memref<1x12x2048x2048xf32, #tpu.memory_space<hbm>> -> memref<1x1x1x2048xf32, #tpu.memory_space<hbm>>
      %dma_start3A_736 = tpu.memref_squeeze %dma_start3A_735 : memref<1x1x1x2048xf32, #tpu.memory_space<hbm>> -> memref<2048xf32, #tpu.memory_space<hbm>>
      %dma_start3A_737 = arith.constant 0 : i32
      %dma_start3A_738 = tpu.memref_slice %arg9[%dma_start3A_726, %squeeze3A_723, %dma_start3A_737] : memref<3x4x2048xf32, #tpu.memory_space<vmem>> -> memref<1x1x2048xf32, #tpu.memory_space<vmem>>
      %dma_start3A_739 = tpu.memref_squeeze %dma_start3A_738 : memref<1x1x2048xf32, #tpu.memory_space<vmem>> -> memref<2048xf32, #tpu.memory_space<vmem>>
      tpu.enqueue_dma source(%dma_start3A_739 : memref<2048xf32, #tpu.memory_space<vmem>>) target(%dma_start3A_736 : memref<2048xf32, #tpu.memory_space<hbm>>) target_semaphore(%arg10 : memref<!tpu.dma_semaphore, #tpu.memory_space<semaphore_mem>>)
      %slice3A_740 = vector.extract_strided_slice %get3A_541 {offsets = [11], sizes = [1], strides = [1]} : vector<16xi32> to vector<1xi32>
      %squeeze3A_741 = vector.extract %slice3A_740[0] : i32 from vector<1xi32>
      %add3A_742 = arith.constant 11 : i32
      %add3A_743 = arith.addi %add3A_534, %add3A_742 : i32
      %dma_start3A_744 = arith.constant 0 : i32
      %dma_start3A_745 = arith.constant 0 : i32
      %dma_start3A_746 = arith.constant 0 : i32
      %dma_start3A_747 = tpu.memref_slice %arg9[%dma_start3A_744, %squeeze3A_741, %dma_start3A_746] : memref<3x4x2048xf32, #tpu.memory_space<vmem>> -> memref<1x1x2048xf32, #tpu.memory_space<vmem>>
      %dma_start3A_748 = tpu.memref_squeeze %dma_start3A_747 : memref<1x1x2048xf32, #tpu.memory_space<vmem>> -> memref<2048xf32, #tpu.memory_space<vmem>>
      %dma_start3A_749 = arith.constant 0 : i32
      %dma_start3A_750 = tpu.memref_slice %arg5[%dma_start3A_745, %select_n3A_273, %add3A_743, %dma_start3A_749] : memref<1x12x2048x2048xf32, #tpu.memory_space<hbm>> -> memref<1x1x1x2048xf32, #tpu.memory_space<hbm>>
      %dma_start3A_751 = tpu.memref_squeeze %dma_start3A_750 : memref<1x1x1x2048xf32, #tpu.memory_space<hbm>> -> memref<2048xf32, #tpu.memory_space<hbm>>
      %dma_start3A_752 = arith.constant 0 : i32
      %dma_start3A_753 = tpu.memref_slice %arg5[%dma_start3A_745, %select_n3A_273, %add3A_743, %dma_start3A_752] : memref<1x12x2048x2048xf32, #tpu.memory_space<hbm>> -> memref<1x1x1x2048xf32, #tpu.memory_space<hbm>>
      %dma_start3A_754 = tpu.memref_squeeze %dma_start3A_753 : memref<1x1x1x2048xf32, #tpu.memory_space<hbm>> -> memref<2048xf32, #tpu.memory_space<hbm>>
      %dma_start3A_755 = arith.constant 0 : i32
      %dma_start3A_756 = tpu.memref_slice %arg9[%dma_start3A_744, %squeeze3A_741, %dma_start3A_755] : memref<3x4x2048xf32, #tpu.memory_space<vmem>> -> memref<1x1x2048xf32, #tpu.memory_space<vmem>>
      %dma_start3A_757 = tpu.memref_squeeze %dma_start3A_756 : memref<1x1x2048xf32, #tpu.memory_space<vmem>> -> memref<2048xf32, #tpu.memory_space<vmem>>
      tpu.enqueue_dma source(%dma_start3A_757 : memref<2048xf32, #tpu.memory_space<vmem>>) target(%dma_start3A_754 : memref<2048xf32, #tpu.memory_space<hbm>>) target_semaphore(%arg10 : memref<!tpu.dma_semaphore, #tpu.memory_space<semaphore_mem>>)
      %slice3A_758 = vector.extract_strided_slice %get3A_541 {offsets = [12], sizes = [1], strides = [1]} : vector<16xi32> to vector<1xi32>
      %squeeze3A_759 = vector.extract %slice3A_758[0] : i32 from vector<1xi32>
      %add3A_760 = arith.constant 12 : i32
      %add3A_761 = arith.addi %add3A_534, %add3A_760 : i32
      %dma_start3A_762 = arith.constant 0 : i32
      %dma_start3A_763 = arith.constant 0 : i32
      %dma_start3A_764 = arith.constant 0 : i32
      %dma_start3A_765 = tpu.memref_slice %arg9[%dma_start3A_762, %squeeze3A_759, %dma_start3A_764] : memref<3x4x2048xf32, #tpu.memory_space<vmem>> -> memref<1x1x2048xf32, #tpu.memory_space<vmem>>
      %dma_start3A_766 = tpu.memref_squeeze %dma_start3A_765 : memref<1x1x2048xf32, #tpu.memory_space<vmem>> -> memref<2048xf32, #tpu.memory_space<vmem>>
      %dma_start3A_767 = arith.constant 0 : i32
      %dma_start3A_768 = tpu.memref_slice %arg5[%dma_start3A_763, %select_n3A_273, %add3A_761, %dma_start3A_767] : memref<1x12x2048x2048xf32, #tpu.memory_space<hbm>> -> memref<1x1x1x2048xf32, #tpu.memory_space<hbm>>
      %dma_start3A_769 = tpu.memref_squeeze %dma_start3A_768 : memref<1x1x1x2048xf32, #tpu.memory_space<hbm>> -> memref<2048xf32, #tpu.memory_space<hbm>>
      %dma_start3A_770 = arith.constant 0 : i32
      %dma_start3A_771 = tpu.memref_slice %arg5[%dma_start3A_763, %select_n3A_273, %add3A_761, %dma_start3A_770] : memref<1x12x2048x2048xf32, #tpu.memory_space<hbm>> -> memref<1x1x1x2048xf32, #tpu.memory_space<hbm>>
      %dma_start3A_772 = tpu.memref_squeeze %dma_start3A_771 : memref<1x1x1x2048xf32, #tpu.memory_space<hbm>> -> memref<2048xf32, #tpu.memory_space<hbm>>
      %dma_start3A_773 = arith.constant 0 : i32
      %dma_start3A_774 = tpu.memref_slice %arg9[%dma_start3A_762, %squeeze3A_759, %dma_start3A_773] : memref<3x4x2048xf32, #tpu.memory_space<vmem>> -> memref<1x1x2048xf32, #tpu.memory_space<vmem>>
      %dma_start3A_775 = tpu.memref_squeeze %dma_start3A_774 : memref<1x1x2048xf32, #tpu.memory_space<vmem>> -> memref<2048xf32, #tpu.memory_space<vmem>>
      tpu.enqueue_dma source(%dma_start3A_775 : memref<2048xf32, #tpu.memory_space<vmem>>) target(%dma_start3A_772 : memref<2048xf32, #tpu.memory_space<hbm>>) target_semaphore(%arg10 : memref<!tpu.dma_semaphore, #tpu.memory_space<semaphore_mem>>)
      %slice3A_776 = vector.extract_strided_slice %get3A_541 {offsets = [13], sizes = [1], strides = [1]} : vector<16xi32> to vector<1xi32>
      %squeeze3A_777 = vector.extract %slice3A_776[0] : i32 from vector<1xi32>
      %add3A_778 = arith.constant 13 : i32
      %add3A_779 = arith.addi %add3A_534, %add3A_778 : i32
      %dma_start3A_780 = arith.constant 0 : i32
      %dma_start3A_781 = arith.constant 0 : i32
      %dma_start3A_782 = arith.constant 0 : i32
      %dma_start3A_783 = tpu.memref_slice %arg9[%dma_start3A_780, %squeeze3A_777, %dma_start3A_782] : memref<3x4x2048xf32, #tpu.memory_space<vmem>> -> memref<1x1x2048xf32, #tpu.memory_space<vmem>>
      %dma_start3A_784 = tpu.memref_squeeze %dma_start3A_783 : memref<1x1x2048xf32, #tpu.memory_space<vmem>> -> memref<2048xf32, #tpu.memory_space<vmem>>
      %dma_start3A_785 = arith.constant 0 : i32
      %dma_start3A_786 = tpu.memref_slice %arg5[%dma_start3A_781, %select_n3A_273, %add3A_779, %dma_start3A_785] : memref<1x12x2048x2048xf32, #tpu.memory_space<hbm>> -> memref<1x1x1x2048xf32, #tpu.memory_space<hbm>>
      %dma_start3A_787 = tpu.memref_squeeze %dma_start3A_786 : memref<1x1x1x2048xf32, #tpu.memory_space<hbm>> -> memref<2048xf32, #tpu.memory_space<hbm>>
      %dma_start3A_788 = arith.constant 0 : i32
      %dma_start3A_789 = tpu.memref_slice %arg5[%dma_start3A_781, %select_n3A_273, %add3A_779, %dma_start3A_788] : memref<1x12x2048x2048xf32, #tpu.memory_space<hbm>> -> memref<1x1x1x2048xf32, #tpu.memory_space<hbm>>
      %dma_start3A_790 = tpu.memref_squeeze %dma_start3A_789 : memref<1x1x1x2048xf32, #tpu.memory_space<hbm>> -> memref<2048xf32, #tpu.memory_space<hbm>>
      %dma_start3A_791 = arith.constant 0 : i32
      %dma_start3A_792 = tpu.memref_slice %arg9[%dma_start3A_780, %squeeze3A_777, %dma_start3A_791] : memref<3x4x2048xf32, #tpu.memory_space<vmem>> -> memref<1x1x2048xf32, #tpu.memory_space<vmem>>
      %dma_start3A_793 = tpu.memref_squeeze %dma_start3A_792 : memref<1x1x2048xf32, #tpu.memory_space<vmem>> -> memref<2048xf32, #tpu.memory_space<vmem>>
      tpu.enqueue_dma source(%dma_start3A_793 : memref<2048xf32, #tpu.memory_space<vmem>>) target(%dma_start3A_790 : memref<2048xf32, #tpu.memory_space<hbm>>) target_semaphore(%arg10 : memref<!tpu.dma_semaphore, #tpu.memory_space<semaphore_mem>>)
      %slice3A_794 = vector.extract_strided_slice %get3A_541 {offsets = [14], sizes = [1], strides = [1]} : vector<16xi32> to vector<1xi32>
      %squeeze3A_795 = vector.extract %slice3A_794[0] : i32 from vector<1xi32>
      %add3A_796 = arith.constant 14 : i32
      %add3A_797 = arith.addi %add3A_534, %add3A_796 : i32
      %dma_start3A_798 = arith.constant 0 : i32
      %dma_start3A_799 = arith.constant 0 : i32
      %dma_start3A_800 = arith.constant 0 : i32
      %dma_start3A_801 = tpu.memref_slice %arg9[%dma_start3A_798, %squeeze3A_795, %dma_start3A_800] : memref<3x4x2048xf32, #tpu.memory_space<vmem>> -> memref<1x1x2048xf32, #tpu.memory_space<vmem>>
      %dma_start3A_802 = tpu.memref_squeeze %dma_start3A_801 : memref<1x1x2048xf32, #tpu.memory_space<vmem>> -> memref<2048xf32, #tpu.memory_space<vmem>>
      %dma_start3A_803 = arith.constant 0 : i32
      %dma_start3A_804 = tpu.memref_slice %arg5[%dma_start3A_799, %select_n3A_273, %add3A_797, %dma_start3A_803] : memref<1x12x2048x2048xf32, #tpu.memory_space<hbm>> -> memref<1x1x1x2048xf32, #tpu.memory_space<hbm>>
      %dma_start3A_805 = tpu.memref_squeeze %dma_start3A_804 : memref<1x1x1x2048xf32, #tpu.memory_space<hbm>> -> memref<2048xf32, #tpu.memory_space<hbm>>
      %dma_start3A_806 = arith.constant 0 : i32
      %dma_start3A_807 = tpu.memref_slice %arg5[%dma_start3A_799, %select_n3A_273, %add3A_797, %dma_start3A_806] : memref<1x12x2048x2048xf32, #tpu.memory_space<hbm>> -> memref<1x1x1x2048xf32, #tpu.memory_space<hbm>>
      %dma_start3A_808 = tpu.memref_squeeze %dma_start3A_807 : memref<1x1x1x2048xf32, #tpu.memory_space<hbm>> -> memref<2048xf32, #tpu.memory_space<hbm>>
      %dma_start3A_809 = arith.constant 0 : i32
      %dma_start3A_810 = tpu.memref_slice %arg9[%dma_start3A_798, %squeeze3A_795, %dma_start3A_809] : memref<3x4x2048xf32, #tpu.memory_space<vmem>> -> memref<1x1x2048xf32, #tpu.memory_space<vmem>>
      %dma_start3A_811 = tpu.memref_squeeze %dma_start3A_810 : memref<1x1x2048xf32, #tpu.memory_space<vmem>> -> memref<2048xf32, #tpu.memory_space<vmem>>
      tpu.enqueue_dma source(%dma_start3A_811 : memref<2048xf32, #tpu.memory_space<vmem>>) target(%dma_start3A_808 : memref<2048xf32, #tpu.memory_space<hbm>>) target_semaphore(%arg10 : memref<!tpu.dma_semaphore, #tpu.memory_space<semaphore_mem>>)
      %slice3A_812 = vector.extract_strided_slice %get3A_541 {offsets = [15], sizes = [1], strides = [1]} : vector<16xi32> to vector<1xi32>
      %squeeze3A_813 = vector.extract %slice3A_812[0] : i32 from vector<1xi32>
      %add3A_814 = arith.constant 15 : i32
      %add3A_815 = arith.addi %add3A_534, %add3A_814 : i32
      %dma_start3A_816 = arith.constant 0 : i32
      %dma_start3A_817 = arith.constant 0 : i32
      %dma_start3A_818 = arith.constant 0 : i32
      %dma_start3A_819 = tpu.memref_slice %arg9[%dma_start3A_816, %squeeze3A_813, %dma_start3A_818] : memref<3x4x2048xf32, #tpu.memory_space<vmem>> -> memref<1x1x2048xf32, #tpu.memory_space<vmem>>
      %dma_start3A_820 = tpu.memref_squeeze %dma_start3A_819 : memref<1x1x2048xf32, #tpu.memory_space<vmem>> -> memref<2048xf32, #tpu.memory_space<vmem>>
      %dma_start3A_821 = arith.constant 0 : i32
      %dma_start3A_822 = tpu.memref_slice %arg5[%dma_start3A_817, %select_n3A_273, %add3A_815, %dma_start3A_821] : memref<1x12x2048x2048xf32, #tpu.memory_space<hbm>> -> memref<1x1x1x2048xf32, #tpu.memory_space<hbm>>
      %dma_start3A_823 = tpu.memref_squeeze %dma_start3A_822 : memref<1x1x1x2048xf32, #tpu.memory_space<hbm>> -> memref<2048xf32, #tpu.memory_space<hbm>>
      %dma_start3A_824 = arith.constant 0 : i32
      %dma_start3A_825 = tpu.memref_slice %arg5[%dma_start3A_817, %select_n3A_273, %add3A_815, %dma_start3A_824] : memref<1x12x2048x2048xf32, #tpu.memory_space<hbm>> -> memref<1x1x1x2048xf32, #tpu.memory_space<hbm>>
      %dma_start3A_826 = tpu.memref_squeeze %dma_start3A_825 : memref<1x1x1x2048xf32, #tpu.memory_space<hbm>> -> memref<2048xf32, #tpu.memory_space<hbm>>
      %dma_start3A_827 = arith.constant 0 : i32
      %dma_start3A_828 = tpu.memref_slice %arg9[%dma_start3A_816, %squeeze3A_813, %dma_start3A_827] : memref<3x4x2048xf32, #tpu.memory_space<vmem>> -> memref<1x1x2048xf32, #tpu.memory_space<vmem>>
      %dma_start3A_829 = tpu.memref_squeeze %dma_start3A_828 : memref<1x1x2048xf32, #tpu.memory_space<vmem>> -> memref<2048xf32, #tpu.memory_space<vmem>>
      tpu.enqueue_dma source(%dma_start3A_829 : memref<2048xf32, #tpu.memory_space<vmem>>) target(%dma_start3A_826 : memref<2048xf32, #tpu.memory_space<hbm>>) target_semaphore(%arg10 : memref<!tpu.dma_semaphore, #tpu.memory_space<semaphore_mem>>)
      %ge3A = arith.constant 3 : i32
      %ge3A_830 = arith.cmpi sge, %scan3A_528, %ge3A : i32
      %convert_element_type3A = arith.extui %ge3A_830 : i1 to i32
      %cond3A = arith.constant 0 : i32
      %cond3A_831 = arith.cmpi ne, %convert_element_type3A, %cond3A : i32
      scf.if %cond3A_831 {
        %dma_wait3A_833 = arith.constant 0 : i32
        %dma_wait3A_834 = arith.constant 0 : i32
        %dma_wait3A_835 = arith.constant 0 : i32
        %dma_wait3A_836 = arith.constant 0 : i32
        %dma_wait3A_837 = arith.constant 0 : i32
        %dma_wait3A_838 = arith.constant 0 : i32
        %dma_wait3A_839 = tpu.memref_slice %arg9[%dma_wait3A_833, %dma_wait3A_834, %dma_wait3A_838] : memref<3x4x2048xf32, #tpu.memory_space<vmem>> -> memref<1x1x2048xf32, #tpu.memory_space<vmem>>
        %dma_wait3A_840 = tpu.memref_squeeze %dma_wait3A_839 : memref<1x1x2048xf32, #tpu.memory_space<vmem>> -> memref<2048xf32, #tpu.memory_space<vmem>>
        %dma_wait3A_841 = arith.constant 0 : i32
        %dma_wait3A_842 = tpu.memref_slice %arg5[%dma_wait3A_835, %dma_wait3A_836, %dma_wait3A_837, %dma_wait3A_841] : memref<1x12x2048x2048xf32, #tpu.memory_space<hbm>> -> memref<1x1x1x2048xf32, #tpu.memory_space<hbm>>
        %dma_wait3A_843 = tpu.memref_squeeze %dma_wait3A_842 : memref<1x1x1x2048xf32, #tpu.memory_space<hbm>> -> memref<2048xf32, #tpu.memory_space<hbm>>
        %dma_wait3A_844 = arith.constant 0 : i32
        %dma_wait3A_845 = tpu.memref_slice %arg5[%dma_wait3A_835, %dma_wait3A_836, %dma_wait3A_837, %dma_wait3A_844] : memref<1x12x2048x2048xf32, #tpu.memory_space<hbm>> -> memref<1x1x1x2048xf32, #tpu.memory_space<hbm>>
        %dma_wait3A_846 = tpu.memref_squeeze %dma_wait3A_845 : memref<1x1x1x2048xf32, #tpu.memory_space<hbm>> -> memref<2048xf32, #tpu.memory_space<hbm>>
        %dma_wait3A_847 = arith.constant 0 : i32
        %dma_wait3A_848 = tpu.memref_slice %arg9[%dma_wait3A_833, %dma_wait3A_834, %dma_wait3A_847] : memref<3x4x2048xf32, #tpu.memory_space<vmem>> -> memref<1x1x2048xf32, #tpu.memory_space<vmem>>
        %dma_wait3A_849 = tpu.memref_squeeze %dma_wait3A_848 : memref<1x1x2048xf32, #tpu.memory_space<vmem>> -> memref<2048xf32, #tpu.memory_space<vmem>>
        tpu.wait_dma2 semaphore(%arg10 : memref<!tpu.dma_semaphore, #tpu.memory_space<semaphore_mem>>) src(%dma_wait3A_849 : memref<2048xf32, #tpu.memory_space<vmem>>) dst(%dma_wait3A_846 : memref<2048xf32, #tpu.memory_space<hbm>>)
        %dma_wait3A_850 = arith.constant 0 : i32
        %dma_wait3A_851 = arith.constant 0 : i32
        %dma_wait3A_852 = arith.constant 0 : i32
        %dma_wait3A_853 = arith.constant 0 : i32
        %dma_wait3A_854 = arith.constant 0 : i32
        %dma_wait3A_855 = arith.constant 0 : i32
        %dma_wait3A_856 = tpu.memref_slice %arg9[%dma_wait3A_850, %dma_wait3A_851, %dma_wait3A_855] : memref<3x4x2048xf32, #tpu.memory_space<vmem>> -> memref<1x1x2048xf32, #tpu.memory_space<vmem>>
        %dma_wait3A_857 = tpu.memref_squeeze %dma_wait3A_856 : memref<1x1x2048xf32, #tpu.memory_space<vmem>> -> memref<2048xf32, #tpu.memory_space<vmem>>
        %dma_wait3A_858 = arith.constant 0 : i32
        %dma_wait3A_859 = tpu.memref_slice %arg5[%dma_wait3A_852, %dma_wait3A_853, %dma_wait3A_854, %dma_wait3A_858] : memref<1x12x2048x2048xf32, #tpu.memory_space<hbm>> -> memref<1x1x1x2048xf32, #tpu.memory_space<hbm>>
        %dma_wait3A_860 = tpu.memref_squeeze %dma_wait3A_859 : memref<1x1x1x2048xf32, #tpu.memory_space<hbm>> -> memref<2048xf32, #tpu.memory_space<hbm>>
        %dma_wait3A_861 = arith.constant 0 : i32
        %dma_wait3A_862 = tpu.memref_slice %arg5[%dma_wait3A_852, %dma_wait3A_853, %dma_wait3A_854, %dma_wait3A_861] : memref<1x12x2048x2048xf32, #tpu.memory_space<hbm>> -> memref<1x1x1x2048xf32, #tpu.memory_space<hbm>>
        %dma_wait3A_863 = tpu.memref_squeeze %dma_wait3A_862 : memref<1x1x1x2048xf32, #tpu.memory_space<hbm>> -> memref<2048xf32, #tpu.memory_space<hbm>>
        %dma_wait3A_864 = arith.constant 0 : i32
        %dma_wait3A_865 = tpu.memref_slice %arg9[%dma_wait3A_850, %dma_wait3A_851, %dma_wait3A_864] : memref<3x4x2048xf32, #tpu.memory_space<vmem>> -> memref<1x1x2048xf32, #tpu.memory_space<vmem>>
        %dma_wait3A_866 = tpu.memref_squeeze %dma_wait3A_865 : memref<1x1x2048xf32, #tpu.memory_space<vmem>> -> memref<2048xf32, #tpu.memory_space<vmem>>
        tpu.wait_dma2 semaphore(%arg10 : memref<!tpu.dma_semaphore, #tpu.memory_space<semaphore_mem>>) src(%dma_wait3A_866 : memref<2048xf32, #tpu.memory_space<vmem>>) dst(%dma_wait3A_863 : memref<2048xf32, #tpu.memory_space<hbm>>)
        %dma_wait3A_867 = arith.constant 0 : i32
        %dma_wait3A_868 = arith.constant 0 : i32
        %dma_wait3A_869 = arith.constant 0 : i32
        %dma_wait3A_870 = arith.constant 0 : i32
        %dma_wait3A_871 = arith.constant 0 : i32
        %dma_wait3A_872 = arith.constant 0 : i32
        %dma_wait3A_873 = tpu.memref_slice %arg9[%dma_wait3A_867, %dma_wait3A_868, %dma_wait3A_872] : memref<3x4x2048xf32, #tpu.memory_space<vmem>> -> memref<1x1x2048xf32, #tpu.memory_space<vmem>>
        %dma_wait3A_874 = tpu.memref_squeeze %dma_wait3A_873 : memref<1x1x2048xf32, #tpu.memory_space<vmem>> -> memref<2048xf32, #tpu.memory_space<vmem>>
        %dma_wait3A_875 = arith.constant 0 : i32
        %dma_wait3A_876 = tpu.memref_slice %arg5[%dma_wait3A_869, %dma_wait3A_870, %dma_wait3A_871, %dma_wait3A_875] : memref<1x12x2048x2048xf32, #tpu.memory_space<hbm>> -> memref<1x1x1x2048xf32, #tpu.memory_space<hbm>>
        %dma_wait3A_877 = tpu.memref_squeeze %dma_wait3A_876 : memref<1x1x1x2048xf32, #tpu.memory_space<hbm>> -> memref<2048xf32, #tpu.memory_space<hbm>>
        %dma_wait3A_878 = arith.constant 0 : i32
        %dma_wait3A_879 = tpu.memref_slice %arg5[%dma_wait3A_869, %dma_wait3A_870, %dma_wait3A_871, %dma_wait3A_878] : memref<1x12x2048x2048xf32, #tpu.memory_space<hbm>> -> memref<1x1x1x2048xf32, #tpu.memory_space<hbm>>
        %dma_wait3A_880 = tpu.memref_squeeze %dma_wait3A_879 : memref<1x1x1x2048xf32, #tpu.memory_space<hbm>> -> memref<2048xf32, #tpu.memory_space<hbm>>
        %dma_wait3A_881 = arith.constant 0 : i32
        %dma_wait3A_882 = tpu.memref_slice %arg9[%dma_wait3A_867, %dma_wait3A_868, %dma_wait3A_881] : memref<3x4x2048xf32, #tpu.memory_space<vmem>> -> memref<1x1x2048xf32, #tpu.memory_space<vmem>>
        %dma_wait3A_883 = tpu.memref_squeeze %dma_wait3A_882 : memref<1x1x2048xf32, #tpu.memory_space<vmem>> -> memref<2048xf32, #tpu.memory_space<vmem>>
        tpu.wait_dma2 semaphore(%arg10 : memref<!tpu.dma_semaphore, #tpu.memory_space<semaphore_mem>>) src(%dma_wait3A_883 : memref<2048xf32, #tpu.memory_space<vmem>>) dst(%dma_wait3A_880 : memref<2048xf32, #tpu.memory_space<hbm>>)
        %dma_wait3A_884 = arith.constant 0 : i32
        %dma_wait3A_885 = arith.constant 0 : i32
        %dma_wait3A_886 = arith.constant 0 : i32
        %dma_wait3A_887 = arith.constant 0 : i32
        %dma_wait3A_888 = arith.constant 0 : i32
        %dma_wait3A_889 = arith.constant 0 : i32
        %dma_wait3A_890 = tpu.memref_slice %arg9[%dma_wait3A_884, %dma_wait3A_885, %dma_wait3A_889] : memref<3x4x2048xf32, #tpu.memory_space<vmem>> -> memref<1x1x2048xf32, #tpu.memory_space<vmem>>
        %dma_wait3A_891 = tpu.memref_squeeze %dma_wait3A_890 : memref<1x1x2048xf32, #tpu.memory_space<vmem>> -> memref<2048xf32, #tpu.memory_space<vmem>>
        %dma_wait3A_892 = arith.constant 0 : i32
        %dma_wait3A_893 = tpu.memref_slice %arg5[%dma_wait3A_886, %dma_wait3A_887, %dma_wait3A_888, %dma_wait3A_892] : memref<1x12x2048x2048xf32, #tpu.memory_space<hbm>> -> memref<1x1x1x2048xf32, #tpu.memory_space<hbm>>
        %dma_wait3A_894 = tpu.memref_squeeze %dma_wait3A_893 : memref<1x1x1x2048xf32, #tpu.memory_space<hbm>> -> memref<2048xf32, #tpu.memory_space<hbm>>
        %dma_wait3A_895 = arith.constant 0 : i32
        %dma_wait3A_896 = tpu.memref_slice %arg5[%dma_wait3A_886, %dma_wait3A_887, %dma_wait3A_888, %dma_wait3A_895] : memref<1x12x2048x2048xf32, #tpu.memory_space<hbm>> -> memref<1x1x1x2048xf32, #tpu.memory_space<hbm>>
        %dma_wait3A_897 = tpu.memref_squeeze %dma_wait3A_896 : memref<1x1x1x2048xf32, #tpu.memory_space<hbm>> -> memref<2048xf32, #tpu.memory_space<hbm>>
        %dma_wait3A_898 = arith.constant 0 : i32
        %dma_wait3A_899 = tpu.memref_slice %arg9[%dma_wait3A_884, %dma_wait3A_885, %dma_wait3A_898] : memref<3x4x2048xf32, #tpu.memory_space<vmem>> -> memref<1x1x2048xf32, #tpu.memory_space<vmem>>
        %dma_wait3A_900 = tpu.memref_squeeze %dma_wait3A_899 : memref<1x1x2048xf32, #tpu.memory_space<vmem>> -> memref<2048xf32, #tpu.memory_space<vmem>>
        tpu.wait_dma2 semaphore(%arg10 : memref<!tpu.dma_semaphore, #tpu.memory_space<semaphore_mem>>) src(%dma_wait3A_900 : memref<2048xf32, #tpu.memory_space<vmem>>) dst(%dma_wait3A_897 : memref<2048xf32, #tpu.memory_space<hbm>>)
        %dma_wait3A_901 = arith.constant 0 : i32
        %dma_wait3A_902 = arith.constant 0 : i32
        %dma_wait3A_903 = arith.constant 0 : i32
        %dma_wait3A_904 = arith.constant 0 : i32
        %dma_wait3A_905 = arith.constant 0 : i32
        %dma_wait3A_906 = arith.constant 0 : i32
        %dma_wait3A_907 = tpu.memref_slice %arg9[%dma_wait3A_901, %dma_wait3A_902, %dma_wait3A_906] : memref<3x4x2048xf32, #tpu.memory_space<vmem>> -> memref<1x1x2048xf32, #tpu.memory_space<vmem>>
        %dma_wait3A_908 = tpu.memref_squeeze %dma_wait3A_907 : memref<1x1x2048xf32, #tpu.memory_space<vmem>> -> memref<2048xf32, #tpu.memory_space<vmem>>
        %dma_wait3A_909 = arith.constant 0 : i32
        %dma_wait3A_910 = tpu.memref_slice %arg5[%dma_wait3A_903, %dma_wait3A_904, %dma_wait3A_905, %dma_wait3A_909] : memref<1x12x2048x2048xf32, #tpu.memory_space<hbm>> -> memref<1x1x1x2048xf32, #tpu.memory_space<hbm>>
        %dma_wait3A_911 = tpu.memref_squeeze %dma_wait3A_910 : memref<1x1x1x2048xf32, #tpu.memory_space<hbm>> -> memref<2048xf32, #tpu.memory_space<hbm>>
        %dma_wait3A_912 = arith.constant 0 : i32
        %dma_wait3A_913 = tpu.memref_slice %arg5[%dma_wait3A_903, %dma_wait3A_904, %dma_wait3A_905, %dma_wait3A_912] : memref<1x12x2048x2048xf32, #tpu.memory_space<hbm>> -> memref<1x1x1x2048xf32, #tpu.memory_space<hbm>>
        %dma_wait3A_914 = tpu.memref_squeeze %dma_wait3A_913 : memref<1x1x1x2048xf32, #tpu.memory_space<hbm>> -> memref<2048xf32, #tpu.memory_space<hbm>>
        %dma_wait3A_915 = arith.constant 0 : i32
        %dma_wait3A_916 = tpu.memref_slice %arg9[%dma_wait3A_901, %dma_wait3A_902, %dma_wait3A_915] : memref<3x4x2048xf32, #tpu.memory_space<vmem>> -> memref<1x1x2048xf32, #tpu.memory_space<vmem>>
        %dma_wait3A_917 = tpu.memref_squeeze %dma_wait3A_916 : memref<1x1x2048xf32, #tpu.memory_space<vmem>> -> memref<2048xf32, #tpu.memory_space<vmem>>
        tpu.wait_dma2 semaphore(%arg10 : memref<!tpu.dma_semaphore, #tpu.memory_space<semaphore_mem>>) src(%dma_wait3A_917 : memref<2048xf32, #tpu.memory_space<vmem>>) dst(%dma_wait3A_914 : memref<2048xf32, #tpu.memory_space<hbm>>)
        %dma_wait3A_918 = arith.constant 0 : i32
        %dma_wait3A_919 = arith.constant 0 : i32
        %dma_wait3A_920 = arith.constant 0 : i32
        %dma_wait3A_921 = arith.constant 0 : i32
        %dma_wait3A_922 = arith.constant 0 : i32
        %dma_wait3A_923 = arith.constant 0 : i32
        %dma_wait3A_924 = tpu.memref_slice %arg9[%dma_wait3A_918, %dma_wait3A_919, %dma_wait3A_923] : memref<3x4x2048xf32, #tpu.memory_space<vmem>> -> memref<1x1x2048xf32, #tpu.memory_space<vmem>>
        %dma_wait3A_925 = tpu.memref_squeeze %dma_wait3A_924 : memref<1x1x2048xf32, #tpu.memory_space<vmem>> -> memref<2048xf32, #tpu.memory_space<vmem>>
        %dma_wait3A_926 = arith.constant 0 : i32
        %dma_wait3A_927 = tpu.memref_slice %arg5[%dma_wait3A_920, %dma_wait3A_921, %dma_wait3A_922, %dma_wait3A_926] : memref<1x12x2048x2048xf32, #tpu.memory_space<hbm>> -> memref<1x1x1x2048xf32, #tpu.memory_space<hbm>>
        %dma_wait3A_928 = tpu.memref_squeeze %dma_wait3A_927 : memref<1x1x1x2048xf32, #tpu.memory_space<hbm>> -> memref<2048xf32, #tpu.memory_space<hbm>>
        %dma_wait3A_929 = arith.constant 0 : i32
        %dma_wait3A_930 = tpu.memref_slice %arg5[%dma_wait3A_920, %dma_wait3A_921, %dma_wait3A_922, %dma_wait3A_929] : memref<1x12x2048x2048xf32, #tpu.memory_space<hbm>> -> memref<1x1x1x2048xf32, #tpu.memory_space<hbm>>
        %dma_wait3A_931 = tpu.memref_squeeze %dma_wait3A_930 : memref<1x1x1x2048xf32, #tpu.memory_space<hbm>> -> memref<2048xf32, #tpu.memory_space<hbm>>
        %dma_wait3A_932 = arith.constant 0 : i32
        %dma_wait3A_933 = tpu.memref_slice %arg9[%dma_wait3A_918, %dma_wait3A_919, %dma_wait3A_932] : memref<3x4x2048xf32, #tpu.memory_space<vmem>> -> memref<1x1x2048xf32, #tpu.memory_space<vmem>>
        %dma_wait3A_934 = tpu.memref_squeeze %dma_wait3A_933 : memref<1x1x2048xf32, #tpu.memory_space<vmem>> -> memref<2048xf32, #tpu.memory_space<vmem>>
        tpu.wait_dma2 semaphore(%arg10 : memref<!tpu.dma_semaphore, #tpu.memory_space<semaphore_mem>>) src(%dma_wait3A_934 : memref<2048xf32, #tpu.memory_space<vmem>>) dst(%dma_wait3A_931 : memref<2048xf32, #tpu.memory_space<hbm>>)
        %dma_wait3A_935 = arith.constant 0 : i32
        %dma_wait3A_936 = arith.constant 0 : i32
        %dma_wait3A_937 = arith.constant 0 : i32
        %dma_wait3A_938 = arith.constant 0 : i32
        %dma_wait3A_939 = arith.constant 0 : i32
        %dma_wait3A_940 = arith.constant 0 : i32
        %dma_wait3A_941 = tpu.memref_slice %arg9[%dma_wait3A_935, %dma_wait3A_936, %dma_wait3A_940] : memref<3x4x2048xf32, #tpu.memory_space<vmem>> -> memref<1x1x2048xf32, #tpu.memory_space<vmem>>
        %dma_wait3A_942 = tpu.memref_squeeze %dma_wait3A_941 : memref<1x1x2048xf32, #tpu.memory_space<vmem>> -> memref<2048xf32, #tpu.memory_space<vmem>>
        %dma_wait3A_943 = arith.constant 0 : i32
        %dma_wait3A_944 = tpu.memref_slice %arg5[%dma_wait3A_937, %dma_wait3A_938, %dma_wait3A_939, %dma_wait3A_943] : memref<1x12x2048x2048xf32, #tpu.memory_space<hbm>> -> memref<1x1x1x2048xf32, #tpu.memory_space<hbm>>
        %dma_wait3A_945 = tpu.memref_squeeze %dma_wait3A_944 : memref<1x1x1x2048xf32, #tpu.memory_space<hbm>> -> memref<2048xf32, #tpu.memory_space<hbm>>
        %dma_wait3A_946 = arith.constant 0 : i32
        %dma_wait3A_947 = tpu.memref_slice %arg5[%dma_wait3A_937, %dma_wait3A_938, %dma_wait3A_939, %dma_wait3A_946] : memref<1x12x2048x2048xf32, #tpu.memory_space<hbm>> -> memref<1x1x1x2048xf32, #tpu.memory_space<hbm>>
        %dma_wait3A_948 = tpu.memref_squeeze %dma_wait3A_947 : memref<1x1x1x2048xf32, #tpu.memory_space<hbm>> -> memref<2048xf32, #tpu.memory_space<hbm>>
        %dma_wait3A_949 = arith.constant 0 : i32
        %dma_wait3A_950 = tpu.memref_slice %arg9[%dma_wait3A_935, %dma_wait3A_936, %dma_wait3A_949] : memref<3x4x2048xf32, #tpu.memory_space<vmem>> -> memref<1x1x2048xf32, #tpu.memory_space<vmem>>
        %dma_wait3A_951 = tpu.memref_squeeze %dma_wait3A_950 : memref<1x1x2048xf32, #tpu.memory_space<vmem>> -> memref<2048xf32, #tpu.memory_space<vmem>>
        tpu.wait_dma2 semaphore(%arg10 : memref<!tpu.dma_semaphore, #tpu.memory_space<semaphore_mem>>) src(%dma_wait3A_951 : memref<2048xf32, #tpu.memory_space<vmem>>) dst(%dma_wait3A_948 : memref<2048xf32, #tpu.memory_space<hbm>>)
        %dma_wait3A_952 = arith.constant 0 : i32
        %dma_wait3A_953 = arith.constant 0 : i32
        %dma_wait3A_954 = arith.constant 0 : i32
        %dma_wait3A_955 = arith.constant 0 : i32
        %dma_wait3A_956 = arith.constant 0 : i32
        %dma_wait3A_957 = arith.constant 0 : i32
        %dma_wait3A_958 = tpu.memref_slice %arg9[%dma_wait3A_952, %dma_wait3A_953, %dma_wait3A_957] : memref<3x4x2048xf32, #tpu.memory_space<vmem>> -> memref<1x1x2048xf32, #tpu.memory_space<vmem>>
        %dma_wait3A_959 = tpu.memref_squeeze %dma_wait3A_958 : memref<1x1x2048xf32, #tpu.memory_space<vmem>> -> memref<2048xf32, #tpu.memory_space<vmem>>
        %dma_wait3A_960 = arith.constant 0 : i32
        %dma_wait3A_961 = tpu.memref_slice %arg5[%dma_wait3A_954, %dma_wait3A_955, %dma_wait3A_956, %dma_wait3A_960] : memref<1x12x2048x2048xf32, #tpu.memory_space<hbm>> -> memref<1x1x1x2048xf32, #tpu.memory_space<hbm>>
        %dma_wait3A_962 = tpu.memref_squeeze %dma_wait3A_961 : memref<1x1x1x2048xf32, #tpu.memory_space<hbm>> -> memref<2048xf32, #tpu.memory_space<hbm>>
        %dma_wait3A_963 = arith.constant 0 : i32
        %dma_wait3A_964 = tpu.memref_slice %arg5[%dma_wait3A_954, %dma_wait3A_955, %dma_wait3A_956, %dma_wait3A_963] : memref<1x12x2048x2048xf32, #tpu.memory_space<hbm>> -> memref<1x1x1x2048xf32, #tpu.memory_space<hbm>>
        %dma_wait3A_965 = tpu.memref_squeeze %dma_wait3A_964 : memref<1x1x1x2048xf32, #tpu.memory_space<hbm>> -> memref<2048xf32, #tpu.memory_space<hbm>>
        %dma_wait3A_966 = arith.constant 0 : i32
        %dma_wait3A_967 = tpu.memref_slice %arg9[%dma_wait3A_952, %dma_wait3A_953, %dma_wait3A_966] : memref<3x4x2048xf32, #tpu.memory_space<vmem>> -> memref<1x1x2048xf32, #tpu.memory_space<vmem>>
        %dma_wait3A_968 = tpu.memref_squeeze %dma_wait3A_967 : memref<1x1x2048xf32, #tpu.memory_space<vmem>> -> memref<2048xf32, #tpu.memory_space<vmem>>
        tpu.wait_dma2 semaphore(%arg10 : memref<!tpu.dma_semaphore, #tpu.memory_space<semaphore_mem>>) src(%dma_wait3A_968 : memref<2048xf32, #tpu.memory_space<vmem>>) dst(%dma_wait3A_965 : memref<2048xf32, #tpu.memory_space<hbm>>)
        %dma_wait3A_969 = arith.constant 0 : i32
        %dma_wait3A_970 = arith.constant 0 : i32
        %dma_wait3A_971 = arith.constant 0 : i32
        %dma_wait3A_972 = arith.constant 0 : i32
        %dma_wait3A_973 = arith.constant 0 : i32
        %dma_wait3A_974 = arith.constant 0 : i32
        %dma_wait3A_975 = tpu.memref_slice %arg9[%dma_wait3A_969, %dma_wait3A_970, %dma_wait3A_974] : memref<3x4x2048xf32, #tpu.memory_space<vmem>> -> memref<1x1x2048xf32, #tpu.memory_space<vmem>>
        %dma_wait3A_976 = tpu.memref_squeeze %dma_wait3A_975 : memref<1x1x2048xf32, #tpu.memory_space<vmem>> -> memref<2048xf32, #tpu.memory_space<vmem>>
        %dma_wait3A_977 = arith.constant 0 : i32
        %dma_wait3A_978 = tpu.memref_slice %arg5[%dma_wait3A_971, %dma_wait3A_972, %dma_wait3A_973, %dma_wait3A_977] : memref<1x12x2048x2048xf32, #tpu.memory_space<hbm>> -> memref<1x1x1x2048xf32, #tpu.memory_space<hbm>>
        %dma_wait3A_979 = tpu.memref_squeeze %dma_wait3A_978 : memref<1x1x1x2048xf32, #tpu.memory_space<hbm>> -> memref<2048xf32, #tpu.memory_space<hbm>>
        %dma_wait3A_980 = arith.constant 0 : i32
        %dma_wait3A_981 = tpu.memref_slice %arg5[%dma_wait3A_971, %dma_wait3A_972, %dma_wait3A_973, %dma_wait3A_980] : memref<1x12x2048x2048xf32, #tpu.memory_space<hbm>> -> memref<1x1x1x2048xf32, #tpu.memory_space<hbm>>
        %dma_wait3A_982 = tpu.memref_squeeze %dma_wait3A_981 : memref<1x1x1x2048xf32, #tpu.memory_space<hbm>> -> memref<2048xf32, #tpu.memory_space<hbm>>
        %dma_wait3A_983 = arith.constant 0 : i32
        %dma_wait3A_984 = tpu.memref_slice %arg9[%dma_wait3A_969, %dma_wait3A_970, %dma_wait3A_983] : memref<3x4x2048xf32, #tpu.memory_space<vmem>> -> memref<1x1x2048xf32, #tpu.memory_space<vmem>>
        %dma_wait3A_985 = tpu.memref_squeeze %dma_wait3A_984 : memref<1x1x2048xf32, #tpu.memory_space<vmem>> -> memref<2048xf32, #tpu.memory_space<vmem>>
        tpu.wait_dma2 semaphore(%arg10 : memref<!tpu.dma_semaphore, #tpu.memory_space<semaphore_mem>>) src(%dma_wait3A_985 : memref<2048xf32, #tpu.memory_space<vmem>>) dst(%dma_wait3A_982 : memref<2048xf32, #tpu.memory_space<hbm>>)
        %dma_wait3A_986 = arith.constant 0 : i32
        %dma_wait3A_987 = arith.constant 0 : i32
        %dma_wait3A_988 = arith.constant 0 : i32
        %dma_wait3A_989 = arith.constant 0 : i32
        %dma_wait3A_990 = arith.constant 0 : i32
        %dma_wait3A_991 = arith.constant 0 : i32
        %dma_wait3A_992 = tpu.memref_slice %arg9[%dma_wait3A_986, %dma_wait3A_987, %dma_wait3A_991] : memref<3x4x2048xf32, #tpu.memory_space<vmem>> -> memref<1x1x2048xf32, #tpu.memory_space<vmem>>
        %dma_wait3A_993 = tpu.memref_squeeze %dma_wait3A_992 : memref<1x1x2048xf32, #tpu.memory_space<vmem>> -> memref<2048xf32, #tpu.memory_space<vmem>>
        %dma_wait3A_994 = arith.constant 0 : i32
        %dma_wait3A_995 = tpu.memref_slice %arg5[%dma_wait3A_988, %dma_wait3A_989, %dma_wait3A_990, %dma_wait3A_994] : memref<1x12x2048x2048xf32, #tpu.memory_space<hbm>> -> memref<1x1x1x2048xf32, #tpu.memory_space<hbm>>
        %dma_wait3A_996 = tpu.memref_squeeze %dma_wait3A_995 : memref<1x1x1x2048xf32, #tpu.memory_space<hbm>> -> memref<2048xf32, #tpu.memory_space<hbm>>
        %dma_wait3A_997 = arith.constant 0 : i32
        %dma_wait3A_998 = tpu.memref_slice %arg5[%dma_wait3A_988, %dma_wait3A_989, %dma_wait3A_990, %dma_wait3A_997] : memref<1x12x2048x2048xf32, #tpu.memory_space<hbm>> -> memref<1x1x1x2048xf32, #tpu.memory_space<hbm>>
        %dma_wait3A_999 = tpu.memref_squeeze %dma_wait3A_998 : memref<1x1x1x2048xf32, #tpu.memory_space<hbm>> -> memref<2048xf32, #tpu.memory_space<hbm>>
        %dma_wait3A_1000 = arith.constant 0 : i32
        %dma_wait3A_1001 = tpu.memref_slice %arg9[%dma_wait3A_986, %dma_wait3A_987, %dma_wait3A_1000] : memref<3x4x2048xf32, #tpu.memory_space<vmem>> -> memref<1x1x2048xf32, #tpu.memory_space<vmem>>
        %dma_wait3A_1002 = tpu.memref_squeeze %dma_wait3A_1001 : memref<1x1x2048xf32, #tpu.memory_space<vmem>> -> memref<2048xf32, #tpu.memory_space<vmem>>
        tpu.wait_dma2 semaphore(%arg10 : memref<!tpu.dma_semaphore, #tpu.memory_space<semaphore_mem>>) src(%dma_wait3A_1002 : memref<2048xf32, #tpu.memory_space<vmem>>) dst(%dma_wait3A_999 : memref<2048xf32, #tpu.memory_space<hbm>>)
        %dma_wait3A_1003 = arith.constant 0 : i32
        %dma_wait3A_1004 = arith.constant 0 : i32
        %dma_wait3A_1005 = arith.constant 0 : i32
        %dma_wait3A_1006 = arith.constant 0 : i32
        %dma_wait3A_1007 = arith.constant 0 : i32
        %dma_wait3A_1008 = arith.constant 0 : i32
        %dma_wait3A_1009 = tpu.memref_slice %arg9[%dma_wait3A_1003, %dma_wait3A_1004, %dma_wait3A_1008] : memref<3x4x2048xf32, #tpu.memory_space<vmem>> -> memref<1x1x2048xf32, #tpu.memory_space<vmem>>
        %dma_wait3A_1010 = tpu.memref_squeeze %dma_wait3A_1009 : memref<1x1x2048xf32, #tpu.memory_space<vmem>> -> memref<2048xf32, #tpu.memory_space<vmem>>
        %dma_wait3A_1011 = arith.constant 0 : i32
        %dma_wait3A_1012 = tpu.memref_slice %arg5[%dma_wait3A_1005, %dma_wait3A_1006, %dma_wait3A_1007, %dma_wait3A_1011] : memref<1x12x2048x2048xf32, #tpu.memory_space<hbm>> -> memref<1x1x1x2048xf32, #tpu.memory_space<hbm>>
        %dma_wait3A_1013 = tpu.memref_squeeze %dma_wait3A_1012 : memref<1x1x1x2048xf32, #tpu.memory_space<hbm>> -> memref<2048xf32, #tpu.memory_space<hbm>>
        %dma_wait3A_1014 = arith.constant 0 : i32
        %dma_wait3A_1015 = tpu.memref_slice %arg5[%dma_wait3A_1005, %dma_wait3A_1006, %dma_wait3A_1007, %dma_wait3A_1014] : memref<1x12x2048x2048xf32, #tpu.memory_space<hbm>> -> memref<1x1x1x2048xf32, #tpu.memory_space<hbm>>
        %dma_wait3A_1016 = tpu.memref_squeeze %dma_wait3A_1015 : memref<1x1x1x2048xf32, #tpu.memory_space<hbm>> -> memref<2048xf32, #tpu.memory_space<hbm>>
        %dma_wait3A_1017 = arith.constant 0 : i32
        %dma_wait3A_1018 = tpu.memref_slice %arg9[%dma_wait3A_1003, %dma_wait3A_1004, %dma_wait3A_1017] : memref<3x4x2048xf32, #tpu.memory_space<vmem>> -> memref<1x1x2048xf32, #tpu.memory_space<vmem>>
        %dma_wait3A_1019 = tpu.memref_squeeze %dma_wait3A_1018 : memref<1x1x2048xf32, #tpu.memory_space<vmem>> -> memref<2048xf32, #tpu.memory_space<vmem>>
        tpu.wait_dma2 semaphore(%arg10 : memref<!tpu.dma_semaphore, #tpu.memory_space<semaphore_mem>>) src(%dma_wait3A_1019 : memref<2048xf32, #tpu.memory_space<vmem>>) dst(%dma_wait3A_1016 : memref<2048xf32, #tpu.memory_space<hbm>>)
        %dma_wait3A_1020 = arith.constant 0 : i32
        %dma_wait3A_1021 = arith.constant 0 : i32
        %dma_wait3A_1022 = arith.constant 0 : i32
        %dma_wait3A_1023 = arith.constant 0 : i32
        %dma_wait3A_1024 = arith.constant 0 : i32
        %dma_wait3A_1025 = arith.constant 0 : i32
        %dma_wait3A_1026 = tpu.memref_slice %arg9[%dma_wait3A_1020, %dma_wait3A_1021, %dma_wait3A_1025] : memref<3x4x2048xf32, #tpu.memory_space<vmem>> -> memref<1x1x2048xf32, #tpu.memory_space<vmem>>
        %dma_wait3A_1027 = tpu.memref_squeeze %dma_wait3A_1026 : memref<1x1x2048xf32, #tpu.memory_space<vmem>> -> memref<2048xf32, #tpu.memory_space<vmem>>
        %dma_wait3A_1028 = arith.constant 0 : i32
        %dma_wait3A_1029 = tpu.memref_slice %arg5[%dma_wait3A_1022, %dma_wait3A_1023, %dma_wait3A_1024, %dma_wait3A_1028] : memref<1x12x2048x2048xf32, #tpu.memory_space<hbm>> -> memref<1x1x1x2048xf32, #tpu.memory_space<hbm>>
        %dma_wait3A_1030 = tpu.memref_squeeze %dma_wait3A_1029 : memref<1x1x1x2048xf32, #tpu.memory_space<hbm>> -> memref<2048xf32, #tpu.memory_space<hbm>>
        %dma_wait3A_1031 = arith.constant 0 : i32
        %dma_wait3A_1032 = tpu.memref_slice %arg5[%dma_wait3A_1022, %dma_wait3A_1023, %dma_wait3A_1024, %dma_wait3A_1031] : memref<1x12x2048x2048xf32, #tpu.memory_space<hbm>> -> memref<1x1x1x2048xf32, #tpu.memory_space<hbm>>
        %dma_wait3A_1033 = tpu.memref_squeeze %dma_wait3A_1032 : memref<1x1x1x2048xf32, #tpu.memory_space<hbm>> -> memref<2048xf32, #tpu.memory_space<hbm>>
        %dma_wait3A_1034 = arith.constant 0 : i32
        %dma_wait3A_1035 = tpu.memref_slice %arg9[%dma_wait3A_1020, %dma_wait3A_1021, %dma_wait3A_1034] : memref<3x4x2048xf32, #tpu.memory_space<vmem>> -> memref<1x1x2048xf32, #tpu.memory_space<vmem>>
        %dma_wait3A_1036 = tpu.memref_squeeze %dma_wait3A_1035 : memref<1x1x2048xf32, #tpu.memory_space<vmem>> -> memref<2048xf32, #tpu.memory_space<vmem>>
        tpu.wait_dma2 semaphore(%arg10 : memref<!tpu.dma_semaphore, #tpu.memory_space<semaphore_mem>>) src(%dma_wait3A_1036 : memref<2048xf32, #tpu.memory_space<vmem>>) dst(%dma_wait3A_1033 : memref<2048xf32, #tpu.memory_space<hbm>>)
        %dma_wait3A_1037 = arith.constant 0 : i32
        %dma_wait3A_1038 = arith.constant 0 : i32
        %dma_wait3A_1039 = arith.constant 0 : i32
        %dma_wait3A_1040 = arith.constant 0 : i32
        %dma_wait3A_1041 = arith.constant 0 : i32
        %dma_wait3A_1042 = arith.constant 0 : i32
        %dma_wait3A_1043 = tpu.memref_slice %arg9[%dma_wait3A_1037, %dma_wait3A_1038, %dma_wait3A_1042] : memref<3x4x2048xf32, #tpu.memory_space<vmem>> -> memref<1x1x2048xf32, #tpu.memory_space<vmem>>
        %dma_wait3A_1044 = tpu.memref_squeeze %dma_wait3A_1043 : memref<1x1x2048xf32, #tpu.memory_space<vmem>> -> memref<2048xf32, #tpu.memory_space<vmem>>
        %dma_wait3A_1045 = arith.constant 0 : i32
        %dma_wait3A_1046 = tpu.memref_slice %arg5[%dma_wait3A_1039, %dma_wait3A_1040, %dma_wait3A_1041, %dma_wait3A_1045] : memref<1x12x2048x2048xf32, #tpu.memory_space<hbm>> -> memref<1x1x1x2048xf32, #tpu.memory_space<hbm>>
        %dma_wait3A_1047 = tpu.memref_squeeze %dma_wait3A_1046 : memref<1x1x1x2048xf32, #tpu.memory_space<hbm>> -> memref<2048xf32, #tpu.memory_space<hbm>>
        %dma_wait3A_1048 = arith.constant 0 : i32
        %dma_wait3A_1049 = tpu.memref_slice %arg5[%dma_wait3A_1039, %dma_wait3A_1040, %dma_wait3A_1041, %dma_wait3A_1048] : memref<1x12x2048x2048xf32, #tpu.memory_space<hbm>> -> memref<1x1x1x2048xf32, #tpu.memory_space<hbm>>
        %dma_wait3A_1050 = tpu.memref_squeeze %dma_wait3A_1049 : memref<1x1x1x2048xf32, #tpu.memory_space<hbm>> -> memref<2048xf32, #tpu.memory_space<hbm>>
        %dma_wait3A_1051 = arith.constant 0 : i32
        %dma_wait3A_1052 = tpu.memref_slice %arg9[%dma_wait3A_1037, %dma_wait3A_1038, %dma_wait3A_1051] : memref<3x4x2048xf32, #tpu.memory_space<vmem>> -> memref<1x1x2048xf32, #tpu.memory_space<vmem>>
        %dma_wait3A_1053 = tpu.memref_squeeze %dma_wait3A_1052 : memref<1x1x2048xf32, #tpu.memory_space<vmem>> -> memref<2048xf32, #tpu.memory_space<vmem>>
        tpu.wait_dma2 semaphore(%arg10 : memref<!tpu.dma_semaphore, #tpu.memory_space<semaphore_mem>>) src(%dma_wait3A_1053 : memref<2048xf32, #tpu.memory_space<vmem>>) dst(%dma_wait3A_1050 : memref<2048xf32, #tpu.memory_space<hbm>>)
        %dma_wait3A_1054 = arith.constant 0 : i32
        %dma_wait3A_1055 = arith.constant 0 : i32
        %dma_wait3A_1056 = arith.constant 0 : i32
        %dma_wait3A_1057 = arith.constant 0 : i32
        %dma_wait3A_1058 = arith.constant 0 : i32
        %dma_wait3A_1059 = arith.constant 0 : i32
        %dma_wait3A_1060 = tpu.memref_slice %arg9[%dma_wait3A_1054, %dma_wait3A_1055, %dma_wait3A_1059] : memref<3x4x2048xf32, #tpu.memory_space<vmem>> -> memref<1x1x2048xf32, #tpu.memory_space<vmem>>
        %dma_wait3A_1061 = tpu.memref_squeeze %dma_wait3A_1060 : memref<1x1x2048xf32, #tpu.memory_space<vmem>> -> memref<2048xf32, #tpu.memory_space<vmem>>
        %dma_wait3A_1062 = arith.constant 0 : i32
        %dma_wait3A_1063 = tpu.memref_slice %arg5[%dma_wait3A_1056, %dma_wait3A_1057, %dma_wait3A_1058, %dma_wait3A_1062] : memref<1x12x2048x2048xf32, #tpu.memory_space<hbm>> -> memref<1x1x1x2048xf32, #tpu.memory_space<hbm>>
        %dma_wait3A_1064 = tpu.memref_squeeze %dma_wait3A_1063 : memref<1x1x1x2048xf32, #tpu.memory_space<hbm>> -> memref<2048xf32, #tpu.memory_space<hbm>>
        %dma_wait3A_1065 = arith.constant 0 : i32
        %dma_wait3A_1066 = tpu.memref_slice %arg5[%dma_wait3A_1056, %dma_wait3A_1057, %dma_wait3A_1058, %dma_wait3A_1065] : memref<1x12x2048x2048xf32, #tpu.memory_space<hbm>> -> memref<1x1x1x2048xf32, #tpu.memory_space<hbm>>
        %dma_wait3A_1067 = tpu.memref_squeeze %dma_wait3A_1066 : memref<1x1x1x2048xf32, #tpu.memory_space<hbm>> -> memref<2048xf32, #tpu.memory_space<hbm>>
        %dma_wait3A_1068 = arith.constant 0 : i32
        %dma_wait3A_1069 = tpu.memref_slice %arg9[%dma_wait3A_1054, %dma_wait3A_1055, %dma_wait3A_1068] : memref<3x4x2048xf32, #tpu.memory_space<vmem>> -> memref<1x1x2048xf32, #tpu.memory_space<vmem>>
        %dma_wait3A_1070 = tpu.memref_squeeze %dma_wait3A_1069 : memref<1x1x2048xf32, #tpu.memory_space<vmem>> -> memref<2048xf32, #tpu.memory_space<vmem>>
        tpu.wait_dma2 semaphore(%arg10 : memref<!tpu.dma_semaphore, #tpu.memory_space<semaphore_mem>>) src(%dma_wait3A_1070 : memref<2048xf32, #tpu.memory_space<vmem>>) dst(%dma_wait3A_1067 : memref<2048xf32, #tpu.memory_space<hbm>>)
        %dma_wait3A_1071 = arith.constant 0 : i32
        %dma_wait3A_1072 = arith.constant 0 : i32
        %dma_wait3A_1073 = arith.constant 0 : i32
        %dma_wait3A_1074 = arith.constant 0 : i32
        %dma_wait3A_1075 = arith.constant 0 : i32
        %dma_wait3A_1076 = arith.constant 0 : i32
        %dma_wait3A_1077 = tpu.memref_slice %arg9[%dma_wait3A_1071, %dma_wait3A_1072, %dma_wait3A_1076] : memref<3x4x2048xf32, #tpu.memory_space<vmem>> -> memref<1x1x2048xf32, #tpu.memory_space<vmem>>
        %dma_wait3A_1078 = tpu.memref_squeeze %dma_wait3A_1077 : memref<1x1x2048xf32, #tpu.memory_space<vmem>> -> memref<2048xf32, #tpu.memory_space<vmem>>
        %dma_wait3A_1079 = arith.constant 0 : i32
        %dma_wait3A_1080 = tpu.memref_slice %arg5[%dma_wait3A_1073, %dma_wait3A_1074, %dma_wait3A_1075, %dma_wait3A_1079] : memref<1x12x2048x2048xf32, #tpu.memory_space<hbm>> -> memref<1x1x1x2048xf32, #tpu.memory_space<hbm>>
        %dma_wait3A_1081 = tpu.memref_squeeze %dma_wait3A_1080 : memref<1x1x1x2048xf32, #tpu.memory_space<hbm>> -> memref<2048xf32, #tpu.memory_space<hbm>>
        %dma_wait3A_1082 = arith.constant 0 : i32
        %dma_wait3A_1083 = tpu.memref_slice %arg5[%dma_wait3A_1073, %dma_wait3A_1074, %dma_wait3A_1075, %dma_wait3A_1082] : memref<1x12x2048x2048xf32, #tpu.memory_space<hbm>> -> memref<1x1x1x2048xf32, #tpu.memory_space<hbm>>
        %dma_wait3A_1084 = tpu.memref_squeeze %dma_wait3A_1083 : memref<1x1x1x2048xf32, #tpu.memory_space<hbm>> -> memref<2048xf32, #tpu.memory_space<hbm>>
        %dma_wait3A_1085 = arith.constant 0 : i32
        %dma_wait3A_1086 = tpu.memref_slice %arg9[%dma_wait3A_1071, %dma_wait3A_1072, %dma_wait3A_1085] : memref<3x4x2048xf32, #tpu.memory_space<vmem>> -> memref<1x1x2048xf32, #tpu.memory_space<vmem>>
        %dma_wait3A_1087 = tpu.memref_squeeze %dma_wait3A_1086 : memref<1x1x2048xf32, #tpu.memory_space<vmem>> -> memref<2048xf32, #tpu.memory_space<vmem>>
        tpu.wait_dma2 semaphore(%arg10 : memref<!tpu.dma_semaphore, #tpu.memory_space<semaphore_mem>>) src(%dma_wait3A_1087 : memref<2048xf32, #tpu.memory_space<vmem>>) dst(%dma_wait3A_1084 : memref<2048xf32, #tpu.memory_space<hbm>>)
        %dma_wait3A_1088 = arith.constant 0 : i32
        %dma_wait3A_1089 = arith.constant 0 : i32
        %dma_wait3A_1090 = arith.constant 0 : i32
        %dma_wait3A_1091 = arith.constant 0 : i32
        %dma_wait3A_1092 = arith.constant 0 : i32
        %dma_wait3A_1093 = arith.constant 0 : i32
        %dma_wait3A_1094 = tpu.memref_slice %arg9[%dma_wait3A_1088, %dma_wait3A_1089, %dma_wait3A_1093] : memref<3x4x2048xf32, #tpu.memory_space<vmem>> -> memref<1x1x2048xf32, #tpu.memory_space<vmem>>
        %dma_wait3A_1095 = tpu.memref_squeeze %dma_wait3A_1094 : memref<1x1x2048xf32, #tpu.memory_space<vmem>> -> memref<2048xf32, #tpu.memory_space<vmem>>
        %dma_wait3A_1096 = arith.constant 0 : i32
        %dma_wait3A_1097 = tpu.memref_slice %arg5[%dma_wait3A_1090, %dma_wait3A_1091, %dma_wait3A_1092, %dma_wait3A_1096] : memref<1x12x2048x2048xf32, #tpu.memory_space<hbm>> -> memref<1x1x1x2048xf32, #tpu.memory_space<hbm>>
        %dma_wait3A_1098 = tpu.memref_squeeze %dma_wait3A_1097 : memref<1x1x1x2048xf32, #tpu.memory_space<hbm>> -> memref<2048xf32, #tpu.memory_space<hbm>>
        %dma_wait3A_1099 = arith.constant 0 : i32
        %dma_wait3A_1100 = tpu.memref_slice %arg5[%dma_wait3A_1090, %dma_wait3A_1091, %dma_wait3A_1092, %dma_wait3A_1099] : memref<1x12x2048x2048xf32, #tpu.memory_space<hbm>> -> memref<1x1x1x2048xf32, #tpu.memory_space<hbm>>
        %dma_wait3A_1101 = tpu.memref_squeeze %dma_wait3A_1100 : memref<1x1x1x2048xf32, #tpu.memory_space<hbm>> -> memref<2048xf32, #tpu.memory_space<hbm>>
        %dma_wait3A_1102 = arith.constant 0 : i32
        %dma_wait3A_1103 = tpu.memref_slice %arg9[%dma_wait3A_1088, %dma_wait3A_1089, %dma_wait3A_1102] : memref<3x4x2048xf32, #tpu.memory_space<vmem>> -> memref<1x1x2048xf32, #tpu.memory_space<vmem>>
        %dma_wait3A_1104 = tpu.memref_squeeze %dma_wait3A_1103 : memref<1x1x2048xf32, #tpu.memory_space<vmem>> -> memref<2048xf32, #tpu.memory_space<vmem>>
        tpu.wait_dma2 semaphore(%arg10 : memref<!tpu.dma_semaphore, #tpu.memory_space<semaphore_mem>>) src(%dma_wait3A_1104 : memref<2048xf32, #tpu.memory_space<vmem>>) dst(%dma_wait3A_1101 : memref<2048xf32, #tpu.memory_space<hbm>>)
      } else {
      }
      %scan3A_832 = arith.constant 0 : i32
      scf.yield %scan3A_832 : i32
    }
    %scan3A_296 = arith.constant 16 : i32
    %add3A_297 = arith.constant 32 : i32
    %add3A_298 = arith.addi %add3A, %add3A_297 : i32
    %jit3A_299 = arith.constant 8 : i32
    %div3A_300 = arith.divsi %add3A_298, %jit3A_299 : i32
    %sign3A_301 = arith.constant 0 : i32
    %sign3A_302 = arith.cmpi sgt, %add3A_298, %sign3A_301 : i32
    %sign3A_303 = arith.extui %sign3A_302 : i1 to i32
    %sign3A_304 = arith.constant 0 : i32
    %sign3A_305 = arith.cmpi slt, %add3A_298, %sign3A_304 : i32
    %sign3A_306 = arith.extui %sign3A_305 : i1 to i32
    %sign3A_307 = arith.subi %sign3A_303, %sign3A_306 : i32
    %sign3A_308 = arith.constant 0 : i32
    %sign3A_309 = arith.cmpi sgt, %jit3A_299, %sign3A_308 : i32
    %sign3A_310 = arith.extui %sign3A_309 : i1 to i32
    %sign3A_311 = arith.constant 0 : i32
    %sign3A_312 = arith.cmpi slt, %jit3A_299, %sign3A_311 : i32
    %sign3A_313 = arith.extui %sign3A_312 : i1 to i32
    %sign3A_314 = arith.subi %sign3A_310, %sign3A_313 : i32
    %ne3A_315 = arith.cmpi ne, %sign3A_307, %sign3A_314 : i32
    %rem3A_316 = arith.remsi %add3A_298, %jit3A_299 : i32
    %ne3A_317 = arith.constant 0 : i32
    %ne3A_318 = arith.cmpi ne, %rem3A_316, %ne3A_317 : i32
    %and3A_319 = arith.andi %ne3A_315, %ne3A_318 : i1
    %sub3A_320 = arith.constant 1 : i32
    %sub3A_321 = arith.subi %div3A_300, %sub3A_320 : i32
    %select_n3A_322 = arith.select %and3A_319, %sub3A_321, %div3A_300 : i32
    %jit3A_323 = arith.constant 8 : i32
    %eq3A_324 = arith.constant 0 : i32
    %eq3A_325 = arith.cmpi eq, %jit3A_323, %eq3A_324 : i32
    %jit3A_326 = arith.constant 1 : i32
    %select_n3A_327 = arith.select %eq3A_325, %jit3A_326, %jit3A_323 : i32
    %rem3A_328 = arith.remsi %add3A_298, %select_n3A_327 : i32
    %ne3A_329 = arith.constant 0 : i32
    %ne3A_330 = arith.cmpi ne, %rem3A_328, %ne3A_329 : i32
    %lt3A_331 = arith.constant 0 : i32
    %lt3A_332 = arith.cmpi slt, %rem3A_328, %lt3A_331 : i32
    %lt3A_333 = arith.constant 0 : i32
    %lt3A_334 = arith.cmpi slt, %select_n3A_327, %lt3A_333 : i32
    %ne3A_335 = arith.xori %lt3A_332, %lt3A_334 : i1
    %and3A_336 = arith.andi %ne3A_335, %ne3A_330 : i1
    %add3A_337 = arith.addi %rem3A_328, %select_n3A_327 : i32
    %select_n3A_338 = arith.select %and3A_336, %add3A_337, %rem3A_328 : i32
    %get3A_339 = arith.index_cast %select_n3A_322 : i32 to index
    %get3A_340 = tpu.vector_load %arg8[%get3A_339] {strides = array<i32>} : memref<40xf32, #tpu.memory_space<vmem>>, vector<16xf32>,
    %get3A_341 = vector.shape_cast %get3A_340 : vector<16xf32> to vector<16xf32>
    %slice3A_342 = vector.extract_strided_slice %get3A_341 {offsets = [0], sizes = [1], strides = [1]} : vector<16xf32> to vector<1xf32>
    %squeeze3A_343 = vector.extract %slice3A_342[0] : f32 from vector<1xf32>
    %add3A_344 = arith.constant 12 : i32
    %add3A_345 = arith.addi %add3A_344, %select_n3A_322 : i32
    %get3A_346 = arith.index_cast %add3A_345 : i32 to index
    %get3A_347 = tpu.vector_load %arg8[%get3A_346] {strides = array<i32>} : memref<40xf32, #tpu.memory_space<vmem>>, vector<16xf32>,
    %get3A_348 = vector.shape_cast %get3A_347 : vector<16xf32> to vector<16xf32>
    %slice3A_349 = vector.extract_strided_slice %get3A_348 {offsets = [0], sizes = [1], strides = [1]} : vector<16xf32> to vector<1xf32>
    %squeeze3A_350 = vector.extract %slice3A_349[0] : f32 from vector<1xf32>
    %broadcast_in_dim3A_351 = vector.broadcast %squeeze3A_343 : f32 to vector<16xf32>
    %broadcast_in_dim3A_352 = vector.broadcast %squeeze3A_350 : f32 to vector<16xf32>
    %scan3A_353 = arith.constant 0 : i32
    %scan3A_354 = arith.constant 0 : i32
    %scan3A_355 = arith.constant 128 : i32
    %scan3A_356 = arith.addi %scan3A_354, %scan3A_355 : i32
    %scan3A_357 = arith.constant 1 : i32
    %scan3A_358 = scf.for %scan3A_528 = %scan3A_354 to %scan3A_356 step %scan3A_357 iter_args(%scan3A_529 = %scan3A_353) -> (i32)  : i32 {
      %mul3A_530 = arith.constant 16 : i32
      %mul3A_531 = arith.muli %scan3A_528, %mul3A_530 : i32
      %get3A_532 = arith.index_cast %mul3A_531 : i32 to index
      %get3A_533 = tpu.vector_load %arg6[%get3A_532] {strides = array<i32>} : memref<2048xi32, #tpu.memory_space<vmem>>, vector<16xi32>,
      %get3A_534 = vector.shape_cast %get3A_533 : vector<16xi32> to vector<16xi32>
      %eq3A_535 = arith.constant 0 : i32
      %eq3A_536 = vector.broadcast %eq3A_535 : i32 to vector<16xi32>
      %eq3A_537 = arith.cmpi eq, %get3A_534, %eq3A_536 : vector<16xi32>
      %select_n3A_538 = arith.select %eq3A_537, %broadcast_in_dim3A_352, %broadcast_in_dim3A_351 : vector<16xi1>, vector<16xf32>
      %mul3A_539 = arith.constant 16 : i32
      %mul3A_540 = arith.muli %scan3A_528, %mul3A_539 : i32
      %swap3A = arith.constant 1 : i32
      %swap3A_541 = arith.constant 0 : i32
      %swap3A_542 = arith.index_cast %swap3A : i32 to index
      %swap3A_543 = arith.index_cast %swap3A_541 : i32 to index
      %swap3A_544 = arith.index_cast %mul3A_540 : i32 to index
      %swap3A_545 = tpu.vector_load %arg9[%swap3A_542, %swap3A_543, %swap3A_544] {strides = array<i32>} : memref<3x4x2048xf32, #tpu.memory_space<vmem>>, vector<1x1x16xf32>,
      %swap3A_546 = vector.shape_cast %swap3A_545 : vector<1x1x16xf32> to vector<16xf32>
      %swap3A_547 = vector.shape_cast %select_n3A_538 : vector<16xf32> to vector<1x1x16xf32>
      tpu.vector_store %arg9[%swap3A_542, %swap3A_543, %swap3A_544], %swap3A_547 {strides = array<i32>} : memref<3x4x2048xf32, #tpu.memory_space<vmem>>, vector<1x1x16xf32>,
      %eq3A_548 = arith.constant 1 : i32
      %eq3A_549 = vector.broadcast %eq3A_548 : i32 to vector<16xi32>
      %eq3A_550 = arith.cmpi eq, %get3A_534, %eq3A_549 : vector<16xi32>
      %select_n3A_551 = arith.select %eq3A_550, %broadcast_in_dim3A_352, %broadcast_in_dim3A_351 : vector<16xi1>, vector<16xf32>
      %mul3A_552 = arith.constant 16 : i32
      %mul3A_553 = arith.muli %scan3A_528, %mul3A_552 : i32
      %swap3A_554 = arith.constant 1 : i32
      %swap3A_555 = arith.constant 1 : i32
      %swap3A_556 = arith.index_cast %swap3A_554 : i32 to index
      %swap3A_557 = arith.index_cast %swap3A_555 : i32 to index
      %swap3A_558 = arith.index_cast %mul3A_553 : i32 to index
      %swap3A_559 = tpu.vector_load %arg9[%swap3A_556, %swap3A_557, %swap3A_558] {strides = array<i32>} : memref<3x4x2048xf32, #tpu.memory_space<vmem>>, vector<1x1x16xf32>,
      %swap3A_560 = vector.shape_cast %swap3A_559 : vector<1x1x16xf32> to vector<16xf32>
      %swap3A_561 = vector.shape_cast %select_n3A_551 : vector<16xf32> to vector<1x1x16xf32>
      tpu.vector_store %arg9[%swap3A_556, %swap3A_557, %swap3A_558], %swap3A_561 {strides = array<i32>} : memref<3x4x2048xf32, #tpu.memory_space<vmem>>, vector<1x1x16xf32>,
      %eq3A_562 = arith.constant 2 : i32
      %eq3A_563 = vector.broadcast %eq3A_562 : i32 to vector<16xi32>
      %eq3A_564 = arith.cmpi eq, %get3A_534, %eq3A_563 : vector<16xi32>
      %select_n3A_565 = arith.select %eq3A_564, %broadcast_in_dim3A_352, %broadcast_in_dim3A_351 : vector<16xi1>, vector<16xf32>
      %mul3A_566 = arith.constant 16 : i32
      %mul3A_567 = arith.muli %scan3A_528, %mul3A_566 : i32
      %swap3A_568 = arith.constant 1 : i32
      %swap3A_569 = arith.constant 2 : i32
      %swap3A_570 = arith.index_cast %swap3A_568 : i32 to index
      %swap3A_571 = arith.index_cast %swap3A_569 : i32 to index
      %swap3A_572 = arith.index_cast %mul3A_567 : i32 to index
      %swap3A_573 = tpu.vector_load %arg9[%swap3A_570, %swap3A_571, %swap3A_572] {strides = array<i32>} : memref<3x4x2048xf32, #tpu.memory_space<vmem>>, vector<1x1x16xf32>,
      %swap3A_574 = vector.shape_cast %swap3A_573 : vector<1x1x16xf32> to vector<16xf32>
      %swap3A_575 = vector.shape_cast %select_n3A_565 : vector<16xf32> to vector<1x1x16xf32>
      tpu.vector_store %arg9[%swap3A_570, %swap3A_571, %swap3A_572], %swap3A_575 {strides = array<i32>} : memref<3x4x2048xf32, #tpu.memory_space<vmem>>, vector<1x1x16xf32>,
      %eq3A_576 = arith.constant 3 : i32
      %eq3A_577 = vector.broadcast %eq3A_576 : i32 to vector<16xi32>
      %eq3A_578 = arith.cmpi eq, %get3A_534, %eq3A_577 : vector<16xi32>
      %select_n3A_579 = arith.select %eq3A_578, %broadcast_in_dim3A_352, %broadcast_in_dim3A_351 : vector<16xi1>, vector<16xf32>
      %mul3A_580 = arith.constant 16 : i32
      %mul3A_581 = arith.muli %scan3A_528, %mul3A_580 : i32
      %swap3A_582 = arith.constant 1 : i32
      %swap3A_583 = arith.constant 3 : i32
      %swap3A_584 = arith.index_cast %swap3A_582 : i32 to index
      %swap3A_585 = arith.index_cast %swap3A_583 : i32 to index
      %swap3A_586 = arith.index_cast %mul3A_581 : i32 to index
      %swap3A_587 = tpu.vector_load %arg9[%swap3A_584, %swap3A_585, %swap3A_586] {strides = array<i32>} : memref<3x4x2048xf32, #tpu.memory_space<vmem>>, vector<1x1x16xf32>,
      %swap3A_588 = vector.shape_cast %swap3A_587 : vector<1x1x16xf32> to vector<16xf32>
      %swap3A_589 = vector.shape_cast %select_n3A_579 : vector<16xf32> to vector<1x1x16xf32>
      tpu.vector_store %arg9[%swap3A_584, %swap3A_585, %swap3A_586], %swap3A_589 {strides = array<i32>} : memref<3x4x2048xf32, #tpu.memory_space<vmem>>, vector<1x1x16xf32>,
      %scan3A_590 = arith.constant 0 : i32
      scf.yield %scan3A_590 : i32
    }
    %scan3A_359 = arith.constant 128 : i32
    %add3A_360 = arith.constant 32 : i32
    %add3A_361 = arith.addi %add3A, %add3A_360 : i32
    %jit3A_362 = arith.constant 8 : i32
    %div3A_363 = arith.divsi %add3A_361, %jit3A_362 : i32
    %sign3A_364 = arith.constant 0 : i32
    %sign3A_365 = arith.cmpi sgt, %add3A_361, %sign3A_364 : i32
    %sign3A_366 = arith.extui %sign3A_365 : i1 to i32
    %sign3A_367 = arith.constant 0 : i32
    %sign3A_368 = arith.cmpi slt, %add3A_361, %sign3A_367 : i32
    %sign3A_369 = arith.extui %sign3A_368 : i1 to i32
    %sign3A_370 = arith.subi %sign3A_366, %sign3A_369 : i32
    %sign3A_371 = arith.constant 0 : i32
    %sign3A_372 = arith.cmpi sgt, %jit3A_362, %sign3A_371 : i32
    %sign3A_373 = arith.extui %sign3A_372 : i1 to i32
    %sign3A_374 = arith.constant 0 : i32
    %sign3A_375 = arith.cmpi slt, %jit3A_362, %sign3A_374 : i32
    %sign3A_376 = arith.extui %sign3A_375 : i1 to i32
    %sign3A_377 = arith.subi %sign3A_373, %sign3A_376 : i32
    %ne3A_378 = arith.cmpi ne, %sign3A_370, %sign3A_377 : i32
    %rem3A_379 = arith.remsi %add3A_361, %jit3A_362 : i32
    %ne3A_380 = arith.constant 0 : i32
    %ne3A_381 = arith.cmpi ne, %rem3A_379, %ne3A_380 : i32
    %and3A_382 = arith.andi %ne3A_378, %ne3A_381 : i1
    %sub3A_383 = arith.constant 1 : i32
    %sub3A_384 = arith.subi %div3A_363, %sub3A_383 : i32
    %select_n3A_385 = arith.select %and3A_382, %sub3A_384, %div3A_363 : i32
    %jit3A_386 = arith.constant 8 : i32
    %eq3A_387 = arith.constant 0 : i32
    %eq3A_388 = arith.cmpi eq, %jit3A_386, %eq3A_387 : i32
    %jit3A_389 = arith.constant 1 : i32
    %select_n3A_390 = arith.select %eq3A_388, %jit3A_389, %jit3A_386 : i32
    %rem3A_391 = arith.remsi %add3A_361, %select_n3A_390 : i32
    %ne3A_392 = arith.constant 0 : i32
    %ne3A_393 = arith.cmpi ne, %rem3A_391, %ne3A_392 : i32
    %lt3A_394 = arith.constant 0 : i32
    %lt3A_395 = arith.cmpi slt, %rem3A_391, %lt3A_394 : i32
    %lt3A_396 = arith.constant 0 : i32
    %lt3A_397 = arith.cmpi slt, %select_n3A_390, %lt3A_396 : i32
    %ne3A_398 = arith.xori %lt3A_395, %lt3A_397 : i1
    %and3A_399 = arith.andi %ne3A_398, %ne3A_393 : i1
    %add3A_400 = arith.addi %rem3A_391, %select_n3A_390 : i32
    %select_n3A_401 = arith.select %and3A_399, %add3A_400, %rem3A_391 : i32
    %scan3A_402 = arith.constant 0 : i32
    %scan3A_403 = arith.constant 0 : i32
    %scan3A_404 = arith.constant 16 : i32
    %scan3A_405 = arith.addi %scan3A_403, %scan3A_404 : i32
    %scan3A_406 = arith.constant 1 : i32
    %scan3A_407 = scf.for %scan3A_528 = %scan3A_403 to %scan3A_405 step %scan3A_406 iter_args(%scan3A_529 = %scan3A_402) -> (i32)  : i32 {
      %mul3A_530 = arith.constant 256 : i32
      %mul3A_531 = arith.muli %select_n3A_401, %mul3A_530 : i32
      %mul3A_532 = arith.constant 16 : i32
      %mul3A_533 = arith.muli %scan3A_528, %mul3A_532 : i32
      %add3A_534 = arith.addi %mul3A_531, %mul3A_533 : i32
      %mul3A_535 = arith.constant 16 : i32
      %mul3A_536 = arith.muli %scan3A_528, %mul3A_535 : i32
      %add3A_537 = arith.constant 256 : i32
      %add3A_538 = arith.addi %add3A_537, %mul3A_536 : i32
      %get3A_539 = arith.index_cast %add3A_538 : i32 to index
      %get3A_540 = tpu.vector_load %arg7[%get3A_539] {strides = array<i32>} : memref<784xi32, #tpu.memory_space<vmem>>, vector<16xi32>,
      %get3A_541 = vector.shape_cast %get3A_540 : vector<16xi32> to vector<16xi32>
      %slice3A_542 = vector.extract_strided_slice %get3A_541 {offsets = [0], sizes = [1], strides = [1]} : vector<16xi32> to vector<1xi32>
      %squeeze3A_543 = vector.extract %slice3A_542[0] : i32 from vector<1xi32>
      %add3A_544 = arith.constant 0 : i32
      %add3A_545 = arith.addi %add3A_534, %add3A_544 : i32
      %dma_start3A_546 = arith.constant 1 : i32
      %dma_start3A_547 = arith.constant 0 : i32
      %dma_start3A_548 = arith.constant 0 : i32
      %dma_start3A_549 = tpu.memref_slice %arg9[%dma_start3A_546, %squeeze3A_543, %dma_start3A_548] : memref<3x4x2048xf32, #tpu.memory_space<vmem>> -> memref<1x1x2048xf32, #tpu.memory_space<vmem>>
      %dma_start3A_550 = tpu.memref_squeeze %dma_start3A_549 : memref<1x1x2048xf32, #tpu.memory_space<vmem>> -> memref<2048xf32, #tpu.memory_space<vmem>>
      %dma_start3A_551 = arith.constant 0 : i32
      %dma_start3A_552 = tpu.memref_slice %arg5[%dma_start3A_547, %select_n3A_385, %add3A_545, %dma_start3A_551] : memref<1x12x2048x2048xf32, #tpu.memory_space<hbm>> -> memref<1x1x1x2048xf32, #tpu.memory_space<hbm>>
      %dma_start3A_553 = tpu.memref_squeeze %dma_start3A_552 : memref<1x1x1x2048xf32, #tpu.memory_space<hbm>> -> memref<2048xf32, #tpu.memory_space<hbm>>
      %dma_start3A_554 = arith.constant 0 : i32
      %dma_start3A_555 = tpu.memref_slice %arg5[%dma_start3A_547, %select_n3A_385, %add3A_545, %dma_start3A_554] : memref<1x12x2048x2048xf32, #tpu.memory_space<hbm>> -> memref<1x1x1x2048xf32, #tpu.memory_space<hbm>>
      %dma_start3A_556 = tpu.memref_squeeze %dma_start3A_555 : memref<1x1x1x2048xf32, #tpu.memory_space<hbm>> -> memref<2048xf32, #tpu.memory_space<hbm>>
      %dma_start3A_557 = arith.constant 0 : i32
      %dma_start3A_558 = tpu.memref_slice %arg9[%dma_start3A_546, %squeeze3A_543, %dma_start3A_557] : memref<3x4x2048xf32, #tpu.memory_space<vmem>> -> memref<1x1x2048xf32, #tpu.memory_space<vmem>>
      %dma_start3A_559 = tpu.memref_squeeze %dma_start3A_558 : memref<1x1x2048xf32, #tpu.memory_space<vmem>> -> memref<2048xf32, #tpu.memory_space<vmem>>
      tpu.enqueue_dma source(%dma_start3A_559 : memref<2048xf32, #tpu.memory_space<vmem>>) target(%dma_start3A_556 : memref<2048xf32, #tpu.memory_space<hbm>>) target_semaphore(%arg10 : memref<!tpu.dma_semaphore, #tpu.memory_space<semaphore_mem>>)
      %slice3A_560 = vector.extract_strided_slice %get3A_541 {offsets = [1], sizes = [1], strides = [1]} : vector<16xi32> to vector<1xi32>
      %squeeze3A_561 = vector.extract %slice3A_560[0] : i32 from vector<1xi32>
      %add3A_562 = arith.constant 1 : i32
      %add3A_563 = arith.addi %add3A_534, %add3A_562 : i32
      %dma_start3A_564 = arith.constant 1 : i32
      %dma_start3A_565 = arith.constant 0 : i32
      %dma_start3A_566 = arith.constant 0 : i32
      %dma_start3A_567 = tpu.memref_slice %arg9[%dma_start3A_564, %squeeze3A_561, %dma_start3A_566] : memref<3x4x2048xf32, #tpu.memory_space<vmem>> -> memref<1x1x2048xf32, #tpu.memory_space<vmem>>
      %dma_start3A_568 = tpu.memref_squeeze %dma_start3A_567 : memref<1x1x2048xf32, #tpu.memory_space<vmem>> -> memref<2048xf32, #tpu.memory_space<vmem>>
      %dma_start3A_569 = arith.constant 0 : i32
      %dma_start3A_570 = tpu.memref_slice %arg5[%dma_start3A_565, %select_n3A_385, %add3A_563, %dma_start3A_569] : memref<1x12x2048x2048xf32, #tpu.memory_space<hbm>> -> memref<1x1x1x2048xf32, #tpu.memory_space<hbm>>
      %dma_start3A_571 = tpu.memref_squeeze %dma_start3A_570 : memref<1x1x1x2048xf32, #tpu.memory_space<hbm>> -> memref<2048xf32, #tpu.memory_space<hbm>>
      %dma_start3A_572 = arith.constant 0 : i32
      %dma_start3A_573 = tpu.memref_slice %arg5[%dma_start3A_565, %select_n3A_385, %add3A_563, %dma_start3A_572] : memref<1x12x2048x2048xf32, #tpu.memory_space<hbm>> -> memref<1x1x1x2048xf32, #tpu.memory_space<hbm>>
      %dma_start3A_574 = tpu.memref_squeeze %dma_start3A_573 : memref<1x1x1x2048xf32, #tpu.memory_space<hbm>> -> memref<2048xf32, #tpu.memory_space<hbm>>
      %dma_start3A_575 = arith.constant 0 : i32
      %dma_start3A_576 = tpu.memref_slice %arg9[%dma_start3A_564, %squeeze3A_561, %dma_start3A_575] : memref<3x4x2048xf32, #tpu.memory_space<vmem>> -> memref<1x1x2048xf32, #tpu.memory_space<vmem>>
      %dma_start3A_577 = tpu.memref_squeeze %dma_start3A_576 : memref<1x1x2048xf32, #tpu.memory_space<vmem>> -> memref<2048xf32, #tpu.memory_space<vmem>>
      tpu.enqueue_dma source(%dma_start3A_577 : memref<2048xf32, #tpu.memory_space<vmem>>) target(%dma_start3A_574 : memref<2048xf32, #tpu.memory_space<hbm>>) target_semaphore(%arg10 : memref<!tpu.dma_semaphore, #tpu.memory_space<semaphore_mem>>)
      %slice3A_578 = vector.extract_strided_slice %get3A_541 {offsets = [2], sizes = [1], strides = [1]} : vector<16xi32> to vector<1xi32>
      %squeeze3A_579 = vector.extract %slice3A_578[0] : i32 from vector<1xi32>
      %add3A_580 = arith.constant 2 : i32
      %add3A_581 = arith.addi %add3A_534, %add3A_580 : i32
      %dma_start3A_582 = arith.constant 1 : i32
      %dma_start3A_583 = arith.constant 0 : i32
      %dma_start3A_584 = arith.constant 0 : i32
      %dma_start3A_585 = tpu.memref_slice %arg9[%dma_start3A_582, %squeeze3A_579, %dma_start3A_584] : memref<3x4x2048xf32, #tpu.memory_space<vmem>> -> memref<1x1x2048xf32, #tpu.memory_space<vmem>>
      %dma_start3A_586 = tpu.memref_squeeze %dma_start3A_585 : memref<1x1x2048xf32, #tpu.memory_space<vmem>> -> memref<2048xf32, #tpu.memory_space<vmem>>
      %dma_start3A_587 = arith.constant 0 : i32
      %dma_start3A_588 = tpu.memref_slice %arg5[%dma_start3A_583, %select_n3A_385, %add3A_581, %dma_start3A_587] : memref<1x12x2048x2048xf32, #tpu.memory_space<hbm>> -> memref<1x1x1x2048xf32, #tpu.memory_space<hbm>>
      %dma_start3A_589 = tpu.memref_squeeze %dma_start3A_588 : memref<1x1x1x2048xf32, #tpu.memory_space<hbm>> -> memref<2048xf32, #tpu.memory_space<hbm>>
      %dma_start3A_590 = arith.constant 0 : i32
      %dma_start3A_591 = tpu.memref_slice %arg5[%dma_start3A_583, %select_n3A_385, %add3A_581, %dma_start3A_590] : memref<1x12x2048x2048xf32, #tpu.memory_space<hbm>> -> memref<1x1x1x2048xf32, #tpu.memory_space<hbm>>
      %dma_start3A_592 = tpu.memref_squeeze %dma_start3A_591 : memref<1x1x1x2048xf32, #tpu.memory_space<hbm>> -> memref<2048xf32, #tpu.memory_space<hbm>>
      %dma_start3A_593 = arith.constant 0 : i32
      %dma_start3A_594 = tpu.memref_slice %arg9[%dma_start3A_582, %squeeze3A_579, %dma_start3A_593] : memref<3x4x2048xf32, #tpu.memory_space<vmem>> -> memref<1x1x2048xf32, #tpu.memory_space<vmem>>
      %dma_start3A_595 = tpu.memref_squeeze %dma_start3A_594 : memref<1x1x2048xf32, #tpu.memory_space<vmem>> -> memref<2048xf32, #tpu.memory_space<vmem>>
      tpu.enqueue_dma source(%dma_start3A_595 : memref<2048xf32, #tpu.memory_space<vmem>>) target(%dma_start3A_592 : memref<2048xf32, #tpu.memory_space<hbm>>) target_semaphore(%arg10 : memref<!tpu.dma_semaphore, #tpu.memory_space<semaphore_mem>>)
      %slice3A_596 = vector.extract_strided_slice %get3A_541 {offsets = [3], sizes = [1], strides = [1]} : vector<16xi32> to vector<1xi32>
      %squeeze3A_597 = vector.extract %slice3A_596[0] : i32 from vector<1xi32>
      %add3A_598 = arith.constant 3 : i32
      %add3A_599 = arith.addi %add3A_534, %add3A_598 : i32
      %dma_start3A_600 = arith.constant 1 : i32
      %dma_start3A_601 = arith.constant 0 : i32
      %dma_start3A_602 = arith.constant 0 : i32
      %dma_start3A_603 = tpu.memref_slice %arg9[%dma_start3A_600, %squeeze3A_597, %dma_start3A_602] : memref<3x4x2048xf32, #tpu.memory_space<vmem>> -> memref<1x1x2048xf32, #tpu.memory_space<vmem>>
      %dma_start3A_604 = tpu.memref_squeeze %dma_start3A_603 : memref<1x1x2048xf32, #tpu.memory_space<vmem>> -> memref<2048xf32, #tpu.memory_space<vmem>>
      %dma_start3A_605 = arith.constant 0 : i32
      %dma_start3A_606 = tpu.memref_slice %arg5[%dma_start3A_601, %select_n3A_385, %add3A_599, %dma_start3A_605] : memref<1x12x2048x2048xf32, #tpu.memory_space<hbm>> -> memref<1x1x1x2048xf32, #tpu.memory_space<hbm>>
      %dma_start3A_607 = tpu.memref_squeeze %dma_start3A_606 : memref<1x1x1x2048xf32, #tpu.memory_space<hbm>> -> memref<2048xf32, #tpu.memory_space<hbm>>
      %dma_start3A_608 = arith.constant 0 : i32
      %dma_start3A_609 = tpu.memref_slice %arg5[%dma_start3A_601, %select_n3A_385, %add3A_599, %dma_start3A_608] : memref<1x12x2048x2048xf32, #tpu.memory_space<hbm>> -> memref<1x1x1x2048xf32, #tpu.memory_space<hbm>>
      %dma_start3A_610 = tpu.memref_squeeze %dma_start3A_609 : memref<1x1x1x2048xf32, #tpu.memory_space<hbm>> -> memref<2048xf32, #tpu.memory_space<hbm>>
      %dma_start3A_611 = arith.constant 0 : i32
      %dma_start3A_612 = tpu.memref_slice %arg9[%dma_start3A_600, %squeeze3A_597, %dma_start3A_611] : memref<3x4x2048xf32, #tpu.memory_space<vmem>> -> memref<1x1x2048xf32, #tpu.memory_space<vmem>>
      %dma_start3A_613 = tpu.memref_squeeze %dma_start3A_612 : memref<1x1x2048xf32, #tpu.memory_space<vmem>> -> memref<2048xf32, #tpu.memory_space<vmem>>
      tpu.enqueue_dma source(%dma_start3A_613 : memref<2048xf32, #tpu.memory_space<vmem>>) target(%dma_start3A_610 : memref<2048xf32, #tpu.memory_space<hbm>>) target_semaphore(%arg10 : memref<!tpu.dma_semaphore, #tpu.memory_space<semaphore_mem>>)
      %slice3A_614 = vector.extract_strided_slice %get3A_541 {offsets = [4], sizes = [1], strides = [1]} : vector<16xi32> to vector<1xi32>
      %squeeze3A_615 = vector.extract %slice3A_614[0] : i32 from vector<1xi32>
      %add3A_616 = arith.constant 4 : i32
      %add3A_617 = arith.addi %add3A_534, %add3A_616 : i32
      %dma_start3A_618 = arith.constant 1 : i32
      %dma_start3A_619 = arith.constant 0 : i32
      %dma_start3A_620 = arith.constant 0 : i32
      %dma_start3A_621 = tpu.memref_slice %arg9[%dma_start3A_618, %squeeze3A_615, %dma_start3A_620] : memref<3x4x2048xf32, #tpu.memory_space<vmem>> -> memref<1x1x2048xf32, #tpu.memory_space<vmem>>
      %dma_start3A_622 = tpu.memref_squeeze %dma_start3A_621 : memref<1x1x2048xf32, #tpu.memory_space<vmem>> -> memref<2048xf32, #tpu.memory_space<vmem>>
      %dma_start3A_623 = arith.constant 0 : i32
      %dma_start3A_624 = tpu.memref_slice %arg5[%dma_start3A_619, %select_n3A_385, %add3A_617, %dma_start3A_623] : memref<1x12x2048x2048xf32, #tpu.memory_space<hbm>> -> memref<1x1x1x2048xf32, #tpu.memory_space<hbm>>
      %dma_start3A_625 = tpu.memref_squeeze %dma_start3A_624 : memref<1x1x1x2048xf32, #tpu.memory_space<hbm>> -> memref<2048xf32, #tpu.memory_space<hbm>>
      %dma_start3A_626 = arith.constant 0 : i32
      %dma_start3A_627 = tpu.memref_slice %arg5[%dma_start3A_619, %select_n3A_385, %add3A_617, %dma_start3A_626] : memref<1x12x2048x2048xf32, #tpu.memory_space<hbm>> -> memref<1x1x1x2048xf32, #tpu.memory_space<hbm>>
      %dma_start3A_628 = tpu.memref_squeeze %dma_start3A_627 : memref<1x1x1x2048xf32, #tpu.memory_space<hbm>> -> memref<2048xf32, #tpu.memory_space<hbm>>
      %dma_start3A_629 = arith.constant 0 : i32
      %dma_start3A_630 = tpu.memref_slice %arg9[%dma_start3A_618, %squeeze3A_615, %dma_start3A_629] : memref<3x4x2048xf32, #tpu.memory_space<vmem>> -> memref<1x1x2048xf32, #tpu.memory_space<vmem>>
      %dma_start3A_631 = tpu.memref_squeeze %dma_start3A_630 : memref<1x1x2048xf32, #tpu.memory_space<vmem>> -> memref<2048xf32, #tpu.memory_space<vmem>>
      tpu.enqueue_dma source(%dma_start3A_631 : memref<2048xf32, #tpu.memory_space<vmem>>) target(%dma_start3A_628 : memref<2048xf32, #tpu.memory_space<hbm>>) target_semaphore(%arg10 : memref<!tpu.dma_semaphore, #tpu.memory_space<semaphore_mem>>)
      %slice3A_632 = vector.extract_strided_slice %get3A_541 {offsets = [5], sizes = [1], strides = [1]} : vector<16xi32> to vector<1xi32>
      %squeeze3A_633 = vector.extract %slice3A_632[0] : i32 from vector<1xi32>
      %add3A_634 = arith.constant 5 : i32
      %add3A_635 = arith.addi %add3A_534, %add3A_634 : i32
      %dma_start3A_636 = arith.constant 1 : i32
      %dma_start3A_637 = arith.constant 0 : i32
      %dma_start3A_638 = arith.constant 0 : i32
      %dma_start3A_639 = tpu.memref_slice %arg9[%dma_start3A_636, %squeeze3A_633, %dma_start3A_638] : memref<3x4x2048xf32, #tpu.memory_space<vmem>> -> memref<1x1x2048xf32, #tpu.memory_space<vmem>>
      %dma_start3A_640 = tpu.memref_squeeze %dma_start3A_639 : memref<1x1x2048xf32, #tpu.memory_space<vmem>> -> memref<2048xf32, #tpu.memory_space<vmem>>
      %dma_start3A_641 = arith.constant 0 : i32
      %dma_start3A_642 = tpu.memref_slice %arg5[%dma_start3A_637, %select_n3A_385, %add3A_635, %dma_start3A_641] : memref<1x12x2048x2048xf32, #tpu.memory_space<hbm>> -> memref<1x1x1x2048xf32, #tpu.memory_space<hbm>>
      %dma_start3A_643 = tpu.memref_squeeze %dma_start3A_642 : memref<1x1x1x2048xf32, #tpu.memory_space<hbm>> -> memref<2048xf32, #tpu.memory_space<hbm>>
      %dma_start3A_644 = arith.constant 0 : i32
      %dma_start3A_645 = tpu.memref_slice %arg5[%dma_start3A_637, %select_n3A_385, %add3A_635, %dma_start3A_644] : memref<1x12x2048x2048xf32, #tpu.memory_space<hbm>> -> memref<1x1x1x2048xf32, #tpu.memory_space<hbm>>
      %dma_start3A_646 = tpu.memref_squeeze %dma_start3A_645 : memref<1x1x1x2048xf32, #tpu.memory_space<hbm>> -> memref<2048xf32, #tpu.memory_space<hbm>>
      %dma_start3A_647 = arith.constant 0 : i32
      %dma_start3A_648 = tpu.memref_slice %arg9[%dma_start3A_636, %squeeze3A_633, %dma_start3A_647] : memref<3x4x2048xf32, #tpu.memory_space<vmem>> -> memref<1x1x2048xf32, #tpu.memory_space<vmem>>
      %dma_start3A_649 = tpu.memref_squeeze %dma_start3A_648 : memref<1x1x2048xf32, #tpu.memory_space<vmem>> -> memref<2048xf32, #tpu.memory_space<vmem>>
      tpu.enqueue_dma source(%dma_start3A_649 : memref<2048xf32, #tpu.memory_space<vmem>>) target(%dma_start3A_646 : memref<2048xf32, #tpu.memory_space<hbm>>) target_semaphore(%arg10 : memref<!tpu.dma_semaphore, #tpu.memory_space<semaphore_mem>>)
      %slice3A_650 = vector.extract_strided_slice %get3A_541 {offsets = [6], sizes = [1], strides = [1]} : vector<16xi32> to vector<1xi32>
      %squeeze3A_651 = vector.extract %slice3A_650[0] : i32 from vector<1xi32>
      %add3A_652 = arith.constant 6 : i32
      %add3A_653 = arith.addi %add3A_534, %add3A_652 : i32
      %dma_start3A_654 = arith.constant 1 : i32
      %dma_start3A_655 = arith.constant 0 : i32
      %dma_start3A_656 = arith.constant 0 : i32
      %dma_start3A_657 = tpu.memref_slice %arg9[%dma_start3A_654, %squeeze3A_651, %dma_start3A_656] : memref<3x4x2048xf32, #tpu.memory_space<vmem>> -> memref<1x1x2048xf32, #tpu.memory_space<vmem>>
      %dma_start3A_658 = tpu.memref_squeeze %dma_start3A_657 : memref<1x1x2048xf32, #tpu.memory_space<vmem>> -> memref<2048xf32, #tpu.memory_space<vmem>>
      %dma_start3A_659 = arith.constant 0 : i32
      %dma_start3A_660 = tpu.memref_slice %arg5[%dma_start3A_655, %select_n3A_385, %add3A_653, %dma_start3A_659] : memref<1x12x2048x2048xf32, #tpu.memory_space<hbm>> -> memref<1x1x1x2048xf32, #tpu.memory_space<hbm>>
      %dma_start3A_661 = tpu.memref_squeeze %dma_start3A_660 : memref<1x1x1x2048xf32, #tpu.memory_space<hbm>> -> memref<2048xf32, #tpu.memory_space<hbm>>
      %dma_start3A_662 = arith.constant 0 : i32
      %dma_start3A_663 = tpu.memref_slice %arg5[%dma_start3A_655, %select_n3A_385, %add3A_653, %dma_start3A_662] : memref<1x12x2048x2048xf32, #tpu.memory_space<hbm>> -> memref<1x1x1x2048xf32, #tpu.memory_space<hbm>>
      %dma_start3A_664 = tpu.memref_squeeze %dma_start3A_663 : memref<1x1x1x2048xf32, #tpu.memory_space<hbm>> -> memref<2048xf32, #tpu.memory_space<hbm>>
      %dma_start3A_665 = arith.constant 0 : i32
      %dma_start3A_666 = tpu.memref_slice %arg9[%dma_start3A_654, %squeeze3A_651, %dma_start3A_665] : memref<3x4x2048xf32, #tpu.memory_space<vmem>> -> memref<1x1x2048xf32, #tpu.memory_space<vmem>>
      %dma_start3A_667 = tpu.memref_squeeze %dma_start3A_666 : memref<1x1x2048xf32, #tpu.memory_space<vmem>> -> memref<2048xf32, #tpu.memory_space<vmem>>
      tpu.enqueue_dma source(%dma_start3A_667 : memref<2048xf32, #tpu.memory_space<vmem>>) target(%dma_start3A_664 : memref<2048xf32, #tpu.memory_space<hbm>>) target_semaphore(%arg10 : memref<!tpu.dma_semaphore, #tpu.memory_space<semaphore_mem>>)
      %slice3A_668 = vector.extract_strided_slice %get3A_541 {offsets = [7], sizes = [1], strides = [1]} : vector<16xi32> to vector<1xi32>
      %squeeze3A_669 = vector.extract %slice3A_668[0] : i32 from vector<1xi32>
      %add3A_670 = arith.constant 7 : i32
      %add3A_671 = arith.addi %add3A_534, %add3A_670 : i32
      %dma_start3A_672 = arith.constant 1 : i32
      %dma_start3A_673 = arith.constant 0 : i32
      %dma_start3A_674 = arith.constant 0 : i32
      %dma_start3A_675 = tpu.memref_slice %arg9[%dma_start3A_672, %squeeze3A_669, %dma_start3A_674] : memref<3x4x2048xf32, #tpu.memory_space<vmem>> -> memref<1x1x2048xf32, #tpu.memory_space<vmem>>
      %dma_start3A_676 = tpu.memref_squeeze %dma_start3A_675 : memref<1x1x2048xf32, #tpu.memory_space<vmem>> -> memref<2048xf32, #tpu.memory_space<vmem>>
      %dma_start3A_677 = arith.constant 0 : i32
      %dma_start3A_678 = tpu.memref_slice %arg5[%dma_start3A_673, %select_n3A_385, %add3A_671, %dma_start3A_677] : memref<1x12x2048x2048xf32, #tpu.memory_space<hbm>> -> memref<1x1x1x2048xf32, #tpu.memory_space<hbm>>
      %dma_start3A_679 = tpu.memref_squeeze %dma_start3A_678 : memref<1x1x1x2048xf32, #tpu.memory_space<hbm>> -> memref<2048xf32, #tpu.memory_space<hbm>>
      %dma_start3A_680 = arith.constant 0 : i32
      %dma_start3A_681 = tpu.memref_slice %arg5[%dma_start3A_673, %select_n3A_385, %add3A_671, %dma_start3A_680] : memref<1x12x2048x2048xf32, #tpu.memory_space<hbm>> -> memref<1x1x1x2048xf32, #tpu.memory_space<hbm>>
      %dma_start3A_682 = tpu.memref_squeeze %dma_start3A_681 : memref<1x1x1x2048xf32, #tpu.memory_space<hbm>> -> memref<2048xf32, #tpu.memory_space<hbm>>
      %dma_start3A_683 = arith.constant 0 : i32
      %dma_start3A_684 = tpu.memref_slice %arg9[%dma_start3A_672, %squeeze3A_669, %dma_start3A_683] : memref<3x4x2048xf32, #tpu.memory_space<vmem>> -> memref<1x1x2048xf32, #tpu.memory_space<vmem>>
      %dma_start3A_685 = tpu.memref_squeeze %dma_start3A_684 : memref<1x1x2048xf32, #tpu.memory_space<vmem>> -> memref<2048xf32, #tpu.memory_space<vmem>>
      tpu.enqueue_dma source(%dma_start3A_685 : memref<2048xf32, #tpu.memory_space<vmem>>) target(%dma_start3A_682 : memref<2048xf32, #tpu.memory_space<hbm>>) target_semaphore(%arg10 : memref<!tpu.dma_semaphore, #tpu.memory_space<semaphore_mem>>)
      %slice3A_686 = vector.extract_strided_slice %get3A_541 {offsets = [8], sizes = [1], strides = [1]} : vector<16xi32> to vector<1xi32>
      %squeeze3A_687 = vector.extract %slice3A_686[0] : i32 from vector<1xi32>
      %add3A_688 = arith.constant 8 : i32
      %add3A_689 = arith.addi %add3A_534, %add3A_688 : i32
      %dma_start3A_690 = arith.constant 1 : i32
      %dma_start3A_691 = arith.constant 0 : i32
      %dma_start3A_692 = arith.constant 0 : i32
      %dma_start3A_693 = tpu.memref_slice %arg9[%dma_start3A_690, %squeeze3A_687, %dma_start3A_692] : memref<3x4x2048xf32, #tpu.memory_space<vmem>> -> memref<1x1x2048xf32, #tpu.memory_space<vmem>>
      %dma_start3A_694 = tpu.memref_squeeze %dma_start3A_693 : memref<1x1x2048xf32, #tpu.memory_space<vmem>> -> memref<2048xf32, #tpu.memory_space<vmem>>
      %dma_start3A_695 = arith.constant 0 : i32
      %dma_start3A_696 = tpu.memref_slice %arg5[%dma_start3A_691, %select_n3A_385, %add3A_689, %dma_start3A_695] : memref<1x12x2048x2048xf32, #tpu.memory_space<hbm>> -> memref<1x1x1x2048xf32, #tpu.memory_space<hbm>>
      %dma_start3A_697 = tpu.memref_squeeze %dma_start3A_696 : memref<1x1x1x2048xf32, #tpu.memory_space<hbm>> -> memref<2048xf32, #tpu.memory_space<hbm>>
      %dma_start3A_698 = arith.constant 0 : i32
      %dma_start3A_699 = tpu.memref_slice %arg5[%dma_start3A_691, %select_n3A_385, %add3A_689, %dma_start3A_698] : memref<1x12x2048x2048xf32, #tpu.memory_space<hbm>> -> memref<1x1x1x2048xf32, #tpu.memory_space<hbm>>
      %dma_start3A_700 = tpu.memref_squeeze %dma_start3A_699 : memref<1x1x1x2048xf32, #tpu.memory_space<hbm>> -> memref<2048xf32, #tpu.memory_space<hbm>>
      %dma_start3A_701 = arith.constant 0 : i32
      %dma_start3A_702 = tpu.memref_slice %arg9[%dma_start3A_690, %squeeze3A_687, %dma_start3A_701] : memref<3x4x2048xf32, #tpu.memory_space<vmem>> -> memref<1x1x2048xf32, #tpu.memory_space<vmem>>
      %dma_start3A_703 = tpu.memref_squeeze %dma_start3A_702 : memref<1x1x2048xf32, #tpu.memory_space<vmem>> -> memref<2048xf32, #tpu.memory_space<vmem>>
      tpu.enqueue_dma source(%dma_start3A_703 : memref<2048xf32, #tpu.memory_space<vmem>>) target(%dma_start3A_700 : memref<2048xf32, #tpu.memory_space<hbm>>) target_semaphore(%arg10 : memref<!tpu.dma_semaphore, #tpu.memory_space<semaphore_mem>>)
      %slice3A_704 = vector.extract_strided_slice %get3A_541 {offsets = [9], sizes = [1], strides = [1]} : vector<16xi32> to vector<1xi32>
      %squeeze3A_705 = vector.extract %slice3A_704[0] : i32 from vector<1xi32>
      %add3A_706 = arith.constant 9 : i32
      %add3A_707 = arith.addi %add3A_534, %add3A_706 : i32
      %dma_start3A_708 = arith.constant 1 : i32
      %dma_start3A_709 = arith.constant 0 : i32
      %dma_start3A_710 = arith.constant 0 : i32
      %dma_start3A_711 = tpu.memref_slice %arg9[%dma_start3A_708, %squeeze3A_705, %dma_start3A_710] : memref<3x4x2048xf32, #tpu.memory_space<vmem>> -> memref<1x1x2048xf32, #tpu.memory_space<vmem>>
      %dma_start3A_712 = tpu.memref_squeeze %dma_start3A_711 : memref<1x1x2048xf32, #tpu.memory_space<vmem>> -> memref<2048xf32, #tpu.memory_space<vmem>>
      %dma_start3A_713 = arith.constant 0 : i32
      %dma_start3A_714 = tpu.memref_slice %arg5[%dma_start3A_709, %select_n3A_385, %add3A_707, %dma_start3A_713] : memref<1x12x2048x2048xf32, #tpu.memory_space<hbm>> -> memref<1x1x1x2048xf32, #tpu.memory_space<hbm>>
      %dma_start3A_715 = tpu.memref_squeeze %dma_start3A_714 : memref<1x1x1x2048xf32, #tpu.memory_space<hbm>> -> memref<2048xf32, #tpu.memory_space<hbm>>
      %dma_start3A_716 = arith.constant 0 : i32
      %dma_start3A_717 = tpu.memref_slice %arg5[%dma_start3A_709, %select_n3A_385, %add3A_707, %dma_start3A_716] : memref<1x12x2048x2048xf32, #tpu.memory_space<hbm>> -> memref<1x1x1x2048xf32, #tpu.memory_space<hbm>>
      %dma_start3A_718 = tpu.memref_squeeze %dma_start3A_717 : memref<1x1x1x2048xf32, #tpu.memory_space<hbm>> -> memref<2048xf32, #tpu.memory_space<hbm>>
      %dma_start3A_719 = arith.constant 0 : i32
      %dma_start3A_720 = tpu.memref_slice %arg9[%dma_start3A_708, %squeeze3A_705, %dma_start3A_719] : memref<3x4x2048xf32, #tpu.memory_space<vmem>> -> memref<1x1x2048xf32, #tpu.memory_space<vmem>>
      %dma_start3A_721 = tpu.memref_squeeze %dma_start3A_720 : memref<1x1x2048xf32, #tpu.memory_space<vmem>> -> memref<2048xf32, #tpu.memory_space<vmem>>
      tpu.enqueue_dma source(%dma_start3A_721 : memref<2048xf32, #tpu.memory_space<vmem>>) target(%dma_start3A_718 : memref<2048xf32, #tpu.memory_space<hbm>>) target_semaphore(%arg10 : memref<!tpu.dma_semaphore, #tpu.memory_space<semaphore_mem>>)
      %slice3A_722 = vector.extract_strided_slice %get3A_541 {offsets = [10], sizes = [1], strides = [1]} : vector<16xi32> to vector<1xi32>
      %squeeze3A_723 = vector.extract %slice3A_722[0] : i32 from vector<1xi32>
      %add3A_724 = arith.constant 10 : i32
      %add3A_725 = arith.addi %add3A_534, %add3A_724 : i32
      %dma_start3A_726 = arith.constant 1 : i32
      %dma_start3A_727 = arith.constant 0 : i32
      %dma_start3A_728 = arith.constant 0 : i32
      %dma_start3A_729 = tpu.memref_slice %arg9[%dma_start3A_726, %squeeze3A_723, %dma_start3A_728] : memref<3x4x2048xf32, #tpu.memory_space<vmem>> -> memref<1x1x2048xf32, #tpu.memory_space<vmem>>
      %dma_start3A_730 = tpu.memref_squeeze %dma_start3A_729 : memref<1x1x2048xf32, #tpu.memory_space<vmem>> -> memref<2048xf32, #tpu.memory_space<vmem>>
      %dma_start3A_731 = arith.constant 0 : i32
      %dma_start3A_732 = tpu.memref_slice %arg5[%dma_start3A_727, %select_n3A_385, %add3A_725, %dma_start3A_731] : memref<1x12x2048x2048xf32, #tpu.memory_space<hbm>> -> memref<1x1x1x2048xf32, #tpu.memory_space<hbm>>
      %dma_start3A_733 = tpu.memref_squeeze %dma_start3A_732 : memref<1x1x1x2048xf32, #tpu.memory_space<hbm>> -> memref<2048xf32, #tpu.memory_space<hbm>>
      %dma_start3A_734 = arith.constant 0 : i32
      %dma_start3A_735 = tpu.memref_slice %arg5[%dma_start3A_727, %select_n3A_385, %add3A_725, %dma_start3A_734] : memref<1x12x2048x2048xf32, #tpu.memory_space<hbm>> -> memref<1x1x1x2048xf32, #tpu.memory_space<hbm>>
      %dma_start3A_736 = tpu.memref_squeeze %dma_start3A_735 : memref<1x1x1x2048xf32, #tpu.memory_space<hbm>> -> memref<2048xf32, #tpu.memory_space<hbm>>
      %dma_start3A_737 = arith.constant 0 : i32
      %dma_start3A_738 = tpu.memref_slice %arg9[%dma_start3A_726, %squeeze3A_723, %dma_start3A_737] : memref<3x4x2048xf32, #tpu.memory_space<vmem>> -> memref<1x1x2048xf32, #tpu.memory_space<vmem>>
      %dma_start3A_739 = tpu.memref_squeeze %dma_start3A_738 : memref<1x1x2048xf32, #tpu.memory_space<vmem>> -> memref<2048xf32, #tpu.memory_space<vmem>>
      tpu.enqueue_dma source(%dma_start3A_739 : memref<2048xf32, #tpu.memory_space<vmem>>) target(%dma_start3A_736 : memref<2048xf32, #tpu.memory_space<hbm>>) target_semaphore(%arg10 : memref<!tpu.dma_semaphore, #tpu.memory_space<semaphore_mem>>)
      %slice3A_740 = vector.extract_strided_slice %get3A_541 {offsets = [11], sizes = [1], strides = [1]} : vector<16xi32> to vector<1xi32>
      %squeeze3A_741 = vector.extract %slice3A_740[0] : i32 from vector<1xi32>
      %add3A_742 = arith.constant 11 : i32
      %add3A_743 = arith.addi %add3A_534, %add3A_742 : i32
      %dma_start3A_744 = arith.constant 1 : i32
      %dma_start3A_745 = arith.constant 0 : i32
      %dma_start3A_746 = arith.constant 0 : i32
      %dma_start3A_747 = tpu.memref_slice %arg9[%dma_start3A_744, %squeeze3A_741, %dma_start3A_746] : memref<3x4x2048xf32, #tpu.memory_space<vmem>> -> memref<1x1x2048xf32, #tpu.memory_space<vmem>>
      %dma_start3A_748 = tpu.memref_squeeze %dma_start3A_747 : memref<1x1x2048xf32, #tpu.memory_space<vmem>> -> memref<2048xf32, #tpu.memory_space<vmem>>
      %dma_start3A_749 = arith.constant 0 : i32
      %dma_start3A_750 = tpu.memref_slice %arg5[%dma_start3A_745, %select_n3A_385, %add3A_743, %dma_start3A_749] : memref<1x12x2048x2048xf32, #tpu.memory_space<hbm>> -> memref<1x1x1x2048xf32, #tpu.memory_space<hbm>>
      %dma_start3A_751 = tpu.memref_squeeze %dma_start3A_750 : memref<1x1x1x2048xf32, #tpu.memory_space<hbm>> -> memref<2048xf32, #tpu.memory_space<hbm>>
      %dma_start3A_752 = arith.constant 0 : i32
      %dma_start3A_753 = tpu.memref_slice %arg5[%dma_start3A_745, %select_n3A_385, %add3A_743, %dma_start3A_752] : memref<1x12x2048x2048xf32, #tpu.memory_space<hbm>> -> memref<1x1x1x2048xf32, #tpu.memory_space<hbm>>
      %dma_start3A_754 = tpu.memref_squeeze %dma_start3A_753 : memref<1x1x1x2048xf32, #tpu.memory_space<hbm>> -> memref<2048xf32, #tpu.memory_space<hbm>>
      %dma_start3A_755 = arith.constant 0 : i32
      %dma_start3A_756 = tpu.memref_slice %arg9[%dma_start3A_744, %squeeze3A_741, %dma_start3A_755] : memref<3x4x2048xf32, #tpu.memory_space<vmem>> -> memref<1x1x2048xf32, #tpu.memory_space<vmem>>
      %dma_start3A_757 = tpu.memref_squeeze %dma_start3A_756 : memref<1x1x2048xf32, #tpu.memory_space<vmem>> -> memref<2048xf32, #tpu.memory_space<vmem>>
      tpu.enqueue_dma source(%dma_start3A_757 : memref<2048xf32, #tpu.memory_space<vmem>>) target(%dma_start3A_754 : memref<2048xf32, #tpu.memory_space<hbm>>) target_semaphore(%arg10 : memref<!tpu.dma_semaphore, #tpu.memory_space<semaphore_mem>>)
      %slice3A_758 = vector.extract_strided_slice %get3A_541 {offsets = [12], sizes = [1], strides = [1]} : vector<16xi32> to vector<1xi32>
      %squeeze3A_759 = vector.extract %slice3A_758[0] : i32 from vector<1xi32>
      %add3A_760 = arith.constant 12 : i32
      %add3A_761 = arith.addi %add3A_534, %add3A_760 : i32
      %dma_start3A_762 = arith.constant 1 : i32
      %dma_start3A_763 = arith.constant 0 : i32
      %dma_start3A_764 = arith.constant 0 : i32
      %dma_start3A_765 = tpu.memref_slice %arg9[%dma_start3A_762, %squeeze3A_759, %dma_start3A_764] : memref<3x4x2048xf32, #tpu.memory_space<vmem>> -> memref<1x1x2048xf32, #tpu.memory_space<vmem>>
      %dma_start3A_766 = tpu.memref_squeeze %dma_start3A_765 : memref<1x1x2048xf32, #tpu.memory_space<vmem>> -> memref<2048xf32, #tpu.memory_space<vmem>>
      %dma_start3A_767 = arith.constant 0 : i32
      %dma_start3A_768 = tpu.memref_slice %arg5[%dma_start3A_763, %select_n3A_385, %add3A_761, %dma_start3A_767] : memref<1x12x2048x2048xf32, #tpu.memory_space<hbm>> -> memref<1x1x1x2048xf32, #tpu.memory_space<hbm>>
      %dma_start3A_769 = tpu.memref_squeeze %dma_start3A_768 : memref<1x1x1x2048xf32, #tpu.memory_space<hbm>> -> memref<2048xf32, #tpu.memory_space<hbm>>
      %dma_start3A_770 = arith.constant 0 : i32
      %dma_start3A_771 = tpu.memref_slice %arg5[%dma_start3A_763, %select_n3A_385, %add3A_761, %dma_start3A_770] : memref<1x12x2048x2048xf32, #tpu.memory_space<hbm>> -> memref<1x1x1x2048xf32, #tpu.memory_space<hbm>>
      %dma_start3A_772 = tpu.memref_squeeze %dma_start3A_771 : memref<1x1x1x2048xf32, #tpu.memory_space<hbm>> -> memref<2048xf32, #tpu.memory_space<hbm>>
      %dma_start3A_773 = arith.constant 0 : i32
      %dma_start3A_774 = tpu.memref_slice %arg9[%dma_start3A_762, %squeeze3A_759, %dma_start3A_773] : memref<3x4x2048xf32, #tpu.memory_space<vmem>> -> memref<1x1x2048xf32, #tpu.memory_space<vmem>>
      %dma_start3A_775 = tpu.memref_squeeze %dma_start3A_774 : memref<1x1x2048xf32, #tpu.memory_space<vmem>> -> memref<2048xf32, #tpu.memory_space<vmem>>
      tpu.enqueue_dma source(%dma_start3A_775 : memref<2048xf32, #tpu.memory_space<vmem>>) target(%dma_start3A_772 : memref<2048xf32, #tpu.memory_space<hbm>>) target_semaphore(%arg10 : memref<!tpu.dma_semaphore, #tpu.memory_space<semaphore_mem>>)
      %slice3A_776 = vector.extract_strided_slice %get3A_541 {offsets = [13], sizes = [1], strides = [1]} : vector<16xi32> to vector<1xi32>
      %squeeze3A_777 = vector.extract %slice3A_776[0] : i32 from vector<1xi32>
      %add3A_778 = arith.constant 13 : i32
      %add3A_779 = arith.addi %add3A_534, %add3A_778 : i32
      %dma_start3A_780 = arith.constant 1 : i32
      %dma_start3A_781 = arith.constant 0 : i32
      %dma_start3A_782 = arith.constant 0 : i32
      %dma_start3A_783 = tpu.memref_slice %arg9[%dma_start3A_780, %squeeze3A_777, %dma_start3A_782] : memref<3x4x2048xf32, #tpu.memory_space<vmem>> -> memref<1x1x2048xf32, #tpu.memory_space<vmem>>
      %dma_start3A_784 = tpu.memref_squeeze %dma_start3A_783 : memref<1x1x2048xf32, #tpu.memory_space<vmem>> -> memref<2048xf32, #tpu.memory_space<vmem>>
      %dma_start3A_785 = arith.constant 0 : i32
      %dma_start3A_786 = tpu.memref_slice %arg5[%dma_start3A_781, %select_n3A_385, %add3A_779, %dma_start3A_785] : memref<1x12x2048x2048xf32, #tpu.memory_space<hbm>> -> memref<1x1x1x2048xf32, #tpu.memory_space<hbm>>
      %dma_start3A_787 = tpu.memref_squeeze %dma_start3A_786 : memref<1x1x1x2048xf32, #tpu.memory_space<hbm>> -> memref<2048xf32, #tpu.memory_space<hbm>>
      %dma_start3A_788 = arith.constant 0 : i32
      %dma_start3A_789 = tpu.memref_slice %arg5[%dma_start3A_781, %select_n3A_385, %add3A_779, %dma_start3A_788] : memref<1x12x2048x2048xf32, #tpu.memory_space<hbm>> -> memref<1x1x1x2048xf32, #tpu.memory_space<hbm>>
      %dma_start3A_790 = tpu.memref_squeeze %dma_start3A_789 : memref<1x1x1x2048xf32, #tpu.memory_space<hbm>> -> memref<2048xf32, #tpu.memory_space<hbm>>
      %dma_start3A_791 = arith.constant 0 : i32
      %dma_start3A_792 = tpu.memref_slice %arg9[%dma_start3A_780, %squeeze3A_777, %dma_start3A_791] : memref<3x4x2048xf32, #tpu.memory_space<vmem>> -> memref<1x1x2048xf32, #tpu.memory_space<vmem>>
      %dma_start3A_793 = tpu.memref_squeeze %dma_start3A_792 : memref<1x1x2048xf32, #tpu.memory_space<vmem>> -> memref<2048xf32, #tpu.memory_space<vmem>>
      tpu.enqueue_dma source(%dma_start3A_793 : memref<2048xf32, #tpu.memory_space<vmem>>) target(%dma_start3A_790 : memref<2048xf32, #tpu.memory_space<hbm>>) target_semaphore(%arg10 : memref<!tpu.dma_semaphore, #tpu.memory_space<semaphore_mem>>)
      %slice3A_794 = vector.extract_strided_slice %get3A_541 {offsets = [14], sizes = [1], strides = [1]} : vector<16xi32> to vector<1xi32>
      %squeeze3A_795 = vector.extract %slice3A_794[0] : i32 from vector<1xi32>
      %add3A_796 = arith.constant 14 : i32
      %add3A_797 = arith.addi %add3A_534, %add3A_796 : i32
      %dma_start3A_798 = arith.constant 1 : i32
      %dma_start3A_799 = arith.constant 0 : i32
      %dma_start3A_800 = arith.constant 0 : i32
      %dma_start3A_801 = tpu.memref_slice %arg9[%dma_start3A_798, %squeeze3A_795, %dma_start3A_800] : memref<3x4x2048xf32, #tpu.memory_space<vmem>> -> memref<1x1x2048xf32, #tpu.memory_space<vmem>>
      %dma_start3A_802 = tpu.memref_squeeze %dma_start3A_801 : memref<1x1x2048xf32, #tpu.memory_space<vmem>> -> memref<2048xf32, #tpu.memory_space<vmem>>
      %dma_start3A_803 = arith.constant 0 : i32
      %dma_start3A_804 = tpu.memref_slice %arg5[%dma_start3A_799, %select_n3A_385, %add3A_797, %dma_start3A_803] : memref<1x12x2048x2048xf32, #tpu.memory_space<hbm>> -> memref<1x1x1x2048xf32, #tpu.memory_space<hbm>>
      %dma_start3A_805 = tpu.memref_squeeze %dma_start3A_804 : memref<1x1x1x2048xf32, #tpu.memory_space<hbm>> -> memref<2048xf32, #tpu.memory_space<hbm>>
      %dma_start3A_806 = arith.constant 0 : i32
      %dma_start3A_807 = tpu.memref_slice %arg5[%dma_start3A_799, %select_n3A_385, %add3A_797, %dma_start3A_806] : memref<1x12x2048x2048xf32, #tpu.memory_space<hbm>> -> memref<1x1x1x2048xf32, #tpu.memory_space<hbm>>
      %dma_start3A_808 = tpu.memref_squeeze %dma_start3A_807 : memref<1x1x1x2048xf32, #tpu.memory_space<hbm>> -> memref<2048xf32, #tpu.memory_space<hbm>>
      %dma_start3A_809 = arith.constant 0 : i32
      %dma_start3A_810 = tpu.memref_slice %arg9[%dma_start3A_798, %squeeze3A_795, %dma_start3A_809] : memref<3x4x2048xf32, #tpu.memory_space<vmem>> -> memref<1x1x2048xf32, #tpu.memory_space<vmem>>
      %dma_start3A_811 = tpu.memref_squeeze %dma_start3A_810 : memref<1x1x2048xf32, #tpu.memory_space<vmem>> -> memref<2048xf32, #tpu.memory_space<vmem>>
      tpu.enqueue_dma source(%dma_start3A_811 : memref<2048xf32, #tpu.memory_space<vmem>>) target(%dma_start3A_808 : memref<2048xf32, #tpu.memory_space<hbm>>) target_semaphore(%arg10 : memref<!tpu.dma_semaphore, #tpu.memory_space<semaphore_mem>>)
      %slice3A_812 = vector.extract_strided_slice %get3A_541 {offsets = [15], sizes = [1], strides = [1]} : vector<16xi32> to vector<1xi32>
      %squeeze3A_813 = vector.extract %slice3A_812[0] : i32 from vector<1xi32>
      %add3A_814 = arith.constant 15 : i32
      %add3A_815 = arith.addi %add3A_534, %add3A_814 : i32
      %dma_start3A_816 = arith.constant 1 : i32
      %dma_start3A_817 = arith.constant 0 : i32
      %dma_start3A_818 = arith.constant 0 : i32
      %dma_start3A_819 = tpu.memref_slice %arg9[%dma_start3A_816, %squeeze3A_813, %dma_start3A_818] : memref<3x4x2048xf32, #tpu.memory_space<vmem>> -> memref<1x1x2048xf32, #tpu.memory_space<vmem>>
      %dma_start3A_820 = tpu.memref_squeeze %dma_start3A_819 : memref<1x1x2048xf32, #tpu.memory_space<vmem>> -> memref<2048xf32, #tpu.memory_space<vmem>>
      %dma_start3A_821 = arith.constant 0 : i32
      %dma_start3A_822 = tpu.memref_slice %arg5[%dma_start3A_817, %select_n3A_385, %add3A_815, %dma_start3A_821] : memref<1x12x2048x2048xf32, #tpu.memory_space<hbm>> -> memref<1x1x1x2048xf32, #tpu.memory_space<hbm>>
      %dma_start3A_823 = tpu.memref_squeeze %dma_start3A_822 : memref<1x1x1x2048xf32, #tpu.memory_space<hbm>> -> memref<2048xf32, #tpu.memory_space<hbm>>
      %dma_start3A_824 = arith.constant 0 : i32
      %dma_start3A_825 = tpu.memref_slice %arg5[%dma_start3A_817, %select_n3A_385, %add3A_815, %dma_start3A_824] : memref<1x12x2048x2048xf32, #tpu.memory_space<hbm>> -> memref<1x1x1x2048xf32, #tpu.memory_space<hbm>>
      %dma_start3A_826 = tpu.memref_squeeze %dma_start3A_825 : memref<1x1x1x2048xf32, #tpu.memory_space<hbm>> -> memref<2048xf32, #tpu.memory_space<hbm>>
      %dma_start3A_827 = arith.constant 0 : i32
      %dma_start3A_828 = tpu.memref_slice %arg9[%dma_start3A_816, %squeeze3A_813, %dma_start3A_827] : memref<3x4x2048xf32, #tpu.memory_space<vmem>> -> memref<1x1x2048xf32, #tpu.memory_space<vmem>>
      %dma_start3A_829 = tpu.memref_squeeze %dma_start3A_828 : memref<1x1x2048xf32, #tpu.memory_space<vmem>> -> memref<2048xf32, #tpu.memory_space<vmem>>
      tpu.enqueue_dma source(%dma_start3A_829 : memref<2048xf32, #tpu.memory_space<vmem>>) target(%dma_start3A_826 : memref<2048xf32, #tpu.memory_space<hbm>>) target_semaphore(%arg10 : memref<!tpu.dma_semaphore, #tpu.memory_space<semaphore_mem>>)
      %ge3A = arith.constant 3 : i32
      %ge3A_830 = arith.cmpi sge, %scan3A_528, %ge3A : i32
      %convert_element_type3A = arith.extui %ge3A_830 : i1 to i32
      %cond3A = arith.constant 0 : i32
      %cond3A_831 = arith.cmpi ne, %convert_element_type3A, %cond3A : i32
      scf.if %cond3A_831 {
        %dma_wait3A_833 = arith.constant 0 : i32
        %dma_wait3A_834 = arith.constant 0 : i32
        %dma_wait3A_835 = arith.constant 0 : i32
        %dma_wait3A_836 = arith.constant 0 : i32
        %dma_wait3A_837 = arith.constant 0 : i32
        %dma_wait3A_838 = arith.constant 0 : i32
        %dma_wait3A_839 = tpu.memref_slice %arg9[%dma_wait3A_833, %dma_wait3A_834, %dma_wait3A_838] : memref<3x4x2048xf32, #tpu.memory_space<vmem>> -> memref<1x1x2048xf32, #tpu.memory_space<vmem>>
        %dma_wait3A_840 = tpu.memref_squeeze %dma_wait3A_839 : memref<1x1x2048xf32, #tpu.memory_space<vmem>> -> memref<2048xf32, #tpu.memory_space<vmem>>
        %dma_wait3A_841 = arith.constant 0 : i32
        %dma_wait3A_842 = tpu.memref_slice %arg5[%dma_wait3A_835, %dma_wait3A_836, %dma_wait3A_837, %dma_wait3A_841] : memref<1x12x2048x2048xf32, #tpu.memory_space<hbm>> -> memref<1x1x1x2048xf32, #tpu.memory_space<hbm>>
        %dma_wait3A_843 = tpu.memref_squeeze %dma_wait3A_842 : memref<1x1x1x2048xf32, #tpu.memory_space<hbm>> -> memref<2048xf32, #tpu.memory_space<hbm>>
        %dma_wait3A_844 = arith.constant 0 : i32
        %dma_wait3A_845 = tpu.memref_slice %arg5[%dma_wait3A_835, %dma_wait3A_836, %dma_wait3A_837, %dma_wait3A_844] : memref<1x12x2048x2048xf32, #tpu.memory_space<hbm>> -> memref<1x1x1x2048xf32, #tpu.memory_space<hbm>>
        %dma_wait3A_846 = tpu.memref_squeeze %dma_wait3A_845 : memref<1x1x1x2048xf32, #tpu.memory_space<hbm>> -> memref<2048xf32, #tpu.memory_space<hbm>>
        %dma_wait3A_847 = arith.constant 0 : i32
        %dma_wait3A_848 = tpu.memref_slice %arg9[%dma_wait3A_833, %dma_wait3A_834, %dma_wait3A_847] : memref<3x4x2048xf32, #tpu.memory_space<vmem>> -> memref<1x1x2048xf32, #tpu.memory_space<vmem>>
        %dma_wait3A_849 = tpu.memref_squeeze %dma_wait3A_848 : memref<1x1x2048xf32, #tpu.memory_space<vmem>> -> memref<2048xf32, #tpu.memory_space<vmem>>
        tpu.wait_dma2 semaphore(%arg10 : memref<!tpu.dma_semaphore, #tpu.memory_space<semaphore_mem>>) src(%dma_wait3A_849 : memref<2048xf32, #tpu.memory_space<vmem>>) dst(%dma_wait3A_846 : memref<2048xf32, #tpu.memory_space<hbm>>)
        %dma_wait3A_850 = arith.constant 0 : i32
        %dma_wait3A_851 = arith.constant 0 : i32
        %dma_wait3A_852 = arith.constant 0 : i32
        %dma_wait3A_853 = arith.constant 0 : i32
        %dma_wait3A_854 = arith.constant 0 : i32
        %dma_wait3A_855 = arith.constant 0 : i32
        %dma_wait3A_856 = tpu.memref_slice %arg9[%dma_wait3A_850, %dma_wait3A_851, %dma_wait3A_855] : memref<3x4x2048xf32, #tpu.memory_space<vmem>> -> memref<1x1x2048xf32, #tpu.memory_space<vmem>>
        %dma_wait3A_857 = tpu.memref_squeeze %dma_wait3A_856 : memref<1x1x2048xf32, #tpu.memory_space<vmem>> -> memref<2048xf32, #tpu.memory_space<vmem>>
        %dma_wait3A_858 = arith.constant 0 : i32
        %dma_wait3A_859 = tpu.memref_slice %arg5[%dma_wait3A_852, %dma_wait3A_853, %dma_wait3A_854, %dma_wait3A_858] : memref<1x12x2048x2048xf32, #tpu.memory_space<hbm>> -> memref<1x1x1x2048xf32, #tpu.memory_space<hbm>>
        %dma_wait3A_860 = tpu.memref_squeeze %dma_wait3A_859 : memref<1x1x1x2048xf32, #tpu.memory_space<hbm>> -> memref<2048xf32, #tpu.memory_space<hbm>>
        %dma_wait3A_861 = arith.constant 0 : i32
        %dma_wait3A_862 = tpu.memref_slice %arg5[%dma_wait3A_852, %dma_wait3A_853, %dma_wait3A_854, %dma_wait3A_861] : memref<1x12x2048x2048xf32, #tpu.memory_space<hbm>> -> memref<1x1x1x2048xf32, #tpu.memory_space<hbm>>
        %dma_wait3A_863 = tpu.memref_squeeze %dma_wait3A_862 : memref<1x1x1x2048xf32, #tpu.memory_space<hbm>> -> memref<2048xf32, #tpu.memory_space<hbm>>
        %dma_wait3A_864 = arith.constant 0 : i32
        %dma_wait3A_865 = tpu.memref_slice %arg9[%dma_wait3A_850, %dma_wait3A_851, %dma_wait3A_864] : memref<3x4x2048xf32, #tpu.memory_space<vmem>> -> memref<1x1x2048xf32, #tpu.memory_space<vmem>>
        %dma_wait3A_866 = tpu.memref_squeeze %dma_wait3A_865 : memref<1x1x2048xf32, #tpu.memory_space<vmem>> -> memref<2048xf32, #tpu.memory_space<vmem>>
        tpu.wait_dma2 semaphore(%arg10 : memref<!tpu.dma_semaphore, #tpu.memory_space<semaphore_mem>>) src(%dma_wait3A_866 : memref<2048xf32, #tpu.memory_space<vmem>>) dst(%dma_wait3A_863 : memref<2048xf32, #tpu.memory_space<hbm>>)
        %dma_wait3A_867 = arith.constant 0 : i32
        %dma_wait3A_868 = arith.constant 0 : i32
        %dma_wait3A_869 = arith.constant 0 : i32
        %dma_wait3A_870 = arith.constant 0 : i32
        %dma_wait3A_871 = arith.constant 0 : i32
        %dma_wait3A_872 = arith.constant 0 : i32
        %dma_wait3A_873 = tpu.memref_slice %arg9[%dma_wait3A_867, %dma_wait3A_868, %dma_wait3A_872] : memref<3x4x2048xf32, #tpu.memory_space<vmem>> -> memref<1x1x2048xf32, #tpu.memory_space<vmem>>
        %dma_wait3A_874 = tpu.memref_squeeze %dma_wait3A_873 : memref<1x1x2048xf32, #tpu.memory_space<vmem>> -> memref<2048xf32, #tpu.memory_space<vmem>>
        %dma_wait3A_875 = arith.constant 0 : i32
        %dma_wait3A_876 = tpu.memref_slice %arg5[%dma_wait3A_869, %dma_wait3A_870, %dma_wait3A_871, %dma_wait3A_875] : memref<1x12x2048x2048xf32, #tpu.memory_space<hbm>> -> memref<1x1x1x2048xf32, #tpu.memory_space<hbm>>
        %dma_wait3A_877 = tpu.memref_squeeze %dma_wait3A_876 : memref<1x1x1x2048xf32, #tpu.memory_space<hbm>> -> memref<2048xf32, #tpu.memory_space<hbm>>
        %dma_wait3A_878 = arith.constant 0 : i32
        %dma_wait3A_879 = tpu.memref_slice %arg5[%dma_wait3A_869, %dma_wait3A_870, %dma_wait3A_871, %dma_wait3A_878] : memref<1x12x2048x2048xf32, #tpu.memory_space<hbm>> -> memref<1x1x1x2048xf32, #tpu.memory_space<hbm>>
        %dma_wait3A_880 = tpu.memref_squeeze %dma_wait3A_879 : memref<1x1x1x2048xf32, #tpu.memory_space<hbm>> -> memref<2048xf32, #tpu.memory_space<hbm>>
        %dma_wait3A_881 = arith.constant 0 : i32
        %dma_wait3A_882 = tpu.memref_slice %arg9[%dma_wait3A_867, %dma_wait3A_868, %dma_wait3A_881] : memref<3x4x2048xf32, #tpu.memory_space<vmem>> -> memref<1x1x2048xf32, #tpu.memory_space<vmem>>
        %dma_wait3A_883 = tpu.memref_squeeze %dma_wait3A_882 : memref<1x1x2048xf32, #tpu.memory_space<vmem>> -> memref<2048xf32, #tpu.memory_space<vmem>>
        tpu.wait_dma2 semaphore(%arg10 : memref<!tpu.dma_semaphore, #tpu.memory_space<semaphore_mem>>) src(%dma_wait3A_883 : memref<2048xf32, #tpu.memory_space<vmem>>) dst(%dma_wait3A_880 : memref<2048xf32, #tpu.memory_space<hbm>>)
        %dma_wait3A_884 = arith.constant 0 : i32
        %dma_wait3A_885 = arith.constant 0 : i32
        %dma_wait3A_886 = arith.constant 0 : i32
        %dma_wait3A_887 = arith.constant 0 : i32
        %dma_wait3A_888 = arith.constant 0 : i32
        %dma_wait3A_889 = arith.constant 0 : i32
        %dma_wait3A_890 = tpu.memref_slice %arg9[%dma_wait3A_884, %dma_wait3A_885, %dma_wait3A_889] : memref<3x4x2048xf32, #tpu.memory_space<vmem>> -> memref<1x1x2048xf32, #tpu.memory_space<vmem>>
        %dma_wait3A_891 = tpu.memref_squeeze %dma_wait3A_890 : memref<1x1x2048xf32, #tpu.memory_space<vmem>> -> memref<2048xf32, #tpu.memory_space<vmem>>
        %dma_wait3A_892 = arith.constant 0 : i32
        %dma_wait3A_893 = tpu.memref_slice %arg5[%dma_wait3A_886, %dma_wait3A_887, %dma_wait3A_888, %dma_wait3A_892] : memref<1x12x2048x2048xf32, #tpu.memory_space<hbm>> -> memref<1x1x1x2048xf32, #tpu.memory_space<hbm>>
        %dma_wait3A_894 = tpu.memref_squeeze %dma_wait3A_893 : memref<1x1x1x2048xf32, #tpu.memory_space<hbm>> -> memref<2048xf32, #tpu.memory_space<hbm>>
        %dma_wait3A_895 = arith.constant 0 : i32
        %dma_wait3A_896 = tpu.memref_slice %arg5[%dma_wait3A_886, %dma_wait3A_887, %dma_wait3A_888, %dma_wait3A_895] : memref<1x12x2048x2048xf32, #tpu.memory_space<hbm>> -> memref<1x1x1x2048xf32, #tpu.memory_space<hbm>>
        %dma_wait3A_897 = tpu.memref_squeeze %dma_wait3A_896 : memref<1x1x1x2048xf32, #tpu.memory_space<hbm>> -> memref<2048xf32, #tpu.memory_space<hbm>>
        %dma_wait3A_898 = arith.constant 0 : i32
        %dma_wait3A_899 = tpu.memref_slice %arg9[%dma_wait3A_884, %dma_wait3A_885, %dma_wait3A_898] : memref<3x4x2048xf32, #tpu.memory_space<vmem>> -> memref<1x1x2048xf32, #tpu.memory_space<vmem>>
        %dma_wait3A_900 = tpu.memref_squeeze %dma_wait3A_899 : memref<1x1x2048xf32, #tpu.memory_space<vmem>> -> memref<2048xf32, #tpu.memory_space<vmem>>
        tpu.wait_dma2 semaphore(%arg10 : memref<!tpu.dma_semaphore, #tpu.memory_space<semaphore_mem>>) src(%dma_wait3A_900 : memref<2048xf32, #tpu.memory_space<vmem>>) dst(%dma_wait3A_897 : memref<2048xf32, #tpu.memory_space<hbm>>)
        %dma_wait3A_901 = arith.constant 0 : i32
        %dma_wait3A_902 = arith.constant 0 : i32
        %dma_wait3A_903 = arith.constant 0 : i32
        %dma_wait3A_904 = arith.constant 0 : i32
        %dma_wait3A_905 = arith.constant 0 : i32
        %dma_wait3A_906 = arith.constant 0 : i32
        %dma_wait3A_907 = tpu.memref_slice %arg9[%dma_wait3A_901, %dma_wait3A_902, %dma_wait3A_906] : memref<3x4x2048xf32, #tpu.memory_space<vmem>> -> memref<1x1x2048xf32, #tpu.memory_space<vmem>>
        %dma_wait3A_908 = tpu.memref_squeeze %dma_wait3A_907 : memref<1x1x2048xf32, #tpu.memory_space<vmem>> -> memref<2048xf32, #tpu.memory_space<vmem>>
        %dma_wait3A_909 = arith.constant 0 : i32
        %dma_wait3A_910 = tpu.memref_slice %arg5[%dma_wait3A_903, %dma_wait3A_904, %dma_wait3A_905, %dma_wait3A_909] : memref<1x12x2048x2048xf32, #tpu.memory_space<hbm>> -> memref<1x1x1x2048xf32, #tpu.memory_space<hbm>>
        %dma_wait3A_911 = tpu.memref_squeeze %dma_wait3A_910 : memref<1x1x1x2048xf32, #tpu.memory_space<hbm>> -> memref<2048xf32, #tpu.memory_space<hbm>>
        %dma_wait3A_912 = arith.constant 0 : i32
        %dma_wait3A_913 = tpu.memref_slice %arg5[%dma_wait3A_903, %dma_wait3A_904, %dma_wait3A_905, %dma_wait3A_912] : memref<1x12x2048x2048xf32, #tpu.memory_space<hbm>> -> memref<1x1x1x2048xf32, #tpu.memory_space<hbm>>
        %dma_wait3A_914 = tpu.memref_squeeze %dma_wait3A_913 : memref<1x1x1x2048xf32, #tpu.memory_space<hbm>> -> memref<2048xf32, #tpu.memory_space<hbm>>
        %dma_wait3A_915 = arith.constant 0 : i32
        %dma_wait3A_916 = tpu.memref_slice %arg9[%dma_wait3A_901, %dma_wait3A_902, %dma_wait3A_915] : memref<3x4x2048xf32, #tpu.memory_space<vmem>> -> memref<1x1x2048xf32, #tpu.memory_space<vmem>>
        %dma_wait3A_917 = tpu.memref_squeeze %dma_wait3A_916 : memref<1x1x2048xf32, #tpu.memory_space<vmem>> -> memref<2048xf32, #tpu.memory_space<vmem>>
        tpu.wait_dma2 semaphore(%arg10 : memref<!tpu.dma_semaphore, #tpu.memory_space<semaphore_mem>>) src(%dma_wait3A_917 : memref<2048xf32, #tpu.memory_space<vmem>>) dst(%dma_wait3A_914 : memref<2048xf32, #tpu.memory_space<hbm>>)
        %dma_wait3A_918 = arith.constant 0 : i32
        %dma_wait3A_919 = arith.constant 0 : i32
        %dma_wait3A_920 = arith.constant 0 : i32
        %dma_wait3A_921 = arith.constant 0 : i32
        %dma_wait3A_922 = arith.constant 0 : i32
        %dma_wait3A_923 = arith.constant 0 : i32
        %dma_wait3A_924 = tpu.memref_slice %arg9[%dma_wait3A_918, %dma_wait3A_919, %dma_wait3A_923] : memref<3x4x2048xf32, #tpu.memory_space<vmem>> -> memref<1x1x2048xf32, #tpu.memory_space<vmem>>
        %dma_wait3A_925 = tpu.memref_squeeze %dma_wait3A_924 : memref<1x1x2048xf32, #tpu.memory_space<vmem>> -> memref<2048xf32, #tpu.memory_space<vmem>>
        %dma_wait3A_926 = arith.constant 0 : i32
        %dma_wait3A_927 = tpu.memref_slice %arg5[%dma_wait3A_920, %dma_wait3A_921, %dma_wait3A_922, %dma_wait3A_926] : memref<1x12x2048x2048xf32, #tpu.memory_space<hbm>> -> memref<1x1x1x2048xf32, #tpu.memory_space<hbm>>
        %dma_wait3A_928 = tpu.memref_squeeze %dma_wait3A_927 : memref<1x1x1x2048xf32, #tpu.memory_space<hbm>> -> memref<2048xf32, #tpu.memory_space<hbm>>
        %dma_wait3A_929 = arith.constant 0 : i32
        %dma_wait3A_930 = tpu.memref_slice %arg5[%dma_wait3A_920, %dma_wait3A_921, %dma_wait3A_922, %dma_wait3A_929] : memref<1x12x2048x2048xf32, #tpu.memory_space<hbm>> -> memref<1x1x1x2048xf32, #tpu.memory_space<hbm>>
        %dma_wait3A_931 = tpu.memref_squeeze %dma_wait3A_930 : memref<1x1x1x2048xf32, #tpu.memory_space<hbm>> -> memref<2048xf32, #tpu.memory_space<hbm>>
        %dma_wait3A_932 = arith.constant 0 : i32
        %dma_wait3A_933 = tpu.memref_slice %arg9[%dma_wait3A_918, %dma_wait3A_919, %dma_wait3A_932] : memref<3x4x2048xf32, #tpu.memory_space<vmem>> -> memref<1x1x2048xf32, #tpu.memory_space<vmem>>
        %dma_wait3A_934 = tpu.memref_squeeze %dma_wait3A_933 : memref<1x1x2048xf32, #tpu.memory_space<vmem>> -> memref<2048xf32, #tpu.memory_space<vmem>>
        tpu.wait_dma2 semaphore(%arg10 : memref<!tpu.dma_semaphore, #tpu.memory_space<semaphore_mem>>) src(%dma_wait3A_934 : memref<2048xf32, #tpu.memory_space<vmem>>) dst(%dma_wait3A_931 : memref<2048xf32, #tpu.memory_space<hbm>>)
        %dma_wait3A_935 = arith.constant 0 : i32
        %dma_wait3A_936 = arith.constant 0 : i32
        %dma_wait3A_937 = arith.constant 0 : i32
        %dma_wait3A_938 = arith.constant 0 : i32
        %dma_wait3A_939 = arith.constant 0 : i32
        %dma_wait3A_940 = arith.constant 0 : i32
        %dma_wait3A_941 = tpu.memref_slice %arg9[%dma_wait3A_935, %dma_wait3A_936, %dma_wait3A_940] : memref<3x4x2048xf32, #tpu.memory_space<vmem>> -> memref<1x1x2048xf32, #tpu.memory_space<vmem>>
        %dma_wait3A_942 = tpu.memref_squeeze %dma_wait3A_941 : memref<1x1x2048xf32, #tpu.memory_space<vmem>> -> memref<2048xf32, #tpu.memory_space<vmem>>
        %dma_wait3A_943 = arith.constant 0 : i32
        %dma_wait3A_944 = tpu.memref_slice %arg5[%dma_wait3A_937, %dma_wait3A_938, %dma_wait3A_939, %dma_wait3A_943] : memref<1x12x2048x2048xf32, #tpu.memory_space<hbm>> -> memref<1x1x1x2048xf32, #tpu.memory_space<hbm>>
        %dma_wait3A_945 = tpu.memref_squeeze %dma_wait3A_944 : memref<1x1x1x2048xf32, #tpu.memory_space<hbm>> -> memref<2048xf32, #tpu.memory_space<hbm>>
        %dma_wait3A_946 = arith.constant 0 : i32
        %dma_wait3A_947 = tpu.memref_slice %arg5[%dma_wait3A_937, %dma_wait3A_938, %dma_wait3A_939, %dma_wait3A_946] : memref<1x12x2048x2048xf32, #tpu.memory_space<hbm>> -> memref<1x1x1x2048xf32, #tpu.memory_space<hbm>>
        %dma_wait3A_948 = tpu.memref_squeeze %dma_wait3A_947 : memref<1x1x1x2048xf32, #tpu.memory_space<hbm>> -> memref<2048xf32, #tpu.memory_space<hbm>>
        %dma_wait3A_949 = arith.constant 0 : i32
        %dma_wait3A_950 = tpu.memref_slice %arg9[%dma_wait3A_935, %dma_wait3A_936, %dma_wait3A_949] : memref<3x4x2048xf32, #tpu.memory_space<vmem>> -> memref<1x1x2048xf32, #tpu.memory_space<vmem>>
        %dma_wait3A_951 = tpu.memref_squeeze %dma_wait3A_950 : memref<1x1x2048xf32, #tpu.memory_space<vmem>> -> memref<2048xf32, #tpu.memory_space<vmem>>
        tpu.wait_dma2 semaphore(%arg10 : memref<!tpu.dma_semaphore, #tpu.memory_space<semaphore_mem>>) src(%dma_wait3A_951 : memref<2048xf32, #tpu.memory_space<vmem>>) dst(%dma_wait3A_948 : memref<2048xf32, #tpu.memory_space<hbm>>)
        %dma_wait3A_952 = arith.constant 0 : i32
        %dma_wait3A_953 = arith.constant 0 : i32
        %dma_wait3A_954 = arith.constant 0 : i32
        %dma_wait3A_955 = arith.constant 0 : i32
        %dma_wait3A_956 = arith.constant 0 : i32
        %dma_wait3A_957 = arith.constant 0 : i32
        %dma_wait3A_958 = tpu.memref_slice %arg9[%dma_wait3A_952, %dma_wait3A_953, %dma_wait3A_957] : memref<3x4x2048xf32, #tpu.memory_space<vmem>> -> memref<1x1x2048xf32, #tpu.memory_space<vmem>>
        %dma_wait3A_959 = tpu.memref_squeeze %dma_wait3A_958 : memref<1x1x2048xf32, #tpu.memory_space<vmem>> -> memref<2048xf32, #tpu.memory_space<vmem>>
        %dma_wait3A_960 = arith.constant 0 : i32
        %dma_wait3A_961 = tpu.memref_slice %arg5[%dma_wait3A_954, %dma_wait3A_955, %dma_wait3A_956, %dma_wait3A_960] : memref<1x12x2048x2048xf32, #tpu.memory_space<hbm>> -> memref<1x1x1x2048xf32, #tpu.memory_space<hbm>>
        %dma_wait3A_962 = tpu.memref_squeeze %dma_wait3A_961 : memref<1x1x1x2048xf32, #tpu.memory_space<hbm>> -> memref<2048xf32, #tpu.memory_space<hbm>>
        %dma_wait3A_963 = arith.constant 0 : i32
        %dma_wait3A_964 = tpu.memref_slice %arg5[%dma_wait3A_954, %dma_wait3A_955, %dma_wait3A_956, %dma_wait3A_963] : memref<1x12x2048x2048xf32, #tpu.memory_space<hbm>> -> memref<1x1x1x2048xf32, #tpu.memory_space<hbm>>
        %dma_wait3A_965 = tpu.memref_squeeze %dma_wait3A_964 : memref<1x1x1x2048xf32, #tpu.memory_space<hbm>> -> memref<2048xf32, #tpu.memory_space<hbm>>
        %dma_wait3A_966 = arith.constant 0 : i32
        %dma_wait3A_967 = tpu.memref_slice %arg9[%dma_wait3A_952, %dma_wait3A_953, %dma_wait3A_966] : memref<3x4x2048xf32, #tpu.memory_space<vmem>> -> memref<1x1x2048xf32, #tpu.memory_space<vmem>>
        %dma_wait3A_968 = tpu.memref_squeeze %dma_wait3A_967 : memref<1x1x2048xf32, #tpu.memory_space<vmem>> -> memref<2048xf32, #tpu.memory_space<vmem>>
        tpu.wait_dma2 semaphore(%arg10 : memref<!tpu.dma_semaphore, #tpu.memory_space<semaphore_mem>>) src(%dma_wait3A_968 : memref<2048xf32, #tpu.memory_space<vmem>>) dst(%dma_wait3A_965 : memref<2048xf32, #tpu.memory_space<hbm>>)
        %dma_wait3A_969 = arith.constant 0 : i32
        %dma_wait3A_970 = arith.constant 0 : i32
        %dma_wait3A_971 = arith.constant 0 : i32
        %dma_wait3A_972 = arith.constant 0 : i32
        %dma_wait3A_973 = arith.constant 0 : i32
        %dma_wait3A_974 = arith.constant 0 : i32
        %dma_wait3A_975 = tpu.memref_slice %arg9[%dma_wait3A_969, %dma_wait3A_970, %dma_wait3A_974] : memref<3x4x2048xf32, #tpu.memory_space<vmem>> -> memref<1x1x2048xf32, #tpu.memory_space<vmem>>
        %dma_wait3A_976 = tpu.memref_squeeze %dma_wait3A_975 : memref<1x1x2048xf32, #tpu.memory_space<vmem>> -> memref<2048xf32, #tpu.memory_space<vmem>>
        %dma_wait3A_977 = arith.constant 0 : i32
        %dma_wait3A_978 = tpu.memref_slice %arg5[%dma_wait3A_971, %dma_wait3A_972, %dma_wait3A_973, %dma_wait3A_977] : memref<1x12x2048x2048xf32, #tpu.memory_space<hbm>> -> memref<1x1x1x2048xf32, #tpu.memory_space<hbm>>
        %dma_wait3A_979 = tpu.memref_squeeze %dma_wait3A_978 : memref<1x1x1x2048xf32, #tpu.memory_space<hbm>> -> memref<2048xf32, #tpu.memory_space<hbm>>
        %dma_wait3A_980 = arith.constant 0 : i32
        %dma_wait3A_981 = tpu.memref_slice %arg5[%dma_wait3A_971, %dma_wait3A_972, %dma_wait3A_973, %dma_wait3A_980] : memref<1x12x2048x2048xf32, #tpu.memory_space<hbm>> -> memref<1x1x1x2048xf32, #tpu.memory_space<hbm>>
        %dma_wait3A_982 = tpu.memref_squeeze %dma_wait3A_981 : memref<1x1x1x2048xf32, #tpu.memory_space<hbm>> -> memref<2048xf32, #tpu.memory_space<hbm>>
        %dma_wait3A_983 = arith.constant 0 : i32
        %dma_wait3A_984 = tpu.memref_slice %arg9[%dma_wait3A_969, %dma_wait3A_970, %dma_wait3A_983] : memref<3x4x2048xf32, #tpu.memory_space<vmem>> -> memref<1x1x2048xf32, #tpu.memory_space<vmem>>
        %dma_wait3A_985 = tpu.memref_squeeze %dma_wait3A_984 : memref<1x1x2048xf32, #tpu.memory_space<vmem>> -> memref<2048xf32, #tpu.memory_space<vmem>>
        tpu.wait_dma2 semaphore(%arg10 : memref<!tpu.dma_semaphore, #tpu.memory_space<semaphore_mem>>) src(%dma_wait3A_985 : memref<2048xf32, #tpu.memory_space<vmem>>) dst(%dma_wait3A_982 : memref<2048xf32, #tpu.memory_space<hbm>>)
        %dma_wait3A_986 = arith.constant 0 : i32
        %dma_wait3A_987 = arith.constant 0 : i32
        %dma_wait3A_988 = arith.constant 0 : i32
        %dma_wait3A_989 = arith.constant 0 : i32
        %dma_wait3A_990 = arith.constant 0 : i32
        %dma_wait3A_991 = arith.constant 0 : i32
        %dma_wait3A_992 = tpu.memref_slice %arg9[%dma_wait3A_986, %dma_wait3A_987, %dma_wait3A_991] : memref<3x4x2048xf32, #tpu.memory_space<vmem>> -> memref<1x1x2048xf32, #tpu.memory_space<vmem>>
        %dma_wait3A_993 = tpu.memref_squeeze %dma_wait3A_992 : memref<1x1x2048xf32, #tpu.memory_space<vmem>> -> memref<2048xf32, #tpu.memory_space<vmem>>
        %dma_wait3A_994 = arith.constant 0 : i32
        %dma_wait3A_995 = tpu.memref_slice %arg5[%dma_wait3A_988, %dma_wait3A_989, %dma_wait3A_990, %dma_wait3A_994] : memref<1x12x2048x2048xf32, #tpu.memory_space<hbm>> -> memref<1x1x1x2048xf32, #tpu.memory_space<hbm>>
        %dma_wait3A_996 = tpu.memref_squeeze %dma_wait3A_995 : memref<1x1x1x2048xf32, #tpu.memory_space<hbm>> -> memref<2048xf32, #tpu.memory_space<hbm>>
        %dma_wait3A_997 = arith.constant 0 : i32
        %dma_wait3A_998 = tpu.memref_slice %arg5[%dma_wait3A_988, %dma_wait3A_989, %dma_wait3A_990, %dma_wait3A_997] : memref<1x12x2048x2048xf32, #tpu.memory_space<hbm>> -> memref<1x1x1x2048xf32, #tpu.memory_space<hbm>>
        %dma_wait3A_999 = tpu.memref_squeeze %dma_wait3A_998 : memref<1x1x1x2048xf32, #tpu.memory_space<hbm>> -> memref<2048xf32, #tpu.memory_space<hbm>>
        %dma_wait3A_1000 = arith.constant 0 : i32
        %dma_wait3A_1001 = tpu.memref_slice %arg9[%dma_wait3A_986, %dma_wait3A_987, %dma_wait3A_1000] : memref<3x4x2048xf32, #tpu.memory_space<vmem>> -> memref<1x1x2048xf32, #tpu.memory_space<vmem>>
        %dma_wait3A_1002 = tpu.memref_squeeze %dma_wait3A_1001 : memref<1x1x2048xf32, #tpu.memory_space<vmem>> -> memref<2048xf32, #tpu.memory_space<vmem>>
        tpu.wait_dma2 semaphore(%arg10 : memref<!tpu.dma_semaphore, #tpu.memory_space<semaphore_mem>>) src(%dma_wait3A_1002 : memref<2048xf32, #tpu.memory_space<vmem>>) dst(%dma_wait3A_999 : memref<2048xf32, #tpu.memory_space<hbm>>)
        %dma_wait3A_1003 = arith.constant 0 : i32
        %dma_wait3A_1004 = arith.constant 0 : i32
        %dma_wait3A_1005 = arith.constant 0 : i32
        %dma_wait3A_1006 = arith.constant 0 : i32
        %dma_wait3A_1007 = arith.constant 0 : i32
        %dma_wait3A_1008 = arith.constant 0 : i32
        %dma_wait3A_1009 = tpu.memref_slice %arg9[%dma_wait3A_1003, %dma_wait3A_1004, %dma_wait3A_1008] : memref<3x4x2048xf32, #tpu.memory_space<vmem>> -> memref<1x1x2048xf32, #tpu.memory_space<vmem>>
        %dma_wait3A_1010 = tpu.memref_squeeze %dma_wait3A_1009 : memref<1x1x2048xf32, #tpu.memory_space<vmem>> -> memref<2048xf32, #tpu.memory_space<vmem>>
        %dma_wait3A_1011 = arith.constant 0 : i32
        %dma_wait3A_1012 = tpu.memref_slice %arg5[%dma_wait3A_1005, %dma_wait3A_1006, %dma_wait3A_1007, %dma_wait3A_1011] : memref<1x12x2048x2048xf32, #tpu.memory_space<hbm>> -> memref<1x1x1x2048xf32, #tpu.memory_space<hbm>>
        %dma_wait3A_1013 = tpu.memref_squeeze %dma_wait3A_1012 : memref<1x1x1x2048xf32, #tpu.memory_space<hbm>> -> memref<2048xf32, #tpu.memory_space<hbm>>
        %dma_wait3A_1014 = arith.constant 0 : i32
        %dma_wait3A_1015 = tpu.memref_slice %arg5[%dma_wait3A_1005, %dma_wait3A_1006, %dma_wait3A_1007, %dma_wait3A_1014] : memref<1x12x2048x2048xf32, #tpu.memory_space<hbm>> -> memref<1x1x1x2048xf32, #tpu.memory_space<hbm>>
        %dma_wait3A_1016 = tpu.memref_squeeze %dma_wait3A_1015 : memref<1x1x1x2048xf32, #tpu.memory_space<hbm>> -> memref<2048xf32, #tpu.memory_space<hbm>>
        %dma_wait3A_1017 = arith.constant 0 : i32
        %dma_wait3A_1018 = tpu.memref_slice %arg9[%dma_wait3A_1003, %dma_wait3A_1004, %dma_wait3A_1017] : memref<3x4x2048xf32, #tpu.memory_space<vmem>> -> memref<1x1x2048xf32, #tpu.memory_space<vmem>>
        %dma_wait3A_1019 = tpu.memref_squeeze %dma_wait3A_1018 : memref<1x1x2048xf32, #tpu.memory_space<vmem>> -> memref<2048xf32, #tpu.memory_space<vmem>>
        tpu.wait_dma2 semaphore(%arg10 : memref<!tpu.dma_semaphore, #tpu.memory_space<semaphore_mem>>) src(%dma_wait3A_1019 : memref<2048xf32, #tpu.memory_space<vmem>>) dst(%dma_wait3A_1016 : memref<2048xf32, #tpu.memory_space<hbm>>)
        %dma_wait3A_1020 = arith.constant 0 : i32
        %dma_wait3A_1021 = arith.constant 0 : i32
        %dma_wait3A_1022 = arith.constant 0 : i32
        %dma_wait3A_1023 = arith.constant 0 : i32
        %dma_wait3A_1024 = arith.constant 0 : i32
        %dma_wait3A_1025 = arith.constant 0 : i32
        %dma_wait3A_1026 = tpu.memref_slice %arg9[%dma_wait3A_1020, %dma_wait3A_1021, %dma_wait3A_1025] : memref<3x4x2048xf32, #tpu.memory_space<vmem>> -> memref<1x1x2048xf32, #tpu.memory_space<vmem>>
        %dma_wait3A_1027 = tpu.memref_squeeze %dma_wait3A_1026 : memref<1x1x2048xf32, #tpu.memory_space<vmem>> -> memref<2048xf32, #tpu.memory_space<vmem>>
        %dma_wait3A_1028 = arith.constant 0 : i32
        %dma_wait3A_1029 = tpu.memref_slice %arg5[%dma_wait3A_1022, %dma_wait3A_1023, %dma_wait3A_1024, %dma_wait3A_1028] : memref<1x12x2048x2048xf32, #tpu.memory_space<hbm>> -> memref<1x1x1x2048xf32, #tpu.memory_space<hbm>>
        %dma_wait3A_1030 = tpu.memref_squeeze %dma_wait3A_1029 : memref<1x1x1x2048xf32, #tpu.memory_space<hbm>> -> memref<2048xf32, #tpu.memory_space<hbm>>
        %dma_wait3A_1031 = arith.constant 0 : i32
        %dma_wait3A_1032 = tpu.memref_slice %arg5[%dma_wait3A_1022, %dma_wait3A_1023, %dma_wait3A_1024, %dma_wait3A_1031] : memref<1x12x2048x2048xf32, #tpu.memory_space<hbm>> -> memref<1x1x1x2048xf32, #tpu.memory_space<hbm>>
        %dma_wait3A_1033 = tpu.memref_squeeze %dma_wait3A_1032 : memref<1x1x1x2048xf32, #tpu.memory_space<hbm>> -> memref<2048xf32, #tpu.memory_space<hbm>>
        %dma_wait3A_1034 = arith.constant 0 : i32
        %dma_wait3A_1035 = tpu.memref_slice %arg9[%dma_wait3A_1020, %dma_wait3A_1021, %dma_wait3A_1034] : memref<3x4x2048xf32, #tpu.memory_space<vmem>> -> memref<1x1x2048xf32, #tpu.memory_space<vmem>>
        %dma_wait3A_1036 = tpu.memref_squeeze %dma_wait3A_1035 : memref<1x1x2048xf32, #tpu.memory_space<vmem>> -> memref<2048xf32, #tpu.memory_space<vmem>>
        tpu.wait_dma2 semaphore(%arg10 : memref<!tpu.dma_semaphore, #tpu.memory_space<semaphore_mem>>) src(%dma_wait3A_1036 : memref<2048xf32, #tpu.memory_space<vmem>>) dst(%dma_wait3A_1033 : memref<2048xf32, #tpu.memory_space<hbm>>)
        %dma_wait3A_1037 = arith.constant 0 : i32
        %dma_wait3A_1038 = arith.constant 0 : i32
        %dma_wait3A_1039 = arith.constant 0 : i32
        %dma_wait3A_1040 = arith.constant 0 : i32
        %dma_wait3A_1041 = arith.constant 0 : i32
        %dma_wait3A_1042 = arith.constant 0 : i32
        %dma_wait3A_1043 = tpu.memref_slice %arg9[%dma_wait3A_1037, %dma_wait3A_1038, %dma_wait3A_1042] : memref<3x4x2048xf32, #tpu.memory_space<vmem>> -> memref<1x1x2048xf32, #tpu.memory_space<vmem>>
        %dma_wait3A_1044 = tpu.memref_squeeze %dma_wait3A_1043 : memref<1x1x2048xf32, #tpu.memory_space<vmem>> -> memref<2048xf32, #tpu.memory_space<vmem>>
        %dma_wait3A_1045 = arith.constant 0 : i32
        %dma_wait3A_1046 = tpu.memref_slice %arg5[%dma_wait3A_1039, %dma_wait3A_1040, %dma_wait3A_1041, %dma_wait3A_1045] : memref<1x12x2048x2048xf32, #tpu.memory_space<hbm>> -> memref<1x1x1x2048xf32, #tpu.memory_space<hbm>>
        %dma_wait3A_1047 = tpu.memref_squeeze %dma_wait3A_1046 : memref<1x1x1x2048xf32, #tpu.memory_space<hbm>> -> memref<2048xf32, #tpu.memory_space<hbm>>
        %dma_wait3A_1048 = arith.constant 0 : i32
        %dma_wait3A_1049 = tpu.memref_slice %arg5[%dma_wait3A_1039, %dma_wait3A_1040, %dma_wait3A_1041, %dma_wait3A_1048] : memref<1x12x2048x2048xf32, #tpu.memory_space<hbm>> -> memref<1x1x1x2048xf32, #tpu.memory_space<hbm>>
        %dma_wait3A_1050 = tpu.memref_squeeze %dma_wait3A_1049 : memref<1x1x1x2048xf32, #tpu.memory_space<hbm>> -> memref<2048xf32, #tpu.memory_space<hbm>>
        %dma_wait3A_1051 = arith.constant 0 : i32
        %dma_wait3A_1052 = tpu.memref_slice %arg9[%dma_wait3A_1037, %dma_wait3A_1038, %dma_wait3A_1051] : memref<3x4x2048xf32, #tpu.memory_space<vmem>> -> memref<1x1x2048xf32, #tpu.memory_space<vmem>>
        %dma_wait3A_1053 = tpu.memref_squeeze %dma_wait3A_1052 : memref<1x1x2048xf32, #tpu.memory_space<vmem>> -> memref<2048xf32, #tpu.memory_space<vmem>>
        tpu.wait_dma2 semaphore(%arg10 : memref<!tpu.dma_semaphore, #tpu.memory_space<semaphore_mem>>) src(%dma_wait3A_1053 : memref<2048xf32, #tpu.memory_space<vmem>>) dst(%dma_wait3A_1050 : memref<2048xf32, #tpu.memory_space<hbm>>)
        %dma_wait3A_1054 = arith.constant 0 : i32
        %dma_wait3A_1055 = arith.constant 0 : i32
        %dma_wait3A_1056 = arith.constant 0 : i32
        %dma_wait3A_1057 = arith.constant 0 : i32
        %dma_wait3A_1058 = arith.constant 0 : i32
        %dma_wait3A_1059 = arith.constant 0 : i32
        %dma_wait3A_1060 = tpu.memref_slice %arg9[%dma_wait3A_1054, %dma_wait3A_1055, %dma_wait3A_1059] : memref<3x4x2048xf32, #tpu.memory_space<vmem>> -> memref<1x1x2048xf32, #tpu.memory_space<vmem>>
        %dma_wait3A_1061 = tpu.memref_squeeze %dma_wait3A_1060 : memref<1x1x2048xf32, #tpu.memory_space<vmem>> -> memref<2048xf32, #tpu.memory_space<vmem>>
        %dma_wait3A_1062 = arith.constant 0 : i32
        %dma_wait3A_1063 = tpu.memref_slice %arg5[%dma_wait3A_1056, %dma_wait3A_1057, %dma_wait3A_1058, %dma_wait3A_1062] : memref<1x12x2048x2048xf32, #tpu.memory_space<hbm>> -> memref<1x1x1x2048xf32, #tpu.memory_space<hbm>>
        %dma_wait3A_1064 = tpu.memref_squeeze %dma_wait3A_1063 : memref<1x1x1x2048xf32, #tpu.memory_space<hbm>> -> memref<2048xf32, #tpu.memory_space<hbm>>
        %dma_wait3A_1065 = arith.constant 0 : i32
        %dma_wait3A_1066 = tpu.memref_slice %arg5[%dma_wait3A_1056, %dma_wait3A_1057, %dma_wait3A_1058, %dma_wait3A_1065] : memref<1x12x2048x2048xf32, #tpu.memory_space<hbm>> -> memref<1x1x1x2048xf32, #tpu.memory_space<hbm>>
        %dma_wait3A_1067 = tpu.memref_squeeze %dma_wait3A_1066 : memref<1x1x1x2048xf32, #tpu.memory_space<hbm>> -> memref<2048xf32, #tpu.memory_space<hbm>>
        %dma_wait3A_1068 = arith.constant 0 : i32
        %dma_wait3A_1069 = tpu.memref_slice %arg9[%dma_wait3A_1054, %dma_wait3A_1055, %dma_wait3A_1068] : memref<3x4x2048xf32, #tpu.memory_space<vmem>> -> memref<1x1x2048xf32, #tpu.memory_space<vmem>>
        %dma_wait3A_1070 = tpu.memref_squeeze %dma_wait3A_1069 : memref<1x1x2048xf32, #tpu.memory_space<vmem>> -> memref<2048xf32, #tpu.memory_space<vmem>>
        tpu.wait_dma2 semaphore(%arg10 : memref<!tpu.dma_semaphore, #tpu.memory_space<semaphore_mem>>) src(%dma_wait3A_1070 : memref<2048xf32, #tpu.memory_space<vmem>>) dst(%dma_wait3A_1067 : memref<2048xf32, #tpu.memory_space<hbm>>)
        %dma_wait3A_1071 = arith.constant 0 : i32
        %dma_wait3A_1072 = arith.constant 0 : i32
        %dma_wait3A_1073 = arith.constant 0 : i32
        %dma_wait3A_1074 = arith.constant 0 : i32
        %dma_wait3A_1075 = arith.constant 0 : i32
        %dma_wait3A_1076 = arith.constant 0 : i32
        %dma_wait3A_1077 = tpu.memref_slice %arg9[%dma_wait3A_1071, %dma_wait3A_1072, %dma_wait3A_1076] : memref<3x4x2048xf32, #tpu.memory_space<vmem>> -> memref<1x1x2048xf32, #tpu.memory_space<vmem>>
        %dma_wait3A_1078 = tpu.memref_squeeze %dma_wait3A_1077 : memref<1x1x2048xf32, #tpu.memory_space<vmem>> -> memref<2048xf32, #tpu.memory_space<vmem>>
        %dma_wait3A_1079 = arith.constant 0 : i32
        %dma_wait3A_1080 = tpu.memref_slice %arg5[%dma_wait3A_1073, %dma_wait3A_1074, %dma_wait3A_1075, %dma_wait3A_1079] : memref<1x12x2048x2048xf32, #tpu.memory_space<hbm>> -> memref<1x1x1x2048xf32, #tpu.memory_space<hbm>>
        %dma_wait3A_1081 = tpu.memref_squeeze %dma_wait3A_1080 : memref<1x1x1x2048xf32, #tpu.memory_space<hbm>> -> memref<2048xf32, #tpu.memory_space<hbm>>
        %dma_wait3A_1082 = arith.constant 0 : i32
        %dma_wait3A_1083 = tpu.memref_slice %arg5[%dma_wait3A_1073, %dma_wait3A_1074, %dma_wait3A_1075, %dma_wait3A_1082] : memref<1x12x2048x2048xf32, #tpu.memory_space<hbm>> -> memref<1x1x1x2048xf32, #tpu.memory_space<hbm>>
        %dma_wait3A_1084 = tpu.memref_squeeze %dma_wait3A_1083 : memref<1x1x1x2048xf32, #tpu.memory_space<hbm>> -> memref<2048xf32, #tpu.memory_space<hbm>>
        %dma_wait3A_1085 = arith.constant 0 : i32
        %dma_wait3A_1086 = tpu.memref_slice %arg9[%dma_wait3A_1071, %dma_wait3A_1072, %dma_wait3A_1085] : memref<3x4x2048xf32, #tpu.memory_space<vmem>> -> memref<1x1x2048xf32, #tpu.memory_space<vmem>>
        %dma_wait3A_1087 = tpu.memref_squeeze %dma_wait3A_1086 : memref<1x1x2048xf32, #tpu.memory_space<vmem>> -> memref<2048xf32, #tpu.memory_space<vmem>>
        tpu.wait_dma2 semaphore(%arg10 : memref<!tpu.dma_semaphore, #tpu.memory_space<semaphore_mem>>) src(%dma_wait3A_1087 : memref<2048xf32, #tpu.memory_space<vmem>>) dst(%dma_wait3A_1084 : memref<2048xf32, #tpu.memory_space<hbm>>)
        %dma_wait3A_1088 = arith.constant 0 : i32
        %dma_wait3A_1089 = arith.constant 0 : i32
        %dma_wait3A_1090 = arith.constant 0 : i32
        %dma_wait3A_1091 = arith.constant 0 : i32
        %dma_wait3A_1092 = arith.constant 0 : i32
        %dma_wait3A_1093 = arith.constant 0 : i32
        %dma_wait3A_1094 = tpu.memref_slice %arg9[%dma_wait3A_1088, %dma_wait3A_1089, %dma_wait3A_1093] : memref<3x4x2048xf32, #tpu.memory_space<vmem>> -> memref<1x1x2048xf32, #tpu.memory_space<vmem>>
        %dma_wait3A_1095 = tpu.memref_squeeze %dma_wait3A_1094 : memref<1x1x2048xf32, #tpu.memory_space<vmem>> -> memref<2048xf32, #tpu.memory_space<vmem>>
        %dma_wait3A_1096 = arith.constant 0 : i32
        %dma_wait3A_1097 = tpu.memref_slice %arg5[%dma_wait3A_1090, %dma_wait3A_1091, %dma_wait3A_1092, %dma_wait3A_1096] : memref<1x12x2048x2048xf32, #tpu.memory_space<hbm>> -> memref<1x1x1x2048xf32, #tpu.memory_space<hbm>>
        %dma_wait3A_1098 = tpu.memref_squeeze %dma_wait3A_1097 : memref<1x1x1x2048xf32, #tpu.memory_space<hbm>> -> memref<2048xf32, #tpu.memory_space<hbm>>
        %dma_wait3A_1099 = arith.constant 0 : i32
        %dma_wait3A_1100 = tpu.memref_slice %arg5[%dma_wait3A_1090, %dma_wait3A_1091, %dma_wait3A_1092, %dma_wait3A_1099] : memref<1x12x2048x2048xf32, #tpu.memory_space<hbm>> -> memref<1x1x1x2048xf32, #tpu.memory_space<hbm>>
        %dma_wait3A_1101 = tpu.memref_squeeze %dma_wait3A_1100 : memref<1x1x1x2048xf32, #tpu.memory_space<hbm>> -> memref<2048xf32, #tpu.memory_space<hbm>>
        %dma_wait3A_1102 = arith.constant 0 : i32
        %dma_wait3A_1103 = tpu.memref_slice %arg9[%dma_wait3A_1088, %dma_wait3A_1089, %dma_wait3A_1102] : memref<3x4x2048xf32, #tpu.memory_space<vmem>> -> memref<1x1x2048xf32, #tpu.memory_space<vmem>>
        %dma_wait3A_1104 = tpu.memref_squeeze %dma_wait3A_1103 : memref<1x1x2048xf32, #tpu.memory_space<vmem>> -> memref<2048xf32, #tpu.memory_space<vmem>>
        tpu.wait_dma2 semaphore(%arg10 : memref<!tpu.dma_semaphore, #tpu.memory_space<semaphore_mem>>) src(%dma_wait3A_1104 : memref<2048xf32, #tpu.memory_space<vmem>>) dst(%dma_wait3A_1101 : memref<2048xf32, #tpu.memory_space<hbm>>)
      } else {
      }
      %scan3A_832 = arith.constant 0 : i32
      scf.yield %scan3A_832 : i32
    }
    %scan3A_408 = arith.constant 16 : i32
    %add3A_409 = arith.constant 64 : i32
    %add3A_410 = arith.addi %add3A, %add3A_409 : i32
    %jit3A_411 = arith.constant 8 : i32
    %div3A_412 = arith.divsi %add3A_410, %jit3A_411 : i32
    %sign3A_413 = arith.constant 0 : i32
    %sign3A_414 = arith.cmpi sgt, %add3A_410, %sign3A_413 : i32
    %sign3A_415 = arith.extui %sign3A_414 : i1 to i32
    %sign3A_416 = arith.constant 0 : i32
    %sign3A_417 = arith.cmpi slt, %add3A_410, %sign3A_416 : i32
    %sign3A_418 = arith.extui %sign3A_417 : i1 to i32
    %sign3A_419 = arith.subi %sign3A_415, %sign3A_418 : i32
    %sign3A_420 = arith.constant 0 : i32
    %sign3A_421 = arith.cmpi sgt, %jit3A_411, %sign3A_420 : i32
    %sign3A_422 = arith.extui %sign3A_421 : i1 to i32
    %sign3A_423 = arith.constant 0 : i32
    %sign3A_424 = arith.cmpi slt, %jit3A_411, %sign3A_423 : i32
    %sign3A_425 = arith.extui %sign3A_424 : i1 to i32
    %sign3A_426 = arith.subi %sign3A_422, %sign3A_425 : i32
    %ne3A_427 = arith.cmpi ne, %sign3A_419, %sign3A_426 : i32
    %rem3A_428 = arith.remsi %add3A_410, %jit3A_411 : i32
    %ne3A_429 = arith.constant 0 : i32
    %ne3A_430 = arith.cmpi ne, %rem3A_428, %ne3A_429 : i32
    %and3A_431 = arith.andi %ne3A_427, %ne3A_430 : i1
    %sub3A_432 = arith.constant 1 : i32
    %sub3A_433 = arith.subi %div3A_412, %sub3A_432 : i32
    %select_n3A_434 = arith.select %and3A_431, %sub3A_433, %div3A_412 : i32
    %jit3A_435 = arith.constant 8 : i32
    %eq3A_436 = arith.constant 0 : i32
    %eq3A_437 = arith.cmpi eq, %jit3A_435, %eq3A_436 : i32
    %jit3A_438 = arith.constant 1 : i32
    %select_n3A_439 = arith.select %eq3A_437, %jit3A_438, %jit3A_435 : i32
    %rem3A_440 = arith.remsi %add3A_410, %select_n3A_439 : i32
    %ne3A_441 = arith.constant 0 : i32
    %ne3A_442 = arith.cmpi ne, %rem3A_440, %ne3A_441 : i32
    %lt3A_443 = arith.constant 0 : i32
    %lt3A_444 = arith.cmpi slt, %rem3A_440, %lt3A_443 : i32
    %lt3A_445 = arith.constant 0 : i32
    %lt3A_446 = arith.cmpi slt, %select_n3A_439, %lt3A_445 : i32
    %ne3A_447 = arith.xori %lt3A_444, %lt3A_446 : i1
    %and3A_448 = arith.andi %ne3A_447, %ne3A_442 : i1
    %add3A_449 = arith.addi %rem3A_440, %select_n3A_439 : i32
    %select_n3A_450 = arith.select %and3A_448, %add3A_449, %rem3A_440 : i32
    %get3A_451 = arith.index_cast %select_n3A_434 : i32 to index
    %get3A_452 = tpu.vector_load %arg8[%get3A_451] {strides = array<i32>} : memref<40xf32, #tpu.memory_space<vmem>>, vector<16xf32>,
    %get3A_453 = vector.shape_cast %get3A_452 : vector<16xf32> to vector<16xf32>
    %slice3A_454 = vector.extract_strided_slice %get3A_453 {offsets = [0], sizes = [1], strides = [1]} : vector<16xf32> to vector<1xf32>
    %squeeze3A_455 = vector.extract %slice3A_454[0] : f32 from vector<1xf32>
    %add3A_456 = arith.constant 12 : i32
    %add3A_457 = arith.addi %add3A_456, %select_n3A_434 : i32
    %get3A_458 = arith.index_cast %add3A_457 : i32 to index
    %get3A_459 = tpu.vector_load %arg8[%get3A_458] {strides = array<i32>} : memref<40xf32, #tpu.memory_space<vmem>>, vector<16xf32>,
    %get3A_460 = vector.shape_cast %get3A_459 : vector<16xf32> to vector<16xf32>
    %slice3A_461 = vector.extract_strided_slice %get3A_460 {offsets = [0], sizes = [1], strides = [1]} : vector<16xf32> to vector<1xf32>
    %squeeze3A_462 = vector.extract %slice3A_461[0] : f32 from vector<1xf32>
    %broadcast_in_dim3A_463 = vector.broadcast %squeeze3A_455 : f32 to vector<16xf32>
    %broadcast_in_dim3A_464 = vector.broadcast %squeeze3A_462 : f32 to vector<16xf32>
    %scan3A_465 = arith.constant 0 : i32
    %scan3A_466 = arith.constant 0 : i32
    %scan3A_467 = arith.constant 128 : i32
    %scan3A_468 = arith.addi %scan3A_466, %scan3A_467 : i32
    %scan3A_469 = arith.constant 1 : i32
    %scan3A_470 = scf.for %scan3A_528 = %scan3A_466 to %scan3A_468 step %scan3A_469 iter_args(%scan3A_529 = %scan3A_465) -> (i32)  : i32 {
      %mul3A_530 = arith.constant 16 : i32
      %mul3A_531 = arith.muli %scan3A_528, %mul3A_530 : i32
      %get3A_532 = arith.index_cast %mul3A_531 : i32 to index
      %get3A_533 = tpu.vector_load %arg6[%get3A_532] {strides = array<i32>} : memref<2048xi32, #tpu.memory_space<vmem>>, vector<16xi32>,
      %get3A_534 = vector.shape_cast %get3A_533 : vector<16xi32> to vector<16xi32>
      %eq3A_535 = arith.constant 0 : i32
      %eq3A_536 = vector.broadcast %eq3A_535 : i32 to vector<16xi32>
      %eq3A_537 = arith.cmpi eq, %get3A_534, %eq3A_536 : vector<16xi32>
      %select_n3A_538 = arith.select %eq3A_537, %broadcast_in_dim3A_464, %broadcast_in_dim3A_463 : vector<16xi1>, vector<16xf32>
      %mul3A_539 = arith.constant 16 : i32
      %mul3A_540 = arith.muli %scan3A_528, %mul3A_539 : i32
      %swap3A = arith.constant 2 : i32
      %swap3A_541 = arith.constant 0 : i32
      %swap3A_542 = arith.index_cast %swap3A : i32 to index
      %swap3A_543 = arith.index_cast %swap3A_541 : i32 to index
      %swap3A_544 = arith.index_cast %mul3A_540 : i32 to index
      %swap3A_545 = tpu.vector_load %arg9[%swap3A_542, %swap3A_543, %swap3A_544] {strides = array<i32>} : memref<3x4x2048xf32, #tpu.memory_space<vmem>>, vector<1x1x16xf32>,
      %swap3A_546 = vector.shape_cast %swap3A_545 : vector<1x1x16xf32> to vector<16xf32>
      %swap3A_547 = vector.shape_cast %select_n3A_538 : vector<16xf32> to vector<1x1x16xf32>
      tpu.vector_store %arg9[%swap3A_542, %swap3A_543, %swap3A_544], %swap3A_547 {strides = array<i32>} : memref<3x4x2048xf32, #tpu.memory_space<vmem>>, vector<1x1x16xf32>,
      %eq3A_548 = arith.constant 1 : i32
      %eq3A_549 = vector.broadcast %eq3A_548 : i32 to vector<16xi32>
      %eq3A_550 = arith.cmpi eq, %get3A_534, %eq3A_549 : vector<16xi32>
      %select_n3A_551 = arith.select %eq3A_550, %broadcast_in_dim3A_464, %broadcast_in_dim3A_463 : vector<16xi1>, vector<16xf32>
      %mul3A_552 = arith.constant 16 : i32
      %mul3A_553 = arith.muli %scan3A_528, %mul3A_552 : i32
      %swap3A_554 = arith.constant 2 : i32
      %swap3A_555 = arith.constant 1 : i32
      %swap3A_556 = arith.index_cast %swap3A_554 : i32 to index
      %swap3A_557 = arith.index_cast %swap3A_555 : i32 to index
      %swap3A_558 = arith.index_cast %mul3A_553 : i32 to index
      %swap3A_559 = tpu.vector_load %arg9[%swap3A_556, %swap3A_557, %swap3A_558] {strides = array<i32>} : memref<3x4x2048xf32, #tpu.memory_space<vmem>>, vector<1x1x16xf32>,
      %swap3A_560 = vector.shape_cast %swap3A_559 : vector<1x1x16xf32> to vector<16xf32>
      %swap3A_561 = vector.shape_cast %select_n3A_551 : vector<16xf32> to vector<1x1x16xf32>
      tpu.vector_store %arg9[%swap3A_556, %swap3A_557, %swap3A_558], %swap3A_561 {strides = array<i32>} : memref<3x4x2048xf32, #tpu.memory_space<vmem>>, vector<1x1x16xf32>,
      %eq3A_562 = arith.constant 2 : i32
      %eq3A_563 = vector.broadcast %eq3A_562 : i32 to vector<16xi32>
      %eq3A_564 = arith.cmpi eq, %get3A_534, %eq3A_563 : vector<16xi32>
      %select_n3A_565 = arith.select %eq3A_564, %broadcast_in_dim3A_464, %broadcast_in_dim3A_463 : vector<16xi1>, vector<16xf32>
      %mul3A_566 = arith.constant 16 : i32
      %mul3A_567 = arith.muli %scan3A_528, %mul3A_566 : i32
      %swap3A_568 = arith.constant 2 : i32
      %swap3A_569 = arith.constant 2 : i32
      %swap3A_570 = arith.index_cast %swap3A_568 : i32 to index
      %swap3A_571 = arith.index_cast %swap3A_569 : i32 to index
      %swap3A_572 = arith.index_cast %mul3A_567 : i32 to index
      %swap3A_573 = tpu.vector_load %arg9[%swap3A_570, %swap3A_571, %swap3A_572] {strides = array<i32>} : memref<3x4x2048xf32, #tpu.memory_space<vmem>>, vector<1x1x16xf32>,
      %swap3A_574 = vector.shape_cast %swap3A_573 : vector<1x1x16xf32> to vector<16xf32>
      %swap3A_575 = vector.shape_cast %select_n3A_565 : vector<16xf32> to vector<1x1x16xf32>
      tpu.vector_store %arg9[%swap3A_570, %swap3A_571, %swap3A_572], %swap3A_575 {strides = array<i32>} : memref<3x4x2048xf32, #tpu.memory_space<vmem>>, vector<1x1x16xf32>,
      %eq3A_576 = arith.constant 3 : i32
      %eq3A_577 = vector.broadcast %eq3A_576 : i32 to vector<16xi32>
      %eq3A_578 = arith.cmpi eq, %get3A_534, %eq3A_577 : vector<16xi32>
      %select_n3A_579 = arith.select %eq3A_578, %broadcast_in_dim3A_464, %broadcast_in_dim3A_463 : vector<16xi1>, vector<16xf32>
      %mul3A_580 = arith.constant 16 : i32
      %mul3A_581 = arith.muli %scan3A_528, %mul3A_580 : i32
      %swap3A_582 = arith.constant 2 : i32
      %swap3A_583 = arith.constant 3 : i32
      %swap3A_584 = arith.index_cast %swap3A_582 : i32 to index
      %swap3A_585 = arith.index_cast %swap3A_583 : i32 to index
      %swap3A_586 = arith.index_cast %mul3A_581 : i32 to index
      %swap3A_587 = tpu.vector_load %arg9[%swap3A_584, %swap3A_585, %swap3A_586] {strides = array<i32>} : memref<3x4x2048xf32, #tpu.memory_space<vmem>>, vector<1x1x16xf32>,
      %swap3A_588 = vector.shape_cast %swap3A_587 : vector<1x1x16xf32> to vector<16xf32>
      %swap3A_589 = vector.shape_cast %select_n3A_579 : vector<16xf32> to vector<1x1x16xf32>
      tpu.vector_store %arg9[%swap3A_584, %swap3A_585, %swap3A_586], %swap3A_589 {strides = array<i32>} : memref<3x4x2048xf32, #tpu.memory_space<vmem>>, vector<1x1x16xf32>,
      %scan3A_590 = arith.constant 0 : i32
      scf.yield %scan3A_590 : i32
    }
    %scan3A_471 = arith.constant 128 : i32
    %add3A_472 = arith.constant 64 : i32
    %add3A_473 = arith.addi %add3A, %add3A_472 : i32
    %jit3A_474 = arith.constant 8 : i32
    %div3A_475 = arith.divsi %add3A_473, %jit3A_474 : i32
    %sign3A_476 = arith.constant 0 : i32
    %sign3A_477 = arith.cmpi sgt, %add3A_473, %sign3A_476 : i32
    %sign3A_478 = arith.extui %sign3A_477 : i1 to i32
    %sign3A_479 = arith.constant 0 : i32
    %sign3A_480 = arith.cmpi slt, %add3A_473, %sign3A_479 : i32
    %sign3A_481 = arith.extui %sign3A_480 : i1 to i32
    %sign3A_482 = arith.subi %sign3A_478, %sign3A_481 : i32
    %sign3A_483 = arith.constant 0 : i32
    %sign3A_484 = arith.cmpi sgt, %jit3A_474, %sign3A_483 : i32
    %sign3A_485 = arith.extui %sign3A_484 : i1 to i32
    %sign3A_486 = arith.constant 0 : i32
    %sign3A_487 = arith.cmpi slt, %jit3A_474, %sign3A_486 : i32
    %sign3A_488 = arith.extui %sign3A_487 : i1 to i32
    %sign3A_489 = arith.subi %sign3A_485, %sign3A_488 : i32
    %ne3A_490 = arith.cmpi ne, %sign3A_482, %sign3A_489 : i32
    %rem3A_491 = arith.remsi %add3A_473, %jit3A_474 : i32
    %ne3A_492 = arith.constant 0 : i32
    %ne3A_493 = arith.cmpi ne, %rem3A_491, %ne3A_492 : i32
    %and3A_494 = arith.andi %ne3A_490, %ne3A_493 : i1
    %sub3A_495 = arith.constant 1 : i32
    %sub3A_496 = arith.subi %div3A_475, %sub3A_495 : i32
    %select_n3A_497 = arith.select %and3A_494, %sub3A_496, %div3A_475 : i32
    %jit3A_498 = arith.constant 8 : i32
    %eq3A_499 = arith.constant 0 : i32
    %eq3A_500 = arith.cmpi eq, %jit3A_498, %eq3A_499 : i32
    %jit3A_501 = arith.constant 1 : i32
    %select_n3A_502 = arith.select %eq3A_500, %jit3A_501, %jit3A_498 : i32
    %rem3A_503 = arith.remsi %add3A_473, %select_n3A_502 : i32
    %ne3A_504 = arith.constant 0 : i32
    %ne3A_505 = arith.cmpi ne, %rem3A_503, %ne3A_504 : i32
    %lt3A_506 = arith.constant 0 : i32
    %lt3A_507 = arith.cmpi slt, %rem3A_503, %lt3A_506 : i32
    %lt3A_508 = arith.constant 0 : i32
    %lt3A_509 = arith.cmpi slt, %select_n3A_502, %lt3A_508 : i32
    %ne3A_510 = arith.xori %lt3A_507, %lt3A_509 : i1
    %and3A_511 = arith.andi %ne3A_510, %ne3A_505 : i1
    %add3A_512 = arith.addi %rem3A_503, %select_n3A_502 : i32
    %select_n3A_513 = arith.select %and3A_511, %add3A_512, %rem3A_503 : i32
    %scan3A_514 = arith.constant 0 : i32
    %scan3A_515 = arith.constant 0 : i32
    %scan3A_516 = arith.constant 16 : i32
    %scan3A_517 = arith.addi %scan3A_515, %scan3A_516 : i32
    %scan3A_518 = arith.constant 1 : i32
    %scan3A_519 = scf.for %scan3A_528 = %scan3A_515 to %scan3A_517 step %scan3A_518 iter_args(%scan3A_529 = %scan3A_514) -> (i32)  : i32 {
      %mul3A_530 = arith.constant 256 : i32
      %mul3A_531 = arith.muli %select_n3A_513, %mul3A_530 : i32
      %mul3A_532 = arith.constant 16 : i32
      %mul3A_533 = arith.muli %scan3A_528, %mul3A_532 : i32
      %add3A_534 = arith.addi %mul3A_531, %mul3A_533 : i32
      %mul3A_535 = arith.constant 16 : i32
      %mul3A_536 = arith.muli %scan3A_528, %mul3A_535 : i32
      %add3A_537 = arith.constant 512 : i32
      %add3A_538 = arith.addi %add3A_537, %mul3A_536 : i32
      %get3A_539 = arith.index_cast %add3A_538 : i32 to index
      %get3A_540 = tpu.vector_load %arg7[%get3A_539] {strides = array<i32>} : memref<784xi32, #tpu.memory_space<vmem>>, vector<16xi32>,
      %get3A_541 = vector.shape_cast %get3A_540 : vector<16xi32> to vector<16xi32>
      %slice3A_542 = vector.extract_strided_slice %get3A_541 {offsets = [0], sizes = [1], strides = [1]} : vector<16xi32> to vector<1xi32>
      %squeeze3A_543 = vector.extract %slice3A_542[0] : i32 from vector<1xi32>
      %add3A_544 = arith.constant 0 : i32
      %add3A_545 = arith.addi %add3A_534, %add3A_544 : i32
      %dma_start3A_546 = arith.constant 2 : i32
      %dma_start3A_547 = arith.constant 0 : i32
      %dma_start3A_548 = arith.constant 0 : i32
      %dma_start3A_549 = tpu.memref_slice %arg9[%dma_start3A_546, %squeeze3A_543, %dma_start3A_548] : memref<3x4x2048xf32, #tpu.memory_space<vmem>> -> memref<1x1x2048xf32, #tpu.memory_space<vmem>>
      %dma_start3A_550 = tpu.memref_squeeze %dma_start3A_549 : memref<1x1x2048xf32, #tpu.memory_space<vmem>> -> memref<2048xf32, #tpu.memory_space<vmem>>
      %dma_start3A_551 = arith.constant 0 : i32
      %dma_start3A_552 = tpu.memref_slice %arg5[%dma_start3A_547, %select_n3A_497, %add3A_545, %dma_start3A_551] : memref<1x12x2048x2048xf32, #tpu.memory_space<hbm>> -> memref<1x1x1x2048xf32, #tpu.memory_space<hbm>>
      %dma_start3A_553 = tpu.memref_squeeze %dma_start3A_552 : memref<1x1x1x2048xf32, #tpu.memory_space<hbm>> -> memref<2048xf32, #tpu.memory_space<hbm>>
      %dma_start3A_554 = arith.constant 0 : i32
      %dma_start3A_555 = tpu.memref_slice %arg5[%dma_start3A_547, %select_n3A_497, %add3A_545, %dma_start3A_554] : memref<1x12x2048x2048xf32, #tpu.memory_space<hbm>> -> memref<1x1x1x2048xf32, #tpu.memory_space<hbm>>
      %dma_start3A_556 = tpu.memref_squeeze %dma_start3A_555 : memref<1x1x1x2048xf32, #tpu.memory_space<hbm>> -> memref<2048xf32, #tpu.memory_space<hbm>>
      %dma_start3A_557 = arith.constant 0 : i32
      %dma_start3A_558 = tpu.memref_slice %arg9[%dma_start3A_546, %squeeze3A_543, %dma_start3A_557] : memref<3x4x2048xf32, #tpu.memory_space<vmem>> -> memref<1x1x2048xf32, #tpu.memory_space<vmem>>
      %dma_start3A_559 = tpu.memref_squeeze %dma_start3A_558 : memref<1x1x2048xf32, #tpu.memory_space<vmem>> -> memref<2048xf32, #tpu.memory_space<vmem>>
      tpu.enqueue_dma source(%dma_start3A_559 : memref<2048xf32, #tpu.memory_space<vmem>>) target(%dma_start3A_556 : memref<2048xf32, #tpu.memory_space<hbm>>) target_semaphore(%arg10 : memref<!tpu.dma_semaphore, #tpu.memory_space<semaphore_mem>>)
      %slice3A_560 = vector.extract_strided_slice %get3A_541 {offsets = [1], sizes = [1], strides = [1]} : vector<16xi32> to vector<1xi32>
      %squeeze3A_561 = vector.extract %slice3A_560[0] : i32 from vector<1xi32>
      %add3A_562 = arith.constant 1 : i32
      %add3A_563 = arith.addi %add3A_534, %add3A_562 : i32
      %dma_start3A_564 = arith.constant 2 : i32
      %dma_start3A_565 = arith.constant 0 : i32
      %dma_start3A_566 = arith.constant 0 : i32
      %dma_start3A_567 = tpu.memref_slice %arg9[%dma_start3A_564, %squeeze3A_561, %dma_start3A_566] : memref<3x4x2048xf32, #tpu.memory_space<vmem>> -> memref<1x1x2048xf32, #tpu.memory_space<vmem>>
      %dma_start3A_568 = tpu.memref_squeeze %dma_start3A_567 : memref<1x1x2048xf32, #tpu.memory_space<vmem>> -> memref<2048xf32, #tpu.memory_space<vmem>>
      %dma_start3A_569 = arith.constant 0 : i32
      %dma_start3A_570 = tpu.memref_slice %arg5[%dma_start3A_565, %select_n3A_497, %add3A_563, %dma_start3A_569] : memref<1x12x2048x2048xf32, #tpu.memory_space<hbm>> -> memref<1x1x1x2048xf32, #tpu.memory_space<hbm>>
      %dma_start3A_571 = tpu.memref_squeeze %dma_start3A_570 : memref<1x1x1x2048xf32, #tpu.memory_space<hbm>> -> memref<2048xf32, #tpu.memory_space<hbm>>
      %dma_start3A_572 = arith.constant 0 : i32
      %dma_start3A_573 = tpu.memref_slice %arg5[%dma_start3A_565, %select_n3A_497, %add3A_563, %dma_start3A_572] : memref<1x12x2048x2048xf32, #tpu.memory_space<hbm>> -> memref<1x1x1x2048xf32, #tpu.memory_space<hbm>>
      %dma_start3A_574 = tpu.memref_squeeze %dma_start3A_573 : memref<1x1x1x2048xf32, #tpu.memory_space<hbm>> -> memref<2048xf32, #tpu.memory_space<hbm>>
      %dma_start3A_575 = arith.constant 0 : i32
      %dma_start3A_576 = tpu.memref_slice %arg9[%dma_start3A_564, %squeeze3A_561, %dma_start3A_575] : memref<3x4x2048xf32, #tpu.memory_space<vmem>> -> memref<1x1x2048xf32, #tpu.memory_space<vmem>>
      %dma_start3A_577 = tpu.memref_squeeze %dma_start3A_576 : memref<1x1x2048xf32, #tpu.memory_space<vmem>> -> memref<2048xf32, #tpu.memory_space<vmem>>
      tpu.enqueue_dma source(%dma_start3A_577 : memref<2048xf32, #tpu.memory_space<vmem>>) target(%dma_start3A_574 : memref<2048xf32, #tpu.memory_space<hbm>>) target_semaphore(%arg10 : memref<!tpu.dma_semaphore, #tpu.memory_space<semaphore_mem>>)
      %slice3A_578 = vector.extract_strided_slice %get3A_541 {offsets = [2], sizes = [1], strides = [1]} : vector<16xi32> to vector<1xi32>
      %squeeze3A_579 = vector.extract %slice3A_578[0] : i32 from vector<1xi32>
      %add3A_580 = arith.constant 2 : i32
      %add3A_581 = arith.addi %add3A_534, %add3A_580 : i32
      %dma_start3A_582 = arith.constant 2 : i32
      %dma_start3A_583 = arith.constant 0 : i32
      %dma_start3A_584 = arith.constant 0 : i32
      %dma_start3A_585 = tpu.memref_slice %arg9[%dma_start3A_582, %squeeze3A_579, %dma_start3A_584] : memref<3x4x2048xf32, #tpu.memory_space<vmem>> -> memref<1x1x2048xf32, #tpu.memory_space<vmem>>
      %dma_start3A_586 = tpu.memref_squeeze %dma_start3A_585 : memref<1x1x2048xf32, #tpu.memory_space<vmem>> -> memref<2048xf32, #tpu.memory_space<vmem>>
      %dma_start3A_587 = arith.constant 0 : i32
      %dma_start3A_588 = tpu.memref_slice %arg5[%dma_start3A_583, %select_n3A_497, %add3A_581, %dma_start3A_587] : memref<1x12x2048x2048xf32, #tpu.memory_space<hbm>> -> memref<1x1x1x2048xf32, #tpu.memory_space<hbm>>
      %dma_start3A_589 = tpu.memref_squeeze %dma_start3A_588 : memref<1x1x1x2048xf32, #tpu.memory_space<hbm>> -> memref<2048xf32, #tpu.memory_space<hbm>>
      %dma_start3A_590 = arith.constant 0 : i32
      %dma_start3A_591 = tpu.memref_slice %arg5[%dma_start3A_583, %select_n3A_497, %add3A_581, %dma_start3A_590] : memref<1x12x2048x2048xf32, #tpu.memory_space<hbm>> -> memref<1x1x1x2048xf32, #tpu.memory_space<hbm>>
      %dma_start3A_592 = tpu.memref_squeeze %dma_start3A_591 : memref<1x1x1x2048xf32, #tpu.memory_space<hbm>> -> memref<2048xf32, #tpu.memory_space<hbm>>
      %dma_start3A_593 = arith.constant 0 : i32
      %dma_start3A_594 = tpu.memref_slice %arg9[%dma_start3A_582, %squeeze3A_579, %dma_start3A_593] : memref<3x4x2048xf32, #tpu.memory_space<vmem>> -> memref<1x1x2048xf32, #tpu.memory_space<vmem>>
      %dma_start3A_595 = tpu.memref_squeeze %dma_start3A_594 : memref<1x1x2048xf32, #tpu.memory_space<vmem>> -> memref<2048xf32, #tpu.memory_space<vmem>>
      tpu.enqueue_dma source(%dma_start3A_595 : memref<2048xf32, #tpu.memory_space<vmem>>) target(%dma_start3A_592 : memref<2048xf32, #tpu.memory_space<hbm>>) target_semaphore(%arg10 : memref<!tpu.dma_semaphore, #tpu.memory_space<semaphore_mem>>)
      %slice3A_596 = vector.extract_strided_slice %get3A_541 {offsets = [3], sizes = [1], strides = [1]} : vector<16xi32> to vector<1xi32>
      %squeeze3A_597 = vector.extract %slice3A_596[0] : i32 from vector<1xi32>
      %add3A_598 = arith.constant 3 : i32
      %add3A_599 = arith.addi %add3A_534, %add3A_598 : i32
      %dma_start3A_600 = arith.constant 2 : i32
      %dma_start3A_601 = arith.constant 0 : i32
      %dma_start3A_602 = arith.constant 0 : i32
      %dma_start3A_603 = tpu.memref_slice %arg9[%dma_start3A_600, %squeeze3A_597, %dma_start3A_602] : memref<3x4x2048xf32, #tpu.memory_space<vmem>> -> memref<1x1x2048xf32, #tpu.memory_space<vmem>>
      %dma_start3A_604 = tpu.memref_squeeze %dma_start3A_603 : memref<1x1x2048xf32, #tpu.memory_space<vmem>> -> memref<2048xf32, #tpu.memory_space<vmem>>
      %dma_start3A_605 = arith.constant 0 : i32
      %dma_start3A_606 = tpu.memref_slice %arg5[%dma_start3A_601, %select_n3A_497, %add3A_599, %dma_start3A_605] : memref<1x12x2048x2048xf32, #tpu.memory_space<hbm>> -> memref<1x1x1x2048xf32, #tpu.memory_space<hbm>>
      %dma_start3A_607 = tpu.memref_squeeze %dma_start3A_606 : memref<1x1x1x2048xf32, #tpu.memory_space<hbm>> -> memref<2048xf32, #tpu.memory_space<hbm>>
      %dma_start3A_608 = arith.constant 0 : i32
      %dma_start3A_609 = tpu.memref_slice %arg5[%dma_start3A_601, %select_n3A_497, %add3A_599, %dma_start3A_608] : memref<1x12x2048x2048xf32, #tpu.memory_space<hbm>> -> memref<1x1x1x2048xf32, #tpu.memory_space<hbm>>
      %dma_start3A_610 = tpu.memref_squeeze %dma_start3A_609 : memref<1x1x1x2048xf32, #tpu.memory_space<hbm>> -> memref<2048xf32, #tpu.memory_space<hbm>>
      %dma_start3A_611 = arith.constant 0 : i32
      %dma_start3A_612 = tpu.memref_slice %arg9[%dma_start3A_600, %squeeze3A_597, %dma_start3A_611] : memref<3x4x2048xf32, #tpu.memory_space<vmem>> -> memref<1x1x2048xf32, #tpu.memory_space<vmem>>
      %dma_start3A_613 = tpu.memref_squeeze %dma_start3A_612 : memref<1x1x2048xf32, #tpu.memory_space<vmem>> -> memref<2048xf32, #tpu.memory_space<vmem>>
      tpu.enqueue_dma source(%dma_start3A_613 : memref<2048xf32, #tpu.memory_space<vmem>>) target(%dma_start3A_610 : memref<2048xf32, #tpu.memory_space<hbm>>) target_semaphore(%arg10 : memref<!tpu.dma_semaphore, #tpu.memory_space<semaphore_mem>>)
      %slice3A_614 = vector.extract_strided_slice %get3A_541 {offsets = [4], sizes = [1], strides = [1]} : vector<16xi32> to vector<1xi32>
      %squeeze3A_615 = vector.extract %slice3A_614[0] : i32 from vector<1xi32>
      %add3A_616 = arith.constant 4 : i32
      %add3A_617 = arith.addi %add3A_534, %add3A_616 : i32
      %dma_start3A_618 = arith.constant 2 : i32
      %dma_start3A_619 = arith.constant 0 : i32
      %dma_start3A_620 = arith.constant 0 : i32
      %dma_start3A_621 = tpu.memref_slice %arg9[%dma_start3A_618, %squeeze3A_615, %dma_start3A_620] : memref<3x4x2048xf32, #tpu.memory_space<vmem>> -> memref<1x1x2048xf32, #tpu.memory_space<vmem>>
      %dma_start3A_622 = tpu.memref_squeeze %dma_start3A_621 : memref<1x1x2048xf32, #tpu.memory_space<vmem>> -> memref<2048xf32, #tpu.memory_space<vmem>>
      %dma_start3A_623 = arith.constant 0 : i32
      %dma_start3A_624 = tpu.memref_slice %arg5[%dma_start3A_619, %select_n3A_497, %add3A_617, %dma_start3A_623] : memref<1x12x2048x2048xf32, #tpu.memory_space<hbm>> -> memref<1x1x1x2048xf32, #tpu.memory_space<hbm>>
      %dma_start3A_625 = tpu.memref_squeeze %dma_start3A_624 : memref<1x1x1x2048xf32, #tpu.memory_space<hbm>> -> memref<2048xf32, #tpu.memory_space<hbm>>
      %dma_start3A_626 = arith.constant 0 : i32
      %dma_start3A_627 = tpu.memref_slice %arg5[%dma_start3A_619, %select_n3A_497, %add3A_617, %dma_start3A_626] : memref<1x12x2048x2048xf32, #tpu.memory_space<hbm>> -> memref<1x1x1x2048xf32, #tpu.memory_space<hbm>>
      %dma_start3A_628 = tpu.memref_squeeze %dma_start3A_627 : memref<1x1x1x2048xf32, #tpu.memory_space<hbm>> -> memref<2048xf32, #tpu.memory_space<hbm>>
      %dma_start3A_629 = arith.constant 0 : i32
      %dma_start3A_630 = tpu.memref_slice %arg9[%dma_start3A_618, %squeeze3A_615, %dma_start3A_629] : memref<3x4x2048xf32, #tpu.memory_space<vmem>> -> memref<1x1x2048xf32, #tpu.memory_space<vmem>>
      %dma_start3A_631 = tpu.memref_squeeze %dma_start3A_630 : memref<1x1x2048xf32, #tpu.memory_space<vmem>> -> memref<2048xf32, #tpu.memory_space<vmem>>
      tpu.enqueue_dma source(%dma_start3A_631 : memref<2048xf32, #tpu.memory_space<vmem>>) target(%dma_start3A_628 : memref<2048xf32, #tpu.memory_space<hbm>>) target_semaphore(%arg10 : memref<!tpu.dma_semaphore, #tpu.memory_space<semaphore_mem>>)
      %slice3A_632 = vector.extract_strided_slice %get3A_541 {offsets = [5], sizes = [1], strides = [1]} : vector<16xi32> to vector<1xi32>
      %squeeze3A_633 = vector.extract %slice3A_632[0] : i32 from vector<1xi32>
      %add3A_634 = arith.constant 5 : i32
      %add3A_635 = arith.addi %add3A_534, %add3A_634 : i32
      %dma_start3A_636 = arith.constant 2 : i32
      %dma_start3A_637 = arith.constant 0 : i32
      %dma_start3A_638 = arith.constant 0 : i32
      %dma_start3A_639 = tpu.memref_slice %arg9[%dma_start3A_636, %squeeze3A_633, %dma_start3A_638] : memref<3x4x2048xf32, #tpu.memory_space<vmem>> -> memref<1x1x2048xf32, #tpu.memory_space<vmem>>
      %dma_start3A_640 = tpu.memref_squeeze %dma_start3A_639 : memref<1x1x2048xf32, #tpu.memory_space<vmem>> -> memref<2048xf32, #tpu.memory_space<vmem>>
      %dma_start3A_641 = arith.constant 0 : i32
      %dma_start3A_642 = tpu.memref_slice %arg5[%dma_start3A_637, %select_n3A_497, %add3A_635, %dma_start3A_641] : memref<1x12x2048x2048xf32, #tpu.memory_space<hbm>> -> memref<1x1x1x2048xf32, #tpu.memory_space<hbm>>
      %dma_start3A_643 = tpu.memref_squeeze %dma_start3A_642 : memref<1x1x1x2048xf32, #tpu.memory_space<hbm>> -> memref<2048xf32, #tpu.memory_space<hbm>>
      %dma_start3A_644 = arith.constant 0 : i32
      %dma_start3A_645 = tpu.memref_slice %arg5[%dma_start3A_637, %select_n3A_497, %add3A_635, %dma_start3A_644] : memref<1x12x2048x2048xf32, #tpu.memory_space<hbm>> -> memref<1x1x1x2048xf32, #tpu.memory_space<hbm>>
      %dma_start3A_646 = tpu.memref_squeeze %dma_start3A_645 : memref<1x1x1x2048xf32, #tpu.memory_space<hbm>> -> memref<2048xf32, #tpu.memory_space<hbm>>
      %dma_start3A_647 = arith.constant 0 : i32
      %dma_start3A_648 = tpu.memref_slice %arg9[%dma_start3A_636, %squeeze3A_633, %dma_start3A_647] : memref<3x4x2048xf32, #tpu.memory_space<vmem>> -> memref<1x1x2048xf32, #tpu.memory_space<vmem>>
      %dma_start3A_649 = tpu.memref_squeeze %dma_start3A_648 : memref<1x1x2048xf32, #tpu.memory_space<vmem>> -> memref<2048xf32, #tpu.memory_space<vmem>>
      tpu.enqueue_dma source(%dma_start3A_649 : memref<2048xf32, #tpu.memory_space<vmem>>) target(%dma_start3A_646 : memref<2048xf32, #tpu.memory_space<hbm>>) target_semaphore(%arg10 : memref<!tpu.dma_semaphore, #tpu.memory_space<semaphore_mem>>)
      %slice3A_650 = vector.extract_strided_slice %get3A_541 {offsets = [6], sizes = [1], strides = [1]} : vector<16xi32> to vector<1xi32>
      %squeeze3A_651 = vector.extract %slice3A_650[0] : i32 from vector<1xi32>
      %add3A_652 = arith.constant 6 : i32
      %add3A_653 = arith.addi %add3A_534, %add3A_652 : i32
      %dma_start3A_654 = arith.constant 2 : i32
      %dma_start3A_655 = arith.constant 0 : i32
      %dma_start3A_656 = arith.constant 0 : i32
      %dma_start3A_657 = tpu.memref_slice %arg9[%dma_start3A_654, %squeeze3A_651, %dma_start3A_656] : memref<3x4x2048xf32, #tpu.memory_space<vmem>> -> memref<1x1x2048xf32, #tpu.memory_space<vmem>>
      %dma_start3A_658 = tpu.memref_squeeze %dma_start3A_657 : memref<1x1x2048xf32, #tpu.memory_space<vmem>> -> memref<2048xf32, #tpu.memory_space<vmem>>
      %dma_start3A_659 = arith.constant 0 : i32
      %dma_start3A_660 = tpu.memref_slice %arg5[%dma_start3A_655, %select_n3A_497, %add3A_653, %dma_start3A_659] : memref<1x12x2048x2048xf32, #tpu.memory_space<hbm>> -> memref<1x1x1x2048xf32, #tpu.memory_space<hbm>>
      %dma_start3A_661 = tpu.memref_squeeze %dma_start3A_660 : memref<1x1x1x2048xf32, #tpu.memory_space<hbm>> -> memref<2048xf32, #tpu.memory_space<hbm>>
      %dma_start3A_662 = arith.constant 0 : i32
      %dma_start3A_663 = tpu.memref_slice %arg5[%dma_start3A_655, %select_n3A_497, %add3A_653, %dma_start3A_662] : memref<1x12x2048x2048xf32, #tpu.memory_space<hbm>> -> memref<1x1x1x2048xf32, #tpu.memory_space<hbm>>
      %dma_start3A_664 = tpu.memref_squeeze %dma_start3A_663 : memref<1x1x1x2048xf32, #tpu.memory_space<hbm>> -> memref<2048xf32, #tpu.memory_space<hbm>>
      %dma_start3A_665 = arith.constant 0 : i32
      %dma_start3A_666 = tpu.memref_slice %arg9[%dma_start3A_654, %squeeze3A_651, %dma_start3A_665] : memref<3x4x2048xf32, #tpu.memory_space<vmem>> -> memref<1x1x2048xf32, #tpu.memory_space<vmem>>
      %dma_start3A_667 = tpu.memref_squeeze %dma_start3A_666 : memref<1x1x2048xf32, #tpu.memory_space<vmem>> -> memref<2048xf32, #tpu.memory_space<vmem>>
      tpu.enqueue_dma source(%dma_start3A_667 : memref<2048xf32, #tpu.memory_space<vmem>>) target(%dma_start3A_664 : memref<2048xf32, #tpu.memory_space<hbm>>) target_semaphore(%arg10 : memref<!tpu.dma_semaphore, #tpu.memory_space<semaphore_mem>>)
      %slice3A_668 = vector.extract_strided_slice %get3A_541 {offsets = [7], sizes = [1], strides = [1]} : vector<16xi32> to vector<1xi32>
      %squeeze3A_669 = vector.extract %slice3A_668[0] : i32 from vector<1xi32>
      %add3A_670 = arith.constant 7 : i32
      %add3A_671 = arith.addi %add3A_534, %add3A_670 : i32
      %dma_start3A_672 = arith.constant 2 : i32
      %dma_start3A_673 = arith.constant 0 : i32
      %dma_start3A_674 = arith.constant 0 : i32
      %dma_start3A_675 = tpu.memref_slice %arg9[%dma_start3A_672, %squeeze3A_669, %dma_start3A_674] : memref<3x4x2048xf32, #tpu.memory_space<vmem>> -> memref<1x1x2048xf32, #tpu.memory_space<vmem>>
      %dma_start3A_676 = tpu.memref_squeeze %dma_start3A_675 : memref<1x1x2048xf32, #tpu.memory_space<vmem>> -> memref<2048xf32, #tpu.memory_space<vmem>>
      %dma_start3A_677 = arith.constant 0 : i32
      %dma_start3A_678 = tpu.memref_slice %arg5[%dma_start3A_673, %select_n3A_497, %add3A_671, %dma_start3A_677] : memref<1x12x2048x2048xf32, #tpu.memory_space<hbm>> -> memref<1x1x1x2048xf32, #tpu.memory_space<hbm>>
      %dma_start3A_679 = tpu.memref_squeeze %dma_start3A_678 : memref<1x1x1x2048xf32, #tpu.memory_space<hbm>> -> memref<2048xf32, #tpu.memory_space<hbm>>
      %dma_start3A_680 = arith.constant 0 : i32
      %dma_start3A_681 = tpu.memref_slice %arg5[%dma_start3A_673, %select_n3A_497, %add3A_671, %dma_start3A_680] : memref<1x12x2048x2048xf32, #tpu.memory_space<hbm>> -> memref<1x1x1x2048xf32, #tpu.memory_space<hbm>>
      %dma_start3A_682 = tpu.memref_squeeze %dma_start3A_681 : memref<1x1x1x2048xf32, #tpu.memory_space<hbm>> -> memref<2048xf32, #tpu.memory_space<hbm>>
      %dma_start3A_683 = arith.constant 0 : i32
      %dma_start3A_684 = tpu.memref_slice %arg9[%dma_start3A_672, %squeeze3A_669, %dma_start3A_683] : memref<3x4x2048xf32, #tpu.memory_space<vmem>> -> memref<1x1x2048xf32, #tpu.memory_space<vmem>>
      %dma_start3A_685 = tpu.memref_squeeze %dma_start3A_684 : memref<1x1x2048xf32, #tpu.memory_space<vmem>> -> memref<2048xf32, #tpu.memory_space<vmem>>
      tpu.enqueue_dma source(%dma_start3A_685 : memref<2048xf32, #tpu.memory_space<vmem>>) target(%dma_start3A_682 : memref<2048xf32, #tpu.memory_space<hbm>>) target_semaphore(%arg10 : memref<!tpu.dma_semaphore, #tpu.memory_space<semaphore_mem>>)
      %slice3A_686 = vector.extract_strided_slice %get3A_541 {offsets = [8], sizes = [1], strides = [1]} : vector<16xi32> to vector<1xi32>
      %squeeze3A_687 = vector.extract %slice3A_686[0] : i32 from vector<1xi32>
      %add3A_688 = arith.constant 8 : i32
      %add3A_689 = arith.addi %add3A_534, %add3A_688 : i32
      %dma_start3A_690 = arith.constant 2 : i32
      %dma_start3A_691 = arith.constant 0 : i32
      %dma_start3A_692 = arith.constant 0 : i32
      %dma_start3A_693 = tpu.memref_slice %arg9[%dma_start3A_690, %squeeze3A_687, %dma_start3A_692] : memref<3x4x2048xf32, #tpu.memory_space<vmem>> -> memref<1x1x2048xf32, #tpu.memory_space<vmem>>
      %dma_start3A_694 = tpu.memref_squeeze %dma_start3A_693 : memref<1x1x2048xf32, #tpu.memory_space<vmem>> -> memref<2048xf32, #tpu.memory_space<vmem>>
      %dma_start3A_695 = arith.constant 0 : i32
      %dma_start3A_696 = tpu.memref_slice %arg5[%dma_start3A_691, %select_n3A_497, %add3A_689, %dma_start3A_695] : memref<1x12x2048x2048xf32, #tpu.memory_space<hbm>> -> memref<1x1x1x2048xf32, #tpu.memory_space<hbm>>
      %dma_start3A_697 = tpu.memref_squeeze %dma_start3A_696 : memref<1x1x1x2048xf32, #tpu.memory_space<hbm>> -> memref<2048xf32, #tpu.memory_space<hbm>>
      %dma_start3A_698 = arith.constant 0 : i32
      %dma_start3A_699 = tpu.memref_slice %arg5[%dma_start3A_691, %select_n3A_497, %add3A_689, %dma_start3A_698] : memref<1x12x2048x2048xf32, #tpu.memory_space<hbm>> -> memref<1x1x1x2048xf32, #tpu.memory_space<hbm>>
      %dma_start3A_700 = tpu.memref_squeeze %dma_start3A_699 : memref<1x1x1x2048xf32, #tpu.memory_space<hbm>> -> memref<2048xf32, #tpu.memory_space<hbm>>
      %dma_start3A_701 = arith.constant 0 : i32
      %dma_start3A_702 = tpu.memref_slice %arg9[%dma_start3A_690, %squeeze3A_687, %dma_start3A_701] : memref<3x4x2048xf32, #tpu.memory_space<vmem>> -> memref<1x1x2048xf32, #tpu.memory_space<vmem>>
      %dma_start3A_703 = tpu.memref_squeeze %dma_start3A_702 : memref<1x1x2048xf32, #tpu.memory_space<vmem>> -> memref<2048xf32, #tpu.memory_space<vmem>>
      tpu.enqueue_dma source(%dma_start3A_703 : memref<2048xf32, #tpu.memory_space<vmem>>) target(%dma_start3A_700 : memref<2048xf32, #tpu.memory_space<hbm>>) target_semaphore(%arg10 : memref<!tpu.dma_semaphore, #tpu.memory_space<semaphore_mem>>)
      %slice3A_704 = vector.extract_strided_slice %get3A_541 {offsets = [9], sizes = [1], strides = [1]} : vector<16xi32> to vector<1xi32>
      %squeeze3A_705 = vector.extract %slice3A_704[0] : i32 from vector<1xi32>
      %add3A_706 = arith.constant 9 : i32
      %add3A_707 = arith.addi %add3A_534, %add3A_706 : i32
      %dma_start3A_708 = arith.constant 2 : i32
      %dma_start3A_709 = arith.constant 0 : i32
      %dma_start3A_710 = arith.constant 0 : i32
      %dma_start3A_711 = tpu.memref_slice %arg9[%dma_start3A_708, %squeeze3A_705, %dma_start3A_710] : memref<3x4x2048xf32, #tpu.memory_space<vmem>> -> memref<1x1x2048xf32, #tpu.memory_space<vmem>>
      %dma_start3A_712 = tpu.memref_squeeze %dma_start3A_711 : memref<1x1x2048xf32, #tpu.memory_space<vmem>> -> memref<2048xf32, #tpu.memory_space<vmem>>
      %dma_start3A_713 = arith.constant 0 : i32
      %dma_start3A_714 = tpu.memref_slice %arg5[%dma_start3A_709, %select_n3A_497, %add3A_707, %dma_start3A_713] : memref<1x12x2048x2048xf32, #tpu.memory_space<hbm>> -> memref<1x1x1x2048xf32, #tpu.memory_space<hbm>>
      %dma_start3A_715 = tpu.memref_squeeze %dma_start3A_714 : memref<1x1x1x2048xf32, #tpu.memory_space<hbm>> -> memref<2048xf32, #tpu.memory_space<hbm>>
      %dma_start3A_716 = arith.constant 0 : i32
      %dma_start3A_717 = tpu.memref_slice %arg5[%dma_start3A_709, %select_n3A_497, %add3A_707, %dma_start3A_716] : memref<1x12x2048x2048xf32, #tpu.memory_space<hbm>> -> memref<1x1x1x2048xf32, #tpu.memory_space<hbm>>
      %dma_start3A_718 = tpu.memref_squeeze %dma_start3A_717 : memref<1x1x1x2048xf32, #tpu.memory_space<hbm>> -> memref<2048xf32, #tpu.memory_space<hbm>>
      %dma_start3A_719 = arith.constant 0 : i32
      %dma_start3A_720 = tpu.memref_slice %arg9[%dma_start3A_708, %squeeze3A_705, %dma_start3A_719] : memref<3x4x2048xf32, #tpu.memory_space<vmem>> -> memref<1x1x2048xf32, #tpu.memory_space<vmem>>
      %dma_start3A_721 = tpu.memref_squeeze %dma_start3A_720 : memref<1x1x2048xf32, #tpu.memory_space<vmem>> -> memref<2048xf32, #tpu.memory_space<vmem>>
      tpu.enqueue_dma source(%dma_start3A_721 : memref<2048xf32, #tpu.memory_space<vmem>>) target(%dma_start3A_718 : memref<2048xf32, #tpu.memory_space<hbm>>) target_semaphore(%arg10 : memref<!tpu.dma_semaphore, #tpu.memory_space<semaphore_mem>>)
      %slice3A_722 = vector.extract_strided_slice %get3A_541 {offsets = [10], sizes = [1], strides = [1]} : vector<16xi32> to vector<1xi32>
      %squeeze3A_723 = vector.extract %slice3A_722[0] : i32 from vector<1xi32>
      %add3A_724 = arith.constant 10 : i32
      %add3A_725 = arith.addi %add3A_534, %add3A_724 : i32
      %dma_start3A_726 = arith.constant 2 : i32
      %dma_start3A_727 = arith.constant 0 : i32
      %dma_start3A_728 = arith.constant 0 : i32
      %dma_start3A_729 = tpu.memref_slice %arg9[%dma_start3A_726, %squeeze3A_723, %dma_start3A_728] : memref<3x4x2048xf32, #tpu.memory_space<vmem>> -> memref<1x1x2048xf32, #tpu.memory_space<vmem>>
      %dma_start3A_730 = tpu.memref_squeeze %dma_start3A_729 : memref<1x1x2048xf32, #tpu.memory_space<vmem>> -> memref<2048xf32, #tpu.memory_space<vmem>>
      %dma_start3A_731 = arith.constant 0 : i32
      %dma_start3A_732 = tpu.memref_slice %arg5[%dma_start3A_727, %select_n3A_497, %add3A_725, %dma_start3A_731] : memref<1x12x2048x2048xf32, #tpu.memory_space<hbm>> -> memref<1x1x1x2048xf32, #tpu.memory_space<hbm>>
      %dma_start3A_733 = tpu.memref_squeeze %dma_start3A_732 : memref<1x1x1x2048xf32, #tpu.memory_space<hbm>> -> memref<2048xf32, #tpu.memory_space<hbm>>
      %dma_start3A_734 = arith.constant 0 : i32
      %dma_start3A_735 = tpu.memref_slice %arg5[%dma_start3A_727, %select_n3A_497, %add3A_725, %dma_start3A_734] : memref<1x12x2048x2048xf32, #tpu.memory_space<hbm>> -> memref<1x1x1x2048xf32, #tpu.memory_space<hbm>>
      %dma_start3A_736 = tpu.memref_squeeze %dma_start3A_735 : memref<1x1x1x2048xf32, #tpu.memory_space<hbm>> -> memref<2048xf32, #tpu.memory_space<hbm>>
      %dma_start3A_737 = arith.constant 0 : i32
      %dma_start3A_738 = tpu.memref_slice %arg9[%dma_start3A_726, %squeeze3A_723, %dma_start3A_737] : memref<3x4x2048xf32, #tpu.memory_space<vmem>> -> memref<1x1x2048xf32, #tpu.memory_space<vmem>>
      %dma_start3A_739 = tpu.memref_squeeze %dma_start3A_738 : memref<1x1x2048xf32, #tpu.memory_space<vmem>> -> memref<2048xf32, #tpu.memory_space<vmem>>
      tpu.enqueue_dma source(%dma_start3A_739 : memref<2048xf32, #tpu.memory_space<vmem>>) target(%dma_start3A_736 : memref<2048xf32, #tpu.memory_space<hbm>>) target_semaphore(%arg10 : memref<!tpu.dma_semaphore, #tpu.memory_space<semaphore_mem>>)
      %slice3A_740 = vector.extract_strided_slice %get3A_541 {offsets = [11], sizes = [1], strides = [1]} : vector<16xi32> to vector<1xi32>
      %squeeze3A_741 = vector.extract %slice3A_740[0] : i32 from vector<1xi32>
      %add3A_742 = arith.constant 11 : i32
      %add3A_743 = arith.addi %add3A_534, %add3A_742 : i32
      %dma_start3A_744 = arith.constant 2 : i32
      %dma_start3A_745 = arith.constant 0 : i32
      %dma_start3A_746 = arith.constant 0 : i32
      %dma_start3A_747 = tpu.memref_slice %arg9[%dma_start3A_744, %squeeze3A_741, %dma_start3A_746] : memref<3x4x2048xf32, #tpu.memory_space<vmem>> -> memref<1x1x2048xf32, #tpu.memory_space<vmem>>
      %dma_start3A_748 = tpu.memref_squeeze %dma_start3A_747 : memref<1x1x2048xf32, #tpu.memory_space<vmem>> -> memref<2048xf32, #tpu.memory_space<vmem>>
      %dma_start3A_749 = arith.constant 0 : i32
      %dma_start3A_750 = tpu.memref_slice %arg5[%dma_start3A_745, %select_n3A_497, %add3A_743, %dma_start3A_749] : memref<1x12x2048x2048xf32, #tpu.memory_space<hbm>> -> memref<1x1x1x2048xf32, #tpu.memory_space<hbm>>
      %dma_start3A_751 = tpu.memref_squeeze %dma_start3A_750 : memref<1x1x1x2048xf32, #tpu.memory_space<hbm>> -> memref<2048xf32, #tpu.memory_space<hbm>>
      %dma_start3A_752 = arith.constant 0 : i32
      %dma_start3A_753 = tpu.memref_slice %arg5[%dma_start3A_745, %select_n3A_497, %add3A_743, %dma_start3A_752] : memref<1x12x2048x2048xf32, #tpu.memory_space<hbm>> -> memref<1x1x1x2048xf32, #tpu.memory_space<hbm>>
      %dma_start3A_754 = tpu.memref_squeeze %dma_start3A_753 : memref<1x1x1x2048xf32, #tpu.memory_space<hbm>> -> memref<2048xf32, #tpu.memory_space<hbm>>
      %dma_start3A_755 = arith.constant 0 : i32
      %dma_start3A_756 = tpu.memref_slice %arg9[%dma_start3A_744, %squeeze3A_741, %dma_start3A_755] : memref<3x4x2048xf32, #tpu.memory_space<vmem>> -> memref<1x1x2048xf32, #tpu.memory_space<vmem>>
      %dma_start3A_757 = tpu.memref_squeeze %dma_start3A_756 : memref<1x1x2048xf32, #tpu.memory_space<vmem>> -> memref<2048xf32, #tpu.memory_space<vmem>>
      tpu.enqueue_dma source(%dma_start3A_757 : memref<2048xf32, #tpu.memory_space<vmem>>) target(%dma_start3A_754 : memref<2048xf32, #tpu.memory_space<hbm>>) target_semaphore(%arg10 : memref<!tpu.dma_semaphore, #tpu.memory_space<semaphore_mem>>)
      %slice3A_758 = vector.extract_strided_slice %get3A_541 {offsets = [12], sizes = [1], strides = [1]} : vector<16xi32> to vector<1xi32>
      %squeeze3A_759 = vector.extract %slice3A_758[0] : i32 from vector<1xi32>
      %add3A_760 = arith.constant 12 : i32
      %add3A_761 = arith.addi %add3A_534, %add3A_760 : i32
      %dma_start3A_762 = arith.constant 2 : i32
      %dma_start3A_763 = arith.constant 0 : i32
      %dma_start3A_764 = arith.constant 0 : i32
      %dma_start3A_765 = tpu.memref_slice %arg9[%dma_start3A_762, %squeeze3A_759, %dma_start3A_764] : memref<3x4x2048xf32, #tpu.memory_space<vmem>> -> memref<1x1x2048xf32, #tpu.memory_space<vmem>>
      %dma_start3A_766 = tpu.memref_squeeze %dma_start3A_765 : memref<1x1x2048xf32, #tpu.memory_space<vmem>> -> memref<2048xf32, #tpu.memory_space<vmem>>
      %dma_start3A_767 = arith.constant 0 : i32
      %dma_start3A_768 = tpu.memref_slice %arg5[%dma_start3A_763, %select_n3A_497, %add3A_761, %dma_start3A_767] : memref<1x12x2048x2048xf32, #tpu.memory_space<hbm>> -> memref<1x1x1x2048xf32, #tpu.memory_space<hbm>>
      %dma_start3A_769 = tpu.memref_squeeze %dma_start3A_768 : memref<1x1x1x2048xf32, #tpu.memory_space<hbm>> -> memref<2048xf32, #tpu.memory_space<hbm>>
      %dma_start3A_770 = arith.constant 0 : i32
      %dma_start3A_771 = tpu.memref_slice %arg5[%dma_start3A_763, %select_n3A_497, %add3A_761, %dma_start3A_770] : memref<1x12x2048x2048xf32, #tpu.memory_space<hbm>> -> memref<1x1x1x2048xf32, #tpu.memory_space<hbm>>
      %dma_start3A_772 = tpu.memref_squeeze %dma_start3A_771 : memref<1x1x1x2048xf32, #tpu.memory_space<hbm>> -> memref<2048xf32, #tpu.memory_space<hbm>>
      %dma_start3A_773 = arith.constant 0 : i32
      %dma_start3A_774 = tpu.memref_slice %arg9[%dma_start3A_762, %squeeze3A_759, %dma_start3A_773] : memref<3x4x2048xf32, #tpu.memory_space<vmem>> -> memref<1x1x2048xf32, #tpu.memory_space<vmem>>
      %dma_start3A_775 = tpu.memref_squeeze %dma_start3A_774 : memref<1x1x2048xf32, #tpu.memory_space<vmem>> -> memref<2048xf32, #tpu.memory_space<vmem>>
      tpu.enqueue_dma source(%dma_start3A_775 : memref<2048xf32, #tpu.memory_space<vmem>>) target(%dma_start3A_772 : memref<2048xf32, #tpu.memory_space<hbm>>) target_semaphore(%arg10 : memref<!tpu.dma_semaphore, #tpu.memory_space<semaphore_mem>>)
      %slice3A_776 = vector.extract_strided_slice %get3A_541 {offsets = [13], sizes = [1], strides = [1]} : vector<16xi32> to vector<1xi32>
      %squeeze3A_777 = vector.extract %slice3A_776[0] : i32 from vector<1xi32>
      %add3A_778 = arith.constant 13 : i32
      %add3A_779 = arith.addi %add3A_534, %add3A_778 : i32
      %dma_start3A_780 = arith.constant 2 : i32
      %dma_start3A_781 = arith.constant 0 : i32
      %dma_start3A_782 = arith.constant 0 : i32
      %dma_start3A_783 = tpu.memref_slice %arg9[%dma_start3A_780, %squeeze3A_777, %dma_start3A_782] : memref<3x4x2048xf32, #tpu.memory_space<vmem>> -> memref<1x1x2048xf32, #tpu.memory_space<vmem>>
      %dma_start3A_784 = tpu.memref_squeeze %dma_start3A_783 : memref<1x1x2048xf32, #tpu.memory_space<vmem>> -> memref<2048xf32, #tpu.memory_space<vmem>>
      %dma_start3A_785 = arith.constant 0 : i32
      %dma_start3A_786 = tpu.memref_slice %arg5[%dma_start3A_781, %select_n3A_497, %add3A_779, %dma_start3A_785] : memref<1x12x2048x2048xf32, #tpu.memory_space<hbm>> -> memref<1x1x1x2048xf32, #tpu.memory_space<hbm>>
      %dma_start3A_787 = tpu.memref_squeeze %dma_start3A_786 : memref<1x1x1x2048xf32, #tpu.memory_space<hbm>> -> memref<2048xf32, #tpu.memory_space<hbm>>
      %dma_start3A_788 = arith.constant 0 : i32
      %dma_start3A_789 = tpu.memref_slice %arg5[%dma_start3A_781, %select_n3A_497, %add3A_779, %dma_start3A_788] : memref<1x12x2048x2048xf32, #tpu.memory_space<hbm>> -> memref<1x1x1x2048xf32, #tpu.memory_space<hbm>>
      %dma_start3A_790 = tpu.memref_squeeze %dma_start3A_789 : memref<1x1x1x2048xf32, #tpu.memory_space<hbm>> -> memref<2048xf32, #tpu.memory_space<hbm>>
      %dma_start3A_791 = arith.constant 0 : i32
      %dma_start3A_792 = tpu.memref_slice %arg9[%dma_start3A_780, %squeeze3A_777, %dma_start3A_791] : memref<3x4x2048xf32, #tpu.memory_space<vmem>> -> memref<1x1x2048xf32, #tpu.memory_space<vmem>>
      %dma_start3A_793 = tpu.memref_squeeze %dma_start3A_792 : memref<1x1x2048xf32, #tpu.memory_space<vmem>> -> memref<2048xf32, #tpu.memory_space<vmem>>
      tpu.enqueue_dma source(%dma_start3A_793 : memref<2048xf32, #tpu.memory_space<vmem>>) target(%dma_start3A_790 : memref<2048xf32, #tpu.memory_space<hbm>>) target_semaphore(%arg10 : memref<!tpu.dma_semaphore, #tpu.memory_space<semaphore_mem>>)
      %slice3A_794 = vector.extract_strided_slice %get3A_541 {offsets = [14], sizes = [1], strides = [1]} : vector<16xi32> to vector<1xi32>
      %squeeze3A_795 = vector.extract %slice3A_794[0] : i32 from vector<1xi32>
      %add3A_796 = arith.constant 14 : i32
      %add3A_797 = arith.addi %add3A_534, %add3A_796 : i32
      %dma_start3A_798 = arith.constant 2 : i32
      %dma_start3A_799 = arith.constant 0 : i32
      %dma_start3A_800 = arith.constant 0 : i32
      %dma_start3A_801 = tpu.memref_slice %arg9[%dma_start3A_798, %squeeze3A_795, %dma_start3A_800] : memref<3x4x2048xf32, #tpu.memory_space<vmem>> -> memref<1x1x2048xf32, #tpu.memory_space<vmem>>
      %dma_start3A_802 = tpu.memref_squeeze %dma_start3A_801 : memref<1x1x2048xf32, #tpu.memory_space<vmem>> -> memref<2048xf32, #tpu.memory_space<vmem>>
      %dma_start3A_803 = arith.constant 0 : i32
      %dma_start3A_804 = tpu.memref_slice %arg5[%dma_start3A_799, %select_n3A_497, %add3A_797, %dma_start3A_803] : memref<1x12x2048x2048xf32, #tpu.memory_space<hbm>> -> memref<1x1x1x2048xf32, #tpu.memory_space<hbm>>
      %dma_start3A_805 = tpu.memref_squeeze %dma_start3A_804 : memref<1x1x1x2048xf32, #tpu.memory_space<hbm>> -> memref<2048xf32, #tpu.memory_space<hbm>>
      %dma_start3A_806 = arith.constant 0 : i32
      %dma_start3A_807 = tpu.memref_slice %arg5[%dma_start3A_799, %select_n3A_497, %add3A_797, %dma_start3A_806] : memref<1x12x2048x2048xf32, #tpu.memory_space<hbm>> -> memref<1x1x1x2048xf32, #tpu.memory_space<hbm>>
      %dma_start3A_808 = tpu.memref_squeeze %dma_start3A_807 : memref<1x1x1x2048xf32, #tpu.memory_space<hbm>> -> memref<2048xf32, #tpu.memory_space<hbm>>
      %dma_start3A_809 = arith.constant 0 : i32
      %dma_start3A_810 = tpu.memref_slice %arg9[%dma_start3A_798, %squeeze3A_795, %dma_start3A_809] : memref<3x4x2048xf32, #tpu.memory_space<vmem>> -> memref<1x1x2048xf32, #tpu.memory_space<vmem>>
      %dma_start3A_811 = tpu.memref_squeeze %dma_start3A_810 : memref<1x1x2048xf32, #tpu.memory_space<vmem>> -> memref<2048xf32, #tpu.memory_space<vmem>>
      tpu.enqueue_dma source(%dma_start3A_811 : memref<2048xf32, #tpu.memory_space<vmem>>) target(%dma_start3A_808 : memref<2048xf32, #tpu.memory_space<hbm>>) target_semaphore(%arg10 : memref<!tpu.dma_semaphore, #tpu.memory_space<semaphore_mem>>)
      %slice3A_812 = vector.extract_strided_slice %get3A_541 {offsets = [15], sizes = [1], strides = [1]} : vector<16xi32> to vector<1xi32>
      %squeeze3A_813 = vector.extract %slice3A_812[0] : i32 from vector<1xi32>
      %add3A_814 = arith.constant 15 : i32
      %add3A_815 = arith.addi %add3A_534, %add3A_814 : i32
      %dma_start3A_816 = arith.constant 2 : i32
      %dma_start3A_817 = arith.constant 0 : i32
      %dma_start3A_818 = arith.constant 0 : i32
      %dma_start3A_819 = tpu.memref_slice %arg9[%dma_start3A_816, %squeeze3A_813, %dma_start3A_818] : memref<3x4x2048xf32, #tpu.memory_space<vmem>> -> memref<1x1x2048xf32, #tpu.memory_space<vmem>>
      %dma_start3A_820 = tpu.memref_squeeze %dma_start3A_819 : memref<1x1x2048xf32, #tpu.memory_space<vmem>> -> memref<2048xf32, #tpu.memory_space<vmem>>
      %dma_start3A_821 = arith.constant 0 : i32
      %dma_start3A_822 = tpu.memref_slice %arg5[%dma_start3A_817, %select_n3A_497, %add3A_815, %dma_start3A_821] : memref<1x12x2048x2048xf32, #tpu.memory_space<hbm>> -> memref<1x1x1x2048xf32, #tpu.memory_space<hbm>>
      %dma_start3A_823 = tpu.memref_squeeze %dma_start3A_822 : memref<1x1x1x2048xf32, #tpu.memory_space<hbm>> -> memref<2048xf32, #tpu.memory_space<hbm>>
      %dma_start3A_824 = arith.constant 0 : i32
      %dma_start3A_825 = tpu.memref_slice %arg5[%dma_start3A_817, %select_n3A_497, %add3A_815, %dma_start3A_824] : memref<1x12x2048x2048xf32, #tpu.memory_space<hbm>> -> memref<1x1x1x2048xf32, #tpu.memory_space<hbm>>
      %dma_start3A_826 = tpu.memref_squeeze %dma_start3A_825 : memref<1x1x1x2048xf32, #tpu.memory_space<hbm>> -> memref<2048xf32, #tpu.memory_space<hbm>>
      %dma_start3A_827 = arith.constant 0 : i32
      %dma_start3A_828 = tpu.memref_slice %arg9[%dma_start3A_816, %squeeze3A_813, %dma_start3A_827] : memref<3x4x2048xf32, #tpu.memory_space<vmem>> -> memref<1x1x2048xf32, #tpu.memory_space<vmem>>
      %dma_start3A_829 = tpu.memref_squeeze %dma_start3A_828 : memref<1x1x2048xf32, #tpu.memory_space<vmem>> -> memref<2048xf32, #tpu.memory_space<vmem>>
      tpu.enqueue_dma source(%dma_start3A_829 : memref<2048xf32, #tpu.memory_space<vmem>>) target(%dma_start3A_826 : memref<2048xf32, #tpu.memory_space<hbm>>) target_semaphore(%arg10 : memref<!tpu.dma_semaphore, #tpu.memory_space<semaphore_mem>>)
      %ge3A = arith.constant 3 : i32
      %ge3A_830 = arith.cmpi sge, %scan3A_528, %ge3A : i32
      %convert_element_type3A = arith.extui %ge3A_830 : i1 to i32
      %cond3A = arith.constant 0 : i32
      %cond3A_831 = arith.cmpi ne, %convert_element_type3A, %cond3A : i32
      scf.if %cond3A_831 {
        %dma_wait3A_833 = arith.constant 0 : i32
        %dma_wait3A_834 = arith.constant 0 : i32
        %dma_wait3A_835 = arith.constant 0 : i32
        %dma_wait3A_836 = arith.constant 0 : i32
        %dma_wait3A_837 = arith.constant 0 : i32
        %dma_wait3A_838 = arith.constant 0 : i32
        %dma_wait3A_839 = tpu.memref_slice %arg9[%dma_wait3A_833, %dma_wait3A_834, %dma_wait3A_838] : memref<3x4x2048xf32, #tpu.memory_space<vmem>> -> memref<1x1x2048xf32, #tpu.memory_space<vmem>>
        %dma_wait3A_840 = tpu.memref_squeeze %dma_wait3A_839 : memref<1x1x2048xf32, #tpu.memory_space<vmem>> -> memref<2048xf32, #tpu.memory_space<vmem>>
        %dma_wait3A_841 = arith.constant 0 : i32
        %dma_wait3A_842 = tpu.memref_slice %arg5[%dma_wait3A_835, %dma_wait3A_836, %dma_wait3A_837, %dma_wait3A_841] : memref<1x12x2048x2048xf32, #tpu.memory_space<hbm>> -> memref<1x1x1x2048xf32, #tpu.memory_space<hbm>>
        %dma_wait3A_843 = tpu.memref_squeeze %dma_wait3A_842 : memref<1x1x1x2048xf32, #tpu.memory_space<hbm>> -> memref<2048xf32, #tpu.memory_space<hbm>>
        %dma_wait3A_844 = arith.constant 0 : i32
        %dma_wait3A_845 = tpu.memref_slice %arg5[%dma_wait3A_835, %dma_wait3A_836, %dma_wait3A_837, %dma_wait3A_844] : memref<1x12x2048x2048xf32, #tpu.memory_space<hbm>> -> memref<1x1x1x2048xf32, #tpu.memory_space<hbm>>
        %dma_wait3A_846 = tpu.memref_squeeze %dma_wait3A_845 : memref<1x1x1x2048xf32, #tpu.memory_space<hbm>> -> memref<2048xf32, #tpu.memory_space<hbm>>
        %dma_wait3A_847 = arith.constant 0 : i32
        %dma_wait3A_848 = tpu.memref_slice %arg9[%dma_wait3A_833, %dma_wait3A_834, %dma_wait3A_847] : memref<3x4x2048xf32, #tpu.memory_space<vmem>> -> memref<1x1x2048xf32, #tpu.memory_space<vmem>>
        %dma_wait3A_849 = tpu.memref_squeeze %dma_wait3A_848 : memref<1x1x2048xf32, #tpu.memory_space<vmem>> -> memref<2048xf32, #tpu.memory_space<vmem>>
        tpu.wait_dma2 semaphore(%arg10 : memref<!tpu.dma_semaphore, #tpu.memory_space<semaphore_mem>>) src(%dma_wait3A_849 : memref<2048xf32, #tpu.memory_space<vmem>>) dst(%dma_wait3A_846 : memref<2048xf32, #tpu.memory_space<hbm>>)
        %dma_wait3A_850 = arith.constant 0 : i32
        %dma_wait3A_851 = arith.constant 0 : i32
        %dma_wait3A_852 = arith.constant 0 : i32
        %dma_wait3A_853 = arith.constant 0 : i32
        %dma_wait3A_854 = arith.constant 0 : i32
        %dma_wait3A_855 = arith.constant 0 : i32
        %dma_wait3A_856 = tpu.memref_slice %arg9[%dma_wait3A_850, %dma_wait3A_851, %dma_wait3A_855] : memref<3x4x2048xf32, #tpu.memory_space<vmem>> -> memref<1x1x2048xf32, #tpu.memory_space<vmem>>
        %dma_wait3A_857 = tpu.memref_squeeze %dma_wait3A_856 : memref<1x1x2048xf32, #tpu.memory_space<vmem>> -> memref<2048xf32, #tpu.memory_space<vmem>>
        %dma_wait3A_858 = arith.constant 0 : i32
        %dma_wait3A_859 = tpu.memref_slice %arg5[%dma_wait3A_852, %dma_wait3A_853, %dma_wait3A_854, %dma_wait3A_858] : memref<1x12x2048x2048xf32, #tpu.memory_space<hbm>> -> memref<1x1x1x2048xf32, #tpu.memory_space<hbm>>
        %dma_wait3A_860 = tpu.memref_squeeze %dma_wait3A_859 : memref<1x1x1x2048xf32, #tpu.memory_space<hbm>> -> memref<2048xf32, #tpu.memory_space<hbm>>
        %dma_wait3A_861 = arith.constant 0 : i32
        %dma_wait3A_862 = tpu.memref_slice %arg5[%dma_wait3A_852, %dma_wait3A_853, %dma_wait3A_854, %dma_wait3A_861] : memref<1x12x2048x2048xf32, #tpu.memory_space<hbm>> -> memref<1x1x1x2048xf32, #tpu.memory_space<hbm>>
        %dma_wait3A_863 = tpu.memref_squeeze %dma_wait3A_862 : memref<1x1x1x2048xf32, #tpu.memory_space<hbm>> -> memref<2048xf32, #tpu.memory_space<hbm>>
        %dma_wait3A_864 = arith.constant 0 : i32
        %dma_wait3A_865 = tpu.memref_slice %arg9[%dma_wait3A_850, %dma_wait3A_851, %dma_wait3A_864] : memref<3x4x2048xf32, #tpu.memory_space<vmem>> -> memref<1x1x2048xf32, #tpu.memory_space<vmem>>
        %dma_wait3A_866 = tpu.memref_squeeze %dma_wait3A_865 : memref<1x1x2048xf32, #tpu.memory_space<vmem>> -> memref<2048xf32, #tpu.memory_space<vmem>>
        tpu.wait_dma2 semaphore(%arg10 : memref<!tpu.dma_semaphore, #tpu.memory_space<semaphore_mem>>) src(%dma_wait3A_866 : memref<2048xf32, #tpu.memory_space<vmem>>) dst(%dma_wait3A_863 : memref<2048xf32, #tpu.memory_space<hbm>>)
        %dma_wait3A_867 = arith.constant 0 : i32
        %dma_wait3A_868 = arith.constant 0 : i32
        %dma_wait3A_869 = arith.constant 0 : i32
        %dma_wait3A_870 = arith.constant 0 : i32
        %dma_wait3A_871 = arith.constant 0 : i32
        %dma_wait3A_872 = arith.constant 0 : i32
        %dma_wait3A_873 = tpu.memref_slice %arg9[%dma_wait3A_867, %dma_wait3A_868, %dma_wait3A_872] : memref<3x4x2048xf32, #tpu.memory_space<vmem>> -> memref<1x1x2048xf32, #tpu.memory_space<vmem>>
        %dma_wait3A_874 = tpu.memref_squeeze %dma_wait3A_873 : memref<1x1x2048xf32, #tpu.memory_space<vmem>> -> memref<2048xf32, #tpu.memory_space<vmem>>
        %dma_wait3A_875 = arith.constant 0 : i32
        %dma_wait3A_876 = tpu.memref_slice %arg5[%dma_wait3A_869, %dma_wait3A_870, %dma_wait3A_871, %dma_wait3A_875] : memref<1x12x2048x2048xf32, #tpu.memory_space<hbm>> -> memref<1x1x1x2048xf32, #tpu.memory_space<hbm>>
        %dma_wait3A_877 = tpu.memref_squeeze %dma_wait3A_876 : memref<1x1x1x2048xf32, #tpu.memory_space<hbm>> -> memref<2048xf32, #tpu.memory_space<hbm>>
        %dma_wait3A_878 = arith.constant 0 : i32
        %dma_wait3A_879 = tpu.memref_slice %arg5[%dma_wait3A_869, %dma_wait3A_870, %dma_wait3A_871, %dma_wait3A_878] : memref<1x12x2048x2048xf32, #tpu.memory_space<hbm>> -> memref<1x1x1x2048xf32, #tpu.memory_space<hbm>>
        %dma_wait3A_880 = tpu.memref_squeeze %dma_wait3A_879 : memref<1x1x1x2048xf32, #tpu.memory_space<hbm>> -> memref<2048xf32, #tpu.memory_space<hbm>>
        %dma_wait3A_881 = arith.constant 0 : i32
        %dma_wait3A_882 = tpu.memref_slice %arg9[%dma_wait3A_867, %dma_wait3A_868, %dma_wait3A_881] : memref<3x4x2048xf32, #tpu.memory_space<vmem>> -> memref<1x1x2048xf32, #tpu.memory_space<vmem>>
        %dma_wait3A_883 = tpu.memref_squeeze %dma_wait3A_882 : memref<1x1x2048xf32, #tpu.memory_space<vmem>> -> memref<2048xf32, #tpu.memory_space<vmem>>
        tpu.wait_dma2 semaphore(%arg10 : memref<!tpu.dma_semaphore, #tpu.memory_space<semaphore_mem>>) src(%dma_wait3A_883 : memref<2048xf32, #tpu.memory_space<vmem>>) dst(%dma_wait3A_880 : memref<2048xf32, #tpu.memory_space<hbm>>)
        %dma_wait3A_884 = arith.constant 0 : i32
        %dma_wait3A_885 = arith.constant 0 : i32
        %dma_wait3A_886 = arith.constant 0 : i32
        %dma_wait3A_887 = arith.constant 0 : i32
        %dma_wait3A_888 = arith.constant 0 : i32
        %dma_wait3A_889 = arith.constant 0 : i32
        %dma_wait3A_890 = tpu.memref_slice %arg9[%dma_wait3A_884, %dma_wait3A_885, %dma_wait3A_889] : memref<3x4x2048xf32, #tpu.memory_space<vmem>> -> memref<1x1x2048xf32, #tpu.memory_space<vmem>>
        %dma_wait3A_891 = tpu.memref_squeeze %dma_wait3A_890 : memref<1x1x2048xf32, #tpu.memory_space<vmem>> -> memref<2048xf32, #tpu.memory_space<vmem>>
        %dma_wait3A_892 = arith.constant 0 : i32
        %dma_wait3A_893 = tpu.memref_slice %arg5[%dma_wait3A_886, %dma_wait3A_887, %dma_wait3A_888, %dma_wait3A_892] : memref<1x12x2048x2048xf32, #tpu.memory_space<hbm>> -> memref<1x1x1x2048xf32, #tpu.memory_space<hbm>>
        %dma_wait3A_894 = tpu.memref_squeeze %dma_wait3A_893 : memref<1x1x1x2048xf32, #tpu.memory_space<hbm>> -> memref<2048xf32, #tpu.memory_space<hbm>>
        %dma_wait3A_895 = arith.constant 0 : i32
        %dma_wait3A_896 = tpu.memref_slice %arg5[%dma_wait3A_886, %dma_wait3A_887, %dma_wait3A_888, %dma_wait3A_895] : memref<1x12x2048x2048xf32, #tpu.memory_space<hbm>> -> memref<1x1x1x2048xf32, #tpu.memory_space<hbm>>
        %dma_wait3A_897 = tpu.memref_squeeze %dma_wait3A_896 : memref<1x1x1x2048xf32, #tpu.memory_space<hbm>> -> memref<2048xf32, #tpu.memory_space<hbm>>
        %dma_wait3A_898 = arith.constant 0 : i32
        %dma_wait3A_899 = tpu.memref_slice %arg9[%dma_wait3A_884, %dma_wait3A_885, %dma_wait3A_898] : memref<3x4x2048xf32, #tpu.memory_space<vmem>> -> memref<1x1x2048xf32, #tpu.memory_space<vmem>>
        %dma_wait3A_900 = tpu.memref_squeeze %dma_wait3A_899 : memref<1x1x2048xf32, #tpu.memory_space<vmem>> -> memref<2048xf32, #tpu.memory_space<vmem>>
        tpu.wait_dma2 semaphore(%arg10 : memref<!tpu.dma_semaphore, #tpu.memory_space<semaphore_mem>>) src(%dma_wait3A_900 : memref<2048xf32, #tpu.memory_space<vmem>>) dst(%dma_wait3A_897 : memref<2048xf32, #tpu.memory_space<hbm>>)
        %dma_wait3A_901 = arith.constant 0 : i32
        %dma_wait3A_902 = arith.constant 0 : i32
        %dma_wait3A_903 = arith.constant 0 : i32
        %dma_wait3A_904 = arith.constant 0 : i32
        %dma_wait3A_905 = arith.constant 0 : i32
        %dma_wait3A_906 = arith.constant 0 : i32
        %dma_wait3A_907 = tpu.memref_slice %arg9[%dma_wait3A_901, %dma_wait3A_902, %dma_wait3A_906] : memref<3x4x2048xf32, #tpu.memory_space<vmem>> -> memref<1x1x2048xf32, #tpu.memory_space<vmem>>
        %dma_wait3A_908 = tpu.memref_squeeze %dma_wait3A_907 : memref<1x1x2048xf32, #tpu.memory_space<vmem>> -> memref<2048xf32, #tpu.memory_space<vmem>>
        %dma_wait3A_909 = arith.constant 0 : i32
        %dma_wait3A_910 = tpu.memref_slice %arg5[%dma_wait3A_903, %dma_wait3A_904, %dma_wait3A_905, %dma_wait3A_909] : memref<1x12x2048x2048xf32, #tpu.memory_space<hbm>> -> memref<1x1x1x2048xf32, #tpu.memory_space<hbm>>
        %dma_wait3A_911 = tpu.memref_squeeze %dma_wait3A_910 : memref<1x1x1x2048xf32, #tpu.memory_space<hbm>> -> memref<2048xf32, #tpu.memory_space<hbm>>
        %dma_wait3A_912 = arith.constant 0 : i32
        %dma_wait3A_913 = tpu.memref_slice %arg5[%dma_wait3A_903, %dma_wait3A_904, %dma_wait3A_905, %dma_wait3A_912] : memref<1x12x2048x2048xf32, #tpu.memory_space<hbm>> -> memref<1x1x1x2048xf32, #tpu.memory_space<hbm>>
        %dma_wait3A_914 = tpu.memref_squeeze %dma_wait3A_913 : memref<1x1x1x2048xf32, #tpu.memory_space<hbm>> -> memref<2048xf32, #tpu.memory_space<hbm>>
        %dma_wait3A_915 = arith.constant 0 : i32
        %dma_wait3A_916 = tpu.memref_slice %arg9[%dma_wait3A_901, %dma_wait3A_902, %dma_wait3A_915] : memref<3x4x2048xf32, #tpu.memory_space<vmem>> -> memref<1x1x2048xf32, #tpu.memory_space<vmem>>
        %dma_wait3A_917 = tpu.memref_squeeze %dma_wait3A_916 : memref<1x1x2048xf32, #tpu.memory_space<vmem>> -> memref<2048xf32, #tpu.memory_space<vmem>>
        tpu.wait_dma2 semaphore(%arg10 : memref<!tpu.dma_semaphore, #tpu.memory_space<semaphore_mem>>) src(%dma_wait3A_917 : memref<2048xf32, #tpu.memory_space<vmem>>) dst(%dma_wait3A_914 : memref<2048xf32, #tpu.memory_space<hbm>>)
        %dma_wait3A_918 = arith.constant 0 : i32
        %dma_wait3A_919 = arith.constant 0 : i32
        %dma_wait3A_920 = arith.constant 0 : i32
        %dma_wait3A_921 = arith.constant 0 : i32
        %dma_wait3A_922 = arith.constant 0 : i32
        %dma_wait3A_923 = arith.constant 0 : i32
        %dma_wait3A_924 = tpu.memref_slice %arg9[%dma_wait3A_918, %dma_wait3A_919, %dma_wait3A_923] : memref<3x4x2048xf32, #tpu.memory_space<vmem>> -> memref<1x1x2048xf32, #tpu.memory_space<vmem>>
        %dma_wait3A_925 = tpu.memref_squeeze %dma_wait3A_924 : memref<1x1x2048xf32, #tpu.memory_space<vmem>> -> memref<2048xf32, #tpu.memory_space<vmem>>
        %dma_wait3A_926 = arith.constant 0 : i32
        %dma_wait3A_927 = tpu.memref_slice %arg5[%dma_wait3A_920, %dma_wait3A_921, %dma_wait3A_922, %dma_wait3A_926] : memref<1x12x2048x2048xf32, #tpu.memory_space<hbm>> -> memref<1x1x1x2048xf32, #tpu.memory_space<hbm>>
        %dma_wait3A_928 = tpu.memref_squeeze %dma_wait3A_927 : memref<1x1x1x2048xf32, #tpu.memory_space<hbm>> -> memref<2048xf32, #tpu.memory_space<hbm>>
        %dma_wait3A_929 = arith.constant 0 : i32
        %dma_wait3A_930 = tpu.memref_slice %arg5[%dma_wait3A_920, %dma_wait3A_921, %dma_wait3A_922, %dma_wait3A_929] : memref<1x12x2048x2048xf32, #tpu.memory_space<hbm>> -> memref<1x1x1x2048xf32, #tpu.memory_space<hbm>>
        %dma_wait3A_931 = tpu.memref_squeeze %dma_wait3A_930 : memref<1x1x1x2048xf32, #tpu.memory_space<hbm>> -> memref<2048xf32, #tpu.memory_space<hbm>>
        %dma_wait3A_932 = arith.constant 0 : i32
        %dma_wait3A_933 = tpu.memref_slice %arg9[%dma_wait3A_918, %dma_wait3A_919, %dma_wait3A_932] : memref<3x4x2048xf32, #tpu.memory_space<vmem>> -> memref<1x1x2048xf32, #tpu.memory_space<vmem>>
        %dma_wait3A_934 = tpu.memref_squeeze %dma_wait3A_933 : memref<1x1x2048xf32, #tpu.memory_space<vmem>> -> memref<2048xf32, #tpu.memory_space<vmem>>
        tpu.wait_dma2 semaphore(%arg10 : memref<!tpu.dma_semaphore, #tpu.memory_space<semaphore_mem>>) src(%dma_wait3A_934 : memref<2048xf32, #tpu.memory_space<vmem>>) dst(%dma_wait3A_931 : memref<2048xf32, #tpu.memory_space<hbm>>)
        %dma_wait3A_935 = arith.constant 0 : i32
        %dma_wait3A_936 = arith.constant 0 : i32
        %dma_wait3A_937 = arith.constant 0 : i32
        %dma_wait3A_938 = arith.constant 0 : i32
        %dma_wait3A_939 = arith.constant 0 : i32
        %dma_wait3A_940 = arith.constant 0 : i32
        %dma_wait3A_941 = tpu.memref_slice %arg9[%dma_wait3A_935, %dma_wait3A_936, %dma_wait3A_940] : memref<3x4x2048xf32, #tpu.memory_space<vmem>> -> memref<1x1x2048xf32, #tpu.memory_space<vmem>>
        %dma_wait3A_942 = tpu.memref_squeeze %dma_wait3A_941 : memref<1x1x2048xf32, #tpu.memory_space<vmem>> -> memref<2048xf32, #tpu.memory_space<vmem>>
        %dma_wait3A_943 = arith.constant 0 : i32
        %dma_wait3A_944 = tpu.memref_slice %arg5[%dma_wait3A_937, %dma_wait3A_938, %dma_wait3A_939, %dma_wait3A_943] : memref<1x12x2048x2048xf32, #tpu.memory_space<hbm>> -> memref<1x1x1x2048xf32, #tpu.memory_space<hbm>>
        %dma_wait3A_945 = tpu.memref_squeeze %dma_wait3A_944 : memref<1x1x1x2048xf32, #tpu.memory_space<hbm>> -> memref<2048xf32, #tpu.memory_space<hbm>>
        %dma_wait3A_946 = arith.constant 0 : i32
        %dma_wait3A_947 = tpu.memref_slice %arg5[%dma_wait3A_937, %dma_wait3A_938, %dma_wait3A_939, %dma_wait3A_946] : memref<1x12x2048x2048xf32, #tpu.memory_space<hbm>> -> memref<1x1x1x2048xf32, #tpu.memory_space<hbm>>
        %dma_wait3A_948 = tpu.memref_squeeze %dma_wait3A_947 : memref<1x1x1x2048xf32, #tpu.memory_space<hbm>> -> memref<2048xf32, #tpu.memory_space<hbm>>
        %dma_wait3A_949 = arith.constant 0 : i32
        %dma_wait3A_950 = tpu.memref_slice %arg9[%dma_wait3A_935, %dma_wait3A_936, %dma_wait3A_949] : memref<3x4x2048xf32, #tpu.memory_space<vmem>> -> memref<1x1x2048xf32, #tpu.memory_space<vmem>>
        %dma_wait3A_951 = tpu.memref_squeeze %dma_wait3A_950 : memref<1x1x2048xf32, #tpu.memory_space<vmem>> -> memref<2048xf32, #tpu.memory_space<vmem>>
        tpu.wait_dma2 semaphore(%arg10 : memref<!tpu.dma_semaphore, #tpu.memory_space<semaphore_mem>>) src(%dma_wait3A_951 : memref<2048xf32, #tpu.memory_space<vmem>>) dst(%dma_wait3A_948 : memref<2048xf32, #tpu.memory_space<hbm>>)
        %dma_wait3A_952 = arith.constant 0 : i32
        %dma_wait3A_953 = arith.constant 0 : i32
        %dma_wait3A_954 = arith.constant 0 : i32
        %dma_wait3A_955 = arith.constant 0 : i32
        %dma_wait3A_956 = arith.constant 0 : i32
        %dma_wait3A_957 = arith.constant 0 : i32
        %dma_wait3A_958 = tpu.memref_slice %arg9[%dma_wait3A_952, %dma_wait3A_953, %dma_wait3A_957] : memref<3x4x2048xf32, #tpu.memory_space<vmem>> -> memref<1x1x2048xf32, #tpu.memory_space<vmem>>
        %dma_wait3A_959 = tpu.memref_squeeze %dma_wait3A_958 : memref<1x1x2048xf32, #tpu.memory_space<vmem>> -> memref<2048xf32, #tpu.memory_space<vmem>>
        %dma_wait3A_960 = arith.constant 0 : i32
        %dma_wait3A_961 = tpu.memref_slice %arg5[%dma_wait3A_954, %dma_wait3A_955, %dma_wait3A_956, %dma_wait3A_960] : memref<1x12x2048x2048xf32, #tpu.memory_space<hbm>> -> memref<1x1x1x2048xf32, #tpu.memory_space<hbm>>
        %dma_wait3A_962 = tpu.memref_squeeze %dma_wait3A_961 : memref<1x1x1x2048xf32, #tpu.memory_space<hbm>> -> memref<2048xf32, #tpu.memory_space<hbm>>
        %dma_wait3A_963 = arith.constant 0 : i32
        %dma_wait3A_964 = tpu.memref_slice %arg5[%dma_wait3A_954, %dma_wait3A_955, %dma_wait3A_956, %dma_wait3A_963] : memref<1x12x2048x2048xf32, #tpu.memory_space<hbm>> -> memref<1x1x1x2048xf32, #tpu.memory_space<hbm>>
        %dma_wait3A_965 = tpu.memref_squeeze %dma_wait3A_964 : memref<1x1x1x2048xf32, #tpu.memory_space<hbm>> -> memref<2048xf32, #tpu.memory_space<hbm>>
        %dma_wait3A_966 = arith.constant 0 : i32
        %dma_wait3A_967 = tpu.memref_slice %arg9[%dma_wait3A_952, %dma_wait3A_953, %dma_wait3A_966] : memref<3x4x2048xf32, #tpu.memory_space<vmem>> -> memref<1x1x2048xf32, #tpu.memory_space<vmem>>
        %dma_wait3A_968 = tpu.memref_squeeze %dma_wait3A_967 : memref<1x1x2048xf32, #tpu.memory_space<vmem>> -> memref<2048xf32, #tpu.memory_space<vmem>>
        tpu.wait_dma2 semaphore(%arg10 : memref<!tpu.dma_semaphore, #tpu.memory_space<semaphore_mem>>) src(%dma_wait3A_968 : memref<2048xf32, #tpu.memory_space<vmem>>) dst(%dma_wait3A_965 : memref<2048xf32, #tpu.memory_space<hbm>>)
        %dma_wait3A_969 = arith.constant 0 : i32
        %dma_wait3A_970 = arith.constant 0 : i32
        %dma_wait3A_971 = arith.constant 0 : i32
        %dma_wait3A_972 = arith.constant 0 : i32
        %dma_wait3A_973 = arith.constant 0 : i32
        %dma_wait3A_974 = arith.constant 0 : i32
        %dma_wait3A_975 = tpu.memref_slice %arg9[%dma_wait3A_969, %dma_wait3A_970, %dma_wait3A_974] : memref<3x4x2048xf32, #tpu.memory_space<vmem>> -> memref<1x1x2048xf32, #tpu.memory_space<vmem>>
        %dma_wait3A_976 = tpu.memref_squeeze %dma_wait3A_975 : memref<1x1x2048xf32, #tpu.memory_space<vmem>> -> memref<2048xf32, #tpu.memory_space<vmem>>
        %dma_wait3A_977 = arith.constant 0 : i32
        %dma_wait3A_978 = tpu.memref_slice %arg5[%dma_wait3A_971, %dma_wait3A_972, %dma_wait3A_973, %dma_wait3A_977] : memref<1x12x2048x2048xf32, #tpu.memory_space<hbm>> -> memref<1x1x1x2048xf32, #tpu.memory_space<hbm>>
        %dma_wait3A_979 = tpu.memref_squeeze %dma_wait3A_978 : memref<1x1x1x2048xf32, #tpu.memory_space<hbm>> -> memref<2048xf32, #tpu.memory_space<hbm>>
        %dma_wait3A_980 = arith.constant 0 : i32
        %dma_wait3A_981 = tpu.memref_slice %arg5[%dma_wait3A_971, %dma_wait3A_972, %dma_wait3A_973, %dma_wait3A_980] : memref<1x12x2048x2048xf32, #tpu.memory_space<hbm>> -> memref<1x1x1x2048xf32, #tpu.memory_space<hbm>>
        %dma_wait3A_982 = tpu.memref_squeeze %dma_wait3A_981 : memref<1x1x1x2048xf32, #tpu.memory_space<hbm>> -> memref<2048xf32, #tpu.memory_space<hbm>>
        %dma_wait3A_983 = arith.constant 0 : i32
        %dma_wait3A_984 = tpu.memref_slice %arg9[%dma_wait3A_969, %dma_wait3A_970, %dma_wait3A_983] : memref<3x4x2048xf32, #tpu.memory_space<vmem>> -> memref<1x1x2048xf32, #tpu.memory_space<vmem>>
        %dma_wait3A_985 = tpu.memref_squeeze %dma_wait3A_984 : memref<1x1x2048xf32, #tpu.memory_space<vmem>> -> memref<2048xf32, #tpu.memory_space<vmem>>
        tpu.wait_dma2 semaphore(%arg10 : memref<!tpu.dma_semaphore, #tpu.memory_space<semaphore_mem>>) src(%dma_wait3A_985 : memref<2048xf32, #tpu.memory_space<vmem>>) dst(%dma_wait3A_982 : memref<2048xf32, #tpu.memory_space<hbm>>)
        %dma_wait3A_986 = arith.constant 0 : i32
        %dma_wait3A_987 = arith.constant 0 : i32
        %dma_wait3A_988 = arith.constant 0 : i32
        %dma_wait3A_989 = arith.constant 0 : i32
        %dma_wait3A_990 = arith.constant 0 : i32
        %dma_wait3A_991 = arith.constant 0 : i32
        %dma_wait3A_992 = tpu.memref_slice %arg9[%dma_wait3A_986, %dma_wait3A_987, %dma_wait3A_991] : memref<3x4x2048xf32, #tpu.memory_space<vmem>> -> memref<1x1x2048xf32, #tpu.memory_space<vmem>>
        %dma_wait3A_993 = tpu.memref_squeeze %dma_wait3A_992 : memref<1x1x2048xf32, #tpu.memory_space<vmem>> -> memref<2048xf32, #tpu.memory_space<vmem>>
        %dma_wait3A_994 = arith.constant 0 : i32
        %dma_wait3A_995 = tpu.memref_slice %arg5[%dma_wait3A_988, %dma_wait3A_989, %dma_wait3A_990, %dma_wait3A_994] : memref<1x12x2048x2048xf32, #tpu.memory_space<hbm>> -> memref<1x1x1x2048xf32, #tpu.memory_space<hbm>>
        %dma_wait3A_996 = tpu.memref_squeeze %dma_wait3A_995 : memref<1x1x1x2048xf32, #tpu.memory_space<hbm>> -> memref<2048xf32, #tpu.memory_space<hbm>>
        %dma_wait3A_997 = arith.constant 0 : i32
        %dma_wait3A_998 = tpu.memref_slice %arg5[%dma_wait3A_988, %dma_wait3A_989, %dma_wait3A_990, %dma_wait3A_997] : memref<1x12x2048x2048xf32, #tpu.memory_space<hbm>> -> memref<1x1x1x2048xf32, #tpu.memory_space<hbm>>
        %dma_wait3A_999 = tpu.memref_squeeze %dma_wait3A_998 : memref<1x1x1x2048xf32, #tpu.memory_space<hbm>> -> memref<2048xf32, #tpu.memory_space<hbm>>
        %dma_wait3A_1000 = arith.constant 0 : i32
        %dma_wait3A_1001 = tpu.memref_slice %arg9[%dma_wait3A_986, %dma_wait3A_987, %dma_wait3A_1000] : memref<3x4x2048xf32, #tpu.memory_space<vmem>> -> memref<1x1x2048xf32, #tpu.memory_space<vmem>>
        %dma_wait3A_1002 = tpu.memref_squeeze %dma_wait3A_1001 : memref<1x1x2048xf32, #tpu.memory_space<vmem>> -> memref<2048xf32, #tpu.memory_space<vmem>>
        tpu.wait_dma2 semaphore(%arg10 : memref<!tpu.dma_semaphore, #tpu.memory_space<semaphore_mem>>) src(%dma_wait3A_1002 : memref<2048xf32, #tpu.memory_space<vmem>>) dst(%dma_wait3A_999 : memref<2048xf32, #tpu.memory_space<hbm>>)
        %dma_wait3A_1003 = arith.constant 0 : i32
        %dma_wait3A_1004 = arith.constant 0 : i32
        %dma_wait3A_1005 = arith.constant 0 : i32
        %dma_wait3A_1006 = arith.constant 0 : i32
        %dma_wait3A_1007 = arith.constant 0 : i32
        %dma_wait3A_1008 = arith.constant 0 : i32
        %dma_wait3A_1009 = tpu.memref_slice %arg9[%dma_wait3A_1003, %dma_wait3A_1004, %dma_wait3A_1008] : memref<3x4x2048xf32, #tpu.memory_space<vmem>> -> memref<1x1x2048xf32, #tpu.memory_space<vmem>>
        %dma_wait3A_1010 = tpu.memref_squeeze %dma_wait3A_1009 : memref<1x1x2048xf32, #tpu.memory_space<vmem>> -> memref<2048xf32, #tpu.memory_space<vmem>>
        %dma_wait3A_1011 = arith.constant 0 : i32
        %dma_wait3A_1012 = tpu.memref_slice %arg5[%dma_wait3A_1005, %dma_wait3A_1006, %dma_wait3A_1007, %dma_wait3A_1011] : memref<1x12x2048x2048xf32, #tpu.memory_space<hbm>> -> memref<1x1x1x2048xf32, #tpu.memory_space<hbm>>
        %dma_wait3A_1013 = tpu.memref_squeeze %dma_wait3A_1012 : memref<1x1x1x2048xf32, #tpu.memory_space<hbm>> -> memref<2048xf32, #tpu.memory_space<hbm>>
        %dma_wait3A_1014 = arith.constant 0 : i32
        %dma_wait3A_1015 = tpu.memref_slice %arg5[%dma_wait3A_1005, %dma_wait3A_1006, %dma_wait3A_1007, %dma_wait3A_1014] : memref<1x12x2048x2048xf32, #tpu.memory_space<hbm>> -> memref<1x1x1x2048xf32, #tpu.memory_space<hbm>>
        %dma_wait3A_1016 = tpu.memref_squeeze %dma_wait3A_1015 : memref<1x1x1x2048xf32, #tpu.memory_space<hbm>> -> memref<2048xf32, #tpu.memory_space<hbm>>
        %dma_wait3A_1017 = arith.constant 0 : i32
        %dma_wait3A_1018 = tpu.memref_slice %arg9[%dma_wait3A_1003, %dma_wait3A_1004, %dma_wait3A_1017] : memref<3x4x2048xf32, #tpu.memory_space<vmem>> -> memref<1x1x2048xf32, #tpu.memory_space<vmem>>
        %dma_wait3A_1019 = tpu.memref_squeeze %dma_wait3A_1018 : memref<1x1x2048xf32, #tpu.memory_space<vmem>> -> memref<2048xf32, #tpu.memory_space<vmem>>
        tpu.wait_dma2 semaphore(%arg10 : memref<!tpu.dma_semaphore, #tpu.memory_space<semaphore_mem>>) src(%dma_wait3A_1019 : memref<2048xf32, #tpu.memory_space<vmem>>) dst(%dma_wait3A_1016 : memref<2048xf32, #tpu.memory_space<hbm>>)
        %dma_wait3A_1020 = arith.constant 0 : i32
        %dma_wait3A_1021 = arith.constant 0 : i32
        %dma_wait3A_1022 = arith.constant 0 : i32
        %dma_wait3A_1023 = arith.constant 0 : i32
        %dma_wait3A_1024 = arith.constant 0 : i32
        %dma_wait3A_1025 = arith.constant 0 : i32
        %dma_wait3A_1026 = tpu.memref_slice %arg9[%dma_wait3A_1020, %dma_wait3A_1021, %dma_wait3A_1025] : memref<3x4x2048xf32, #tpu.memory_space<vmem>> -> memref<1x1x2048xf32, #tpu.memory_space<vmem>>
        %dma_wait3A_1027 = tpu.memref_squeeze %dma_wait3A_1026 : memref<1x1x2048xf32, #tpu.memory_space<vmem>> -> memref<2048xf32, #tpu.memory_space<vmem>>
        %dma_wait3A_1028 = arith.constant 0 : i32
        %dma_wait3A_1029 = tpu.memref_slice %arg5[%dma_wait3A_1022, %dma_wait3A_1023, %dma_wait3A_1024, %dma_wait3A_1028] : memref<1x12x2048x2048xf32, #tpu.memory_space<hbm>> -> memref<1x1x1x2048xf32, #tpu.memory_space<hbm>>
        %dma_wait3A_1030 = tpu.memref_squeeze %dma_wait3A_1029 : memref<1x1x1x2048xf32, #tpu.memory_space<hbm>> -> memref<2048xf32, #tpu.memory_space<hbm>>
        %dma_wait3A_1031 = arith.constant 0 : i32
        %dma_wait3A_1032 = tpu.memref_slice %arg5[%dma_wait3A_1022, %dma_wait3A_1023, %dma_wait3A_1024, %dma_wait3A_1031] : memref<1x12x2048x2048xf32, #tpu.memory_space<hbm>> -> memref<1x1x1x2048xf32, #tpu.memory_space<hbm>>
        %dma_wait3A_1033 = tpu.memref_squeeze %dma_wait3A_1032 : memref<1x1x1x2048xf32, #tpu.memory_space<hbm>> -> memref<2048xf32, #tpu.memory_space<hbm>>
        %dma_wait3A_1034 = arith.constant 0 : i32
        %dma_wait3A_1035 = tpu.memref_slice %arg9[%dma_wait3A_1020, %dma_wait3A_1021, %dma_wait3A_1034] : memref<3x4x2048xf32, #tpu.memory_space<vmem>> -> memref<1x1x2048xf32, #tpu.memory_space<vmem>>
        %dma_wait3A_1036 = tpu.memref_squeeze %dma_wait3A_1035 : memref<1x1x2048xf32, #tpu.memory_space<vmem>> -> memref<2048xf32, #tpu.memory_space<vmem>>
        tpu.wait_dma2 semaphore(%arg10 : memref<!tpu.dma_semaphore, #tpu.memory_space<semaphore_mem>>) src(%dma_wait3A_1036 : memref<2048xf32, #tpu.memory_space<vmem>>) dst(%dma_wait3A_1033 : memref<2048xf32, #tpu.memory_space<hbm>>)
        %dma_wait3A_1037 = arith.constant 0 : i32
        %dma_wait3A_1038 = arith.constant 0 : i32
        %dma_wait3A_1039 = arith.constant 0 : i32
        %dma_wait3A_1040 = arith.constant 0 : i32
        %dma_wait3A_1041 = arith.constant 0 : i32
        %dma_wait3A_1042 = arith.constant 0 : i32
        %dma_wait3A_1043 = tpu.memref_slice %arg9[%dma_wait3A_1037, %dma_wait3A_1038, %dma_wait3A_1042] : memref<3x4x2048xf32, #tpu.memory_space<vmem>> -> memref<1x1x2048xf32, #tpu.memory_space<vmem>>
        %dma_wait3A_1044 = tpu.memref_squeeze %dma_wait3A_1043 : memref<1x1x2048xf32, #tpu.memory_space<vmem>> -> memref<2048xf32, #tpu.memory_space<vmem>>
        %dma_wait3A_1045 = arith.constant 0 : i32
        %dma_wait3A_1046 = tpu.memref_slice %arg5[%dma_wait3A_1039, %dma_wait3A_1040, %dma_wait3A_1041, %dma_wait3A_1045] : memref<1x12x2048x2048xf32, #tpu.memory_space<hbm>> -> memref<1x1x1x2048xf32, #tpu.memory_space<hbm>>
        %dma_wait3A_1047 = tpu.memref_squeeze %dma_wait3A_1046 : memref<1x1x1x2048xf32, #tpu.memory_space<hbm>> -> memref<2048xf32, #tpu.memory_space<hbm>>
        %dma_wait3A_1048 = arith.constant 0 : i32
        %dma_wait3A_1049 = tpu.memref_slice %arg5[%dma_wait3A_1039, %dma_wait3A_1040, %dma_wait3A_1041, %dma_wait3A_1048] : memref<1x12x2048x2048xf32, #tpu.memory_space<hbm>> -> memref<1x1x1x2048xf32, #tpu.memory_space<hbm>>
        %dma_wait3A_1050 = tpu.memref_squeeze %dma_wait3A_1049 : memref<1x1x1x2048xf32, #tpu.memory_space<hbm>> -> memref<2048xf32, #tpu.memory_space<hbm>>
        %dma_wait3A_1051 = arith.constant 0 : i32
        %dma_wait3A_1052 = tpu.memref_slice %arg9[%dma_wait3A_1037, %dma_wait3A_1038, %dma_wait3A_1051] : memref<3x4x2048xf32, #tpu.memory_space<vmem>> -> memref<1x1x2048xf32, #tpu.memory_space<vmem>>
        %dma_wait3A_1053 = tpu.memref_squeeze %dma_wait3A_1052 : memref<1x1x2048xf32, #tpu.memory_space<vmem>> -> memref<2048xf32, #tpu.memory_space<vmem>>
        tpu.wait_dma2 semaphore(%arg10 : memref<!tpu.dma_semaphore, #tpu.memory_space<semaphore_mem>>) src(%dma_wait3A_1053 : memref<2048xf32, #tpu.memory_space<vmem>>) dst(%dma_wait3A_1050 : memref<2048xf32, #tpu.memory_space<hbm>>)
        %dma_wait3A_1054 = arith.constant 0 : i32
        %dma_wait3A_1055 = arith.constant 0 : i32
        %dma_wait3A_1056 = arith.constant 0 : i32
        %dma_wait3A_1057 = arith.constant 0 : i32
        %dma_wait3A_1058 = arith.constant 0 : i32
        %dma_wait3A_1059 = arith.constant 0 : i32
        %dma_wait3A_1060 = tpu.memref_slice %arg9[%dma_wait3A_1054, %dma_wait3A_1055, %dma_wait3A_1059] : memref<3x4x2048xf32, #tpu.memory_space<vmem>> -> memref<1x1x2048xf32, #tpu.memory_space<vmem>>
        %dma_wait3A_1061 = tpu.memref_squeeze %dma_wait3A_1060 : memref<1x1x2048xf32, #tpu.memory_space<vmem>> -> memref<2048xf32, #tpu.memory_space<vmem>>
        %dma_wait3A_1062 = arith.constant 0 : i32
        %dma_wait3A_1063 = tpu.memref_slice %arg5[%dma_wait3A_1056, %dma_wait3A_1057, %dma_wait3A_1058, %dma_wait3A_1062] : memref<1x12x2048x2048xf32, #tpu.memory_space<hbm>> -> memref<1x1x1x2048xf32, #tpu.memory_space<hbm>>
        %dma_wait3A_1064 = tpu.memref_squeeze %dma_wait3A_1063 : memref<1x1x1x2048xf32, #tpu.memory_space<hbm>> -> memref<2048xf32, #tpu.memory_space<hbm>>
        %dma_wait3A_1065 = arith.constant 0 : i32
        %dma_wait3A_1066 = tpu.memref_slice %arg5[%dma_wait3A_1056, %dma_wait3A_1057, %dma_wait3A_1058, %dma_wait3A_1065] : memref<1x12x2048x2048xf32, #tpu.memory_space<hbm>> -> memref<1x1x1x2048xf32, #tpu.memory_space<hbm>>
        %dma_wait3A_1067 = tpu.memref_squeeze %dma_wait3A_1066 : memref<1x1x1x2048xf32, #tpu.memory_space<hbm>> -> memref<2048xf32, #tpu.memory_space<hbm>>
        %dma_wait3A_1068 = arith.constant 0 : i32
        %dma_wait3A_1069 = tpu.memref_slice %arg9[%dma_wait3A_1054, %dma_wait3A_1055, %dma_wait3A_1068] : memref<3x4x2048xf32, #tpu.memory_space<vmem>> -> memref<1x1x2048xf32, #tpu.memory_space<vmem>>
        %dma_wait3A_1070 = tpu.memref_squeeze %dma_wait3A_1069 : memref<1x1x2048xf32, #tpu.memory_space<vmem>> -> memref<2048xf32, #tpu.memory_space<vmem>>
        tpu.wait_dma2 semaphore(%arg10 : memref<!tpu.dma_semaphore, #tpu.memory_space<semaphore_mem>>) src(%dma_wait3A_1070 : memref<2048xf32, #tpu.memory_space<vmem>>) dst(%dma_wait3A_1067 : memref<2048xf32, #tpu.memory_space<hbm>>)
        %dma_wait3A_1071 = arith.constant 0 : i32
        %dma_wait3A_1072 = arith.constant 0 : i32
        %dma_wait3A_1073 = arith.constant 0 : i32
        %dma_wait3A_1074 = arith.constant 0 : i32
        %dma_wait3A_1075 = arith.constant 0 : i32
        %dma_wait3A_1076 = arith.constant 0 : i32
        %dma_wait3A_1077 = tpu.memref_slice %arg9[%dma_wait3A_1071, %dma_wait3A_1072, %dma_wait3A_1076] : memref<3x4x2048xf32, #tpu.memory_space<vmem>> -> memref<1x1x2048xf32, #tpu.memory_space<vmem>>
        %dma_wait3A_1078 = tpu.memref_squeeze %dma_wait3A_1077 : memref<1x1x2048xf32, #tpu.memory_space<vmem>> -> memref<2048xf32, #tpu.memory_space<vmem>>
        %dma_wait3A_1079 = arith.constant 0 : i32
        %dma_wait3A_1080 = tpu.memref_slice %arg5[%dma_wait3A_1073, %dma_wait3A_1074, %dma_wait3A_1075, %dma_wait3A_1079] : memref<1x12x2048x2048xf32, #tpu.memory_space<hbm>> -> memref<1x1x1x2048xf32, #tpu.memory_space<hbm>>
        %dma_wait3A_1081 = tpu.memref_squeeze %dma_wait3A_1080 : memref<1x1x1x2048xf32, #tpu.memory_space<hbm>> -> memref<2048xf32, #tpu.memory_space<hbm>>
        %dma_wait3A_1082 = arith.constant 0 : i32
        %dma_wait3A_1083 = tpu.memref_slice %arg5[%dma_wait3A_1073, %dma_wait3A_1074, %dma_wait3A_1075, %dma_wait3A_1082] : memref<1x12x2048x2048xf32, #tpu.memory_space<hbm>> -> memref<1x1x1x2048xf32, #tpu.memory_space<hbm>>
        %dma_wait3A_1084 = tpu.memref_squeeze %dma_wait3A_1083 : memref<1x1x1x2048xf32, #tpu.memory_space<hbm>> -> memref<2048xf32, #tpu.memory_space<hbm>>
        %dma_wait3A_1085 = arith.constant 0 : i32
        %dma_wait3A_1086 = tpu.memref_slice %arg9[%dma_wait3A_1071, %dma_wait3A_1072, %dma_wait3A_1085] : memref<3x4x2048xf32, #tpu.memory_space<vmem>> -> memref<1x1x2048xf32, #tpu.memory_space<vmem>>
        %dma_wait3A_1087 = tpu.memref_squeeze %dma_wait3A_1086 : memref<1x1x2048xf32, #tpu.memory_space<vmem>> -> memref<2048xf32, #tpu.memory_space<vmem>>
        tpu.wait_dma2 semaphore(%arg10 : memref<!tpu.dma_semaphore, #tpu.memory_space<semaphore_mem>>) src(%dma_wait3A_1087 : memref<2048xf32, #tpu.memory_space<vmem>>) dst(%dma_wait3A_1084 : memref<2048xf32, #tpu.memory_space<hbm>>)
        %dma_wait3A_1088 = arith.constant 0 : i32
        %dma_wait3A_1089 = arith.constant 0 : i32
        %dma_wait3A_1090 = arith.constant 0 : i32
        %dma_wait3A_1091 = arith.constant 0 : i32
        %dma_wait3A_1092 = arith.constant 0 : i32
        %dma_wait3A_1093 = arith.constant 0 : i32
        %dma_wait3A_1094 = tpu.memref_slice %arg9[%dma_wait3A_1088, %dma_wait3A_1089, %dma_wait3A_1093] : memref<3x4x2048xf32, #tpu.memory_space<vmem>> -> memref<1x1x2048xf32, #tpu.memory_space<vmem>>
        %dma_wait3A_1095 = tpu.memref_squeeze %dma_wait3A_1094 : memref<1x1x2048xf32, #tpu.memory_space<vmem>> -> memref<2048xf32, #tpu.memory_space<vmem>>
        %dma_wait3A_1096 = arith.constant 0 : i32
        %dma_wait3A_1097 = tpu.memref_slice %arg5[%dma_wait3A_1090, %dma_wait3A_1091, %dma_wait3A_1092, %dma_wait3A_1096] : memref<1x12x2048x2048xf32, #tpu.memory_space<hbm>> -> memref<1x1x1x2048xf32, #tpu.memory_space<hbm>>
        %dma_wait3A_1098 = tpu.memref_squeeze %dma_wait3A_1097 : memref<1x1x1x2048xf32, #tpu.memory_space<hbm>> -> memref<2048xf32, #tpu.memory_space<hbm>>
        %dma_wait3A_1099 = arith.constant 0 : i32
        %dma_wait3A_1100 = tpu.memref_slice %arg5[%dma_wait3A_1090, %dma_wait3A_1091, %dma_wait3A_1092, %dma_wait3A_1099] : memref<1x12x2048x2048xf32, #tpu.memory_space<hbm>> -> memref<1x1x1x2048xf32, #tpu.memory_space<hbm>>
        %dma_wait3A_1101 = tpu.memref_squeeze %dma_wait3A_1100 : memref<1x1x1x2048xf32, #tpu.memory_space<hbm>> -> memref<2048xf32, #tpu.memory_space<hbm>>
        %dma_wait3A_1102 = arith.constant 0 : i32
        %dma_wait3A_1103 = tpu.memref_slice %arg9[%dma_wait3A_1088, %dma_wait3A_1089, %dma_wait3A_1102] : memref<3x4x2048xf32, #tpu.memory_space<vmem>> -> memref<1x1x2048xf32, #tpu.memory_space<vmem>>
        %dma_wait3A_1104 = tpu.memref_squeeze %dma_wait3A_1103 : memref<1x1x2048xf32, #tpu.memory_space<vmem>> -> memref<2048xf32, #tpu.memory_space<vmem>>
        tpu.wait_dma2 semaphore(%arg10 : memref<!tpu.dma_semaphore, #tpu.memory_space<semaphore_mem>>) src(%dma_wait3A_1104 : memref<2048xf32, #tpu.memory_space<vmem>>) dst(%dma_wait3A_1101 : memref<2048xf32, #tpu.memory_space<hbm>>)
      } else {
      }
      %scan3A_832 = arith.constant 0 : i32
      scf.yield %scan3A_832 : i32
    }
    %scan3A_520 = arith.constant 16 : i32
    %scan3A_521 = arith.constant 0 : i32
    %scan3A_522 = arith.constant 0 : i32
    %scan3A_523 = arith.constant 144 : i32
    %scan3A_524 = arith.addi %scan3A_522, %scan3A_523 : i32
    %scan3A_525 = arith.constant 1 : i32
    %scan3A_526 = scf.for %scan3A_528 = %scan3A_522 to %scan3A_524 step %scan3A_525 iter_args(%scan3A_529 = %scan3A_521) -> (i32)  : i32 {
      %dma_wait3A_530 = arith.constant 0 : i32
      %dma_wait3A_531 = arith.constant 0 : i32
      %dma_wait3A_532 = arith.constant 0 : i32
      %dma_wait3A_533 = arith.constant 0 : i32
      %dma_wait3A_534 = arith.constant 0 : i32
      %dma_wait3A_535 = arith.constant 0 : i32
      %dma_wait3A_536 = tpu.memref_slice %arg9[%dma_wait3A_530, %dma_wait3A_531, %dma_wait3A_535] : memref<3x4x2048xf32, #tpu.memory_space<vmem>> -> memref<1x1x2048xf32, #tpu.memory_space<vmem>>
      %dma_wait3A_537 = tpu.memref_squeeze %dma_wait3A_536 : memref<1x1x2048xf32, #tpu.memory_space<vmem>> -> memref<2048xf32, #tpu.memory_space<vmem>>
      %dma_wait3A_538 = arith.constant 0 : i32
      %dma_wait3A_539 = tpu.memref_slice %arg5[%dma_wait3A_532, %dma_wait3A_533, %dma_wait3A_534, %dma_wait3A_538] : memref<1x12x2048x2048xf32, #tpu.memory_space<hbm>> -> memref<1x1x1x2048xf32, #tpu.memory_space<hbm>>
      %dma_wait3A_540 = tpu.memref_squeeze %dma_wait3A_539 : memref<1x1x1x2048xf32, #tpu.memory_space<hbm>> -> memref<2048xf32, #tpu.memory_space<hbm>>
      %dma_wait3A_541 = arith.constant 0 : i32
      %dma_wait3A_542 = tpu.memref_slice %arg5[%dma_wait3A_532, %dma_wait3A_533, %dma_wait3A_534, %dma_wait3A_541] : memref<1x12x2048x2048xf32, #tpu.memory_space<hbm>> -> memref<1x1x1x2048xf32, #tpu.memory_space<hbm>>
      %dma_wait3A_543 = tpu.memref_squeeze %dma_wait3A_542 : memref<1x1x1x2048xf32, #tpu.memory_space<hbm>> -> memref<2048xf32, #tpu.memory_space<hbm>>
      %dma_wait3A_544 = arith.constant 0 : i32
      %dma_wait3A_545 = tpu.memref_slice %arg9[%dma_wait3A_530, %dma_wait3A_531, %dma_wait3A_544] : memref<3x4x2048xf32, #tpu.memory_space<vmem>> -> memref<1x1x2048xf32, #tpu.memory_space<vmem>>
      %dma_wait3A_546 = tpu.memref_squeeze %dma_wait3A_545 : memref<1x1x2048xf32, #tpu.memory_space<vmem>> -> memref<2048xf32, #tpu.memory_space<vmem>>
      tpu.wait_dma2 semaphore(%arg10 : memref<!tpu.dma_semaphore, #tpu.memory_space<semaphore_mem>>) src(%dma_wait3A_546 : memref<2048xf32, #tpu.memory_space<vmem>>) dst(%dma_wait3A_543 : memref<2048xf32, #tpu.memory_space<hbm>>)
      %scan3A_547 = arith.constant 0 : i32
      scf.yield %scan3A_547 : i32
    }
    %scan3A_527 = arith.constant 144 : i32
    return
  }
}

</mosaic_0001>

<sc_bundles>
// kernel: kernel.3.cloned.1.call-start
scs
__scs_entry_jumppad:
0x0: {  	(pc) =	sbr.rel $0x88, $3  }
0x1: {  	(tag) =	ssettag $0x0;
	lr =	simm.s32 $0x1  }
0x2: {  	[smem:$0x3F9E] =	sst lr;
	_ =	strace $0xD0000000  }
0x3: {  	_ = 	snop  }
0x4: {  	_ = 	snop  }
0x5: {  	_ = 	snop  }
0x6: {  	_ = 	snop  }
0x7: {  	_ = 	snop  }
__scs_overlays_trampoline_lowered:
0x8: {  	[smem:$0x3FAD] =	sst s0  }
0x9: {  	[smem:$0x3FAE] =	sst s1  }
0xa: {  	[smem:$0x3FAF] =	sst s2  }
0xb: {  	[smem:$0x3FB0] =	sst s3  }
0xc: {  	[smem:$0x3FB1] =	sst s4  }
0xd: {  	[smem:$0x3FB2] =	sst s5  }
0xe: {  	[smem:$0x3FB3] =	sst s6  }
0xf: {  	[smem:$0x3FB4] =	sst s7  }
0x10: {  	[smem:$0x3FB5] =	sst s8  }
0x11: {  	[smem:$0x3FB6] =	sst s9;
	s0 =	simm.s32 @!p0 $0x0  }
0x12: {  	s1 =	sld [smem:$0x3F9C];
	s0 =	simm.s32 @p0 $0x1  }
0x13: {  	[smem:$0x3FB7] =	sst s0;
	s0 =	simm.s32 @!p1 $0x0  }
0x14: {  	s2 =	sld [smem:$0x3F9B];
	s0 =	simm.s32 @p1 $0x1  }
0x15: {  	[smem:$0x3FB8] =	sst s0;
	s0 =	simm.s32 @!p2 $0x0  }
0x16: {  	s3 =	sld [smem:$0x3FDB];
	s0 =	simm.s32 @p2 $0x1  }
0x17: {  	s4 =	simm.s32 $0x1BF5;
	[smem:$0x3FBA] =	sst s0  }
0x18: {  	s0 =	sld [smem:$0x3F9D];
	_ =	swait.ge [sflag:s4], $0x0  }
0x19: {  	s7 =	sld [smem:$0x3F9E]  }
0x1a: {  	s8 =	sadd.s32 $0xFFFFE003, lr  }
0x1b: {  	s9 =	sadd.s32 $0xFFFFFEF7, lr;
	s5 =	simm.s32 $0xFFFFFFFF;
	p2 =	slt.u32 s8, $0xFFFFF086  }
0x1c: {  	p1 =	slt.u32 s9, $0xF7A;
	s5 =	simm.s32 @!p2 $0x0  }
0x1d: {  	s5 =	simm.s32 @p1 $0x1;
	p0 =	seq.s32 s7, s2  }
0x1e: {  	s7 =	smul.u32 @!p0 $0xF7A, s2;
	p2 =	seq.s32 @!p0 s5, $0x0  }
0x1f: {  	s9 =	smul.u32 $0xF7A, s1;
	s8 =	simm.s32 @!p0 $0x1BF5;
	p2 =	por !p2, p0  }
0x20: {  	[sflag:s8] =	ssyncset.s32 @!p0 $0xFFFFF086;
	s6 =	sadd.s32 @!p0 s3, s7;
	s7 =	simm.s32 @!p0 $0x108  }
0x21: {  	s3 =	sadd.s32 s3, s9;
	s6 =	sadd.s32 @!p0 $0x88, s6;
	s7 =	simm.s32 @p2 $0x1082  }
0x22: {  	[simem:s7], [sflag:s8] =	dma.local @!p0 [hbm:s6], $0xF7A  }
0x23: {  	s9 =	sor.u32 $0xD0000000, s2;
	s6 =	simm.s32 $0x108;
	_ =	swait.ge @!p0 [sflag:s8], $0x0  }
0x24: {  	s3 =	sadd.s32 $0x88, s3;
	s6 =	simm.s32 @!p1 $0x1082;
	[sflag:s4] =	ssyncset.s32 $0xFFFFF086  }
0x25: {  	[simem:s6], [sflag:s4] =	dma.local [hbm:s3], $0xF7A  }
0x26: {  	[smem:$0x3F9E] =	sst s1;
	(tag) =	ssettag s2;
	_ =	strace s9  }
0x27: {  	s1 =	sld [smem:$0x3FAE]  }
0x28: {  	s2 =	sld [smem:$0x3FAF]  }
0x29: {  	s4 =	sld [smem:$0x3FB1]  }
0x2a: {  	p0 =	seq.s32 s5, $0x0;
	s5 =	sld [smem:$0x3FB2]  }
0x2b: {  	s6 =	sld [smem:$0x3FB3]  }
0x2c: {  	s7 =	sld [smem:$0x3FB4]  }
0x2d: {  	s3 =	simm.s32 $0x108;
	s8 =	sld [smem:$0x3FB5]  }
0x2e: {  	s3 =	simm.s32 @!p0 $0x1082;
	s9 =	sld [smem:$0x3FB6]  }
0x2f: {  	lr =	sadd.s32 s0, s3;
	s0 =	sld [smem:$0x3FAD]  }
0x30: {  	s3 =	sld [smem:$0x3FB0]  }
0x31: {  	[smem:$0x3FB9] =	sst s10  }
0x32: {  	s10 =	sld [smem:$0x3FB7];
	_ =	sdelay $0x3  }
0x33: {  	p0 =	seq.s32 s10, $0x1;
	s10 =	sld [smem:$0x3FB9];
	_ =	sdelay $0x3  }
0x34: {  	[smem:$0x3FB9] =	sst s10  }
0x35: {  	s10 =	sld [smem:$0x3FB8];
	_ =	sdelay $0x3  }
0x36: {  	p1 =	seq.s32 s10, $0x1;
	s10 =	sld [smem:$0x3FB9];
	_ =	sdelay $0x3  }
0x37: {  	[smem:$0x3FB9] =	sst s10  }
0x38: {  	s10 =	sld [smem:$0x3FBA]  }
0x39: {  	_ = 	snop;
	(pc) =	sbr.ind lr, $3  }
0x3a: {  	_ = 	snop  }
0x3b: {  	_ = 	snop  }
0x3c: {  	p2 =	seq.s32 s10, $0x1;
	s10 =	sld [smem:$0x3FB9]  }
0x3d: {  	_ =	shalt  }
0x3e: {  	_ =	shalt  }
0x3f: {  	_ =	shalt  }
0x40: {  	_ =	shalt  }
0x41: {  	_ =	shalt  }
0x42: {  	_ =	shalt  }
0x43: {  	_ =	shalt  }
0x44: {  	_ =	shalt  }
0x45: {  	_ =	shalt  }
0x46: {  	_ =	shalt  }
0x47: {  	_ =	shalt  }
0x48: {  	_ =	shalt  }
0x49: {  	_ =	shalt  }
0x4a: {  	_ =	shalt  }
0x4b: {  	_ =	shalt  }
0x4c: {  	_ =	shalt  }
0x4d: {  	_ =	shalt  }
0x4e: {  	_ =	shalt  }
0x4f: {  	_ =	shalt  }
0x50: {  	_ =	shalt  }
0x51: {  	_ =	shalt  }
0x52: {  	_ =	shalt  }
0x53: {  	_ =	shalt  }
0x54: {  	_ =	shalt  }
0x55: {  	_ =	shalt  }
0x56: {  	_ =	shalt  }
0x57: {  	_ =	shalt  }
0x58: {  	_ =	shalt  }
0x59: {  	_ =	shalt  }
0x5a: {  	_ =	shalt  }
0x5b: {  	_ =	shalt  }
0x5c: {  	_ =	shalt  }
0x5d: {  	_ =	shalt  }
0x5e: {  	_ =	shalt  }
0x5f: {  	_ =	shalt  }
0x60: {  	_ =	shalt  }
0x61: {  	_ =	shalt  }
0x62: {  	_ =	shalt  }
0x63: {  	_ =	shalt  }
0x64: {  	_ =	shalt  }
0x65: {  	_ =	shalt  }
0x66: {  	_ =	shalt  }
0x67: {  	_ =	shalt  }
0x68: {  	_ =	shalt  }
0x69: {  	_ =	shalt  }
0x6a: {  	_ =	shalt  }
0x6b: {  	_ =	shalt  }
0x6c: {  	_ =	shalt  }
0x6d: {  	_ =	shalt  }
0x6e: {  	_ =	shalt  }
0x6f: {  	_ =	shalt  }
0x70: {  	_ =	shalt  }
0x71: {  	_ =	shalt  }
0x72: {  	_ =	shalt  }
0x73: {  	_ =	shalt  }
0x74: {  	_ =	shalt  }
0x75: {  	_ =	shalt  }
0x76: {  	_ =	shalt  }
0x77: {  	_ =	shalt  }
0x78: {  	_ =	shalt  }
0x79: {  	_ =	shalt  }
0x7a: {  	_ =	shalt  }
0x7b: {  	_ =	shalt  }
0x7c: {  	_ =	shalt  }
0x7d: {  	_ =	shalt  }
0x7e: {  	_ =	shalt  }
0x7f: {  	_ =	shalt  }
0x80: {  	_ =	shalt  }
0x81: {  	_ =	shalt  }
0x82: {  	_ =	shalt  }
0x83: {  	_ =	shalt  }
0x84: {  	_ =	shalt  }
0x85: {  	_ =	shalt  }
0x86: {  	_ =	shalt  }
0x87: {  	_ =	shalt  }
.Lfunc_end0:
.L_simem_size_0:
called_computation_lowered:
.L_overlay_start_0:
0x88: {  	s2 =	sld [smem:$0x3FD9]  }
0x89: {  	s3 =	sld [smem:$0x3FFE];
	_ =	sdelay $0x1  }
0x8a: {  	s1 =	srdreg.scid  }
0x8b: {  	s0 =	sand.u32 $0x1, s1  }
0x8c: {  	s17 =	sshll.u32 s0, $0xA;
	s2 =	sadd.s32 s3, s2  }
0x8d: {  	s2 =	sadd.s32 s2, s17  }
0x8e: {  	[smem:$0x3FC5] =	sst s2  }
0x8f: {  	_ = 	snop  }
0x90: {  	s2 =	sld [smem:$0x3FC9]  }
0x91: {  	s18 =	sld [smem:$0x3FC8]  }
0x92: {  	s4 =	sld [smem:$0x3FD0];
	(tm) =	ssettm $0x1  }
0x93: {  	s5 =	sld [smem:$0x3FFB];
	_ =	sdelay $0x3  }
0x94: {  	_ =	strace s5  }
0x95: {  	s5 =	sld [smem:$0x3FFC];
	_ =	sdelay $0x3  }
0x96: {  	_ =	strace s5  }
0x97: {  	s5 =	sld [smem:$0x3FFD];
	_ =	sdelay $0x3  }
0x98: {  	_ =	strace s5  }
0x99: {  	_ =	strace $0x8FFFFFFF  }
0x9a: {  	s19 =	sld [smem:$0x3FDB];
	_ =	sdelay $0x1  }
0x9b: {  	s6 =	simm.s32 $_scs_section_size  }
0x9c: {  	s7 =	simm.s32 $_size__tile_overlayer_lowered;
	s8 =	simm.s32 $_tile_overlayer_lowered  }
0x9d: {  	s22 =	simm.s32 $0x1BFF;
	s21 =	sshll.u32 s8, $0x1;
	s5 =	sadd.s32 s6, s19  }
0x9e: {  	s9 =	simm.s32 $0x0;
	s20 =	sshll.u32 s7, $0x1;
	s7 =	sadd.s32 s21, s5  }
0x9f: {  	[timem:s9], [sflag:s22] =	dma.local [hbm:s7], s20  }
0xa0: {  	_ =	swait.ge [sflag:s22], s20  }
0xa1: {  	s6 =	ssub.s32 $0x0, s20;
	[sflag:s22] =	ssyncset.done $0x0  }
0xa2: {  	[sflag:s22] =	ssyncadd.s32 s6;
	_ =	sdelay $0x1  }
0xa3: {  	s23 =	simm.s32 $0x1B8B  }
0xa4: {  	_ =	swait.ge [sflag:s23], $0x1  }
0xa5: {  	[sflag:s23] =	ssyncset.done $0x0  }
0xa6: {  	s25 =	simm.s32 $0x1B8E;
	s24 =	sld [smem:$0x3FFE];
	[sflag:s23] =	ssyncadd.s32 $0xFFFFFFFF  }
0xa7: {  	s26 =	simm.s32 $execute0_lowered;
	[smem:$0x3FD2] =	sst s25  }
0xa8: {  	s7 =	sshll.u32 s26, $0x1;
	_ =	strace $0x80000046;
	[dreg:$0x1] =	wrdreg $0xFFFFFFFF  }
0xa9: {  	s28 =	simm.s32 $_size_execute0_lowered;
	s5 =	sadd.s32 s5, s7;
	[dreg:$0x0] =	wrdreg $0x0  }
0xaa: {  	s7 =	sshll.u32 s28, $0x1;
	[dreg:$0x2] =	wrdreg s5  }
0xab: {  	[dreg:$0x3] =	wrdreg s7  }
0xac: {  	[dreg:$0x4] =	wrdreg $0xC0  }
0xad: {  	_ =	task [dreg:s9], $0x5FFFF  }
0xae: {  	[dreg:$0x1] =	wrdreg $0xFFFFFFFF  }
0xaf: {  	[dreg:$0x0] =	wrdreg $0x60  }
0xb0: {  	[dreg:$0x2] =	wrdreg s2  }
0xb1: {  	[dreg:$0x3] =	wrdreg s18  }
0xb2: {  	[dreg:$0x4] =	wrdreg s24  }
0xb3: {  	[dreg:$0x5] =	wrdreg s4  }
0xb4: {  	[dreg:$0x6] =	wrdreg $0x9  }
0xb5: {  	_ =	task.clear_ibuf [dreg:s9], $0x7FFFF;
	_ =	strace $0x90000046  }
0xb6: {  	s29 =	simm.s32 $0x9;
	_ =	strace $0x80000048  }
0xb7: {  	_ =	swait.ge [sflag:s29], $0x1  }
0xb8: {  	[sflag:s29] =	ssyncadd.s32 $0xFFFFFFFF  }
0xb9: {  	_ =	strace $0x90000048  }
0xba: {  	_ =	sfence  }
0xbb: {  	s30 =	sld [smem:$0x0];
	_ =	sdelay $0x2  }
0xbc: {  	s31 =	sshll.u32 s1, $0xD;
	s1 =	sshrl.u32 s1, $0x2  }
0xbd: {  	s3 =	sand.u32 $0x4000, s31;
	s1 =	sadd.s32 s1, s30  }
0xbe: {  	s0 =	sor.u32 s3, s0;
	s1 =	sshll.u32 s1, $0x11  }
0xbf: {  	s0 =	sor.u32 s1, s0  }
0xc0: {  	s0 =	sadd.s32 $0x8F2B, s0  }
0xc1: {  	[sflag:s0] =	ssyncadd.remote.s32 $0x1  }
0xc2: {  	_ =	sfence.sel $0xFFFF  }
0xc3: {  	[dreg:$0x0] =	wrdreg $0xFFFFFFFF;
	(pc) =	sbr.abs _section_cstart, $3  }
0xc4: {  	[dreg:$0x1] =	wrdreg $0xFFFFFFFF  }
0xc5: {  	_ =	task.clear_ibuf [dreg:s9], $0x2FFFF;
	_ =	strace $0x9FFFFFFF  }
0xc6: {  	(tm) =	ssettm $0x7FFFFFFF  }
0xc7: {  	_ =	shalt  }
tec
execute0_lowered:
.L_overlay_start_1:
0x0: {  	(tag) =	ssettag $0x1  }
0x1: {  	s7 =	rddreg [dreg:$0x0]  }
0x2: {  	s1 =	rddreg [dreg:$0x1]  }
0x3: {  	s4 =	rddreg [dreg:$0x2]  }
0x4: {  	s9 =	rddreg [dreg:$0x3]  }
0x5: {  	s0 =	rddreg [dreg:$0x4];
	s5 =	srdreg.scid  }
0x6: {  	s3 =	simm.s32 $0x0;
	s2 =	stileid.u32;
	s14 =	simm.s32 $0xA00  }
0x7: {  	s15 =	simm.s32 $0x3;
	s16 =	simm.s32 $0x2;
	s18 =	simm.s32 $0x1  }
0x8: {  	s19 =	simm.s32 $0x0;
	s5 =	sand.u32 $0x1, s5;
	[smem:$0x7FF] =	sst s3  }
0x9: {  	s8 =	sshll.u32 s2, $0x1;
	s4 =	sadd.s32 $0x400, s4;
	s12 =	sshll.u32 s2, $0x14  }
0xa: {  	s6 =	ssub.s32 $0x2, s5;
	_ =	strace $0x80000047;
	s8 =	sor.u32 s5, s8  }
0xb: {  	s13 =	sshll.u32 s5, $0x13;
	s10 =	sshrl.u32 s6, $0x1;
	s11 =	sand.u32 $0x7, s8  }
0xc: {  	s12 =	sor.u32 s13, s12;
	s8 =	sshll.u32 s8, $0x5;
	s10 =	ssub.s32 s6, s10  }
0xd: {  	s22 =	sshll.u32 s11, $0x5;
	s6 =	sshrl.u32 s2, $0x2;
	s11 =	sshll.u32 s11, $0x13  }
0xe: {  	s12 =	sand.u32 $0x380000, s12;
	s8 =	sand.u32 $0xE0, s8;
	s5 =	sadd.s32 s7, s22  }
0xf: {  	s23 =	sshll.u32 s6, $0x16;
	s7 =	sadd.s32 s7, s8;
	s10 =	smax.u32 s10, $0x1  }
0x10: {  	s17 =	sor.u32 $0xB80, s6;
	s11 =	sor.u32 s11, s23;
	s12 =	sor.u32 s12, s23  }
0x11: {  	s11 =	sshrl.u32 s11, $0x3;
	s13 =	sor.u32 $0x1004000, s12;
	s28 =	sor.u32 $0x1000000, s12  }
0x12: {  	s30 =	sor.u32 $0x2004000, s12;
	s12 =	sor.u32 $0x2000000, s12;
	s24 =	sadd.s32 s11, s9  }
0x13: {  	s25 =	sshrl.u32 s13, $0x3;
	s29 =	sshrl.u32 s28, $0x3;
	s11 =	sshrl.u32 s30, $0x3  }
0x14: {  	s12 =	sshrl.u32 s12, $0x3;
	[dreg:$0x5] =	wrdreg s24;
	s26 =	sadd.s32 s25, s9  }
0x15: {  	s13 =	simm.s32 $0x900;
	s8 =	sadd.s32 s29, s9;
	[dreg:$0x7] =	wrdreg s26  }
0x16: {  	s11 =	sadd.s32 s11, s9;
	s31 =	sadd.s32 s12, s9;
	[dreg:$0x6] =	wrdreg s8  }
0x17: {  	s9 =	sor.u32 $0x8, s6;
	s12 =	simm.s32 $0x800;
	[dreg:$0x9] =	wrdreg s11  }
0x18: {  	s8 =	sor.u32 $0x4, s6;
	[dreg:$0x8] =	wrdreg s31;
	s11 =	simm.s32 $0xB80  }
.LBB2_1:
0x19: {  	[tilespmem:s11], [sflag:$0x2] =	stream.linear.gather [hbm4b:s4+s3], $0x18, $0x38;
	[tilespmem:$0x6C00] =	vst v63  }
0x1a: {  	_ = 	snop  }
0x1b: {  	[tilespmem:s12], [sflag:$0x2] =	stream.linear.gather [hbm4b:s5+s3], $0x100, $0x38;
	[tilespmem:$0x6C00] =	vst v63  }
0x1c: {  	_ = 	snop  }
0x1d: {  	[tilespmem:s13], [sflag:$0x2] =	stream.linear.gather [hbm4b:s7+s3], $0x100, $0x38;
	[tilespmem:$0x6C00] =	vst v63  }
0x1e: {  	_ = 	snop  }
0x1f: {  	[tilespmem:s14], [sflag:$0x2] =	stream.linear.gather [hbm4b:s7+s3], $0x100, $0x38;
	[tilespmem:$0x6C00] =	vst v63  }
0x20: {  	_ = 	snop  }
0x21: {  	[tilespmem:s3], [sflag:$0x3] =	stream.linear.gather [hbm4b:s1+s3], $0x800, $0x38;
	[tilespmem:$0x6C00] =	vst v63  }
0x22: {  	_ =	swait.ge [sflag:s15], $0x800  }
0x23: {  	[sflag:s15] =	ssyncset.done $0x0  }
0x24: {  	[sflag:s15] =	ssyncadd.s32 $0xFFFFF800  }
0x25: {  	_ =	swait.ge [sflag:s16], $0x18  }
0x26: {  	[sflag:s16] =	ssyncset.done $0x0  }
0x27: {  	[sflag:s16] =	ssyncadd.s32 $0xFFFFFFE8  }
0x28: {  	_ =	swait.ge [sflag:s16], $0x100  }
0x29: {  	[sflag:s16] =	ssyncset.done $0x0  }
0x2a: {  	[sflag:s16] =	ssyncadd.s32 $0xFFFFFF00  }
0x2b: {  	_ =	swait.ge [sflag:s16], $0x100  }
0x2c: {  	[sflag:s16] =	ssyncset.done $0x0  }
0x2d: {  	[sflag:s16] =	ssyncadd.s32 $0xFFFFFF00  }
0x2e: {  	_ =	swait.ge [sflag:s16], $0x100  }
0x2f: {  	[sflag:s16] =	ssyncset.done $0x0  }
0x30: {  	[sflag:s16] =	ssyncadd.s32 $0xFFFFFF00  }
0x31: {  	s20 =	sor.u32 $0xB8C, s6;
	s23 =	simm.s32 $0x0;
	v0 =	vld.msk [tilespmem:s17+$0x0 ss:$0x0], $0xffff  }
0x32: {  	s21 =	simm.s32 $0x10;
	s22 =	simm.s32 $0x0;
	v1 =	vld.msk [tilespmem:s20+$0x0 ss:$0x0], $0xffff;
	s20 =	simm.s32 $0x0  }
.LBB2_2:
0x33: {  	p0 =	sne.s32 s21, $0x7F0;
	v2 =	vld [tilespmem:s23+$0x0];
	_ =	sdelay $0x4  }
0x34: {  	s23 =	sand.u32 $0x70, s22;
	s24 =	sand.u32 $0x1E00, s20;
	s22 =	smov.u32 s21;
	vm0 =	veq.s32 v2, $0x0;
	vm1 =	veq.s32 v2, $0x1;
	vm2 =	veq.s32 v2, $0x2  }
.Ltmp0:
0x35: {  	s24 =	sor.u32 s23, s24;
	v3 =	vsel vm0, v1, v0;
	v4 =	vsel vm1, v1, v0;
	v5 =	vsel vm2, v1, v0;
	(pc) =	sbr.rel @p0 .LBB2_2-.Ltmp0, $4  }
0x36: {  	vm0 =	veq.s32 v2, $0x3;
	[tilespmem:s24+$0xC00] =	vst v3  }
0x37: {  	v2 =	vsel vm0, v1, v0;
	[tilespmem:s24+$0xC80] =	vst v4  }
0x38: {  	s20 =	sadd.s32 $0x40, s20;
	[tilespmem:s24+$0xD00] =	vst v5  }
0x39: {  	s21 =	sadd.s32 $0x10, s21;
	s23 =	sshra.s32 s20, $0x2;
	[tilespmem:s24+$0xD80] =	vst v2  }
0x3a: {  	v2 =	vld [tilespmem:s23+$0x0];
	_ =	sdelay $0x4  }
0x3b: {  	s21 =	sand.u32 $0x70, s22;
	s20 =	sand.u32 $0x1E00, s20;
	vm0 =	veq.s32 v2, $0x0  }
0x3c: {  	s20 =	sor.u32 s21, s20;
	vm1 =	veq.s32 v2, $0x1;
	v3 =	vsel vm0, v1, v0  }
0x3d: {  	vm14 =	veq.s32 v2, $0x2;
	v4 =	vsel vm1, v1, v0;
	[tilespmem:s20+$0xC00] =	vst v3  }
0x3e: {  	vm15 =	veq.s32 v2, $0x3;
	v62 =	vsel vm14, v1, v0;
	[tilespmem:s20+$0xC80] =	vst v4  }
0x3f: {  	v63 =	vsel vm15, v1, v0;
	[tilespmem:s20+$0xD00] =	vst v62  }
0x40: {  	s22 =	simm.s32 $0x0;
	s21 =	simm.s32 $0x800;
	[tilespmem:s20+$0xD80] =	vst v63;
	s20 =	simm.s32 $0x0  }
.LBB2_4:
0x41: {  	v0 =	vld [tilespmem:s21+$0x0];
	_ =	sdelay $0x4  }
0x42: {  	(v2sf) =	vpush v0, $0x0;
	_ =	sdelay $0xe  }
0x43: {  	s23 =	spop (v2sf)  }
0x44: {  	s25 =	sshll.u32 s23, $0xB;
	s23 =	sshll.u32 s23, $0x7  }
0x45: {  	s25 =	sand.u32 $0xFFFFE000, s25;
	s23 =	sand.u32 $0x180, s23  }
0x46: {  	s24 =	rddreg [dreg:$0x5];
	s25 =	sor.u32 s23, s25  }
0x47: {  	s23 =	sadd.s32 s20, s24;
	s28 =	sor.u32 $0xC00, s25  }
0x48: {  	[hbm4b:s23+s3] =	stream.linear.scatter [tilespmem:s28], [sflag:$0x1], $0x80, $0x38;
	[tilespmem:$0x6C00] =	vst v63  }
0x49: {  	s29 =	sor.u32 $0xE00, s25;
	s26 =	sadd.s32 $0x80, s23  }
0x4a: {  	[hbm4b:s26+s3] =	stream.linear.scatter [tilespmem:s29], [sflag:$0x1], $0x80, $0x38;
	[tilespmem:$0x6C00] =	vst v63  }
0x4b: {  	s30 =	sor.u32 $0x1000, s25;
	s31 =	sadd.s32 $0x100, s23  }
0x4c: {  	[hbm4b:s31+s3] =	stream.linear.scatter [tilespmem:s30], [sflag:$0x1], $0x80, $0x38;
	[tilespmem:$0x6C00] =	vst v63  }
0x4d: {  	s28 =	sor.u32 $0x1200, s25;
	s29 =	sadd.s32 $0x180, s23  }
0x4e: {  	[hbm4b:s29+s3] =	stream.linear.scatter [tilespmem:s28], [sflag:$0x1], $0x80, $0x38;
	[tilespmem:$0x6C00] =	vst v63  }
0x4f: {  	s30 =	sor.u32 $0x1400, s25;
	s31 =	sadd.s32 $0x200, s23  }
0x50: {  	[hbm4b:s31+s3] =	stream.linear.scatter [tilespmem:s30], [sflag:$0x1], $0x80, $0x38;
	[tilespmem:$0x6C00] =	vst v63  }
0x51: {  	s28 =	sor.u32 $0x1600, s25;
	s29 =	sadd.s32 $0x280, s23  }
0x52: {  	[hbm4b:s29+s3] =	stream.linear.scatter [tilespmem:s28], [sflag:$0x1], $0x80, $0x38;
	[tilespmem:$0x6C00] =	vst v63  }
0x53: {  	s30 =	sor.u32 $0x1800, s25;
	s31 =	sadd.s32 $0x300, s23  }
0x54: {  	(v2sf) =	vpush v0, $0x1;
	[hbm4b:s31+s3] =	stream.linear.scatter [tilespmem:s30], [sflag:$0x1], $0x80, $0x38;
	[tilespmem:$0x6C00] =	vst v63  }
0x55: {  	s28 =	sor.u32 $0x1A00, s25;
	s29 =	sadd.s32 $0x380, s23  }
0x56: {  	[hbm4b:s29+s3] =	stream.linear.scatter [tilespmem:s28], [sflag:$0x1], $0x80, $0x38;
	[tilespmem:$0x6C00] =	vst v63  }
0x57: {  	s30 =	sor.u32 $0x1C00, s25;
	s31 =	sadd.s32 $0x400, s23  }
0x58: {  	[hbm4b:s31+s3] =	stream.linear.scatter [tilespmem:s30], [sflag:$0x1], $0x80, $0x38;
	[tilespmem:$0x6C00] =	vst v63  }
0x59: {  	s28 =	sor.u32 $0x1E00, s25;
	s29 =	sadd.s32 $0x480, s23  }
0x5a: {  	[hbm4b:s29+s3] =	stream.linear.scatter [tilespmem:s28], [sflag:$0x1], $0x80, $0x38;
	[tilespmem:$0x6C00] =	vst v63  }
0x5b: {  	s30 =	sadd.s32 $0x2000, s25;
	s31 =	sadd.s32 $0x500, s23  }
0x5c: {  	[hbm4b:s31+s3] =	stream.linear.scatter [tilespmem:s30], [sflag:$0x1], $0x80, $0x38;
	[tilespmem:$0x6C00] =	vst v63  }
0x5d: {  	s28 =	sadd.s32 $0x2200, s25;
	s29 =	sadd.s32 $0x580, s23  }
0x5e: {  	[hbm4b:s29+s3] =	stream.linear.scatter [tilespmem:s28], [sflag:$0x1], $0x80, $0x38;
	[tilespmem:$0x6C00] =	vst v63  }
0x5f: {  	s30 =	sadd.s32 $0x2400, s25;
	s31 =	sadd.s32 $0x600, s23  }
0x60: {  	[hbm4b:s31+s3] =	stream.linear.scatter [tilespmem:s30], [sflag:$0x1], $0x80, $0x38;
	[tilespmem:$0x6C00] =	vst v63  }
0x61: {  	s26 =	sadd.s32 $0x780, s23;
	s28 =	sadd.s32 $0x2600, s25;
	s29 =	sadd.s32 $0x680, s23  }
0x62: {  	[hbm4b:s29+s3] =	stream.linear.scatter [tilespmem:s28], [sflag:$0x1], $0x80, $0x38;
	[tilespmem:$0x6C00] =	vst v63  }
0x63: {  	s30 =	sadd.s32 $0x2800, s25;
	s31 =	sadd.s32 $0x700, s23;
	s28 =	spop (v2sf)  }
0x64: {  	[hbm4b:s31+s3] =	stream.linear.scatter [tilespmem:s30], [sflag:$0x1], $0x80, $0x38;
	[tilespmem:$0x6C00] =	vst v63  }
0x65: {  	s25 =	sadd.s32 $0x2A00, s25;
	s29 =	sshll.u32 s28, $0xB;
	s24 =	sshll.u32 s28, $0x7  }
0x66: {  	[hbm4b:s26+s3] =	stream.linear.scatter [tilespmem:s25], [sflag:$0x1], $0x80, $0x38;
	[tilespmem:$0x6C00] =	vst v63  }
0x67: {  	s24 =	sand.u32 $0x180, s24;
	s25 =	sand.u32 $0xFFFFE000, s29  }
0x68: {  	s24 =	sor.u32 s24, s25  }
0x69: {  	s30 =	sadd.s32 $0x10, s23;
	s31 =	sor.u32 $0xC00, s24  }
0x6a: {  	[hbm4b:s30+s3] =	stream.linear.scatter [tilespmem:s31], [sflag:$0x1], $0x80, $0x38;
	[tilespmem:$0x6C00] =	vst v63  }
0x6b: {  	s29 =	sadd.s32 $0x90, s23;
	s28 =	sor.u32 $0xE00, s24  }
0x6c: {  	[hbm4b:s29+s3] =	stream.linear.scatter [tilespmem:s28], [sflag:$0x1], $0x80, $0x38;
	[tilespmem:$0x6C00] =	vst v63  }
0x6d: {  	s30 =	sor.u32 $0x1000, s24;
	s31 =	sadd.s32 $0x110, s23  }
0x6e: {  	[hbm4b:s31+s3] =	stream.linear.scatter [tilespmem:s30], [sflag:$0x1], $0x80, $0x38;
	[tilespmem:$0x6C00] =	vst v63  }
0x6f: {  	s28 =	sor.u32 $0x1200, s24;
	s29 =	sadd.s32 $0x190, s23  }
0x70: {  	[hbm4b:s29+s3] =	stream.linear.scatter [tilespmem:s28], [sflag:$0x1], $0x80, $0x38;
	[tilespmem:$0x6C00] =	vst v63  }
0x71: {  	s30 =	sor.u32 $0x1400, s24;
	s31 =	sadd.s32 $0x210, s23  }
0x72: {  	[hbm4b:s31+s3] =	stream.linear.scatter [tilespmem:s30], [sflag:$0x1], $0x80, $0x38;
	[tilespmem:$0x6C00] =	vst v63  }
0x73: {  	s28 =	sor.u32 $0x1600, s24;
	s29 =	sadd.s32 $0x290, s23  }
0x74: {  	[hbm4b:s29+s3] =	stream.linear.scatter [tilespmem:s28], [sflag:$0x1], $0x80, $0x38;
	[tilespmem:$0x6C00] =	vst v63  }
0x75: {  	s30 =	sor.u32 $0x1800, s24;
	s31 =	sadd.s32 $0x310, s23  }
0x76: {  	[hbm4b:s31+s3] =	stream.linear.scatter [tilespmem:s30], [sflag:$0x1], $0x80, $0x38;
	[tilespmem:$0x6C00] =	vst v63  }
0x77: {  	s28 =	sor.u32 $0x1A00, s24;
	s29 =	sadd.s32 $0x390, s23  }
0x78: {  	(v2sf) =	vpush v0, $0x2;
	[hbm4b:s29+s3] =	stream.linear.scatter [tilespmem:s28], [sflag:$0x1], $0x80, $0x38;
	[tilespmem:$0x6C00] =	vst v63  }
0x79: {  	s30 =	sor.u32 $0x1C00, s24;
	s31 =	sadd.s32 $0x410, s23  }
0x7a: {  	[hbm4b:s31+s3] =	stream.linear.scatter [tilespmem:s30], [sflag:$0x1], $0x80, $0x38;
	[tilespmem:$0x6C00] =	vst v63  }
0x7b: {  	s28 =	sor.u32 $0x1E00, s24;
	s29 =	sadd.s32 $0x490, s23  }
0x7c: {  	[hbm4b:s29+s3] =	stream.linear.scatter [tilespmem:s28], [sflag:$0x1], $0x80, $0x38;
	[tilespmem:$0x6C00] =	vst v63  }
0x7d: {  	s30 =	sadd.s32 $0x2000, s24;
	s31 =	sadd.s32 $0x510, s23  }
0x7e: {  	[hbm4b:s31+s3] =	stream.linear.scatter [tilespmem:s30], [sflag:$0x1], $0x80, $0x38;
	[tilespmem:$0x6C00] =	vst v63  }
0x7f: {  	s28 =	sadd.s32 $0x2200, s24;
	s29 =	sadd.s32 $0x590, s23  }
0x80: {  	[hbm4b:s29+s3] =	stream.linear.scatter [tilespmem:s28], [sflag:$0x1], $0x80, $0x38;
	[tilespmem:$0x6C00] =	vst v63  }
0x81: {  	s30 =	sadd.s32 $0x2400, s24;
	s31 =	sadd.s32 $0x610, s23  }
0x82: {  	[hbm4b:s31+s3] =	stream.linear.scatter [tilespmem:s30], [sflag:$0x1], $0x80, $0x38;
	[tilespmem:$0x6C00] =	vst v63  }
0x83: {  	s28 =	sadd.s32 $0x2600, s24;
	s29 =	sadd.s32 $0x690, s23  }
0x84: {  	[hbm4b:s29+s3] =	stream.linear.scatter [tilespmem:s28], [sflag:$0x1], $0x80, $0x38;
	[tilespmem:$0x6C00] =	vst v63  }
0x85: {  	s30 =	sadd.s32 $0x2800, s24;
	s31 =	sadd.s32 $0x710, s23  }
0x86: {  	[hbm4b:s31+s3] =	stream.linear.scatter [tilespmem:s30], [sflag:$0x1], $0x80, $0x38;
	[tilespmem:$0x6C00] =	vst v63  }
0x87: {  	s26 =	sadd.s32 $0x790, s23;
	s24 =	sadd.s32 $0x2A00, s24;
	s28 =	spop (v2sf)  }
0x88: {  	[hbm4b:s26+s3] =	stream.linear.scatter [tilespmem:s24], [sflag:$0x1], $0x80, $0x38;
	[tilespmem:$0x6C00] =	vst v63  }
0x89: {  	s29 =	sshll.u32 s28, $0xB;
	s24 =	sshll.u32 s28, $0x7  }
0x8a: {  	s25 =	sand.u32 $0xFFFFE000, s29;
	s24 =	sand.u32 $0x180, s24  }
0x8b: {  	s24 =	sor.u32 s24, s25  }
0x8c: {  	s30 =	sadd.s32 $0x20, s23;
	s31 =	sor.u32 $0xC00, s24  }
0x8d: {  	[hbm4b:s30+s3] =	stream.linear.scatter [tilespmem:s31], [sflag:$0x1], $0x80, $0x38;
	[tilespmem:$0x6C00] =	vst v63  }
0x8e: {  	s29 =	sadd.s32 $0xA0, s23;
	s28 =	sor.u32 $0xE00, s24  }
0x8f: {  	[hbm4b:s29+s3] =	stream.linear.scatter [tilespmem:s28], [sflag:$0x1], $0x80, $0x38;
	[tilespmem:$0x6C00] =	vst v63  }
0x90: {  	s30 =	sor.u32 $0x1000, s24;
	s31 =	sadd.s32 $0x120, s23  }
0x91: {  	[hbm4b:s31+s3] =	stream.linear.scatter [tilespmem:s30], [sflag:$0x1], $0x80, $0x38;
	[tilespmem:$0x6C00] =	vst v63  }
0x92: {  	s28 =	sor.u32 $0x1200, s24;
	s29 =	sadd.s32 $0x1A0, s23  }
0x93: {  	[hbm4b:s29+s3] =	stream.linear.scatter [tilespmem:s28], [sflag:$0x1], $0x80, $0x38;
	[tilespmem:$0x6C00] =	vst v63  }
0x94: {  	s30 =	sor.u32 $0x1400, s24;
	s31 =	sadd.s32 $0x220, s23  }
0x95: {  	[hbm4b:s31+s3] =	stream.linear.scatter [tilespmem:s30], [sflag:$0x1], $0x80, $0x38;
	[tilespmem:$0x6C00] =	vst v63  }
0x96: {  	s28 =	sor.u32 $0x1600, s24;
	s29 =	sadd.s32 $0x2A0, s23  }
0x97: {  	[hbm4b:s29+s3] =	stream.linear.scatter [tilespmem:s28], [sflag:$0x1], $0x80, $0x38;
	[tilespmem:$0x6C00] =	vst v63  }
0x98: {  	s30 =	sor.u32 $0x1800, s24;
	s31 =	sadd.s32 $0x320, s23  }
0x99: {  	[hbm4b:s31+s3] =	stream.linear.scatter [tilespmem:s30], [sflag:$0x1], $0x80, $0x38;
	[tilespmem:$0x6C00] =	vst v63  }
0x9a: {  	s28 =	sor.u32 $0x1A00, s24;
	s29 =	sadd.s32 $0x3A0, s23  }
0x9b: {  	(v2sf) =	vpush v0, $0x3;
	[hbm4b:s29+s3] =	stream.linear.scatter [tilespmem:s28], [sflag:$0x1], $0x80, $0x38;
	[tilespmem:$0x6C00] =	vst v63  }
0x9c: {  	s30 =	sor.u32 $0x1C00, s24;
	s31 =	sadd.s32 $0x420, s23  }
0x9d: {  	[hbm4b:s31+s3] =	stream.linear.scatter [tilespmem:s30], [sflag:$0x1], $0x80, $0x38;
	[tilespmem:$0x6C00] =	vst v63  }
0x9e: {  	s28 =	sor.u32 $0x1E00, s24;
	s29 =	sadd.s32 $0x4A0, s23  }
0x9f: {  	[hbm4b:s29+s3] =	stream.linear.scatter [tilespmem:s28], [sflag:$0x1], $0x80, $0x38;
	[tilespmem:$0x6C00] =	vst v63  }
0xa0: {  	s30 =	sadd.s32 $0x2000, s24;
	s31 =	sadd.s32 $0x520, s23  }
0xa1: {  	[hbm4b:s31+s3] =	stream.linear.scatter [tilespmem:s30], [sflag:$0x1], $0x80, $0x38;
	[tilespmem:$0x6C00] =	vst v63  }
0xa2: {  	s28 =	sadd.s32 $0x2200, s24;
	s29 =	sadd.s32 $0x5A0, s23  }
0xa3: {  	[hbm4b:s29+s3] =	stream.linear.scatter [tilespmem:s28], [sflag:$0x1], $0x80, $0x38;
	[tilespmem:$0x6C00] =	vst v63  }
0xa4: {  	s30 =	sadd.s32 $0x2400, s24;
	s31 =	sadd.s32 $0x620, s23  }
0xa5: {  	[hbm4b:s31+s3] =	stream.linear.scatter [tilespmem:s30], [sflag:$0x1], $0x80, $0x38;
	[tilespmem:$0x6C00] =	vst v63  }
0xa6: {  	s28 =	sadd.s32 $0x2600, s24;
	s29 =	sadd.s32 $0x6A0, s23  }
0xa7: {  	[hbm4b:s29+s3] =	stream.linear.scatter [tilespmem:s28], [sflag:$0x1], $0x80, $0x38;
	[tilespmem:$0x6C00] =	vst v63  }
0xa8: {  	s30 =	sadd.s32 $0x2800, s24;
	s31 =	sadd.s32 $0x720, s23  }
0xa9: {  	[hbm4b:s31+s3] =	stream.linear.scatter [tilespmem:s30], [sflag:$0x1], $0x80, $0x38;
	[tilespmem:$0x6C00] =	vst v63  }
0xaa: {  	s26 =	sadd.s32 $0x7A0, s23;
	s24 =	sadd.s32 $0x2A00, s24;
	s28 =	spop (v2sf)  }
0xab: {  	[hbm4b:s26+s3] =	stream.linear.scatter [tilespmem:s24], [sflag:$0x1], $0x80, $0x38;
	[tilespmem:$0x6C00] =	vst v63  }
0xac: {  	s29 =	sshll.u32 s28, $0xB;
	s24 =	sshll.u32 s28, $0x7  }
0xad: {  	s25 =	sand.u32 $0xFFFFE000, s29;
	s24 =	sand.u32 $0x180, s24  }
0xae: {  	s24 =	sor.u32 s24, s25  }
0xaf: {  	s30 =	sadd.s32 $0x30, s23;
	s31 =	sor.u32 $0xC00, s24  }
0xb0: {  	[hbm4b:s30+s3] =	stream.linear.scatter [tilespmem:s31], [sflag:$0x1], $0x80, $0x38;
	[tilespmem:$0x6C00] =	vst v63  }
0xb1: {  	s29 =	sadd.s32 $0xB0, s23;
	s28 =	sor.u32 $0xE00, s24  }
0xb2: {  	[hbm4b:s29+s3] =	stream.linear.scatter [tilespmem:s28], [sflag:$0x1], $0x80, $0x38;
	[tilespmem:$0x6C00] =	vst v63  }
0xb3: {  	s30 =	sor.u32 $0x1000, s24;
	s31 =	sadd.s32 $0x130, s23  }
0xb4: {  	[hbm4b:s31+s3] =	stream.linear.scatter [tilespmem:s30], [sflag:$0x1], $0x80, $0x38;
	[tilespmem:$0x6C00] =	vst v63  }
0xb5: {  	s28 =	sor.u32 $0x1200, s24;
	s29 =	sadd.s32 $0x1B0, s23  }
0xb6: {  	[hbm4b:s29+s3] =	stream.linear.scatter [tilespmem:s28], [sflag:$0x1], $0x80, $0x38;
	[tilespmem:$0x6C00] =	vst v63  }
0xb7: {  	s30 =	sor.u32 $0x1400, s24;
	s31 =	sadd.s32 $0x230, s23  }
0xb8: {  	[hbm4b:s31+s3] =	stream.linear.scatter [tilespmem:s30], [sflag:$0x1], $0x80, $0x38;
	[tilespmem:$0x6C00] =	vst v63  }
0xb9: {  	s28 =	sor.u32 $0x1600, s24;
	s29 =	sadd.s32 $0x2B0, s23  }
0xba: {  	[hbm4b:s29+s3] =	stream.linear.scatter [tilespmem:s28], [sflag:$0x1], $0x80, $0x38;
	[tilespmem:$0x6C00] =	vst v63  }
0xbb: {  	s30 =	sor.u32 $0x1800, s24;
	s31 =	sadd.s32 $0x330, s23  }
0xbc: {  	[hbm4b:s31+s3] =	stream.linear.scatter [tilespmem:s30], [sflag:$0x1], $0x80, $0x38;
	[tilespmem:$0x6C00] =	vst v63  }
0xbd: {  	s28 =	sor.u32 $0x1A00, s24;
	s29 =	sadd.s32 $0x3B0, s23  }
0xbe: {  	(v2sf) =	vpush v0, $0x4;
	[hbm4b:s29+s3] =	stream.linear.scatter [tilespmem:s28], [sflag:$0x1], $0x80, $0x38;
	[tilespmem:$0x6C00] =	vst v63  }
0xbf: {  	s30 =	sor.u32 $0x1C00, s24;
	s31 =	sadd.s32 $0x430, s23  }
0xc0: {  	[hbm4b:s31+s3] =	stream.linear.scatter [tilespmem:s30], [sflag:$0x1], $0x80, $0x38;
	[tilespmem:$0x6C00] =	vst v63  }
0xc1: {  	s28 =	sor.u32 $0x1E00, s24;
	s29 =	sadd.s32 $0x4B0, s23  }
0xc2: {  	[hbm4b:s29+s3] =	stream.linear.scatter [tilespmem:s28], [sflag:$0x1], $0x80, $0x38;
	[tilespmem:$0x6C00] =	vst v63  }
0xc3: {  	s30 =	sadd.s32 $0x2000, s24;
	s31 =	sadd.s32 $0x530, s23  }
0xc4: {  	[hbm4b:s31+s3] =	stream.linear.scatter [tilespmem:s30], [sflag:$0x1], $0x80, $0x38;
	[tilespmem:$0x6C00] =	vst v63  }
0xc5: {  	s28 =	sadd.s32 $0x2200, s24;
	s29 =	sadd.s32 $0x5B0, s23  }
0xc6: {  	[hbm4b:s29+s3] =	stream.linear.scatter [tilespmem:s28], [sflag:$0x1], $0x80, $0x38;
	[tilespmem:$0x6C00] =	vst v63  }
0xc7: {  	s30 =	sadd.s32 $0x2400, s24;
	s31 =	sadd.s32 $0x630, s23  }
0xc8: {  	[hbm4b:s31+s3] =	stream.linear.scatter [tilespmem:s30], [sflag:$0x1], $0x80, $0x38;
	[tilespmem:$0x6C00] =	vst v63  }
0xc9: {  	s28 =	sadd.s32 $0x2600, s24;
	s29 =	sadd.s32 $0x6B0, s23  }
0xca: {  	[hbm4b:s29+s3] =	stream.linear.scatter [tilespmem:s28], [sflag:$0x1], $0x80, $0x38;
	[tilespmem:$0x6C00] =	vst v63  }
0xcb: {  	s30 =	sadd.s32 $0x2800, s24;
	s31 =	sadd.s32 $0x730, s23  }
0xcc: {  	[hbm4b:s31+s3] =	stream.linear.scatter [tilespmem:s30], [sflag:$0x1], $0x80, $0x38;
	[tilespmem:$0x6C00] =	vst v63  }
0xcd: {  	s26 =	sadd.s32 $0x7B0, s23;
	s24 =	sadd.s32 $0x2A00, s24;
	s28 =	spop (v2sf)  }
0xce: {  	[hbm4b:s26+s3] =	stream.linear.scatter [tilespmem:s24], [sflag:$0x1], $0x80, $0x38;
	[tilespmem:$0x6C00] =	vst v63  }
0xcf: {  	s29 =	sshll.u32 s28, $0xB;
	s24 =	sshll.u32 s28, $0x7  }
0xd0: {  	s25 =	sand.u32 $0xFFFFE000, s29;
	s24 =	sand.u32 $0x180, s24  }
0xd1: {  	s24 =	sor.u32 s24, s25  }
0xd2: {  	s30 =	sadd.s32 $0x40, s23;
	s31 =	sor.u32 $0xC00, s24  }
0xd3: {  	[hbm4b:s30+s3] =	stream.linear.scatter [tilespmem:s31], [sflag:$0x1], $0x80, $0x38;
	[tilespmem:$0x6C00] =	vst v63  }
0xd4: {  	s29 =	sadd.s32 $0xC0, s23;
	s28 =	sor.u32 $0xE00, s24  }
0xd5: {  	[hbm4b:s29+s3] =	stream.linear.scatter [tilespmem:s28], [sflag:$0x1], $0x80, $0x38;
	[tilespmem:$0x6C00] =	vst v63  }
0xd6: {  	s30 =	sor.u32 $0x1000, s24;
	s31 =	sadd.s32 $0x140, s23  }
0xd7: {  	[hbm4b:s31+s3] =	stream.linear.scatter [tilespmem:s30], [sflag:$0x1], $0x80, $0x38;
	[tilespmem:$0x6C00] =	vst v63  }
0xd8: {  	s28 =	sor.u32 $0x1200, s24;
	s29 =	sadd.s32 $0x1C0, s23  }
0xd9: {  	[hbm4b:s29+s3] =	stream.linear.scatter [tilespmem:s28], [sflag:$0x1], $0x80, $0x38;
	[tilespmem:$0x6C00] =	vst v63  }
0xda: {  	s30 =	sor.u32 $0x1400, s24;
	s31 =	sadd.s32 $0x240, s23  }
0xdb: {  	[hbm4b:s31+s3] =	stream.linear.scatter [tilespmem:s30], [sflag:$0x1], $0x80, $0x38;
	[tilespmem:$0x6C00] =	vst v63  }
0xdc: {  	s28 =	sor.u32 $0x1600, s24;
	s29 =	sadd.s32 $0x2C0, s23  }
0xdd: {  	[hbm4b:s29+s3] =	stream.linear.scatter [tilespmem:s28], [sflag:$0x1], $0x80, $0x38;
	[tilespmem:$0x6C00] =	vst v63  }
0xde: {  	s30 =	sor.u32 $0x1800, s24;
	s31 =	sadd.s32 $0x340, s23  }
0xdf: {  	[hbm4b:s31+s3] =	stream.linear.scatter [tilespmem:s30], [sflag:$0x1], $0x80, $0x38;
	[tilespmem:$0x6C00] =	vst v63  }
0xe0: {  	s28 =	sor.u32 $0x1A00, s24;
	s29 =	sadd.s32 $0x3C0, s23  }
0xe1: {  	(v2sf) =	vpush v0, $0x5;
	[hbm4b:s29+s3] =	stream.linear.scatter [tilespmem:s28], [sflag:$0x1], $0x80, $0x38;
	[tilespmem:$0x6C00] =	vst v63  }
0xe2: {  	s30 =	sor.u32 $0x1C00, s24;
	s31 =	sadd.s32 $0x440, s23  }
0xe3: {  	[hbm4b:s31+s3] =	stream.linear.scatter [tilespmem:s30], [sflag:$0x1], $0x80, $0x38;
	[tilespmem:$0x6C00] =	vst v63  }
0xe4: {  	s28 =	sor.u32 $0x1E00, s24;
	s29 =	sadd.s32 $0x4C0, s23  }
0xe5: {  	[hbm4b:s29+s3] =	stream.linear.scatter [tilespmem:s28], [sflag:$0x1], $0x80, $0x38;
	[tilespmem:$0x6C00] =	vst v63  }
0xe6: {  	s30 =	sadd.s32 $0x2000, s24;
	s31 =	sadd.s32 $0x540, s23  }
0xe7: {  	[hbm4b:s31+s3] =	stream.linear.scatter [tilespmem:s30], [sflag:$0x1], $0x80, $0x38;
	[tilespmem:$0x6C00] =	vst v63  }
0xe8: {  	s28 =	sadd.s32 $0x2200, s24;
	s29 =	sadd.s32 $0x5C0, s23  }
0xe9: {  	[hbm4b:s29+s3] =	stream.linear.scatter [tilespmem:s28], [sflag:$0x1], $0x80, $0x38;
	[tilespmem:$0x6C00] =	vst v63  }
0xea: {  	s30 =	sadd.s32 $0x2400, s24;
	s31 =	sadd.s32 $0x640, s23  }
0xeb: {  	[hbm4b:s31+s3] =	stream.linear.scatter [tilespmem:s30], [sflag:$0x1], $0x80, $0x38;
	[tilespmem:$0x6C00] =	vst v63  }
0xec: {  	s28 =	sadd.s32 $0x2600, s24;
	s29 =	sadd.s32 $0x6C0, s23  }
0xed: {  	[hbm4b:s29+s3] =	stream.linear.scatter [tilespmem:s28], [sflag:$0x1], $0x80, $0x38;
	[tilespmem:$0x6C00] =	vst v63  }
0xee: {  	s30 =	sadd.s32 $0x2800, s24;
	s31 =	sadd.s32 $0x740, s23  }
0xef: {  	[hbm4b:s31+s3] =	stream.linear.scatter [tilespmem:s30], [sflag:$0x1], $0x80, $0x38;
	[tilespmem:$0x6C00] =	vst v63  }
0xf0: {  	s26 =	sadd.s32 $0x7C0, s23;
	s24 =	sadd.s32 $0x2A00, s24;
	s28 =	spop (v2sf)  }
0xf1: {  	[hbm4b:s26+s3] =	stream.linear.scatter [tilespmem:s24], [sflag:$0x1], $0x80, $0x38;
	[tilespmem:$0x6C00] =	vst v63  }
0xf2: {  	s29 =	sshll.u32 s28, $0xB;
	s24 =	sshll.u32 s28, $0x7  }
0xf3: {  	s25 =	sand.u32 $0xFFFFE000, s29;
	s24 =	sand.u32 $0x180, s24  }
0xf4: {  	s24 =	sor.u32 s24, s25  }
0xf5: {  	s30 =	sadd.s32 $0x50, s23;
	s31 =	sor.u32 $0xC00, s24  }
0xf6: {  	[hbm4b:s30+s3] =	stream.linear.scatter [tilespmem:s31], [sflag:$0x1], $0x80, $0x38;
	[tilespmem:$0x6C00] =	vst v63  }
0xf7: {  	s29 =	sadd.s32 $0xD0, s23;
	s28 =	sor.u32 $0xE00, s24  }
0xf8: {  	[hbm4b:s29+s3] =	stream.linear.scatter [tilespmem:s28], [sflag:$0x1], $0x80, $0x38;
	[tilespmem:$0x6C00] =	vst v63  }
0xf9: {  	s30 =	sor.u32 $0x1000, s24;
	s31 =	sadd.s32 $0x150, s23  }
0xfa: {  	[hbm4b:s31+s3] =	stream.linear.scatter [tilespmem:s30], [sflag:$0x1], $0x80, $0x38;
	[tilespmem:$0x6C00] =	vst v63  }
0xfb: {  	s28 =	sor.u32 $0x1200, s24;
	s29 =	sadd.s32 $0x1D0, s23  }
0xfc: {  	[hbm4b:s29+s3] =	stream.linear.scatter [tilespmem:s28], [sflag:$0x1], $0x80, $0x38;
	[tilespmem:$0x6C00] =	vst v63  }
0xfd: {  	s30 =	sor.u32 $0x1400, s24;
	s31 =	sadd.s32 $0x250, s23  }
0xfe: {  	[hbm4b:s31+s3] =	stream.linear.scatter [tilespmem:s30], [sflag:$0x1], $0x80, $0x38;
	[tilespmem:$0x6C00] =	vst v63  }
0xff: {  	s28 =	sor.u32 $0x1600, s24;
	s29 =	sadd.s32 $0x2D0, s23  }
0x100: {  	[hbm4b:s29+s3] =	stream.linear.scatter [tilespmem:s28], [sflag:$0x1], $0x80, $0x38;
	[tilespmem:$0x6C00] =	vst v63  }
0x101: {  	s30 =	sor.u32 $0x1800, s24;
	s31 =	sadd.s32 $0x350, s23  }
0x102: {  	[hbm4b:s31+s3] =	stream.linear.scatter [tilespmem:s30], [sflag:$0x1], $0x80, $0x38;
	[tilespmem:$0x6C00] =	vst v63  }
0x103: {  	s28 =	sor.u32 $0x1A00, s24;
	s29 =	sadd.s32 $0x3D0, s23  }
0x104: {  	(v2sf) =	vpush v0, $0x6;
	[hbm4b:s29+s3] =	stream.linear.scatter [tilespmem:s28], [sflag:$0x1], $0x80, $0x38;
	[tilespmem:$0x6C00] =	vst v63  }
0x105: {  	s30 =	sor.u32 $0x1C00, s24;
	s31 =	sadd.s32 $0x450, s23  }
0x106: {  	[hbm4b:s31+s3] =	stream.linear.scatter [tilespmem:s30], [sflag:$0x1], $0x80, $0x38;
	[tilespmem:$0x6C00] =	vst v63  }
0x107: {  	s28 =	sor.u32 $0x1E00, s24;
	s29 =	sadd.s32 $0x4D0, s23  }
0x108: {  	[hbm4b:s29+s3] =	stream.linear.scatter [tilespmem:s28], [sflag:$0x1], $0x80, $0x38;
	[tilespmem:$0x6C00] =	vst v63  }
0x109: {  	s30 =	sadd.s32 $0x2000, s24;
	s31 =	sadd.s32 $0x550, s23  }
0x10a: {  	[hbm4b:s31+s3] =	stream.linear.scatter [tilespmem:s30], [sflag:$0x1], $0x80, $0x38;
	[tilespmem:$0x6C00] =	vst v63  }
0x10b: {  	s28 =	sadd.s32 $0x2200, s24;
	s29 =	sadd.s32 $0x5D0, s23  }
0x10c: {  	[hbm4b:s29+s3] =	stream.linear.scatter [tilespmem:s28], [sflag:$0x1], $0x80, $0x38;
	[tilespmem:$0x6C00] =	vst v63  }
0x10d: {  	s30 =	sadd.s32 $0x2400, s24;
	s31 =	sadd.s32 $0x650, s23  }
0x10e: {  	[hbm4b:s31+s3] =	stream.linear.scatter [tilespmem:s30], [sflag:$0x1], $0x80, $0x38;
	[tilespmem:$0x6C00] =	vst v63  }
0x10f: {  	s28 =	sadd.s32 $0x2600, s24;
	s29 =	sadd.s32 $0x6D0, s23  }
0x110: {  	[hbm4b:s29+s3] =	stream.linear.scatter [tilespmem:s28], [sflag:$0x1], $0x80, $0x38;
	[tilespmem:$0x6C00] =	vst v63  }
0x111: {  	s30 =	sadd.s32 $0x2800, s24;
	s31 =	sadd.s32 $0x750, s23  }
0x112: {  	[hbm4b:s31+s3] =	stream.linear.scatter [tilespmem:s30], [sflag:$0x1], $0x80, $0x38;
	[tilespmem:$0x6C00] =	vst v63  }
0x113: {  	s26 =	sadd.s32 $0x7D0, s23;
	s24 =	sadd.s32 $0x2A00, s24;
	s28 =	spop (v2sf)  }
0x114: {  	[hbm4b:s26+s3] =	stream.linear.scatter [tilespmem:s24], [sflag:$0x1], $0x80, $0x38;
	[tilespmem:$0x6C00] =	vst v63  }
0x115: {  	s29 =	sshll.u32 s28, $0xB;
	s24 =	sshll.u32 s28, $0x7  }
0x116: {  	s25 =	sand.u32 $0xFFFFE000, s29;
	s24 =	sand.u32 $0x180, s24  }
0x117: {  	s24 =	sor.u32 s24, s25  }
0x118: {  	s30 =	sadd.s32 $0x60, s23;
	s31 =	sor.u32 $0xC00, s24  }
0x119: {  	[hbm4b:s30+s3] =	stream.linear.scatter [tilespmem:s31], [sflag:$0x1], $0x80, $0x38;
	[tilespmem:$0x6C00] =	vst v63  }
0x11a: {  	s29 =	sadd.s32 $0xE0, s23;
	s28 =	sor.u32 $0xE00, s24  }
0x11b: {  	[hbm4b:s29+s3] =	stream.linear.scatter [tilespmem:s28], [sflag:$0x1], $0x80, $0x38;
	[tilespmem:$0x6C00] =	vst v63  }
0x11c: {  	s30 =	sor.u32 $0x1000, s24;
	s31 =	sadd.s32 $0x160, s23  }
0x11d: {  	[hbm4b:s31+s3] =	stream.linear.scatter [tilespmem:s30], [sflag:$0x1], $0x80, $0x38;
	[tilespmem:$0x6C00] =	vst v63  }
0x11e: {  	s28 =	sor.u32 $0x1200, s24;
	s29 =	sadd.s32 $0x1E0, s23  }
0x11f: {  	[hbm4b:s29+s3] =	stream.linear.scatter [tilespmem:s28], [sflag:$0x1], $0x80, $0x38;
	[tilespmem:$0x6C00] =	vst v63  }
0x120: {  	s30 =	sor.u32 $0x1400, s24;
	s31 =	sadd.s32 $0x260, s23  }
0x121: {  	[hbm4b:s31+s3] =	stream.linear.scatter [tilespmem:s30], [sflag:$0x1], $0x80, $0x38;
	[tilespmem:$0x6C00] =	vst v63  }
0x122: {  	s28 =	sor.u32 $0x1600, s24;
	s29 =	sadd.s32 $0x2E0, s23  }
0x123: {  	[hbm4b:s29+s3] =	stream.linear.scatter [tilespmem:s28], [sflag:$0x1], $0x80, $0x38;
	[tilespmem:$0x6C00] =	vst v63  }
0x124: {  	s30 =	sor.u32 $0x1800, s24;
	s31 =	sadd.s32 $0x360, s23  }
0x125: {  	[hbm4b:s31+s3] =	stream.linear.scatter [tilespmem:s30], [sflag:$0x1], $0x80, $0x38;
	[tilespmem:$0x6C00] =	vst v63  }
0x126: {  	s28 =	sor.u32 $0x1A00, s24;
	s29 =	sadd.s32 $0x3E0, s23  }
0x127: {  	(v2sf) =	vpush v0, $0x7;
	[hbm4b:s29+s3] =	stream.linear.scatter [tilespmem:s28], [sflag:$0x1], $0x80, $0x38;
	[tilespmem:$0x6C00] =	vst v63  }
0x128: {  	s30 =	sor.u32 $0x1C00, s24;
	s31 =	sadd.s32 $0x460, s23  }
0x129: {  	[hbm4b:s31+s3] =	stream.linear.scatter [tilespmem:s30], [sflag:$0x1], $0x80, $0x38;
	[tilespmem:$0x6C00] =	vst v63  }
0x12a: {  	s28 =	sor.u32 $0x1E00, s24;
	s29 =	sadd.s32 $0x4E0, s23  }
0x12b: {  	[hbm4b:s29+s3] =	stream.linear.scatter [tilespmem:s28], [sflag:$0x1], $0x80, $0x38;
	[tilespmem:$0x6C00] =	vst v63  }
0x12c: {  	s30 =	sadd.s32 $0x2000, s24;
	s31 =	sadd.s32 $0x560, s23  }
0x12d: {  	[hbm4b:s31+s3] =	stream.linear.scatter [tilespmem:s30], [sflag:$0x1], $0x80, $0x38;
	[tilespmem:$0x6C00] =	vst v63  }
0x12e: {  	s28 =	sadd.s32 $0x2200, s24;
	s29 =	sadd.s32 $0x5E0, s23  }
0x12f: {  	[hbm4b:s29+s3] =	stream.linear.scatter [tilespmem:s28], [sflag:$0x1], $0x80, $0x38;
	[tilespmem:$0x6C00] =	vst v63  }
0x130: {  	s30 =	sadd.s32 $0x2400, s24;
	s31 =	sadd.s32 $0x660, s23  }
0x131: {  	[hbm4b:s31+s3] =	stream.linear.scatter [tilespmem:s30], [sflag:$0x1], $0x80, $0x38;
	[tilespmem:$0x6C00] =	vst v63  }
0x132: {  	s28 =	sadd.s32 $0x2600, s24;
	s29 =	sadd.s32 $0x6E0, s23  }
0x133: {  	[hbm4b:s29+s3] =	stream.linear.scatter [tilespmem:s28], [sflag:$0x1], $0x80, $0x38;
	[tilespmem:$0x6C00] =	vst v63  }
0x134: {  	s30 =	sadd.s32 $0x2800, s24;
	s31 =	sadd.s32 $0x760, s23  }
0x135: {  	[hbm4b:s31+s3] =	stream.linear.scatter [tilespmem:s30], [sflag:$0x1], $0x80, $0x38;
	[tilespmem:$0x6C00] =	vst v63  }
0x136: {  	s26 =	sadd.s32 $0x7E0, s23;
	s24 =	sadd.s32 $0x2A00, s24;
	s28 =	spop (v2sf)  }
0x137: {  	[hbm4b:s26+s3] =	stream.linear.scatter [tilespmem:s24], [sflag:$0x1], $0x80, $0x38;
	[tilespmem:$0x6C00] =	vst v63  }
0x138: {  	s29 =	sshll.u32 s28, $0xB;
	s24 =	sshll.u32 s28, $0x7  }
0x139: {  	s25 =	sand.u32 $0xFFFFE000, s29;
	s24 =	sand.u32 $0x180, s24  }
0x13a: {  	s24 =	sor.u32 s24, s25  }
0x13b: {  	s30 =	sadd.s32 $0x70, s23;
	s31 =	sor.u32 $0xC00, s24  }
0x13c: {  	[hbm4b:s30+s3] =	stream.linear.scatter [tilespmem:s31], [sflag:$0x1], $0x80, $0x38;
	[tilespmem:$0x6C00] =	vst v63  }
0x13d: {  	s29 =	sadd.s32 $0xF0, s23;
	s28 =	sor.u32 $0xE00, s24  }
0x13e: {  	[hbm4b:s29+s3] =	stream.linear.scatter [tilespmem:s28], [sflag:$0x1], $0x80, $0x38;
	[tilespmem:$0x6C00] =	vst v63  }
0x13f: {  	s30 =	sor.u32 $0x1000, s24;
	s31 =	sadd.s32 $0x170, s23  }
0x140: {  	[hbm4b:s31+s3] =	stream.linear.scatter [tilespmem:s30], [sflag:$0x1], $0x80, $0x38;
	[tilespmem:$0x6C00] =	vst v63  }
0x141: {  	s28 =	sor.u32 $0x1200, s24;
	s29 =	sadd.s32 $0x1F0, s23  }
0x142: {  	[hbm4b:s29+s3] =	stream.linear.scatter [tilespmem:s28], [sflag:$0x1], $0x80, $0x38;
	[tilespmem:$0x6C00] =	vst v63  }
0x143: {  	s30 =	sor.u32 $0x1400, s24;
	s31 =	sadd.s32 $0x270, s23  }
0x144: {  	[hbm4b:s31+s3] =	stream.linear.scatter [tilespmem:s30], [sflag:$0x1], $0x80, $0x38;
	[tilespmem:$0x6C00] =	vst v63  }
0x145: {  	s28 =	sor.u32 $0x1600, s24;
	s29 =	sadd.s32 $0x2F0, s23  }
0x146: {  	[hbm4b:s29+s3] =	stream.linear.scatter [tilespmem:s28], [sflag:$0x1], $0x80, $0x38;
	[tilespmem:$0x6C00] =	vst v63  }
0x147: {  	s30 =	sor.u32 $0x1800, s24;
	s31 =	sadd.s32 $0x370, s23  }
0x148: {  	[hbm4b:s31+s3] =	stream.linear.scatter [tilespmem:s30], [sflag:$0x1], $0x80, $0x38;
	[tilespmem:$0x6C00] =	vst v63  }
0x149: {  	s28 =	sor.u32 $0x1A00, s24;
	s29 =	sadd.s32 $0x3F0, s23  }
0x14a: {  	(v2sf) =	vpush v0, $0x8;
	[hbm4b:s29+s3] =	stream.linear.scatter [tilespmem:s28], [sflag:$0x1], $0x80, $0x38;
	[tilespmem:$0x6C00] =	vst v63  }
0x14b: {  	s30 =	sor.u32 $0x1C00, s24;
	s31 =	sadd.s32 $0x470, s23  }
0x14c: {  	[hbm4b:s31+s3] =	stream.linear.scatter [tilespmem:s30], [sflag:$0x1], $0x80, $0x38;
	[tilespmem:$0x6C00] =	vst v63  }
0x14d: {  	s28 =	sor.u32 $0x1E00, s24;
	s29 =	sadd.s32 $0x4F0, s23  }
0x14e: {  	[hbm4b:s29+s3] =	stream.linear.scatter [tilespmem:s28], [sflag:$0x1], $0x80, $0x38;
	[tilespmem:$0x6C00] =	vst v63  }
0x14f: {  	s30 =	sadd.s32 $0x2000, s24;
	s31 =	sadd.s32 $0x570, s23  }
0x150: {  	[hbm4b:s31+s3] =	stream.linear.scatter [tilespmem:s30], [sflag:$0x1], $0x80, $0x38;
	[tilespmem:$0x6C00] =	vst v63  }
0x151: {  	s28 =	sadd.s32 $0x2200, s24;
	s29 =	sadd.s32 $0x5F0, s23  }
0x152: {  	[hbm4b:s29+s3] =	stream.linear.scatter [tilespmem:s28], [sflag:$0x1], $0x80, $0x38;
	[tilespmem:$0x6C00] =	vst v63  }
0x153: {  	s30 =	sadd.s32 $0x2400, s24;
	s31 =	sadd.s32 $0x670, s23  }
0x154: {  	[hbm4b:s31+s3] =	stream.linear.scatter [tilespmem:s30], [sflag:$0x1], $0x80, $0x38;
	[tilespmem:$0x6C00] =	vst v63  }
0x155: {  	s28 =	sadd.s32 $0x2600, s24;
	s29 =	sadd.s32 $0x6F0, s23  }
0x156: {  	[hbm4b:s29+s3] =	stream.linear.scatter [tilespmem:s28], [sflag:$0x1], $0x80, $0x38;
	[tilespmem:$0x6C00] =	vst v63  }
0x157: {  	s30 =	sadd.s32 $0x2800, s24;
	s31 =	sadd.s32 $0x770, s23  }
0x158: {  	[hbm4b:s31+s3] =	stream.linear.scatter [tilespmem:s30], [sflag:$0x1], $0x80, $0x38;
	[tilespmem:$0x6C00] =	vst v63  }
0x159: {  	s26 =	sadd.s32 $0x7F0, s23;
	s24 =	sadd.s32 $0x2A00, s24;
	s28 =	spop (v2sf)  }
0x15a: {  	[hbm4b:s26+s3] =	stream.linear.scatter [tilespmem:s24], [sflag:$0x1], $0x80, $0x38;
	[tilespmem:$0x6C00] =	vst v63  }
0x15b: {  	s29 =	sshll.u32 s28, $0xB;
	s24 =	sshll.u32 s28, $0x7  }
0x15c: {  	s25 =	sand.u32 $0xFFFFE000, s29;
	s24 =	sand.u32 $0x180, s24  }
0x15d: {  	s24 =	sor.u32 s24, s25  }
0x15e: {  	s30 =	sadd.s32 $0x800, s23;
	s31 =	sor.u32 $0xC00, s24  }
0x15f: {  	[hbm4b:s30+s3] =	stream.linear.scatter [tilespmem:s31], [sflag:$0x1], $0x80, $0x38;
	[tilespmem:$0x6C00] =	vst v63  }
0x160: {  	s29 =	sadd.s32 $0x880, s23;
	s28 =	sor.u32 $0xE00, s24  }
0x161: {  	[hbm4b:s29+s3] =	stream.linear.scatter [tilespmem:s28], [sflag:$0x1], $0x80, $0x38;
	[tilespmem:$0x6C00] =	vst v63  }
0x162: {  	s30 =	sor.u32 $0x1000, s24;
	s31 =	sadd.s32 $0x900, s23  }
0x163: {  	[hbm4b:s31+s3] =	stream.linear.scatter [tilespmem:s30], [sflag:$0x1], $0x80, $0x38;
	[tilespmem:$0x6C00] =	vst v63  }
0x164: {  	s28 =	sor.u32 $0x1200, s24;
	s29 =	sadd.s32 $0x980, s23  }
0x165: {  	[hbm4b:s29+s3] =	stream.linear.scatter [tilespmem:s28], [sflag:$0x1], $0x80, $0x38;
	[tilespmem:$0x6C00] =	vst v63  }
0x166: {  	s30 =	sor.u32 $0x1400, s24;
	s31 =	sadd.s32 $0xA00, s23  }
0x167: {  	[hbm4b:s31+s3] =	stream.linear.scatter [tilespmem:s30], [sflag:$0x1], $0x80, $0x38;
	[tilespmem:$0x6C00] =	vst v63  }
0x168: {  	s28 =	sor.u32 $0x1600, s24;
	s29 =	sadd.s32 $0xA80, s23  }
0x169: {  	[hbm4b:s29+s3] =	stream.linear.scatter [tilespmem:s28], [sflag:$0x1], $0x80, $0x38;
	[tilespmem:$0x6C00] =	vst v63  }
0x16a: {  	s30 =	sor.u32 $0x1800, s24;
	s31 =	sadd.s32 $0xB00, s23  }
0x16b: {  	[hbm4b:s31+s3] =	stream.linear.scatter [tilespmem:s30], [sflag:$0x1], $0x80, $0x38;
	[tilespmem:$0x6C00] =	vst v63  }
0x16c: {  	s28 =	sor.u32 $0x1A00, s24;
	s29 =	sadd.s32 $0xB80, s23  }
0x16d: {  	(v2sf) =	vpush v0, $0x9;
	[hbm4b:s29+s3] =	stream.linear.scatter [tilespmem:s28], [sflag:$0x1], $0x80, $0x38;
	[tilespmem:$0x6C00] =	vst v63  }
0x16e: {  	s30 =	sor.u32 $0x1C00, s24;
	s31 =	sadd.s32 $0xC00, s23  }
0x16f: {  	[hbm4b:s31+s3] =	stream.linear.scatter [tilespmem:s30], [sflag:$0x1], $0x80, $0x38;
	[tilespmem:$0x6C00] =	vst v63  }
0x170: {  	s28 =	sor.u32 $0x1E00, s24;
	s29 =	sadd.s32 $0xC80, s23  }
0x171: {  	[hbm4b:s29+s3] =	stream.linear.scatter [tilespmem:s28], [sflag:$0x1], $0x80, $0x38;
	[tilespmem:$0x6C00] =	vst v63  }
0x172: {  	s30 =	sadd.s32 $0x2000, s24;
	s31 =	sadd.s32 $0xD00, s23  }
0x173: {  	[hbm4b:s31+s3] =	stream.linear.scatter [tilespmem:s30], [sflag:$0x1], $0x80, $0x38;
	[tilespmem:$0x6C00] =	vst v63  }
0x174: {  	s28 =	sadd.s32 $0x2200, s24;
	s29 =	sadd.s32 $0xD80, s23  }
0x175: {  	[hbm4b:s29+s3] =	stream.linear.scatter [tilespmem:s28], [sflag:$0x1], $0x80, $0x38;
	[tilespmem:$0x6C00] =	vst v63  }
0x176: {  	s30 =	sadd.s32 $0x2400, s24;
	s31 =	sadd.s32 $0xE00, s23  }
0x177: {  	[hbm4b:s31+s3] =	stream.linear.scatter [tilespmem:s30], [sflag:$0x1], $0x80, $0x38;
	[tilespmem:$0x6C00] =	vst v63  }
0x178: {  	s28 =	sadd.s32 $0x2600, s24;
	s29 =	sadd.s32 $0xE80, s23  }
0x179: {  	[hbm4b:s29+s3] =	stream.linear.scatter [tilespmem:s28], [sflag:$0x1], $0x80, $0x38;
	[tilespmem:$0x6C00] =	vst v63  }
0x17a: {  	s30 =	sadd.s32 $0x2800, s24;
	s31 =	sadd.s32 $0xF00, s23  }
0x17b: {  	[hbm4b:s31+s3] =	stream.linear.scatter [tilespmem:s30], [sflag:$0x1], $0x80, $0x38;
	[tilespmem:$0x6C00] =	vst v63  }
0x17c: {  	s26 =	sadd.s32 $0xF80, s23;
	s24 =	sadd.s32 $0x2A00, s24;
	s28 =	spop (v2sf)  }
0x17d: {  	[hbm4b:s26+s3] =	stream.linear.scatter [tilespmem:s24], [sflag:$0x1], $0x80, $0x38;
	[tilespmem:$0x6C00] =	vst v63  }
0x17e: {  	s29 =	sshll.u32 s28, $0xB;
	s24 =	sshll.u32 s28, $0x7  }
0x17f: {  	s25 =	sand.u32 $0xFFFFE000, s29;
	s24 =	sand.u32 $0x180, s24  }
0x180: {  	s24 =	sor.u32 s24, s25  }
0x181: {  	s30 =	sadd.s32 $0x810, s23;
	s31 =	sor.u32 $0xC00, s24  }
0x182: {  	[hbm4b:s30+s3] =	stream.linear.scatter [tilespmem:s31], [sflag:$0x1], $0x80, $0x38;
	[tilespmem:$0x6C00] =	vst v63  }
0x183: {  	s29 =	sadd.s32 $0x890, s23;
	s28 =	sor.u32 $0xE00, s24  }
0x184: {  	[hbm4b:s29+s3] =	stream.linear.scatter [tilespmem:s28], [sflag:$0x1], $0x80, $0x38;
	[tilespmem:$0x6C00] =	vst v63  }
0x185: {  	s30 =	sor.u32 $0x1000, s24;
	s31 =	sadd.s32 $0x910, s23  }
0x186: {  	[hbm4b:s31+s3] =	stream.linear.scatter [tilespmem:s30], [sflag:$0x1], $0x80, $0x38;
	[tilespmem:$0x6C00] =	vst v63  }
0x187: {  	s28 =	sor.u32 $0x1200, s24;
	s29 =	sadd.s32 $0x990, s23  }
0x188: {  	[hbm4b:s29+s3] =	stream.linear.scatter [tilespmem:s28], [sflag:$0x1], $0x80, $0x38;
	[tilespmem:$0x6C00] =	vst v63  }
0x189: {  	s30 =	sor.u32 $0x1400, s24;
	s31 =	sadd.s32 $0xA10, s23  }
0x18a: {  	[hbm4b:s31+s3] =	stream.linear.scatter [tilespmem:s30], [sflag:$0x1], $0x80, $0x38;
	[tilespmem:$0x6C00] =	vst v63  }
0x18b: {  	s28 =	sor.u32 $0x1600, s24;
	s29 =	sadd.s32 $0xA90, s23  }
0x18c: {  	[hbm4b:s29+s3] =	stream.linear.scatter [tilespmem:s28], [sflag:$0x1], $0x80, $0x38;
	[tilespmem:$0x6C00] =	vst v63  }
0x18d: {  	s30 =	sor.u32 $0x1800, s24;
	s31 =	sadd.s32 $0xB10, s23  }
0x18e: {  	[hbm4b:s31+s3] =	stream.linear.scatter [tilespmem:s30], [sflag:$0x1], $0x80, $0x38;
	[tilespmem:$0x6C00] =	vst v63  }
0x18f: {  	s28 =	sor.u32 $0x1A00, s24;
	s29 =	sadd.s32 $0xB90, s23  }
0x190: {  	(v2sf) =	vpush v0, $0xA;
	[hbm4b:s29+s3] =	stream.linear.scatter [tilespmem:s28], [sflag:$0x1], $0x80, $0x38;
	[tilespmem:$0x6C00] =	vst v63  }
0x191: {  	s30 =	sor.u32 $0x1C00, s24;
	s31 =	sadd.s32 $0xC10, s23  }
0x192: {  	[hbm4b:s31+s3] =	stream.linear.scatter [tilespmem:s30], [sflag:$0x1], $0x80, $0x38;
	[tilespmem:$0x6C00] =	vst v63  }
0x193: {  	s28 =	sor.u32 $0x1E00, s24;
	s29 =	sadd.s32 $0xC90, s23  }
0x194: {  	[hbm4b:s29+s3] =	stream.linear.scatter [tilespmem:s28], [sflag:$0x1], $0x80, $0x38;
	[tilespmem:$0x6C00] =	vst v63  }
0x195: {  	s30 =	sadd.s32 $0x2000, s24;
	s31 =	sadd.s32 $0xD10, s23  }
0x196: {  	[hbm4b:s31+s3] =	stream.linear.scatter [tilespmem:s30], [sflag:$0x1], $0x80, $0x38;
	[tilespmem:$0x6C00] =	vst v63  }
0x197: {  	s28 =	sadd.s32 $0x2200, s24;
	s29 =	sadd.s32 $0xD90, s23  }
0x198: {  	[hbm4b:s29+s3] =	stream.linear.scatter [tilespmem:s28], [sflag:$0x1], $0x80, $0x38;
	[tilespmem:$0x6C00] =	vst v63  }
0x199: {  	s30 =	sadd.s32 $0x2400, s24;
	s31 =	sadd.s32 $0xE10, s23  }
0x19a: {  	[hbm4b:s31+s3] =	stream.linear.scatter [tilespmem:s30], [sflag:$0x1], $0x80, $0x38;
	[tilespmem:$0x6C00] =	vst v63  }
0x19b: {  	s28 =	sadd.s32 $0x2600, s24;
	s29 =	sadd.s32 $0xE90, s23  }
0x19c: {  	[hbm4b:s29+s3] =	stream.linear.scatter [tilespmem:s28], [sflag:$0x1], $0x80, $0x38;
	[tilespmem:$0x6C00] =	vst v63  }
0x19d: {  	s30 =	sadd.s32 $0x2800, s24;
	s31 =	sadd.s32 $0xF10, s23  }
0x19e: {  	[hbm4b:s31+s3] =	stream.linear.scatter [tilespmem:s30], [sflag:$0x1], $0x80, $0x38;
	[tilespmem:$0x6C00] =	vst v63  }
0x19f: {  	s26 =	sadd.s32 $0xF90, s23;
	s24 =	sadd.s32 $0x2A00, s24;
	s28 =	spop (v2sf)  }
0x1a0: {  	[hbm4b:s26+s3] =	stream.linear.scatter [tilespmem:s24], [sflag:$0x1], $0x80, $0x38;
	[tilespmem:$0x6C00] =	vst v63  }
0x1a1: {  	s29 =	sshll.u32 s28, $0xB;
	s24 =	sshll.u32 s28, $0x7  }
0x1a2: {  	s25 =	sand.u32 $0xFFFFE000, s29;
	s24 =	sand.u32 $0x180, s24  }
0x1a3: {  	s24 =	sor.u32 s24, s25  }
0x1a4: {  	s30 =	sadd.s32 $0x820, s23;
	s31 =	sor.u32 $0xC00, s24  }
0x1a5: {  	[hbm4b:s30+s3] =	stream.linear.scatter [tilespmem:s31], [sflag:$0x1], $0x80, $0x38;
	[tilespmem:$0x6C00] =	vst v63  }
0x1a6: {  	s29 =	sadd.s32 $0x8A0, s23;
	s28 =	sor.u32 $0xE00, s24  }
0x1a7: {  	[hbm4b:s29+s3] =	stream.linear.scatter [tilespmem:s28], [sflag:$0x1], $0x80, $0x38;
	[tilespmem:$0x6C00] =	vst v63  }
0x1a8: {  	s30 =	sor.u32 $0x1000, s24;
	s31 =	sadd.s32 $0x920, s23  }
0x1a9: {  	[hbm4b:s31+s3] =	stream.linear.scatter [tilespmem:s30], [sflag:$0x1], $0x80, $0x38;
	[tilespmem:$0x6C00] =	vst v63  }
0x1aa: {  	s28 =	sor.u32 $0x1200, s24;
	s29 =	sadd.s32 $0x9A0, s23  }
0x1ab: {  	[hbm4b:s29+s3] =	stream.linear.scatter [tilespmem:s28], [sflag:$0x1], $0x80, $0x38;
	[tilespmem:$0x6C00] =	vst v63  }
0x1ac: {  	s30 =	sor.u32 $0x1400, s24;
	s31 =	sadd.s32 $0xA20, s23  }
0x1ad: {  	[hbm4b:s31+s3] =	stream.linear.scatter [tilespmem:s30], [sflag:$0x1], $0x80, $0x38;
	[tilespmem:$0x6C00] =	vst v63  }
0x1ae: {  	s28 =	sor.u32 $0x1600, s24;
	s29 =	sadd.s32 $0xAA0, s23  }
0x1af: {  	[hbm4b:s29+s3] =	stream.linear.scatter [tilespmem:s28], [sflag:$0x1], $0x80, $0x38;
	[tilespmem:$0x6C00] =	vst v63  }
0x1b0: {  	s30 =	sor.u32 $0x1800, s24;
	s31 =	sadd.s32 $0xB20, s23  }
0x1b1: {  	[hbm4b:s31+s3] =	stream.linear.scatter [tilespmem:s30], [sflag:$0x1], $0x80, $0x38;
	[tilespmem:$0x6C00] =	vst v63  }
0x1b2: {  	s28 =	sor.u32 $0x1A00, s24;
	s29 =	sadd.s32 $0xBA0, s23  }
0x1b3: {  	(v2sf) =	vpush v0, $0xB;
	[hbm4b:s29+s3] =	stream.linear.scatter [tilespmem:s28], [sflag:$0x1], $0x80, $0x38;
	[tilespmem:$0x6C00] =	vst v63  }
0x1b4: {  	s30 =	sor.u32 $0x1C00, s24;
	s31 =	sadd.s32 $0xC20, s23  }
0x1b5: {  	[hbm4b:s31+s3] =	stream.linear.scatter [tilespmem:s30], [sflag:$0x1], $0x80, $0x38;
	[tilespmem:$0x6C00] =	vst v63  }
0x1b6: {  	s28 =	sor.u32 $0x1E00, s24;
	s29 =	sadd.s32 $0xCA0, s23  }
0x1b7: {  	[hbm4b:s29+s3] =	stream.linear.scatter [tilespmem:s28], [sflag:$0x1], $0x80, $0x38;
	[tilespmem:$0x6C00] =	vst v63  }
0x1b8: {  	s30 =	sadd.s32 $0x2000, s24;
	s31 =	sadd.s32 $0xD20, s23  }
0x1b9: {  	[hbm4b:s31+s3] =	stream.linear.scatter [tilespmem:s30], [sflag:$0x1], $0x80, $0x38;
	[tilespmem:$0x6C00] =	vst v63  }
0x1ba: {  	s28 =	sadd.s32 $0x2200, s24;
	s29 =	sadd.s32 $0xDA0, s23  }
0x1bb: {  	[hbm4b:s29+s3] =	stream.linear.scatter [tilespmem:s28], [sflag:$0x1], $0x80, $0x38;
	[tilespmem:$0x6C00] =	vst v63  }
0x1bc: {  	s30 =	sadd.s32 $0x2400, s24;
	s31 =	sadd.s32 $0xE20, s23  }
0x1bd: {  	[hbm4b:s31+s3] =	stream.linear.scatter [tilespmem:s30], [sflag:$0x1], $0x80, $0x38;
	[tilespmem:$0x6C00] =	vst v63  }
0x1be: {  	s28 =	sadd.s32 $0x2600, s24;
	s29 =	sadd.s32 $0xEA0, s23  }
0x1bf: {  	[hbm4b:s29+s3] =	stream.linear.scatter [tilespmem:s28], [sflag:$0x1], $0x80, $0x38;
	[tilespmem:$0x6C00] =	vst v63  }
0x1c0: {  	s30 =	sadd.s32 $0x2800, s24;
	s31 =	sadd.s32 $0xF20, s23  }
0x1c1: {  	[hbm4b:s31+s3] =	stream.linear.scatter [tilespmem:s30], [sflag:$0x1], $0x80, $0x38;
	[tilespmem:$0x6C00] =	vst v63  }
0x1c2: {  	s26 =	sadd.s32 $0xFA0, s23;
	s24 =	sadd.s32 $0x2A00, s24;
	s28 =	spop (v2sf)  }
0x1c3: {  	[hbm4b:s26+s3] =	stream.linear.scatter [tilespmem:s24], [sflag:$0x1], $0x80, $0x38;
	[tilespmem:$0x6C00] =	vst v63  }
0x1c4: {  	s29 =	sshll.u32 s28, $0xB;
	s24 =	sshll.u32 s28, $0x7  }
0x1c5: {  	s25 =	sand.u32 $0xFFFFE000, s29;
	s24 =	sand.u32 $0x180, s24  }
0x1c6: {  	s24 =	sor.u32 s24, s25  }
0x1c7: {  	s30 =	sadd.s32 $0x830, s23;
	s31 =	sor.u32 $0xC00, s24  }
0x1c8: {  	[hbm4b:s30+s3] =	stream.linear.scatter [tilespmem:s31], [sflag:$0x1], $0x80, $0x38;
	[tilespmem:$0x6C00] =	vst v63  }
0x1c9: {  	s29 =	sadd.s32 $0x8B0, s23;
	s28 =	sor.u32 $0xE00, s24  }
0x1ca: {  	[hbm4b:s29+s3] =	stream.linear.scatter [tilespmem:s28], [sflag:$0x1], $0x80, $0x38;
	[tilespmem:$0x6C00] =	vst v63  }
0x1cb: {  	s30 =	sor.u32 $0x1000, s24;
	s31 =	sadd.s32 $0x930, s23  }
0x1cc: {  	[hbm4b:s31+s3] =	stream.linear.scatter [tilespmem:s30], [sflag:$0x1], $0x80, $0x38;
	[tilespmem:$0x6C00] =	vst v63  }
0x1cd: {  	s28 =	sor.u32 $0x1200, s24;
	s29 =	sadd.s32 $0x9B0, s23  }
0x1ce: {  	[hbm4b:s29+s3] =	stream.linear.scatter [tilespmem:s28], [sflag:$0x1], $0x80, $0x38;
	[tilespmem:$0x6C00] =	vst v63  }
0x1cf: {  	s30 =	sor.u32 $0x1400, s24;
	s31 =	sadd.s32 $0xA30, s23  }
0x1d0: {  	[hbm4b:s31+s3] =	stream.linear.scatter [tilespmem:s30], [sflag:$0x1], $0x80, $0x38;
	[tilespmem:$0x6C00] =	vst v63  }
0x1d1: {  	s28 =	sor.u32 $0x1600, s24;
	s29 =	sadd.s32 $0xAB0, s23  }
0x1d2: {  	[hbm4b:s29+s3] =	stream.linear.scatter [tilespmem:s28], [sflag:$0x1], $0x80, $0x38;
	[tilespmem:$0x6C00] =	vst v63  }
0x1d3: {  	s30 =	sor.u32 $0x1800, s24;
	s31 =	sadd.s32 $0xB30, s23  }
0x1d4: {  	[hbm4b:s31+s3] =	stream.linear.scatter [tilespmem:s30], [sflag:$0x1], $0x80, $0x38;
	[tilespmem:$0x6C00] =	vst v63  }
0x1d5: {  	s28 =	sor.u32 $0x1A00, s24;
	s29 =	sadd.s32 $0xBB0, s23  }
0x1d6: {  	(v2sf) =	vpush v0, $0xC;
	[hbm4b:s29+s3] =	stream.linear.scatter [tilespmem:s28], [sflag:$0x1], $0x80, $0x38;
	[tilespmem:$0x6C00] =	vst v63  }
0x1d7: {  	s30 =	sor.u32 $0x1C00, s24;
	s31 =	sadd.s32 $0xC30, s23  }
0x1d8: {  	[hbm4b:s31+s3] =	stream.linear.scatter [tilespmem:s30], [sflag:$0x1], $0x80, $0x38;
	[tilespmem:$0x6C00] =	vst v63  }
0x1d9: {  	s28 =	sor.u32 $0x1E00, s24;
	s29 =	sadd.s32 $0xCB0, s23  }
0x1da: {  	[hbm4b:s29+s3] =	stream.linear.scatter [tilespmem:s28], [sflag:$0x1], $0x80, $0x38;
	[tilespmem:$0x6C00] =	vst v63  }
0x1db: {  	s30 =	sadd.s32 $0x2000, s24;
	s31 =	sadd.s32 $0xD30, s23  }
0x1dc: {  	[hbm4b:s31+s3] =	stream.linear.scatter [tilespmem:s30], [sflag:$0x1], $0x80, $0x38;
	[tilespmem:$0x6C00] =	vst v63  }
0x1dd: {  	s28 =	sadd.s32 $0x2200, s24;
	s29 =	sadd.s32 $0xDB0, s23  }
0x1de: {  	[hbm4b:s29+s3] =	stream.linear.scatter [tilespmem:s28], [sflag:$0x1], $0x80, $0x38;
	[tilespmem:$0x6C00] =	vst v63  }
0x1df: {  	s30 =	sadd.s32 $0x2400, s24;
	s31 =	sadd.s32 $0xE30, s23  }
0x1e0: {  	[hbm4b:s31+s3] =	stream.linear.scatter [tilespmem:s30], [sflag:$0x1], $0x80, $0x38;
	[tilespmem:$0x6C00] =	vst v63  }
0x1e1: {  	s28 =	sadd.s32 $0x2600, s24;
	s29 =	sadd.s32 $0xEB0, s23  }
0x1e2: {  	[hbm4b:s29+s3] =	stream.linear.scatter [tilespmem:s28], [sflag:$0x1], $0x80, $0x38;
	[tilespmem:$0x6C00] =	vst v63  }
0x1e3: {  	s30 =	sadd.s32 $0x2800, s24;
	s31 =	sadd.s32 $0xF30, s23  }
0x1e4: {  	[hbm4b:s31+s3] =	stream.linear.scatter [tilespmem:s30], [sflag:$0x1], $0x80, $0x38;
	[tilespmem:$0x6C00] =	vst v63  }
0x1e5: {  	s26 =	sadd.s32 $0xFB0, s23;
	s24 =	sadd.s32 $0x2A00, s24;
	s28 =	spop (v2sf)  }
0x1e6: {  	[hbm4b:s26+s3] =	stream.linear.scatter [tilespmem:s24], [sflag:$0x1], $0x80, $0x38;
	[tilespmem:$0x6C00] =	vst v63  }
0x1e7: {  	s29 =	sshll.u32 s28, $0xB;
	s24 =	sshll.u32 s28, $0x7  }
0x1e8: {  	s25 =	sand.u32 $0xFFFFE000, s29;
	s24 =	sand.u32 $0x180, s24  }
0x1e9: {  	s24 =	sor.u32 s24, s25  }
0x1ea: {  	s30 =	sadd.s32 $0x840, s23;
	s31 =	sor.u32 $0xC00, s24  }
0x1eb: {  	[hbm4b:s30+s3] =	stream.linear.scatter [tilespmem:s31], [sflag:$0x1], $0x80, $0x38;
	[tilespmem:$0x6C00] =	vst v63  }
0x1ec: {  	s29 =	sadd.s32 $0x8C0, s23;
	s28 =	sor.u32 $0xE00, s24  }
0x1ed: {  	[hbm4b:s29+s3] =	stream.linear.scatter [tilespmem:s28], [sflag:$0x1], $0x80, $0x38;
	[tilespmem:$0x6C00] =	vst v63  }
0x1ee: {  	s30 =	sor.u32 $0x1000, s24;
	s31 =	sadd.s32 $0x940, s23  }
0x1ef: {  	[hbm4b:s31+s3] =	stream.linear.scatter [tilespmem:s30], [sflag:$0x1], $0x80, $0x38;
	[tilespmem:$0x6C00] =	vst v63  }
0x1f0: {  	s28 =	sor.u32 $0x1200, s24;
	s29 =	sadd.s32 $0x9C0, s23  }
0x1f1: {  	[hbm4b:s29+s3] =	stream.linear.scatter [tilespmem:s28], [sflag:$0x1], $0x80, $0x38;
	[tilespmem:$0x6C00] =	vst v63  }
0x1f2: {  	s30 =	sor.u32 $0x1400, s24;
	s31 =	sadd.s32 $0xA40, s23  }
0x1f3: {  	[hbm4b:s31+s3] =	stream.linear.scatter [tilespmem:s30], [sflag:$0x1], $0x80, $0x38;
	[tilespmem:$0x6C00] =	vst v63  }
0x1f4: {  	s28 =	sor.u32 $0x1600, s24;
	s29 =	sadd.s32 $0xAC0, s23  }
0x1f5: {  	[hbm4b:s29+s3] =	stream.linear.scatter [tilespmem:s28], [sflag:$0x1], $0x80, $0x38;
	[tilespmem:$0x6C00] =	vst v63  }
0x1f6: {  	s30 =	sor.u32 $0x1800, s24;
	s31 =	sadd.s32 $0xB40, s23  }
0x1f7: {  	[hbm4b:s31+s3] =	stream.linear.scatter [tilespmem:s30], [sflag:$0x1], $0x80, $0x38;
	[tilespmem:$0x6C00] =	vst v63  }
0x1f8: {  	s28 =	sor.u32 $0x1A00, s24;
	s29 =	sadd.s32 $0xBC0, s23  }
0x1f9: {  	(v2sf) =	vpush v0, $0xD;
	[hbm4b:s29+s3] =	stream.linear.scatter [tilespmem:s28], [sflag:$0x1], $0x80, $0x38;
	[tilespmem:$0x6C00] =	vst v63  }
0x1fa: {  	s30 =	sor.u32 $0x1C00, s24;
	s31 =	sadd.s32 $0xC40, s23  }
0x1fb: {  	[hbm4b:s31+s3] =	stream.linear.scatter [tilespmem:s30], [sflag:$0x1], $0x80, $0x38;
	[tilespmem:$0x6C00] =	vst v63  }
0x1fc: {  	s28 =	sor.u32 $0x1E00, s24;
	s29 =	sadd.s32 $0xCC0, s23  }
0x1fd: {  	[hbm4b:s29+s3] =	stream.linear.scatter [tilespmem:s28], [sflag:$0x1], $0x80, $0x38;
	[tilespmem:$0x6C00] =	vst v63  }
0x1fe: {  	s30 =	sadd.s32 $0x2000, s24;
	s31 =	sadd.s32 $0xD40, s23  }
0x1ff: {  	[hbm4b:s31+s3] =	stream.linear.scatter [tilespmem:s30], [sflag:$0x1], $0x80, $0x38;
	[tilespmem:$0x6C00] =	vst v63  }
0x200: {  	s28 =	sadd.s32 $0x2200, s24;
	s29 =	sadd.s32 $0xDC0, s23  }
0x201: {  	[hbm4b:s29+s3] =	stream.linear.scatter [tilespmem:s28], [sflag:$0x1], $0x80, $0x38;
	[tilespmem:$0x6C00] =	vst v63  }
0x202: {  	s30 =	sadd.s32 $0x2400, s24;
	s31 =	sadd.s32 $0xE40, s23  }
0x203: {  	[hbm4b:s31+s3] =	stream.linear.scatter [tilespmem:s30], [sflag:$0x1], $0x80, $0x38;
	[tilespmem:$0x6C00] =	vst v63  }
0x204: {  	s28 =	sadd.s32 $0x2600, s24;
	s29 =	sadd.s32 $0xEC0, s23  }
0x205: {  	[hbm4b:s29+s3] =	stream.linear.scatter [tilespmem:s28], [sflag:$0x1], $0x80, $0x38;
	[tilespmem:$0x6C00] =	vst v63  }
0x206: {  	s30 =	sadd.s32 $0x2800, s24;
	s31 =	sadd.s32 $0xF40, s23  }
0x207: {  	[hbm4b:s31+s3] =	stream.linear.scatter [tilespmem:s30], [sflag:$0x1], $0x80, $0x38;
	[tilespmem:$0x6C00] =	vst v63  }
0x208: {  	s26 =	sadd.s32 $0xFC0, s23;
	s24 =	sadd.s32 $0x2A00, s24;
	s28 =	spop (v2sf)  }
0x209: {  	[hbm4b:s26+s3] =	stream.linear.scatter [tilespmem:s24], [sflag:$0x1], $0x80, $0x38;
	[tilespmem:$0x6C00] =	vst v63  }
0x20a: {  	s29 =	sshll.u32 s28, $0xB;
	s24 =	sshll.u32 s28, $0x7  }
0x20b: {  	s25 =	sand.u32 $0xFFFFE000, s29;
	s24 =	sand.u32 $0x180, s24  }
0x20c: {  	s24 =	sor.u32 s24, s25  }
0x20d: {  	s30 =	sadd.s32 $0x850, s23;
	s31 =	sor.u32 $0xC00, s24  }
0x20e: {  	[hbm4b:s30+s3] =	stream.linear.scatter [tilespmem:s31], [sflag:$0x1], $0x80, $0x38;
	[tilespmem:$0x6C00] =	vst v63  }
0x20f: {  	s29 =	sadd.s32 $0x8D0, s23;
	s28 =	sor.u32 $0xE00, s24  }
0x210: {  	[hbm4b:s29+s3] =	stream.linear.scatter [tilespmem:s28], [sflag:$0x1], $0x80, $0x38;
	[tilespmem:$0x6C00] =	vst v63  }
0x211: {  	s30 =	sor.u32 $0x1000, s24;
	s31 =	sadd.s32 $0x950, s23  }
0x212: {  	[hbm4b:s31+s3] =	stream.linear.scatter [tilespmem:s30], [sflag:$0x1], $0x80, $0x38;
	[tilespmem:$0x6C00] =	vst v63  }
0x213: {  	s28 =	sor.u32 $0x1200, s24;
	s29 =	sadd.s32 $0x9D0, s23  }
0x214: {  	[hbm4b:s29+s3] =	stream.linear.scatter [tilespmem:s28], [sflag:$0x1], $0x80, $0x38;
	[tilespmem:$0x6C00] =	vst v63  }
0x215: {  	s30 =	sor.u32 $0x1400, s24;
	s31 =	sadd.s32 $0xA50, s23  }
0x216: {  	[hbm4b:s31+s3] =	stream.linear.scatter [tilespmem:s30], [sflag:$0x1], $0x80, $0x38;
	[tilespmem:$0x6C00] =	vst v63  }
0x217: {  	s28 =	sor.u32 $0x1600, s24;
	s29 =	sadd.s32 $0xAD0, s23  }
0x218: {  	[hbm4b:s29+s3] =	stream.linear.scatter [tilespmem:s28], [sflag:$0x1], $0x80, $0x38;
	[tilespmem:$0x6C00] =	vst v63  }
0x219: {  	s30 =	sor.u32 $0x1800, s24;
	s31 =	sadd.s32 $0xB50, s23  }
0x21a: {  	[hbm4b:s31+s3] =	stream.linear.scatter [tilespmem:s30], [sflag:$0x1], $0x80, $0x38;
	[tilespmem:$0x6C00] =	vst v63  }
0x21b: {  	s28 =	sor.u32 $0x1A00, s24;
	s29 =	sadd.s32 $0xBD0, s23  }
0x21c: {  	(v2sf) =	vpush v0, $0xE;
	[hbm4b:s29+s3] =	stream.linear.scatter [tilespmem:s28], [sflag:$0x1], $0x80, $0x38;
	[tilespmem:$0x6C00] =	vst v63  }
0x21d: {  	s30 =	sor.u32 $0x1C00, s24;
	s31 =	sadd.s32 $0xC50, s23  }
0x21e: {  	[hbm4b:s31+s3] =	stream.linear.scatter [tilespmem:s30], [sflag:$0x1], $0x80, $0x38;
	[tilespmem:$0x6C00] =	vst v63  }
0x21f: {  	s28 =	sor.u32 $0x1E00, s24;
	s29 =	sadd.s32 $0xCD0, s23  }
0x220: {  	[hbm4b:s29+s3] =	stream.linear.scatter [tilespmem:s28], [sflag:$0x1], $0x80, $0x38;
	[tilespmem:$0x6C00] =	vst v63  }
0x221: {  	s30 =	sadd.s32 $0x2000, s24;
	s31 =	sadd.s32 $0xD50, s23  }
0x222: {  	[hbm4b:s31+s3] =	stream.linear.scatter [tilespmem:s30], [sflag:$0x1], $0x80, $0x38;
	[tilespmem:$0x6C00] =	vst v63  }
0x223: {  	s28 =	sadd.s32 $0x2200, s24;
	s29 =	sadd.s32 $0xDD0, s23  }
0x224: {  	[hbm4b:s29+s3] =	stream.linear.scatter [tilespmem:s28], [sflag:$0x1], $0x80, $0x38;
	[tilespmem:$0x6C00] =	vst v63  }
0x225: {  	s30 =	sadd.s32 $0x2400, s24;
	s31 =	sadd.s32 $0xE50, s23  }
0x226: {  	[hbm4b:s31+s3] =	stream.linear.scatter [tilespmem:s30], [sflag:$0x1], $0x80, $0x38;
	[tilespmem:$0x6C00] =	vst v63  }
0x227: {  	s28 =	sadd.s32 $0x2600, s24;
	s29 =	sadd.s32 $0xED0, s23  }
0x228: {  	[hbm4b:s29+s3] =	stream.linear.scatter [tilespmem:s28], [sflag:$0x1], $0x80, $0x38;
	[tilespmem:$0x6C00] =	vst v63  }
0x229: {  	s30 =	sadd.s32 $0x2800, s24;
	s31 =	sadd.s32 $0xF50, s23  }
0x22a: {  	[hbm4b:s31+s3] =	stream.linear.scatter [tilespmem:s30], [sflag:$0x1], $0x80, $0x38;
	[tilespmem:$0x6C00] =	vst v63  }
0x22b: {  	s26 =	sadd.s32 $0xFD0, s23;
	s24 =	sadd.s32 $0x2A00, s24;
	s28 =	spop (v2sf)  }
0x22c: {  	[hbm4b:s26+s3] =	stream.linear.scatter [tilespmem:s24], [sflag:$0x1], $0x80, $0x38;
	[tilespmem:$0x6C00] =	vst v63  }
0x22d: {  	s29 =	sshll.u32 s28, $0xB;
	s24 =	sshll.u32 s28, $0x7  }
0x22e: {  	s25 =	sand.u32 $0xFFFFE000, s29;
	s24 =	sand.u32 $0x180, s24  }
0x22f: {  	s24 =	sor.u32 s24, s25  }
0x230: {  	s30 =	sadd.s32 $0x860, s23;
	s31 =	sor.u32 $0xC00, s24  }
0x231: {  	[hbm4b:s30+s3] =	stream.linear.scatter [tilespmem:s31], [sflag:$0x1], $0x80, $0x38;
	[tilespmem:$0x6C00] =	vst v63  }
0x232: {  	s29 =	sadd.s32 $0x8E0, s23;
	s28 =	sor.u32 $0xE00, s24  }
0x233: {  	[hbm4b:s29+s3] =	stream.linear.scatter [tilespmem:s28], [sflag:$0x1], $0x80, $0x38;
	[tilespmem:$0x6C00] =	vst v63  }
0x234: {  	s30 =	sor.u32 $0x1000, s24;
	s31 =	sadd.s32 $0x960, s23  }
0x235: {  	[hbm4b:s31+s3] =	stream.linear.scatter [tilespmem:s30], [sflag:$0x1], $0x80, $0x38;
	[tilespmem:$0x6C00] =	vst v63  }
0x236: {  	s28 =	sor.u32 $0x1200, s24;
	s29 =	sadd.s32 $0x9E0, s23  }
0x237: {  	[hbm4b:s29+s3] =	stream.linear.scatter [tilespmem:s28], [sflag:$0x1], $0x80, $0x38;
	[tilespmem:$0x6C00] =	vst v63  }
0x238: {  	s30 =	sor.u32 $0x1400, s24;
	s31 =	sadd.s32 $0xA60, s23  }
0x239: {  	[hbm4b:s31+s3] =	stream.linear.scatter [tilespmem:s30], [sflag:$0x1], $0x80, $0x38;
	[tilespmem:$0x6C00] =	vst v63  }
0x23a: {  	s28 =	sor.u32 $0x1600, s24;
	s29 =	sadd.s32 $0xAE0, s23  }
0x23b: {  	[hbm4b:s29+s3] =	stream.linear.scatter [tilespmem:s28], [sflag:$0x1], $0x80, $0x38;
	[tilespmem:$0x6C00] =	vst v63  }
0x23c: {  	s30 =	sor.u32 $0x1800, s24;
	s31 =	sadd.s32 $0xB60, s23  }
0x23d: {  	[hbm4b:s31+s3] =	stream.linear.scatter [tilespmem:s30], [sflag:$0x1], $0x80, $0x38;
	[tilespmem:$0x6C00] =	vst v63  }
0x23e: {  	s28 =	sor.u32 $0x1A00, s24;
	s29 =	sadd.s32 $0xBE0, s23  }
0x23f: {  	(v2sf) =	vpush v0, $0xF;
	[hbm4b:s29+s3] =	stream.linear.scatter [tilespmem:s28], [sflag:$0x1], $0x80, $0x38;
	[tilespmem:$0x6C00] =	vst v63  }
0x240: {  	s30 =	sor.u32 $0x1C00, s24;
	s31 =	sadd.s32 $0xC60, s23  }
0x241: {  	[hbm4b:s31+s3] =	stream.linear.scatter [tilespmem:s30], [sflag:$0x1], $0x80, $0x38;
	[tilespmem:$0x6C00] =	vst v63  }
0x242: {  	s28 =	sor.u32 $0x1E00, s24;
	s29 =	sadd.s32 $0xCE0, s23  }
0x243: {  	[hbm4b:s29+s3] =	stream.linear.scatter [tilespmem:s28], [sflag:$0x1], $0x80, $0x38;
	[tilespmem:$0x6C00] =	vst v63  }
0x244: {  	s30 =	sadd.s32 $0x2000, s24;
	s31 =	sadd.s32 $0xD60, s23  }
0x245: {  	[hbm4b:s31+s3] =	stream.linear.scatter [tilespmem:s30], [sflag:$0x1], $0x80, $0x38;
	[tilespmem:$0x6C00] =	vst v63  }
0x246: {  	s28 =	sadd.s32 $0x2200, s24;
	s29 =	sadd.s32 $0xDE0, s23  }
0x247: {  	[hbm4b:s29+s3] =	stream.linear.scatter [tilespmem:s28], [sflag:$0x1], $0x80, $0x38;
	[tilespmem:$0x6C00] =	vst v63  }
0x248: {  	s30 =	sadd.s32 $0x2400, s24;
	s31 =	sadd.s32 $0xE60, s23  }
0x249: {  	[hbm4b:s31+s3] =	stream.linear.scatter [tilespmem:s30], [sflag:$0x1], $0x80, $0x38;
	[tilespmem:$0x6C00] =	vst v63  }
0x24a: {  	s28 =	sadd.s32 $0x2600, s24;
	s29 =	sadd.s32 $0xEE0, s23  }
0x24b: {  	[hbm4b:s29+s3] =	stream.linear.scatter [tilespmem:s28], [sflag:$0x1], $0x80, $0x38;
	[tilespmem:$0x6C00] =	vst v63  }
0x24c: {  	s30 =	sadd.s32 $0x2800, s24;
	s31 =	sadd.s32 $0xF60, s23  }
0x24d: {  	[hbm4b:s31+s3] =	stream.linear.scatter [tilespmem:s30], [sflag:$0x1], $0x80, $0x38;
	[tilespmem:$0x6C00] =	vst v63  }
0x24e: {  	s26 =	sadd.s32 $0xFE0, s23;
	s24 =	sadd.s32 $0x2A00, s24;
	s28 =	spop (v2sf)  }
0x24f: {  	[hbm4b:s26+s3] =	stream.linear.scatter [tilespmem:s24], [sflag:$0x1], $0x80, $0x38;
	[tilespmem:$0x6C00] =	vst v63  }
0x250: {  	s29 =	sshll.u32 s28, $0xB;
	s24 =	sshll.u32 s28, $0x7  }
0x251: {  	s25 =	sand.u32 $0xFFFFE000, s29;
	s24 =	sand.u32 $0x180, s24  }
0x252: {  	s24 =	sor.u32 s24, s25  }
0x253: {  	s30 =	sadd.s32 $0x870, s23;
	s31 =	sor.u32 $0xC00, s24  }
0x254: {  	[hbm4b:s30+s3] =	stream.linear.scatter [tilespmem:s31], [sflag:$0x1], $0x80, $0x38;
	[tilespmem:$0x6C00] =	vst v63  }
0x255: {  	s29 =	sadd.s32 $0x8F0, s23;
	s28 =	sor.u32 $0xE00, s24  }
0x256: {  	[hbm4b:s29+s3] =	stream.linear.scatter [tilespmem:s28], [sflag:$0x1], $0x80, $0x38;
	[tilespmem:$0x6C00] =	vst v63  }
0x257: {  	s30 =	sor.u32 $0x1000, s24;
	s31 =	sadd.s32 $0x970, s23  }
0x258: {  	[hbm4b:s31+s3] =	stream.linear.scatter [tilespmem:s30], [sflag:$0x1], $0x80, $0x38;
	[tilespmem:$0x6C00] =	vst v63  }
0x259: {  	s28 =	sor.u32 $0x1200, s24;
	s29 =	sadd.s32 $0x9F0, s23  }
0x25a: {  	[hbm4b:s29+s3] =	stream.linear.scatter [tilespmem:s28], [sflag:$0x1], $0x80, $0x38;
	[tilespmem:$0x6C00] =	vst v63  }
0x25b: {  	s30 =	sor.u32 $0x1400, s24;
	s31 =	sadd.s32 $0xA70, s23  }
0x25c: {  	[hbm4b:s31+s3] =	stream.linear.scatter [tilespmem:s30], [sflag:$0x1], $0x80, $0x38;
	[tilespmem:$0x6C00] =	vst v63  }
0x25d: {  	s28 =	sor.u32 $0x1600, s24;
	s29 =	sadd.s32 $0xAF0, s23  }
0x25e: {  	[hbm4b:s29+s3] =	stream.linear.scatter [tilespmem:s28], [sflag:$0x1], $0x80, $0x38;
	[tilespmem:$0x6C00] =	vst v63  }
0x25f: {  	s30 =	sor.u32 $0x1800, s24;
	s31 =	sadd.s32 $0xB70, s23  }
0x260: {  	[hbm4b:s31+s3] =	stream.linear.scatter [tilespmem:s30], [sflag:$0x1], $0x80, $0x38;
	[tilespmem:$0x6C00] =	vst v63  }
0x261: {  	s28 =	sor.u32 $0x1A00, s24;
	s29 =	sadd.s32 $0xBF0, s23  }
0x262: {  	[hbm4b:s29+s3] =	stream.linear.scatter [tilespmem:s28], [sflag:$0x1], $0x80, $0x38;
	[tilespmem:$0x6C00] =	vst v63  }
0x263: {  	s30 =	sor.u32 $0x1C00, s24;
	s31 =	sadd.s32 $0xC70, s23  }
0x264: {  	[hbm4b:s31+s3] =	stream.linear.scatter [tilespmem:s30], [sflag:$0x1], $0x80, $0x38;
	[tilespmem:$0x6C00] =	vst v63  }
0x265: {  	s28 =	sor.u32 $0x1E00, s24;
	s29 =	sadd.s32 $0xCF0, s23  }
0x266: {  	[hbm4b:s29+s3] =	stream.linear.scatter [tilespmem:s28], [sflag:$0x1], $0x80, $0x38;
	[tilespmem:$0x6C00] =	vst v63  }
0x267: {  	s30 =	sadd.s32 $0x2000, s24;
	s31 =	sadd.s32 $0xD70, s23  }
0x268: {  	[hbm4b:s31+s3] =	stream.linear.scatter [tilespmem:s30], [sflag:$0x1], $0x80, $0x38;
	[tilespmem:$0x6C00] =	vst v63  }
0x269: {  	s28 =	sadd.s32 $0x2200, s24;
	s29 =	sadd.s32 $0xDF0, s23  }
0x26a: {  	[hbm4b:s29+s3] =	stream.linear.scatter [tilespmem:s28], [sflag:$0x1], $0x80, $0x38;
	[tilespmem:$0x6C00] =	vst v63  }
0x26b: {  	s30 =	sadd.s32 $0x2400, s24;
	s31 =	sadd.s32 $0xE70, s23  }
0x26c: {  	[hbm4b:s31+s3] =	stream.linear.scatter [tilespmem:s30], [sflag:$0x1], $0x80, $0x38;
	[tilespmem:$0x6C00] =	vst v63  }
0x26d: {  	s28 =	sadd.s32 $0x2600, s24;
	s29 =	sadd.s32 $0xEF0, s23  }
0x26e: {  	[hbm4b:s29+s3] =	stream.linear.scatter [tilespmem:s28], [sflag:$0x1], $0x80, $0x38;
	[tilespmem:$0x6C00] =	vst v63  }
0x26f: {  	s30 =	sadd.s32 $0x2800, s24;
	s31 =	sadd.s32 $0xF70, s23  }
0x270: {  	[hbm4b:s31+s3] =	stream.linear.scatter [tilespmem:s30], [sflag:$0x1], $0x80, $0x38;
	[tilespmem:$0x6C00] =	vst v63  }
0x271: {  	p0 =	slt.u32 s22, $0x3;
	s24 =	sadd.s32 $0x2A00, s24;
	s23 =	sadd.s32 $0xFF0, s23  }
0x272: {  	[hbm4b:s23+s3] =	stream.linear.scatter [tilespmem:s24], [sflag:$0x1], $0x80, $0x38;
	[tilespmem:$0x6C00] =	vst v63  }
0x273: {  	s23 =	simm.s32 @!p0 $0x1  }
0x274: {  	_ =	swait.ge @!p0 [sflag:s23], $0x800  }
0x275: {  	[sflag:s23] =	ssyncset.done @!p0 $0x0  }
0x276: {  	[sflag:s23] =	ssyncadd.s32 @!p0 $0xFFFFF800  }
0x277: {  	_ =	swait.ge @!p0 [sflag:s23], $0x800  }
0x278: {  	[sflag:s23] =	ssyncset.done @!p0 $0x0  }
0x279: {  	[sflag:s23] =	ssyncadd.s32 @!p0 $0xFFFFF800  }
0x27a: {  	_ =	swait.ge @!p0 [sflag:s23], $0x800  }
0x27b: {  	[sflag:s23] =	ssyncset.done @!p0 $0x0  }
0x27c: {  	[sflag:s23] =	ssyncadd.s32 @!p0 $0xFFFFF800  }
0x27d: {  	_ =	swait.ge @!p0 [sflag:s23], $0x800  }
0x27e: {  	[sflag:s23] =	ssyncset.done @!p0 $0x0  }
0x27f: {  	[sflag:s23] =	ssyncadd.s32 @!p0 $0xFFFFF800  }
0x280: {  	_ =	swait.ge @!p0 [sflag:s23], $0x800  }
0x281: {  	[sflag:s23] =	ssyncset.done @!p0 $0x0  }
0x282: {  	[sflag:s23] =	ssyncadd.s32 @!p0 $0xFFFFF800  }
0x283: {  	_ =	swait.ge @!p0 [sflag:s23], $0x800  }
0x284: {  	[sflag:s23] =	ssyncset.done @!p0 $0x0  }
0x285: {  	[sflag:s23] =	ssyncadd.s32 @!p0 $0xFFFFF800  }
0x286: {  	_ =	swait.ge @!p0 [sflag:s23], $0x800  }
0x287: {  	[sflag:s23] =	ssyncset.done @!p0 $0x0  }
0x288: {  	[sflag:s23] =	ssyncadd.s32 @!p0 $0xFFFFF800  }
0x289: {  	_ =	swait.ge @!p0 [sflag:s23], $0x800  }
0x28a: {  	[sflag:s23] =	ssyncset.done @!p0 $0x0  }
0x28b: {  	[sflag:s23] =	ssyncadd.s32 @!p0 $0xFFFFF800  }
0x28c: {  	_ =	swait.ge @!p0 [sflag:s23], $0x800  }
0x28d: {  	[sflag:s23] =	ssyncset.done @!p0 $0x0  }
0x28e: {  	[sflag:s23] =	ssyncadd.s32 @!p0 $0xFFFFF800  }
0x28f: {  	_ =	swait.ge @!p0 [sflag:s23], $0x800  }
0x290: {  	[sflag:s23] =	ssyncset.done @!p0 $0x0  }
0x291: {  	[sflag:s23] =	ssyncadd.s32 @!p0 $0xFFFFF800  }
0x292: {  	_ =	swait.ge @!p0 [sflag:s23], $0x800  }
0x293: {  	[sflag:s23] =	ssyncset.done @!p0 $0x0  }
0x294: {  	[sflag:s23] =	ssyncadd.s32 @!p0 $0xFFFFF800  }
0x295: {  	_ =	swait.ge @!p0 [sflag:s23], $0x800  }
0x296: {  	[sflag:s23] =	ssyncset.done @!p0 $0x0  }
0x297: {  	[sflag:s23] =	ssyncadd.s32 @!p0 $0xFFFFF800  }
0x298: {  	_ =	swait.ge @!p0 [sflag:s23], $0x800  }
0x299: {  	[sflag:s23] =	ssyncset.done @!p0 $0x0  }
0x29a: {  	[sflag:s23] =	ssyncadd.s32 @!p0 $0xFFFFF800  }
0x29b: {  	_ =	swait.ge @!p0 [sflag:s23], $0x800  }
0x29c: {  	[sflag:s23] =	ssyncset.done @!p0 $0x0  }
0x29d: {  	s20 =	sadd.s32 $0x1000, s20;
	[sflag:s23] =	ssyncadd.s32 @!p0 $0xFFFFF800  }
0x29e: {  	p1 =	sne.s32 s20, $0x10000;
	_ =	swait.ge @!p0 [sflag:s23], $0x800  }
.Ltmp1:
0x29f: {  	[sflag:s23] =	ssyncset.done @!p0 $0x0;
	(pc) =	sbr.rel @p1 .LBB2_4-.Ltmp1, $4  }
0x2a0: {  	[sflag:s23] =	ssyncadd.s32 @!p0 $0xFFFFF800  }
0x2a1: {  	_ =	swait.ge @!p0 [sflag:s23], $0x800  }
0x2a2: {  	[sflag:s23] =	ssyncset.done @!p0 $0x0  }
0x2a3: {  	s22 =	sadd.s32 $0x1, s22;
	s21 =	sadd.s32 $0x10, s21;
	[sflag:s23] =	ssyncadd.s32 @!p0 $0xFFFFF800  }
0x2a4: {  	s20 =	sor.u32 $0xB80, s8;
	s24 =	simm.s32 $0x0;
	v1 =	vld.msk [tilespmem:s8+$0xB8C ss:$0x0], $0xffff;
	s22 =	simm.s32 $0x10  }
0x2a5: {  	s23 =	simm.s32 $0x0;
	s21 =	simm.s32 $0x0;
	v0 =	vld.msk [tilespmem:s20+$0x0 ss:$0x0], $0xffff;
	s20 =	simm.s32 $0x0  }
.LBB2_6:
0x2a6: {  	p0 =	sne.s32 s22, $0x7F0;
	v2 =	vld [tilespmem:s24+$0x0];
	_ =	sdelay $0x4  }
0x2a7: {  	s24 =	sand.u32 $0x70, s23;
	s25 =	sand.u32 $0x1E00, s21;
	s23 =	smov.u32 s22;
	vm0 =	veq.s32 v2, $0x0;
	vm1 =	veq.s32 v2, $0x1;
	vm2 =	veq.s32 v2, $0x2  }
.Ltmp2:
0x2a8: {  	s25 =	sor.u32 s24, s25;
	v3 =	vsel vm0, v1, v0;
	v4 =	vsel vm1, v1, v0;
	v5 =	vsel vm2, v1, v0;
	(pc) =	sbr.rel @p0 .LBB2_6-.Ltmp2, $4  }
0x2a9: {  	vm0 =	veq.s32 v2, $0x3;
	[tilespmem:s25+$0x2C00] =	vst v3  }
0x2aa: {  	v2 =	vsel vm0, v1, v0;
	[tilespmem:s25+$0x2C80] =	vst v4  }
0x2ab: {  	s21 =	sadd.s32 $0x40, s21;
	[tilespmem:s25+$0x2D00] =	vst v5  }
0x2ac: {  	s22 =	sadd.s32 $0x10, s22;
	s24 =	sshra.s32 s21, $0x2;
	[tilespmem:s25+$0x2D80] =	vst v2  }
0x2ad: {  	v2 =	vld [tilespmem:s24+$0x0];
	_ =	sdelay $0x4  }
0x2ae: {  	s22 =	sand.u32 $0x70, s23;
	s21 =	sand.u32 $0x1E00, s21;
	vm0 =	veq.s32 v2, $0x0  }
0x2af: {  	s21 =	sor.u32 s22, s21;
	vm1 =	veq.s32 v2, $0x1;
	v3 =	vsel vm0, v1, v0  }
0x2b0: {  	vm14 =	veq.s32 v2, $0x2;
	v4 =	vsel vm1, v1, v0;
	[tilespmem:s21+$0x2C00] =	vst v3  }
0x2b1: {  	vm15 =	veq.s32 v2, $0x3;
	v62 =	vsel vm14, v1, v0;
	[tilespmem:s21+$0x2C80] =	vst v4  }
0x2b2: {  	v63 =	vsel vm15, v1, v0;
	[tilespmem:s21+$0x2D00] =	vst v62  }
0x2b3: {  	s22 =	simm.s32 $0x0;
	[tilespmem:s21+$0x2D80] =	vst v63;
	s21 =	simm.s32 $0x0  }
.LBB2_8:
0x2b4: {  	s23 =	sand.u32 $0xF0, s20  }
0x2b5: {  	v0 =	vld [tilespmem:s23+$0x900];
	_ =	sdelay $0x4  }
0x2b6: {  	(v2sf) =	vpush v0, $0x0;
	_ =	sdelay $0xe  }
0x2b7: {  	s26 =	spop (v2sf)  }
0x2b8: {  	s25 =	sshll.u32 s26, $0xB;
	s23 =	sshll.u32 s26, $0x7  }
0x2b9: {  	s25 =	sand.u32 $0xFFFFE000, s25;
	s23 =	sand.u32 $0x180, s23  }
0x2ba: {  	s24 =	rddreg [dreg:$0x6];
	s25 =	sor.u32 s23, s25  }
0x2bb: {  	s23 =	sadd.s32 s21, s24;
	s28 =	sadd.s32 $0x2C00, s25  }
0x2bc: {  	[hbm4b:s23+s3] =	stream.linear.scatter [tilespmem:s28], [sflag:$0x1], $0x80, $0x38;
	[tilespmem:$0x6C00] =	vst v63  }
0x2bd: {  	s29 =	sadd.s32 $0x2E00, s25;
	s26 =	sadd.s32 $0x80, s23  }
0x2be: {  	[hbm4b:s26+s3] =	stream.linear.scatter [tilespmem:s29], [sflag:$0x1], $0x80, $0x38;
	[tilespmem:$0x6C00] =	vst v63  }
0x2bf: {  	s30 =	sadd.s32 $0x3000, s25;
	s31 =	sadd.s32 $0x100, s23  }
0x2c0: {  	[hbm4b:s31+s3] =	stream.linear.scatter [tilespmem:s30], [sflag:$0x1], $0x80, $0x38;
	[tilespmem:$0x6C00] =	vst v63  }
0x2c1: {  	s28 =	sadd.s32 $0x3200, s25;
	s29 =	sadd.s32 $0x180, s23  }
0x2c2: {  	[hbm4b:s29+s3] =	stream.linear.scatter [tilespmem:s28], [sflag:$0x1], $0x80, $0x38;
	[tilespmem:$0x6C00] =	vst v63  }
0x2c3: {  	s30 =	sadd.s32 $0x3400, s25;
	s31 =	sadd.s32 $0x200, s23  }
0x2c4: {  	[hbm4b:s31+s3] =	stream.linear.scatter [tilespmem:s30], [sflag:$0x1], $0x80, $0x38;
	[tilespmem:$0x6C00] =	vst v63  }
0x2c5: {  	s28 =	sadd.s32 $0x3600, s25;
	s29 =	sadd.s32 $0x280, s23  }
0x2c6: {  	[hbm4b:s29+s3] =	stream.linear.scatter [tilespmem:s28], [sflag:$0x1], $0x80, $0x38;
	[tilespmem:$0x6C00] =	vst v63  }
0x2c7: {  	s30 =	sadd.s32 $0x3800, s25;
	s31 =	sadd.s32 $0x300, s23  }
0x2c8: {  	(v2sf) =	vpush v0, $0x1;
	[hbm4b:s31+s3] =	stream.linear.scatter [tilespmem:s30], [sflag:$0x1], $0x80, $0x38;
	[tilespmem:$0x6C00] =	vst v63  }
0x2c9: {  	s28 =	sadd.s32 $0x3A00, s25;
	s29 =	sadd.s32 $0x380, s23  }
0x2ca: {  	[hbm4b:s29+s3] =	stream.linear.scatter [tilespmem:s28], [sflag:$0x1], $0x80, $0x38;
	[tilespmem:$0x6C00] =	vst v63  }
0x2cb: {  	s30 =	sadd.s32 $0x3C00, s25;
	s31 =	sadd.s32 $0x400, s23  }
0x2cc: {  	[hbm4b:s31+s3] =	stream.linear.scatter [tilespmem:s30], [sflag:$0x1], $0x80, $0x38;
	[tilespmem:$0x6C00] =	vst v63  }
0x2cd: {  	s28 =	sadd.s32 $0x3E00, s25;
	s29 =	sadd.s32 $0x480, s23  }
0x2ce: {  	[hbm4b:s29+s3] =	stream.linear.scatter [tilespmem:s28], [sflag:$0x1], $0x80, $0x38;
	[tilespmem:$0x6C00] =	vst v63  }
0x2cf: {  	s30 =	sadd.s32 $0x4000, s25;
	s31 =	sadd.s32 $0x500, s23  }
0x2d0: {  	[hbm4b:s31+s3] =	stream.linear.scatter [tilespmem:s30], [sflag:$0x1], $0x80, $0x38;
	[tilespmem:$0x6C00] =	vst v63  }
0x2d1: {  	s28 =	sadd.s32 $0x4200, s25;
	s29 =	sadd.s32 $0x580, s23  }
0x2d2: {  	[hbm4b:s29+s3] =	stream.linear.scatter [tilespmem:s28], [sflag:$0x1], $0x80, $0x38;
	[tilespmem:$0x6C00] =	vst v63  }
0x2d3: {  	s30 =	sadd.s32 $0x4400, s25;
	s31 =	sadd.s32 $0x600, s23  }
0x2d4: {  	[hbm4b:s31+s3] =	stream.linear.scatter [tilespmem:s30], [sflag:$0x1], $0x80, $0x38;
	[tilespmem:$0x6C00] =	vst v63  }
0x2d5: {  	s26 =	sadd.s32 $0x780, s23;
	s28 =	sadd.s32 $0x4600, s25;
	s29 =	sadd.s32 $0x680, s23  }
0x2d6: {  	[hbm4b:s29+s3] =	stream.linear.scatter [tilespmem:s28], [sflag:$0x1], $0x80, $0x38;
	[tilespmem:$0x6C00] =	vst v63  }
0x2d7: {  	s30 =	sadd.s32 $0x4800, s25;
	s31 =	sadd.s32 $0x700, s23;
	s28 =	spop (v2sf)  }
0x2d8: {  	[hbm4b:s31+s3] =	stream.linear.scatter [tilespmem:s30], [sflag:$0x1], $0x80, $0x38;
	[tilespmem:$0x6C00] =	vst v63  }
0x2d9: {  	s25 =	sadd.s32 $0x4A00, s25;
	s29 =	sshll.u32 s28, $0xB;
	s24 =	sshll.u32 s28, $0x7  }
0x2da: {  	[hbm4b:s26+s3] =	stream.linear.scatter [tilespmem:s25], [sflag:$0x1], $0x80, $0x38;
	[tilespmem:$0x6C00] =	vst v63  }
0x2db: {  	s24 =	sand.u32 $0x180, s24;
	s25 =	sand.u32 $0xFFFFE000, s29  }
0x2dc: {  	s24 =	sor.u32 s24, s25  }
0x2dd: {  	s30 =	sadd.s32 $0x10, s23;
	s31 =	sadd.s32 $0x2C00, s24  }
0x2de: {  	[hbm4b:s30+s3] =	stream.linear.scatter [tilespmem:s31], [sflag:$0x1], $0x80, $0x38;
	[tilespmem:$0x6C00] =	vst v63  }
0x2df: {  	s29 =	sadd.s32 $0x90, s23;
	s28 =	sadd.s32 $0x2E00, s24  }
0x2e0: {  	[hbm4b:s29+s3] =	stream.linear.scatter [tilespmem:s28], [sflag:$0x1], $0x80, $0x38;
	[tilespmem:$0x6C00] =	vst v63  }
0x2e1: {  	s30 =	sadd.s32 $0x3000, s24;
	s31 =	sadd.s32 $0x110, s23  }
0x2e2: {  	[hbm4b:s31+s3] =	stream.linear.scatter [tilespmem:s30], [sflag:$0x1], $0x80, $0x38;
	[tilespmem:$0x6C00] =	vst v63  }
0x2e3: {  	s28 =	sadd.s32 $0x3200, s24;
	s29 =	sadd.s32 $0x190, s23  }
0x2e4: {  	[hbm4b:s29+s3] =	stream.linear.scatter [tilespmem:s28], [sflag:$0x1], $0x80, $0x38;
	[tilespmem:$0x6C00] =	vst v63  }
0x2e5: {  	s30 =	sadd.s32 $0x3400, s24;
	s31 =	sadd.s32 $0x210, s23  }
0x2e6: {  	[hbm4b:s31+s3] =	stream.linear.scatter [tilespmem:s30], [sflag:$0x1], $0x80, $0x38;
	[tilespmem:$0x6C00] =	vst v63  }
0x2e7: {  	s28 =	sadd.s32 $0x3600, s24;
	s29 =	sadd.s32 $0x290, s23  }
0x2e8: {  	[hbm4b:s29+s3] =	stream.linear.scatter [tilespmem:s28], [sflag:$0x1], $0x80, $0x38;
	[tilespmem:$0x6C00] =	vst v63  }
0x2e9: {  	s30 =	sadd.s32 $0x3800, s24;
	s31 =	sadd.s32 $0x310, s23  }
0x2ea: {  	[hbm4b:s31+s3] =	stream.linear.scatter [tilespmem:s30], [sflag:$0x1], $0x80, $0x38;
	[tilespmem:$0x6C00] =	vst v63  }
0x2eb: {  	s28 =	sadd.s32 $0x3A00, s24;
	s29 =	sadd.s32 $0x390, s23  }
0x2ec: {  	(v2sf) =	vpush v0, $0x2;
	[hbm4b:s29+s3] =	stream.linear.scatter [tilespmem:s28], [sflag:$0x1], $0x80, $0x38;
	[tilespmem:$0x6C00] =	vst v63  }
0x2ed: {  	s30 =	sadd.s32 $0x3C00, s24;
	s31 =	sadd.s32 $0x410, s23  }
0x2ee: {  	[hbm4b:s31+s3] =	stream.linear.scatter [tilespmem:s30], [sflag:$0x1], $0x80, $0x38;
	[tilespmem:$0x6C00] =	vst v63  }
0x2ef: {  	s28 =	sadd.s32 $0x3E00, s24;
	s29 =	sadd.s32 $0x490, s23  }
0x2f0: {  	[hbm4b:s29+s3] =	stream.linear.scatter [tilespmem:s28], [sflag:$0x1], $0x80, $0x38;
	[tilespmem:$0x6C00] =	vst v63  }
0x2f1: {  	s30 =	sadd.s32 $0x4000, s24;
	s31 =	sadd.s32 $0x510, s23  }
0x2f2: {  	[hbm4b:s31+s3] =	stream.linear.scatter [tilespmem:s30], [sflag:$0x1], $0x80, $0x38;
	[tilespmem:$0x6C00] =	vst v63  }
0x2f3: {  	s28 =	sadd.s32 $0x4200, s24;
	s29 =	sadd.s32 $0x590, s23  }
0x2f4: {  	[hbm4b:s29+s3] =	stream.linear.scatter [tilespmem:s28], [sflag:$0x1], $0x80, $0x38;
	[tilespmem:$0x6C00] =	vst v63  }
0x2f5: {  	s30 =	sadd.s32 $0x4400, s24;
	s31 =	sadd.s32 $0x610, s23  }
0x2f6: {  	[hbm4b:s31+s3] =	stream.linear.scatter [tilespmem:s30], [sflag:$0x1], $0x80, $0x38;
	[tilespmem:$0x6C00] =	vst v63  }
0x2f7: {  	s28 =	sadd.s32 $0x4600, s24;
	s29 =	sadd.s32 $0x690, s23  }
0x2f8: {  	[hbm4b:s29+s3] =	stream.linear.scatter [tilespmem:s28], [sflag:$0x1], $0x80, $0x38;
	[tilespmem:$0x6C00] =	vst v63  }
0x2f9: {  	s30 =	sadd.s32 $0x4800, s24;
	s31 =	sadd.s32 $0x710, s23  }
0x2fa: {  	[hbm4b:s31+s3] =	stream.linear.scatter [tilespmem:s30], [sflag:$0x1], $0x80, $0x38;
	[tilespmem:$0x6C00] =	vst v63  }
0x2fb: {  	s26 =	sadd.s32 $0x790, s23;
	s24 =	sadd.s32 $0x4A00, s24;
	s28 =	spop (v2sf)  }
0x2fc: {  	[hbm4b:s26+s3] =	stream.linear.scatter [tilespmem:s24], [sflag:$0x1], $0x80, $0x38;
	[tilespmem:$0x6C00] =	vst v63  }
0x2fd: {  	s29 =	sshll.u32 s28, $0xB;
	s24 =	sshll.u32 s28, $0x7  }
0x2fe: {  	s25 =	sand.u32 $0xFFFFE000, s29;
	s24 =	sand.u32 $0x180, s24  }
0x2ff: {  	s24 =	sor.u32 s24, s25  }
0x300: {  	s30 =	sadd.s32 $0x20, s23;
	s31 =	sadd.s32 $0x2C00, s24  }
0x301: {  	[hbm4b:s30+s3] =	stream.linear.scatter [tilespmem:s31], [sflag:$0x1], $0x80, $0x38;
	[tilespmem:$0x6C00] =	vst v63  }
0x302: {  	s29 =	sadd.s32 $0xA0, s23;
	s28 =	sadd.s32 $0x2E00, s24  }
0x303: {  	[hbm4b:s29+s3] =	stream.linear.scatter [tilespmem:s28], [sflag:$0x1], $0x80, $0x38;
	[tilespmem:$0x6C00] =	vst v63  }
0x304: {  	s30 =	sadd.s32 $0x3000, s24;
	s31 =	sadd.s32 $0x120, s23  }
0x305: {  	[hbm4b:s31+s3] =	stream.linear.scatter [tilespmem:s30], [sflag:$0x1], $0x80, $0x38;
	[tilespmem:$0x6C00] =	vst v63  }
0x306: {  	s28 =	sadd.s32 $0x3200, s24;
	s29 =	sadd.s32 $0x1A0, s23  }
0x307: {  	[hbm4b:s29+s3] =	stream.linear.scatter [tilespmem:s28], [sflag:$0x1], $0x80, $0x38;
	[tilespmem:$0x6C00] =	vst v63  }
0x308: {  	s30 =	sadd.s32 $0x3400, s24;
	s31 =	sadd.s32 $0x220, s23  }
0x309: {  	[hbm4b:s31+s3] =	stream.linear.scatter [tilespmem:s30], [sflag:$0x1], $0x80, $0x38;
	[tilespmem:$0x6C00] =	vst v63  }
0x30a: {  	s28 =	sadd.s32 $0x3600, s24;
	s29 =	sadd.s32 $0x2A0, s23  }
0x30b: {  	[hbm4b:s29+s3] =	stream.linear.scatter [tilespmem:s28], [sflag:$0x1], $0x80, $0x38;
	[tilespmem:$0x6C00] =	vst v63  }
0x30c: {  	s30 =	sadd.s32 $0x3800, s24;
	s31 =	sadd.s32 $0x320, s23  }
0x30d: {  	[hbm4b:s31+s3] =	stream.linear.scatter [tilespmem:s30], [sflag:$0x1], $0x80, $0x38;
	[tilespmem:$0x6C00] =	vst v63  }
0x30e: {  	s28 =	sadd.s32 $0x3A00, s24;
	s29 =	sadd.s32 $0x3A0, s23  }
0x30f: {  	(v2sf) =	vpush v0, $0x3;
	[hbm4b:s29+s3] =	stream.linear.scatter [tilespmem:s28], [sflag:$0x1], $0x80, $0x38;
	[tilespmem:$0x6C00] =	vst v63  }
0x310: {  	s30 =	sadd.s32 $0x3C00, s24;
	s31 =	sadd.s32 $0x420, s23  }
0x311: {  	[hbm4b:s31+s3] =	stream.linear.scatter [tilespmem:s30], [sflag:$0x1], $0x80, $0x38;
	[tilespmem:$0x6C00] =	vst v63  }
0x312: {  	s28 =	sadd.s32 $0x3E00, s24;
	s29 =	sadd.s32 $0x4A0, s23  }
0x313: {  	[hbm4b:s29+s3] =	stream.linear.scatter [tilespmem:s28], [sflag:$0x1], $0x80, $0x38;
	[tilespmem:$0x6C00] =	vst v63  }
0x314: {  	s30 =	sadd.s32 $0x4000, s24;
	s31 =	sadd.s32 $0x520, s23  }
0x315: {  	[hbm4b:s31+s3] =	stream.linear.scatter [tilespmem:s30], [sflag:$0x1], $0x80, $0x38;
	[tilespmem:$0x6C00] =	vst v63  }
0x316: {  	s28 =	sadd.s32 $0x4200, s24;
	s29 =	sadd.s32 $0x5A0, s23  }
0x317: {  	[hbm4b:s29+s3] =	stream.linear.scatter [tilespmem:s28], [sflag:$0x1], $0x80, $0x38;
	[tilespmem:$0x6C00] =	vst v63  }
0x318: {  	s30 =	sadd.s32 $0x4400, s24;
	s31 =	sadd.s32 $0x620, s23  }
0x319: {  	[hbm4b:s31+s3] =	stream.linear.scatter [tilespmem:s30], [sflag:$0x1], $0x80, $0x38;
	[tilespmem:$0x6C00] =	vst v63  }
0x31a: {  	s28 =	sadd.s32 $0x4600, s24;
	s29 =	sadd.s32 $0x6A0, s23  }
0x31b: {  	[hbm4b:s29+s3] =	stream.linear.scatter [tilespmem:s28], [sflag:$0x1], $0x80, $0x38;
	[tilespmem:$0x6C00] =	vst v63  }
0x31c: {  	s30 =	sadd.s32 $0x4800, s24;
	s31 =	sadd.s32 $0x720, s23  }
0x31d: {  	[hbm4b:s31+s3] =	stream.linear.scatter [tilespmem:s30], [sflag:$0x1], $0x80, $0x38;
	[tilespmem:$0x6C00] =	vst v63  }
0x31e: {  	s26 =	sadd.s32 $0x7A0, s23;
	s24 =	sadd.s32 $0x4A00, s24;
	s28 =	spop (v2sf)  }
0x31f: {  	[hbm4b:s26+s3] =	stream.linear.scatter [tilespmem:s24], [sflag:$0x1], $0x80, $0x38;
	[tilespmem:$0x6C00] =	vst v63  }
0x320: {  	s29 =	sshll.u32 s28, $0xB;
	s24 =	sshll.u32 s28, $0x7  }
0x321: {  	s25 =	sand.u32 $0xFFFFE000, s29;
	s24 =	sand.u32 $0x180, s24  }
0x322: {  	s24 =	sor.u32 s24, s25  }
0x323: {  	s30 =	sadd.s32 $0x30, s23;
	s31 =	sadd.s32 $0x2C00, s24  }
0x324: {  	[hbm4b:s30+s3] =	stream.linear.scatter [tilespmem:s31], [sflag:$0x1], $0x80, $0x38;
	[tilespmem:$0x6C00] =	vst v63  }
0x325: {  	s29 =	sadd.s32 $0xB0, s23;
	s28 =	sadd.s32 $0x2E00, s24  }
0x326: {  	[hbm4b:s29+s3] =	stream.linear.scatter [tilespmem:s28], [sflag:$0x1], $0x80, $0x38;
	[tilespmem:$0x6C00] =	vst v63  }
0x327: {  	s30 =	sadd.s32 $0x3000, s24;
	s31 =	sadd.s32 $0x130, s23  }
0x328: {  	[hbm4b:s31+s3] =	stream.linear.scatter [tilespmem:s30], [sflag:$0x1], $0x80, $0x38;
	[tilespmem:$0x6C00] =	vst v63  }
0x329: {  	s28 =	sadd.s32 $0x3200, s24;
	s29 =	sadd.s32 $0x1B0, s23  }
0x32a: {  	[hbm4b:s29+s3] =	stream.linear.scatter [tilespmem:s28], [sflag:$0x1], $0x80, $0x38;
	[tilespmem:$0x6C00] =	vst v63  }
0x32b: {  	s30 =	sadd.s32 $0x3400, s24;
	s31 =	sadd.s32 $0x230, s23  }
0x32c: {  	[hbm4b:s31+s3] =	stream.linear.scatter [tilespmem:s30], [sflag:$0x1], $0x80, $0x38;
	[tilespmem:$0x6C00] =	vst v63  }
0x32d: {  	s28 =	sadd.s32 $0x3600, s24;
	s29 =	sadd.s32 $0x2B0, s23  }
0x32e: {  	[hbm4b:s29+s3] =	stream.linear.scatter [tilespmem:s28], [sflag:$0x1], $0x80, $0x38;
	[tilespmem:$0x6C00] =	vst v63  }
0x32f: {  	s30 =	sadd.s32 $0x3800, s24;
	s31 =	sadd.s32 $0x330, s23  }
0x330: {  	[hbm4b:s31+s3] =	stream.linear.scatter [tilespmem:s30], [sflag:$0x1], $0x80, $0x38;
	[tilespmem:$0x6C00] =	vst v63  }
0x331: {  	s28 =	sadd.s32 $0x3A00, s24;
	s29 =	sadd.s32 $0x3B0, s23  }
0x332: {  	(v2sf) =	vpush v0, $0x4;
	[hbm4b:s29+s3] =	stream.linear.scatter [tilespmem:s28], [sflag:$0x1], $0x80, $0x38;
	[tilespmem:$0x6C00] =	vst v63  }
0x333: {  	s30 =	sadd.s32 $0x3C00, s24;
	s31 =	sadd.s32 $0x430, s23  }
0x334: {  	[hbm4b:s31+s3] =	stream.linear.scatter [tilespmem:s30], [sflag:$0x1], $0x80, $0x38;
	[tilespmem:$0x6C00] =	vst v63  }
0x335: {  	s28 =	sadd.s32 $0x3E00, s24;
	s29 =	sadd.s32 $0x4B0, s23  }
0x336: {  	[hbm4b:s29+s3] =	stream.linear.scatter [tilespmem:s28], [sflag:$0x1], $0x80, $0x38;
	[tilespmem:$0x6C00] =	vst v63  }
0x337: {  	s30 =	sadd.s32 $0x4000, s24;
	s31 =	sadd.s32 $0x530, s23  }
0x338: {  	[hbm4b:s31+s3] =	stream.linear.scatter [tilespmem:s30], [sflag:$0x1], $0x80, $0x38;
	[tilespmem:$0x6C00] =	vst v63  }
0x339: {  	s28 =	sadd.s32 $0x4200, s24;
	s29 =	sadd.s32 $0x5B0, s23  }
0x33a: {  	[hbm4b:s29+s3] =	stream.linear.scatter [tilespmem:s28], [sflag:$0x1], $0x80, $0x38;
	[tilespmem:$0x6C00] =	vst v63  }
0x33b: {  	s30 =	sadd.s32 $0x4400, s24;
	s31 =	sadd.s32 $0x630, s23  }
0x33c: {  	[hbm4b:s31+s3] =	stream.linear.scatter [tilespmem:s30], [sflag:$0x1], $0x80, $0x38;
	[tilespmem:$0x6C00] =	vst v63  }
0x33d: {  	s28 =	sadd.s32 $0x4600, s24;
	s29 =	sadd.s32 $0x6B0, s23  }
0x33e: {  	[hbm4b:s29+s3] =	stream.linear.scatter [tilespmem:s28], [sflag:$0x1], $0x80, $0x38;
	[tilespmem:$0x6C00] =	vst v63  }
0x33f: {  	s30 =	sadd.s32 $0x4800, s24;
	s31 =	sadd.s32 $0x730, s23  }
0x340: {  	[hbm4b:s31+s3] =	stream.linear.scatter [tilespmem:s30], [sflag:$0x1], $0x80, $0x38;
	[tilespmem:$0x6C00] =	vst v63  }
0x341: {  	s26 =	sadd.s32 $0x7B0, s23;
	s24 =	sadd.s32 $0x4A00, s24;
	s28 =	spop (v2sf)  }
0x342: {  	[hbm4b:s26+s3] =	stream.linear.scatter [tilespmem:s24], [sflag:$0x1], $0x80, $0x38;
	[tilespmem:$0x6C00] =	vst v63  }
0x343: {  	s29 =	sshll.u32 s28, $0xB;
	s24 =	sshll.u32 s28, $0x7  }
0x344: {  	s25 =	sand.u32 $0xFFFFE000, s29;
	s24 =	sand.u32 $0x180, s24  }
0x345: {  	s24 =	sor.u32 s24, s25  }
0x346: {  	s30 =	sadd.s32 $0x40, s23;
	s31 =	sadd.s32 $0x2C00, s24  }
0x347: {  	[hbm4b:s30+s3] =	stream.linear.scatter [tilespmem:s31], [sflag:$0x1], $0x80, $0x38;
	[tilespmem:$0x6C00] =	vst v63  }
0x348: {  	s29 =	sadd.s32 $0xC0, s23;
	s28 =	sadd.s32 $0x2E00, s24  }
0x349: {  	[hbm4b:s29+s3] =	stream.linear.scatter [tilespmem:s28], [sflag:$0x1], $0x80, $0x38;
	[tilespmem:$0x6C00] =	vst v63  }
0x34a: {  	s30 =	sadd.s32 $0x3000, s24;
	s31 =	sadd.s32 $0x140, s23  }
0x34b: {  	[hbm4b:s31+s3] =	stream.linear.scatter [tilespmem:s30], [sflag:$0x1], $0x80, $0x38;
	[tilespmem:$0x6C00] =	vst v63  }
0x34c: {  	s28 =	sadd.s32 $0x3200, s24;
	s29 =	sadd.s32 $0x1C0, s23  }
0x34d: {  	[hbm4b:s29+s3] =	stream.linear.scatter [tilespmem:s28], [sflag:$0x1], $0x80, $0x38;
	[tilespmem:$0x6C00] =	vst v63  }
0x34e: {  	s30 =	sadd.s32 $0x3400, s24;
	s31 =	sadd.s32 $0x240, s23  }
0x34f: {  	[hbm4b:s31+s3] =	stream.linear.scatter [tilespmem:s30], [sflag:$0x1], $0x80, $0x38;
	[tilespmem:$0x6C00] =	vst v63  }
0x350: {  	s28 =	sadd.s32 $0x3600, s24;
	s29 =	sadd.s32 $0x2C0, s23  }
0x351: {  	[hbm4b:s29+s3] =	stream.linear.scatter [tilespmem:s28], [sflag:$0x1], $0x80, $0x38;
	[tilespmem:$0x6C00] =	vst v63  }
0x352: {  	s30 =	sadd.s32 $0x3800, s24;
	s31 =	sadd.s32 $0x340, s23  }
0x353: {  	[hbm4b:s31+s3] =	stream.linear.scatter [tilespmem:s30], [sflag:$0x1], $0x80, $0x38;
	[tilespmem:$0x6C00] =	vst v63  }
0x354: {  	s28 =	sadd.s32 $0x3A00, s24;
	s29 =	sadd.s32 $0x3C0, s23  }
0x355: {  	(v2sf) =	vpush v0, $0x5;
	[hbm4b:s29+s3] =	stream.linear.scatter [tilespmem:s28], [sflag:$0x1], $0x80, $0x38;
	[tilespmem:$0x6C00] =	vst v63  }
0x356: {  	s30 =	sadd.s32 $0x3C00, s24;
	s31 =	sadd.s32 $0x440, s23  }
0x357: {  	[hbm4b:s31+s3] =	stream.linear.scatter [tilespmem:s30], [sflag:$0x1], $0x80, $0x38;
	[tilespmem:$0x6C00] =	vst v63  }
0x358: {  	s28 =	sadd.s32 $0x3E00, s24;
	s29 =	sadd.s32 $0x4C0, s23  }
0x359: {  	[hbm4b:s29+s3] =	stream.linear.scatter [tilespmem:s28], [sflag:$0x1], $0x80, $0x38;
	[tilespmem:$0x6C00] =	vst v63  }
0x35a: {  	s30 =	sadd.s32 $0x4000, s24;
	s31 =	sadd.s32 $0x540, s23  }
0x35b: {  	[hbm4b:s31+s3] =	stream.linear.scatter [tilespmem:s30], [sflag:$0x1], $0x80, $0x38;
	[tilespmem:$0x6C00] =	vst v63  }
0x35c: {  	s28 =	sadd.s32 $0x4200, s24;
	s29 =	sadd.s32 $0x5C0, s23  }
0x35d: {  	[hbm4b:s29+s3] =	stream.linear.scatter [tilespmem:s28], [sflag:$0x1], $0x80, $0x38;
	[tilespmem:$0x6C00] =	vst v63  }
0x35e: {  	s30 =	sadd.s32 $0x4400, s24;
	s31 =	sadd.s32 $0x640, s23  }
0x35f: {  	[hbm4b:s31+s3] =	stream.linear.scatter [tilespmem:s30], [sflag:$0x1], $0x80, $0x38;
	[tilespmem:$0x6C00] =	vst v63  }
0x360: {  	s28 =	sadd.s32 $0x4600, s24;
	s29 =	sadd.s32 $0x6C0, s23  }
0x361: {  	[hbm4b:s29+s3] =	stream.linear.scatter [tilespmem:s28], [sflag:$0x1], $0x80, $0x38;
	[tilespmem:$0x6C00] =	vst v63  }
0x362: {  	s30 =	sadd.s32 $0x4800, s24;
	s31 =	sadd.s32 $0x740, s23  }
0x363: {  	[hbm4b:s31+s3] =	stream.linear.scatter [tilespmem:s30], [sflag:$0x1], $0x80, $0x38;
	[tilespmem:$0x6C00] =	vst v63  }
0x364: {  	s26 =	sadd.s32 $0x7C0, s23;
	s24 =	sadd.s32 $0x4A00, s24;
	s28 =	spop (v2sf)  }
0x365: {  	[hbm4b:s26+s3] =	stream.linear.scatter [tilespmem:s24], [sflag:$0x1], $0x80, $0x38;
	[tilespmem:$0x6C00] =	vst v63  }
0x366: {  	s29 =	sshll.u32 s28, $0xB;
	s24 =	sshll.u32 s28, $0x7  }
0x367: {  	s25 =	sand.u32 $0xFFFFE000, s29;
	s24 =	sand.u32 $0x180, s24  }
0x368: {  	s24 =	sor.u32 s24, s25  }
0x369: {  	s30 =	sadd.s32 $0x50, s23;
	s31 =	sadd.s32 $0x2C00, s24  }
0x36a: {  	[hbm4b:s30+s3] =	stream.linear.scatter [tilespmem:s31], [sflag:$0x1], $0x80, $0x38;
	[tilespmem:$0x6C00] =	vst v63  }
0x36b: {  	s29 =	sadd.s32 $0xD0, s23;
	s28 =	sadd.s32 $0x2E00, s24  }
0x36c: {  	[hbm4b:s29+s3] =	stream.linear.scatter [tilespmem:s28], [sflag:$0x1], $0x80, $0x38;
	[tilespmem:$0x6C00] =	vst v63  }
0x36d: {  	s30 =	sadd.s32 $0x3000, s24;
	s31 =	sadd.s32 $0x150, s23  }
0x36e: {  	[hbm4b:s31+s3] =	stream.linear.scatter [tilespmem:s30], [sflag:$0x1], $0x80, $0x38;
	[tilespmem:$0x6C00] =	vst v63  }
0x36f: {  	s28 =	sadd.s32 $0x3200, s24;
	s29 =	sadd.s32 $0x1D0, s23  }
0x370: {  	[hbm4b:s29+s3] =	stream.linear.scatter [tilespmem:s28], [sflag:$0x1], $0x80, $0x38;
	[tilespmem:$0x6C00] =	vst v63  }
0x371: {  	s30 =	sadd.s32 $0x3400, s24;
	s31 =	sadd.s32 $0x250, s23  }
0x372: {  	[hbm4b:s31+s3] =	stream.linear.scatter [tilespmem:s30], [sflag:$0x1], $0x80, $0x38;
	[tilespmem:$0x6C00] =	vst v63  }
0x373: {  	s28 =	sadd.s32 $0x3600, s24;
	s29 =	sadd.s32 $0x2D0, s23  }
0x374: {  	[hbm4b:s29+s3] =	stream.linear.scatter [tilespmem:s28], [sflag:$0x1], $0x80, $0x38;
	[tilespmem:$0x6C00] =	vst v63  }
0x375: {  	s30 =	sadd.s32 $0x3800, s24;
	s31 =	sadd.s32 $0x350, s23  }
0x376: {  	[hbm4b:s31+s3] =	stream.linear.scatter [tilespmem:s30], [sflag:$0x1], $0x80, $0x38;
	[tilespmem:$0x6C00] =	vst v63  }
0x377: {  	s28 =	sadd.s32 $0x3A00, s24;
	s29 =	sadd.s32 $0x3D0, s23  }
0x378: {  	(v2sf) =	vpush v0, $0x6;
	[hbm4b:s29+s3] =	stream.linear.scatter [tilespmem:s28], [sflag:$0x1], $0x80, $0x38;
	[tilespmem:$0x6C00] =	vst v63  }
0x379: {  	s30 =	sadd.s32 $0x3C00, s24;
	s31 =	sadd.s32 $0x450, s23  }
0x37a: {  	[hbm4b:s31+s3] =	stream.linear.scatter [tilespmem:s30], [sflag:$0x1], $0x80, $0x38;
	[tilespmem:$0x6C00] =	vst v63  }
0x37b: {  	s28 =	sadd.s32 $0x3E00, s24;
	s29 =	sadd.s32 $0x4D0, s23  }
0x37c: {  	[hbm4b:s29+s3] =	stream.linear.scatter [tilespmem:s28], [sflag:$0x1], $0x80, $0x38;
	[tilespmem:$0x6C00] =	vst v63  }
0x37d: {  	s30 =	sadd.s32 $0x4000, s24;
	s31 =	sadd.s32 $0x550, s23  }
0x37e: {  	[hbm4b:s31+s3] =	stream.linear.scatter [tilespmem:s30], [sflag:$0x1], $0x80, $0x38;
	[tilespmem:$0x6C00] =	vst v63  }
0x37f: {  	s28 =	sadd.s32 $0x4200, s24;
	s29 =	sadd.s32 $0x5D0, s23  }
0x380: {  	[hbm4b:s29+s3] =	stream.linear.scatter [tilespmem:s28], [sflag:$0x1], $0x80, $0x38;
	[tilespmem:$0x6C00] =	vst v63  }
0x381: {  	s30 =	sadd.s32 $0x4400, s24;
	s31 =	sadd.s32 $0x650, s23  }
0x382: {  	[hbm4b:s31+s3] =	stream.linear.scatter [tilespmem:s30], [sflag:$0x1], $0x80, $0x38;
	[tilespmem:$0x6C00] =	vst v63  }
0x383: {  	s28 =	sadd.s32 $0x4600, s24;
	s29 =	sadd.s32 $0x6D0, s23  }
0x384: {  	[hbm4b:s29+s3] =	stream.linear.scatter [tilespmem:s28], [sflag:$0x1], $0x80, $0x38;
	[tilespmem:$0x6C00] =	vst v63  }
0x385: {  	s30 =	sadd.s32 $0x4800, s24;
	s31 =	sadd.s32 $0x750, s23  }
0x386: {  	[hbm4b:s31+s3] =	stream.linear.scatter [tilespmem:s30], [sflag:$0x1], $0x80, $0x38;
	[tilespmem:$0x6C00] =	vst v63  }
0x387: {  	s26 =	sadd.s32 $0x7D0, s23;
	s24 =	sadd.s32 $0x4A00, s24;
	s28 =	spop (v2sf)  }
0x388: {  	[hbm4b:s26+s3] =	stream.linear.scatter [tilespmem:s24], [sflag:$0x1], $0x80, $0x38;
	[tilespmem:$0x6C00] =	vst v63  }
0x389: {  	s29 =	sshll.u32 s28, $0xB;
	s24 =	sshll.u32 s28, $0x7  }
0x38a: {  	s25 =	sand.u32 $0xFFFFE000, s29;
	s24 =	sand.u32 $0x180, s24  }
0x38b: {  	s24 =	sor.u32 s24, s25  }
0x38c: {  	s30 =	sadd.s32 $0x60, s23;
	s31 =	sadd.s32 $0x2C00, s24  }
0x38d: {  	[hbm4b:s30+s3] =	stream.linear.scatter [tilespmem:s31], [sflag:$0x1], $0x80, $0x38;
	[tilespmem:$0x6C00] =	vst v63  }
0x38e: {  	s29 =	sadd.s32 $0xE0, s23;
	s28 =	sadd.s32 $0x2E00, s24  }
0x38f: {  	[hbm4b:s29+s3] =	stream.linear.scatter [tilespmem:s28], [sflag:$0x1], $0x80, $0x38;
	[tilespmem:$0x6C00] =	vst v63  }
0x390: {  	s30 =	sadd.s32 $0x3000, s24;
	s31 =	sadd.s32 $0x160, s23  }
0x391: {  	[hbm4b:s31+s3] =	stream.linear.scatter [tilespmem:s30], [sflag:$0x1], $0x80, $0x38;
	[tilespmem:$0x6C00] =	vst v63  }
0x392: {  	s28 =	sadd.s32 $0x3200, s24;
	s29 =	sadd.s32 $0x1E0, s23  }
0x393: {  	[hbm4b:s29+s3] =	stream.linear.scatter [tilespmem:s28], [sflag:$0x1], $0x80, $0x38;
	[tilespmem:$0x6C00] =	vst v63  }
0x394: {  	s30 =	sadd.s32 $0x3400, s24;
	s31 =	sadd.s32 $0x260, s23  }
0x395: {  	[hbm4b:s31+s3] =	stream.linear.scatter [tilespmem:s30], [sflag:$0x1], $0x80, $0x38;
	[tilespmem:$0x6C00] =	vst v63  }
0x396: {  	s28 =	sadd.s32 $0x3600, s24;
	s29 =	sadd.s32 $0x2E0, s23  }
0x397: {  	[hbm4b:s29+s3] =	stream.linear.scatter [tilespmem:s28], [sflag:$0x1], $0x80, $0x38;
	[tilespmem:$0x6C00] =	vst v63  }
0x398: {  	s30 =	sadd.s32 $0x3800, s24;
	s31 =	sadd.s32 $0x360, s23  }
0x399: {  	[hbm4b:s31+s3] =	stream.linear.scatter [tilespmem:s30], [sflag:$0x1], $0x80, $0x38;
	[tilespmem:$0x6C00] =	vst v63  }
0x39a: {  	s28 =	sadd.s32 $0x3A00, s24;
	s29 =	sadd.s32 $0x3E0, s23  }
0x39b: {  	(v2sf) =	vpush v0, $0x7;
	[hbm4b:s29+s3] =	stream.linear.scatter [tilespmem:s28], [sflag:$0x1], $0x80, $0x38;
	[tilespmem:$0x6C00] =	vst v63  }
0x39c: {  	s30 =	sadd.s32 $0x3C00, s24;
	s31 =	sadd.s32 $0x460, s23  }
0x39d: {  	[hbm4b:s31+s3] =	stream.linear.scatter [tilespmem:s30], [sflag:$0x1], $0x80, $0x38;
	[tilespmem:$0x6C00] =	vst v63  }
0x39e: {  	s28 =	sadd.s32 $0x3E00, s24;
	s29 =	sadd.s32 $0x4E0, s23  }
0x39f: {  	[hbm4b:s29+s3] =	stream.linear.scatter [tilespmem:s28], [sflag:$0x1], $0x80, $0x38;
	[tilespmem:$0x6C00] =	vst v63  }
0x3a0: {  	s30 =	sadd.s32 $0x4000, s24;
	s31 =	sadd.s32 $0x560, s23  }
0x3a1: {  	[hbm4b:s31+s3] =	stream.linear.scatter [tilespmem:s30], [sflag:$0x1], $0x80, $0x38;
	[tilespmem:$0x6C00] =	vst v63  }
0x3a2: {  	s28 =	sadd.s32 $0x4200, s24;
	s29 =	sadd.s32 $0x5E0, s23  }
0x3a3: {  	[hbm4b:s29+s3] =	stream.linear.scatter [tilespmem:s28], [sflag:$0x1], $0x80, $0x38;
	[tilespmem:$0x6C00] =	vst v63  }
0x3a4: {  	s30 =	sadd.s32 $0x4400, s24;
	s31 =	sadd.s32 $0x660, s23  }
0x3a5: {  	[hbm4b:s31+s3] =	stream.linear.scatter [tilespmem:s30], [sflag:$0x1], $0x80, $0x38;
	[tilespmem:$0x6C00] =	vst v63  }
0x3a6: {  	s26 =	sadd.s32 $0x4600, s24;
	s28 =	sadd.s32 $0x6E0, s23  }
0x3a7: {  	[hbm4b:s28+s3] =	stream.linear.scatter [tilespmem:s26], [sflag:$0x1], $0x80, $0x38;
	[tilespmem:$0x6C00] =	vst v63  }
0x3a8: {  	s29 =	sadd.s32 $0x4800, s24;
	s30 =	sadd.s32 $0x760, s23  }
0x3a9: {  	[hbm4b:s30+s3] =	stream.linear.scatter [tilespmem:s29], [sflag:$0x1], $0x80, $0x38;
	[tilespmem:$0x6C00] =	vst v63  }
0x3aa: {  	s25 =	spop (v2sf);
	s24 =	sadd.s32 $0x4A00, s24;
	s31 =	sadd.s32 $0x7E0, s23  }
0x3ab: {  	[hbm4b:s31+s3] =	stream.linear.scatter [tilespmem:s24], [sflag:$0x1], $0x80, $0x38;
	[tilespmem:$0x6C00] =	vst v63  }
0x3ac: {  	s26 =	sshll.u32 s25, $0xB;
	s24 =	sshll.u32 s25, $0x7  }
0x3ad: {  	s25 =	sand.u32 $0xFFFFE000, s26;
	s24 =	sand.u32 $0x180, s24  }
0x3ae: {  	s24 =	sor.u32 s24, s25  }
0x3af: {  	s28 =	sadd.s32 $0x70, s23;
	s29 =	sadd.s32 $0x2C00, s24  }
0x3b0: {  	[hbm4b:s28+s3] =	stream.linear.scatter [tilespmem:s29], [sflag:$0x1], $0x80, $0x38;
	[tilespmem:$0x6C00] =	vst v63  }
0x3b1: {  	s31 =	sadd.s32 $0xF0, s23;
	s30 =	sadd.s32 $0x2E00, s24  }
0x3b2: {  	[hbm4b:s31+s3] =	stream.linear.scatter [tilespmem:s30], [sflag:$0x1], $0x80, $0x38;
	[tilespmem:$0x6C00] =	vst v63  }
0x3b3: {  	s28 =	sadd.s32 $0x3000, s24;
	s29 =	sadd.s32 $0x170, s23  }
0x3b4: {  	[hbm4b:s29+s3] =	stream.linear.scatter [tilespmem:s28], [sflag:$0x1], $0x80, $0x38;
	[tilespmem:$0x6C00] =	vst v63  }
0x3b5: {  	s30 =	sadd.s32 $0x3200, s24;
	s31 =	sadd.s32 $0x1F0, s23  }
0x3b6: {  	[hbm4b:s31+s3] =	stream.linear.scatter [tilespmem:s30], [sflag:$0x1], $0x80, $0x38;
	[tilespmem:$0x6C00] =	vst v63  }
0x3b7: {  	s28 =	sadd.s32 $0x3400, s24;
	s29 =	sadd.s32 $0x270, s23  }
0x3b8: {  	[hbm4b:s29+s3] =	stream.linear.scatter [tilespmem:s28], [sflag:$0x1], $0x80, $0x38;
	[tilespmem:$0x6C00] =	vst v63  }
0x3b9: {  	s30 =	sadd.s32 $0x3600, s24;
	s31 =	sadd.s32 $0x2F0, s23  }
0x3ba: {  	[hbm4b:s31+s3] =	stream.linear.scatter [tilespmem:s30], [sflag:$0x1], $0x80, $0x38;
	[tilespmem:$0x6C00] =	vst v63  }
0x3bb: {  	s28 =	sadd.s32 $0x3800, s24;
	s29 =	sadd.s32 $0x370, s23  }
0x3bc: {  	[hbm4b:s29+s3] =	stream.linear.scatter [tilespmem:s28], [sflag:$0x1], $0x80, $0x38;
	[tilespmem:$0x6C00] =	vst v63  }
0x3bd: {  	s30 =	sadd.s32 $0x3A00, s24;
	s31 =	sadd.s32 $0x3F0, s23  }
0x3be: {  	(v2sf) =	vpush v0, $0x8;
	[hbm4b:s31+s3] =	stream.linear.scatter [tilespmem:s30], [sflag:$0x1], $0x80, $0x38;
	[tilespmem:$0x6C00] =	vst v63  }
0x3bf: {  	s28 =	sadd.s32 $0x3C00, s24;
	s29 =	sadd.s32 $0x470, s23  }
0x3c0: {  	[hbm4b:s29+s3] =	stream.linear.scatter [tilespmem:s28], [sflag:$0x1], $0x80, $0x38;
	[tilespmem:$0x6C00] =	vst v63  }
0x3c1: {  	s30 =	sadd.s32 $0x3E00, s24;
	s31 =	sadd.s32 $0x4F0, s23  }
0x3c2: {  	[hbm4b:s31+s3] =	stream.linear.scatter [tilespmem:s30], [sflag:$0x1], $0x80, $0x38;
	[tilespmem:$0x6C00] =	vst v63  }
0x3c3: {  	s28 =	sadd.s32 $0x4000, s24;
	s29 =	sadd.s32 $0x570, s23  }
0x3c4: {  	[hbm4b:s29+s3] =	stream.linear.scatter [tilespmem:s28], [sflag:$0x1], $0x80, $0x38;
	[tilespmem:$0x6C00] =	vst v63  }
0x3c5: {  	s30 =	sadd.s32 $0x4200, s24;
	s31 =	sadd.s32 $0x5F0, s23  }
0x3c6: {  	[hbm4b:s31+s3] =	stream.linear.scatter [tilespmem:s30], [sflag:$0x1], $0x80, $0x38;
	[tilespmem:$0x6C00] =	vst v63  }
0x3c7: {  	s28 =	sadd.s32 $0x4400, s24;
	s29 =	sadd.s32 $0x670, s23  }
0x3c8: {  	[hbm4b:s29+s3] =	stream.linear.scatter [tilespmem:s28], [sflag:$0x1], $0x80, $0x38;
	[tilespmem:$0x6C00] =	vst v63  }
0x3c9: {  	s30 =	sadd.s32 $0x4600, s24;
	s31 =	sadd.s32 $0x6F0, s23  }
0x3ca: {  	[hbm4b:s31+s3] =	stream.linear.scatter [tilespmem:s30], [sflag:$0x1], $0x80, $0x38;
	[tilespmem:$0x6C00] =	vst v63  }
0x3cb: {  	s26 =	sadd.s32 $0x4800, s24;
	s28 =	sadd.s32 $0x770, s23  }
0x3cc: {  	[hbm4b:s28+s3] =	stream.linear.scatter [tilespmem:s26], [sflag:$0x1], $0x80, $0x38;
	[tilespmem:$0x6C00] =	vst v63  }
0x3cd: {  	s24 =	sadd.s32 $0x4A00, s24;
	s23 =	sadd.s32 $0x7F0, s23;
	s29 =	spop (v2sf)  }
0x3ce: {  	[hbm4b:s23+s3] =	stream.linear.scatter [tilespmem:s24], [sflag:$0x1], $0x80, $0x38;
	[tilespmem:$0x6C00] =	vst v63  }
0x3cf: {  	s31 =	sshll.u32 s29, $0xB;
	s23 =	sshll.u32 s29, $0x7  }
0x3d0: {  	s25 =	sand.u32 $0xFFFFE000, s31;
	s23 =	sand.u32 $0x180, s23  }
0x3d1: {  	s30 =	rddreg [dreg:$0x7];
	s25 =	sor.u32 s23, s25  }
0x3d2: {  	s23 =	sadd.s32 s21, s30;
	s26 =	sadd.s32 $0x2C00, s25  }
0x3d3: {  	[hbm4b:s23+s3] =	stream.linear.scatter [tilespmem:s26], [sflag:$0x1], $0x80, $0x38;
	[tilespmem:$0x6C00] =	vst v63  }
0x3d4: {  	s28 =	sadd.s32 $0x2E00, s25;
	s29 =	sadd.s32 $0x80, s23  }
0x3d5: {  	[hbm4b:s29+s3] =	stream.linear.scatter [tilespmem:s28], [sflag:$0x1], $0x80, $0x38;
	[tilespmem:$0x6C00] =	vst v63  }
0x3d6: {  	s30 =	sadd.s32 $0x3000, s25;
	s31 =	sadd.s32 $0x100, s23  }
0x3d7: {  	[hbm4b:s31+s3] =	stream.linear.scatter [tilespmem:s30], [sflag:$0x1], $0x80, $0x38;
	[tilespmem:$0x6C00] =	vst v63  }
0x3d8: {  	s28 =	sadd.s32 $0x3200, s25;
	s29 =	sadd.s32 $0x180, s23  }
0x3d9: {  	[hbm4b:s29+s3] =	stream.linear.scatter [tilespmem:s28], [sflag:$0x1], $0x80, $0x38;
	[tilespmem:$0x6C00] =	vst v63  }
0x3da: {  	s30 =	sadd.s32 $0x3400, s25;
	s31 =	sadd.s32 $0x200, s23  }
0x3db: {  	[hbm4b:s31+s3] =	stream.linear.scatter [tilespmem:s30], [sflag:$0x1], $0x80, $0x38;
	[tilespmem:$0x6C00] =	vst v63  }
0x3dc: {  	s28 =	sadd.s32 $0x3600, s25;
	s29 =	sadd.s32 $0x280, s23  }
0x3dd: {  	[hbm4b:s29+s3] =	stream.linear.scatter [tilespmem:s28], [sflag:$0x1], $0x80, $0x38;
	[tilespmem:$0x6C00] =	vst v63  }
0x3de: {  	s30 =	sadd.s32 $0x3800, s25;
	s31 =	sadd.s32 $0x300, s23  }
0x3df: {  	(v2sf) =	vpush v0, $0x9;
	[hbm4b:s31+s3] =	stream.linear.scatter [tilespmem:s30], [sflag:$0x1], $0x80, $0x38;
	[tilespmem:$0x6C00] =	vst v63  }
0x3e0: {  	s28 =	sadd.s32 $0x3A00, s25;
	s29 =	sadd.s32 $0x380, s23  }
0x3e1: {  	[hbm4b:s29+s3] =	stream.linear.scatter [tilespmem:s28], [sflag:$0x1], $0x80, $0x38;
	[tilespmem:$0x6C00] =	vst v63  }
0x3e2: {  	s30 =	sadd.s32 $0x3C00, s25;
	s31 =	sadd.s32 $0x400, s23  }
0x3e3: {  	[hbm4b:s31+s3] =	stream.linear.scatter [tilespmem:s30], [sflag:$0x1], $0x80, $0x38;
	[tilespmem:$0x6C00] =	vst v63  }
0x3e4: {  	s28 =	sadd.s32 $0x3E00, s25;
	s29 =	sadd.s32 $0x480, s23  }
0x3e5: {  	[hbm4b:s29+s3] =	stream.linear.scatter [tilespmem:s28], [sflag:$0x1], $0x80, $0x38;
	[tilespmem:$0x6C00] =	vst v63  }
0x3e6: {  	s30 =	sadd.s32 $0x4000, s25;
	s31 =	sadd.s32 $0x500, s23  }
0x3e7: {  	[hbm4b:s31+s3] =	stream.linear.scatter [tilespmem:s30], [sflag:$0x1], $0x80, $0x38;
	[tilespmem:$0x6C00] =	vst v63  }
0x3e8: {  	s28 =	sadd.s32 $0x4200, s25;
	s29 =	sadd.s32 $0x580, s23  }
0x3e9: {  	[hbm4b:s29+s3] =	stream.linear.scatter [tilespmem:s28], [sflag:$0x1], $0x80, $0x38;
	[tilespmem:$0x6C00] =	vst v63  }
0x3ea: {  	s30 =	sadd.s32 $0x4400, s25;
	s31 =	sadd.s32 $0x600, s23  }
0x3eb: {  	[hbm4b:s31+s3] =	stream.linear.scatter [tilespmem:s30], [sflag:$0x1], $0x80, $0x38;
	[tilespmem:$0x6C00] =	vst v63  }
0x3ec: {  	s26 =	sadd.s32 $0x780, s23;
	s28 =	sadd.s32 $0x4600, s25;
	s29 =	sadd.s32 $0x680, s23  }
0x3ed: {  	[hbm4b:s29+s3] =	stream.linear.scatter [tilespmem:s28], [sflag:$0x1], $0x80, $0x38;
	[tilespmem:$0x6C00] =	vst v63  }
0x3ee: {  	s30 =	sadd.s32 $0x4800, s25;
	s31 =	sadd.s32 $0x700, s23;
	s28 =	spop (v2sf)  }
0x3ef: {  	[hbm4b:s31+s3] =	stream.linear.scatter [tilespmem:s30], [sflag:$0x1], $0x80, $0x38;
	[tilespmem:$0x6C00] =	vst v63  }
0x3f0: {  	s25 =	sadd.s32 $0x4A00, s25;
	s29 =	sshll.u32 s28, $0xB;
	s24 =	sshll.u32 s28, $0x7  }
0x3f1: {  	[hbm4b:s26+s3] =	stream.linear.scatter [tilespmem:s25], [sflag:$0x1], $0x80, $0x38;
	[tilespmem:$0x6C00] =	vst v63  }
0x3f2: {  	s24 =	sand.u32 $0x180, s24;
	s25 =	sand.u32 $0xFFFFE000, s29  }
0x3f3: {  	s24 =	sor.u32 s24, s25  }
0x3f4: {  	s30 =	sadd.s32 $0x10, s23;
	s31 =	sadd.s32 $0x2C00, s24  }
0x3f5: {  	[hbm4b:s30+s3] =	stream.linear.scatter [tilespmem:s31], [sflag:$0x1], $0x80, $0x38;
	[tilespmem:$0x6C00] =	vst v63  }
0x3f6: {  	s29 =	sadd.s32 $0x90, s23;
	s28 =	sadd.s32 $0x2E00, s24  }
0x3f7: {  	[hbm4b:s29+s3] =	stream.linear.scatter [tilespmem:s28], [sflag:$0x1], $0x80, $0x38;
	[tilespmem:$0x6C00] =	vst v63  }
0x3f8: {  	s30 =	sadd.s32 $0x3000, s24;
	s31 =	sadd.s32 $0x110, s23  }
0x3f9: {  	[hbm4b:s31+s3] =	stream.linear.scatter [tilespmem:s30], [sflag:$0x1], $0x80, $0x38;
	[tilespmem:$0x6C00] =	vst v63  }
0x3fa: {  	s28 =	sadd.s32 $0x3200, s24;
	s29 =	sadd.s32 $0x190, s23  }
0x3fb: {  	[hbm4b:s29+s3] =	stream.linear.scatter [tilespmem:s28], [sflag:$0x1], $0x80, $0x38;
	[tilespmem:$0x6C00] =	vst v63  }
0x3fc: {  	s30 =	sadd.s32 $0x3400, s24;
	s31 =	sadd.s32 $0x210, s23  }
0x3fd: {  	[hbm4b:s31+s3] =	stream.linear.scatter [tilespmem:s30], [sflag:$0x1], $0x80, $0x38;
	[tilespmem:$0x6C00] =	vst v63  }
0x3fe: {  	s28 =	sadd.s32 $0x3600, s24;
	s29 =	sadd.s32 $0x290, s23  }
0x3ff: {  	[hbm4b:s29+s3] =	stream.linear.scatter [tilespmem:s28], [sflag:$0x1], $0x80, $0x38;
	[tilespmem:$0x6C00] =	vst v63  }
0x400: {  	s30 =	sadd.s32 $0x3800, s24;
	s31 =	sadd.s32 $0x310, s23  }
0x401: {  	[hbm4b:s31+s3] =	stream.linear.scatter [tilespmem:s30], [sflag:$0x1], $0x80, $0x38;
	[tilespmem:$0x6C00] =	vst v63  }
0x402: {  	s28 =	sadd.s32 $0x3A00, s24;
	s29 =	sadd.s32 $0x390, s23  }
0x403: {  	(v2sf) =	vpush v0, $0xA;
	[hbm4b:s29+s3] =	stream.linear.scatter [tilespmem:s28], [sflag:$0x1], $0x80, $0x38;
	[tilespmem:$0x6C00] =	vst v63  }
0x404: {  	s30 =	sadd.s32 $0x3C00, s24;
	s31 =	sadd.s32 $0x410, s23  }
0x405: {  	[hbm4b:s31+s3] =	stream.linear.scatter [tilespmem:s30], [sflag:$0x1], $0x80, $0x38;
	[tilespmem:$0x6C00] =	vst v63  }
0x406: {  	s28 =	sadd.s32 $0x3E00, s24;
	s29 =	sadd.s32 $0x490, s23  }
0x407: {  	[hbm4b:s29+s3] =	stream.linear.scatter [tilespmem:s28], [sflag:$0x1], $0x80, $0x38;
	[tilespmem:$0x6C00] =	vst v63  }
0x408: {  	s30 =	sadd.s32 $0x4000, s24;
	s31 =	sadd.s32 $0x510, s23  }
0x409: {  	[hbm4b:s31+s3] =	stream.linear.scatter [tilespmem:s30], [sflag:$0x1], $0x80, $0x38;
	[tilespmem:$0x6C00] =	vst v63  }
0x40a: {  	s28 =	sadd.s32 $0x4200, s24;
	s29 =	sadd.s32 $0x590, s23  }
0x40b: {  	[hbm4b:s29+s3] =	stream.linear.scatter [tilespmem:s28], [sflag:$0x1], $0x80, $0x38;
	[tilespmem:$0x6C00] =	vst v63  }
0x40c: {  	s30 =	sadd.s32 $0x4400, s24;
	s31 =	sadd.s32 $0x610, s23  }
0x40d: {  	[hbm4b:s31+s3] =	stream.linear.scatter [tilespmem:s30], [sflag:$0x1], $0x80, $0x38;
	[tilespmem:$0x6C00] =	vst v63  }
0x40e: {  	s28 =	sadd.s32 $0x4600, s24;
	s29 =	sadd.s32 $0x690, s23  }
0x40f: {  	[hbm4b:s29+s3] =	stream.linear.scatter [tilespmem:s28], [sflag:$0x1], $0x80, $0x38;
	[tilespmem:$0x6C00] =	vst v63  }
0x410: {  	s30 =	sadd.s32 $0x4800, s24;
	s31 =	sadd.s32 $0x710, s23  }
0x411: {  	[hbm4b:s31+s3] =	stream.linear.scatter [tilespmem:s30], [sflag:$0x1], $0x80, $0x38;
	[tilespmem:$0x6C00] =	vst v63  }
0x412: {  	s26 =	sadd.s32 $0x790, s23;
	s24 =	sadd.s32 $0x4A00, s24;
	s28 =	spop (v2sf)  }
0x413: {  	[hbm4b:s26+s3] =	stream.linear.scatter [tilespmem:s24], [sflag:$0x1], $0x80, $0x38;
	[tilespmem:$0x6C00] =	vst v63  }
0x414: {  	s29 =	sshll.u32 s28, $0xB;
	s24 =	sshll.u32 s28, $0x7  }
0x415: {  	s25 =	sand.u32 $0xFFFFE000, s29;
	s24 =	sand.u32 $0x180, s24  }
0x416: {  	s24 =	sor.u32 s24, s25  }
0x417: {  	s30 =	sadd.s32 $0x20, s23;
	s31 =	sadd.s32 $0x2C00, s24  }
0x418: {  	[hbm4b:s30+s3] =	stream.linear.scatter [tilespmem:s31], [sflag:$0x1], $0x80, $0x38;
	[tilespmem:$0x6C00] =	vst v63  }
0x419: {  	s29 =	sadd.s32 $0xA0, s23;
	s28 =	sadd.s32 $0x2E00, s24  }
0x41a: {  	[hbm4b:s29+s3] =	stream.linear.scatter [tilespmem:s28], [sflag:$0x1], $0x80, $0x38;
	[tilespmem:$0x6C00] =	vst v63  }
0x41b: {  	s30 =	sadd.s32 $0x3000, s24;
	s31 =	sadd.s32 $0x120, s23  }
0x41c: {  	[hbm4b:s31+s3] =	stream.linear.scatter [tilespmem:s30], [sflag:$0x1], $0x80, $0x38;
	[tilespmem:$0x6C00] =	vst v63  }
0x41d: {  	s28 =	sadd.s32 $0x3200, s24;
	s29 =	sadd.s32 $0x1A0, s23  }
0x41e: {  	[hbm4b:s29+s3] =	stream.linear.scatter [tilespmem:s28], [sflag:$0x1], $0x80, $0x38;
	[tilespmem:$0x6C00] =	vst v63  }
0x41f: {  	s30 =	sadd.s32 $0x3400, s24;
	s31 =	sadd.s32 $0x220, s23  }
0x420: {  	[hbm4b:s31+s3] =	stream.linear.scatter [tilespmem:s30], [sflag:$0x1], $0x80, $0x38;
	[tilespmem:$0x6C00] =	vst v63  }
0x421: {  	s28 =	sadd.s32 $0x3600, s24;
	s29 =	sadd.s32 $0x2A0, s23  }
0x422: {  	[hbm4b:s29+s3] =	stream.linear.scatter [tilespmem:s28], [sflag:$0x1], $0x80, $0x38;
	[tilespmem:$0x6C00] =	vst v63  }
0x423: {  	s30 =	sadd.s32 $0x3800, s24;
	s31 =	sadd.s32 $0x320, s23  }
0x424: {  	[hbm4b:s31+s3] =	stream.linear.scatter [tilespmem:s30], [sflag:$0x1], $0x80, $0x38;
	[tilespmem:$0x6C00] =	vst v63  }
0x425: {  	s28 =	sadd.s32 $0x3A00, s24;
	s29 =	sadd.s32 $0x3A0, s23  }
0x426: {  	(v2sf) =	vpush v0, $0xB;
	[hbm4b:s29+s3] =	stream.linear.scatter [tilespmem:s28], [sflag:$0x1], $0x80, $0x38;
	[tilespmem:$0x6C00] =	vst v63  }
0x427: {  	s30 =	sadd.s32 $0x3C00, s24;
	s31 =	sadd.s32 $0x420, s23  }
0x428: {  	[hbm4b:s31+s3] =	stream.linear.scatter [tilespmem:s30], [sflag:$0x1], $0x80, $0x38;
	[tilespmem:$0x6C00] =	vst v63  }
0x429: {  	s28 =	sadd.s32 $0x3E00, s24;
	s29 =	sadd.s32 $0x4A0, s23  }
0x42a: {  	[hbm4b:s29+s3] =	stream.linear.scatter [tilespmem:s28], [sflag:$0x1], $0x80, $0x38;
	[tilespmem:$0x6C00] =	vst v63  }
0x42b: {  	s30 =	sadd.s32 $0x4000, s24;
	s31 =	sadd.s32 $0x520, s23  }
0x42c: {  	[hbm4b:s31+s3] =	stream.linear.scatter [tilespmem:s30], [sflag:$0x1], $0x80, $0x38;
	[tilespmem:$0x6C00] =	vst v63  }
0x42d: {  	s28 =	sadd.s32 $0x4200, s24;
	s29 =	sadd.s32 $0x5A0, s23  }
0x42e: {  	[hbm4b:s29+s3] =	stream.linear.scatter [tilespmem:s28], [sflag:$0x1], $0x80, $0x38;
	[tilespmem:$0x6C00] =	vst v63  }
0x42f: {  	s30 =	sadd.s32 $0x4400, s24;
	s31 =	sadd.s32 $0x620, s23  }
0x430: {  	[hbm4b:s31+s3] =	stream.linear.scatter [tilespmem:s30], [sflag:$0x1], $0x80, $0x38;
	[tilespmem:$0x6C00] =	vst v63  }
0x431: {  	s28 =	sadd.s32 $0x4600, s24;
	s29 =	sadd.s32 $0x6A0, s23  }
0x432: {  	[hbm4b:s29+s3] =	stream.linear.scatter [tilespmem:s28], [sflag:$0x1], $0x80, $0x38;
	[tilespmem:$0x6C00] =	vst v63  }
0x433: {  	s30 =	sadd.s32 $0x4800, s24;
	s31 =	sadd.s32 $0x720, s23  }
0x434: {  	[hbm4b:s31+s3] =	stream.linear.scatter [tilespmem:s30], [sflag:$0x1], $0x80, $0x38;
	[tilespmem:$0x6C00] =	vst v63  }
0x435: {  	s26 =	sadd.s32 $0x7A0, s23;
	s24 =	sadd.s32 $0x4A00, s24;
	s28 =	spop (v2sf)  }
0x436: {  	[hbm4b:s26+s3] =	stream.linear.scatter [tilespmem:s24], [sflag:$0x1], $0x80, $0x38;
	[tilespmem:$0x6C00] =	vst v63  }
0x437: {  	s29 =	sshll.u32 s28, $0xB;
	s24 =	sshll.u32 s28, $0x7  }
0x438: {  	s25 =	sand.u32 $0xFFFFE000, s29;
	s24 =	sand.u32 $0x180, s24  }
0x439: {  	s24 =	sor.u32 s24, s25  }
0x43a: {  	s30 =	sadd.s32 $0x30, s23;
	s31 =	sadd.s32 $0x2C00, s24  }
0x43b: {  	[hbm4b:s30+s3] =	stream.linear.scatter [tilespmem:s31], [sflag:$0x1], $0x80, $0x38;
	[tilespmem:$0x6C00] =	vst v63  }
0x43c: {  	s29 =	sadd.s32 $0xB0, s23;
	s28 =	sadd.s32 $0x2E00, s24  }
0x43d: {  	[hbm4b:s29+s3] =	stream.linear.scatter [tilespmem:s28], [sflag:$0x1], $0x80, $0x38;
	[tilespmem:$0x6C00] =	vst v63  }
0x43e: {  	s30 =	sadd.s32 $0x3000, s24;
	s31 =	sadd.s32 $0x130, s23  }
0x43f: {  	[hbm4b:s31+s3] =	stream.linear.scatter [tilespmem:s30], [sflag:$0x1], $0x80, $0x38;
	[tilespmem:$0x6C00] =	vst v63  }
0x440: {  	s28 =	sadd.s32 $0x3200, s24;
	s29 =	sadd.s32 $0x1B0, s23  }
0x441: {  	[hbm4b:s29+s3] =	stream.linear.scatter [tilespmem:s28], [sflag:$0x1], $0x80, $0x38;
	[tilespmem:$0x6C00] =	vst v63  }
0x442: {  	s30 =	sadd.s32 $0x3400, s24;
	s31 =	sadd.s32 $0x230, s23  }
0x443: {  	[hbm4b:s31+s3] =	stream.linear.scatter [tilespmem:s30], [sflag:$0x1], $0x80, $0x38;
	[tilespmem:$0x6C00] =	vst v63  }
0x444: {  	s28 =	sadd.s32 $0x3600, s24;
	s29 =	sadd.s32 $0x2B0, s23  }
0x445: {  	[hbm4b:s29+s3] =	stream.linear.scatter [tilespmem:s28], [sflag:$0x1], $0x80, $0x38;
	[tilespmem:$0x6C00] =	vst v63  }
0x446: {  	s30 =	sadd.s32 $0x3800, s24;
	s31 =	sadd.s32 $0x330, s23  }
0x447: {  	[hbm4b:s31+s3] =	stream.linear.scatter [tilespmem:s30], [sflag:$0x1], $0x80, $0x38;
	[tilespmem:$0x6C00] =	vst v63  }
0x448: {  	s28 =	sadd.s32 $0x3A00, s24;
	s29 =	sadd.s32 $0x3B0, s23  }
0x449: {  	(v2sf) =	vpush v0, $0xC;
	[hbm4b:s29+s3] =	stream.linear.scatter [tilespmem:s28], [sflag:$0x1], $0x80, $0x38;
	[tilespmem:$0x6C00] =	vst v63  }
0x44a: {  	s30 =	sadd.s32 $0x3C00, s24;
	s31 =	sadd.s32 $0x430, s23  }
0x44b: {  	[hbm4b:s31+s3] =	stream.linear.scatter [tilespmem:s30], [sflag:$0x1], $0x80, $0x38;
	[tilespmem:$0x6C00] =	vst v63  }
0x44c: {  	s28 =	sadd.s32 $0x3E00, s24;
	s29 =	sadd.s32 $0x4B0, s23  }
0x44d: {  	[hbm4b:s29+s3] =	stream.linear.scatter [tilespmem:s28], [sflag:$0x1], $0x80, $0x38;
	[tilespmem:$0x6C00] =	vst v63  }
0x44e: {  	s30 =	sadd.s32 $0x4000, s24;
	s31 =	sadd.s32 $0x530, s23  }
0x44f: {  	[hbm4b:s31+s3] =	stream.linear.scatter [tilespmem:s30], [sflag:$0x1], $0x80, $0x38;
	[tilespmem:$0x6C00] =	vst v63  }
0x450: {  	s28 =	sadd.s32 $0x4200, s24;
	s29 =	sadd.s32 $0x5B0, s23  }
0x451: {  	[hbm4b:s29+s3] =	stream.linear.scatter [tilespmem:s28], [sflag:$0x1], $0x80, $0x38;
	[tilespmem:$0x6C00] =	vst v63  }
0x452: {  	s30 =	sadd.s32 $0x4400, s24;
	s31 =	sadd.s32 $0x630, s23  }
0x453: {  	[hbm4b:s31+s3] =	stream.linear.scatter [tilespmem:s30], [sflag:$0x1], $0x80, $0x38;
	[tilespmem:$0x6C00] =	vst v63  }
0x454: {  	s28 =	sadd.s32 $0x4600, s24;
	s29 =	sadd.s32 $0x6B0, s23  }
0x455: {  	[hbm4b:s29+s3] =	stream.linear.scatter [tilespmem:s28], [sflag:$0x1], $0x80, $0x38;
	[tilespmem:$0x6C00] =	vst v63  }
0x456: {  	s30 =	sadd.s32 $0x4800, s24;
	s31 =	sadd.s32 $0x730, s23  }
0x457: {  	[hbm4b:s31+s3] =	stream.linear.scatter [tilespmem:s30], [sflag:$0x1], $0x80, $0x38;
	[tilespmem:$0x6C00] =	vst v63  }
0x458: {  	s26 =	sadd.s32 $0x7B0, s23;
	s24 =	sadd.s32 $0x4A00, s24;
	s28 =	spop (v2sf)  }
0x459: {  	[hbm4b:s26+s3] =	stream.linear.scatter [tilespmem:s24], [sflag:$0x1], $0x80, $0x38;
	[tilespmem:$0x6C00] =	vst v63  }
0x45a: {  	s29 =	sshll.u32 s28, $0xB;
	s24 =	sshll.u32 s28, $0x7  }
0x45b: {  	s25 =	sand.u32 $0xFFFFE000, s29;
	s24 =	sand.u32 $0x180, s24  }
0x45c: {  	s24 =	sor.u32 s24, s25  }
0x45d: {  	s30 =	sadd.s32 $0x40, s23;
	s31 =	sadd.s32 $0x2C00, s24  }
0x45e: {  	[hbm4b:s30+s3] =	stream.linear.scatter [tilespmem:s31], [sflag:$0x1], $0x80, $0x38;
	[tilespmem:$0x6C00] =	vst v63  }
0x45f: {  	s29 =	sadd.s32 $0xC0, s23;
	s28 =	sadd.s32 $0x2E00, s24  }
0x460: {  	[hbm4b:s29+s3] =	stream.linear.scatter [tilespmem:s28], [sflag:$0x1], $0x80, $0x38;
	[tilespmem:$0x6C00] =	vst v63  }
0x461: {  	s30 =	sadd.s32 $0x3000, s24;
	s31 =	sadd.s32 $0x140, s23  }
0x462: {  	[hbm4b:s31+s3] =	stream.linear.scatter [tilespmem:s30], [sflag:$0x1], $0x80, $0x38;
	[tilespmem:$0x6C00] =	vst v63  }
0x463: {  	s28 =	sadd.s32 $0x3200, s24;
	s29 =	sadd.s32 $0x1C0, s23  }
0x464: {  	[hbm4b:s29+s3] =	stream.linear.scatter [tilespmem:s28], [sflag:$0x1], $0x80, $0x38;
	[tilespmem:$0x6C00] =	vst v63  }
0x465: {  	s30 =	sadd.s32 $0x3400, s24;
	s31 =	sadd.s32 $0x240, s23  }
0x466: {  	[hbm4b:s31+s3] =	stream.linear.scatter [tilespmem:s30], [sflag:$0x1], $0x80, $0x38;
	[tilespmem:$0x6C00] =	vst v63  }
0x467: {  	s28 =	sadd.s32 $0x3600, s24;
	s29 =	sadd.s32 $0x2C0, s23  }
0x468: {  	[hbm4b:s29+s3] =	stream.linear.scatter [tilespmem:s28], [sflag:$0x1], $0x80, $0x38;
	[tilespmem:$0x6C00] =	vst v63  }
0x469: {  	s30 =	sadd.s32 $0x3800, s24;
	s31 =	sadd.s32 $0x340, s23  }
0x46a: {  	[hbm4b:s31+s3] =	stream.linear.scatter [tilespmem:s30], [sflag:$0x1], $0x80, $0x38;
	[tilespmem:$0x6C00] =	vst v63  }
0x46b: {  	s28 =	sadd.s32 $0x3A00, s24;
	s29 =	sadd.s32 $0x3C0, s23  }
0x46c: {  	(v2sf) =	vpush v0, $0xD;
	[hbm4b:s29+s3] =	stream.linear.scatter [tilespmem:s28], [sflag:$0x1], $0x80, $0x38;
	[tilespmem:$0x6C00] =	vst v63  }
0x46d: {  	s30 =	sadd.s32 $0x3C00, s24;
	s31 =	sadd.s32 $0x440, s23  }
0x46e: {  	[hbm4b:s31+s3] =	stream.linear.scatter [tilespmem:s30], [sflag:$0x1], $0x80, $0x38;
	[tilespmem:$0x6C00] =	vst v63  }
0x46f: {  	s28 =	sadd.s32 $0x3E00, s24;
	s29 =	sadd.s32 $0x4C0, s23  }
0x470: {  	[hbm4b:s29+s3] =	stream.linear.scatter [tilespmem:s28], [sflag:$0x1], $0x80, $0x38;
	[tilespmem:$0x6C00] =	vst v63  }
0x471: {  	s30 =	sadd.s32 $0x4000, s24;
	s31 =	sadd.s32 $0x540, s23  }
0x472: {  	[hbm4b:s31+s3] =	stream.linear.scatter [tilespmem:s30], [sflag:$0x1], $0x80, $0x38;
	[tilespmem:$0x6C00] =	vst v63  }
0x473: {  	s28 =	sadd.s32 $0x4200, s24;
	s29 =	sadd.s32 $0x5C0, s23  }
0x474: {  	[hbm4b:s29+s3] =	stream.linear.scatter [tilespmem:s28], [sflag:$0x1], $0x80, $0x38;
	[tilespmem:$0x6C00] =	vst v63  }
0x475: {  	s30 =	sadd.s32 $0x4400, s24;
	s31 =	sadd.s32 $0x640, s23  }
0x476: {  	[hbm4b:s31+s3] =	stream.linear.scatter [tilespmem:s30], [sflag:$0x1], $0x80, $0x38;
	[tilespmem:$0x6C00] =	vst v63  }
0x477: {  	s28 =	sadd.s32 $0x4600, s24;
	s29 =	sadd.s32 $0x6C0, s23  }
0x478: {  	[hbm4b:s29+s3] =	stream.linear.scatter [tilespmem:s28], [sflag:$0x1], $0x80, $0x38;
	[tilespmem:$0x6C00] =	vst v63  }
0x479: {  	s30 =	sadd.s32 $0x4800, s24;
	s31 =	sadd.s32 $0x740, s23  }
0x47a: {  	[hbm4b:s31+s3] =	stream.linear.scatter [tilespmem:s30], [sflag:$0x1], $0x80, $0x38;
	[tilespmem:$0x6C00] =	vst v63  }
0x47b: {  	s26 =	sadd.s32 $0x7C0, s23;
	s24 =	sadd.s32 $0x4A00, s24;
	s28 =	spop (v2sf)  }
0x47c: {  	[hbm4b:s26+s3] =	stream.linear.scatter [tilespmem:s24], [sflag:$0x1], $0x80, $0x38;
	[tilespmem:$0x6C00] =	vst v63  }
0x47d: {  	s29 =	sshll.u32 s28, $0xB;
	s24 =	sshll.u32 s28, $0x7  }
0x47e: {  	s25 =	sand.u32 $0xFFFFE000, s29;
	s24 =	sand.u32 $0x180, s24  }
0x47f: {  	s24 =	sor.u32 s24, s25  }
0x480: {  	s30 =	sadd.s32 $0x50, s23;
	s31 =	sadd.s32 $0x2C00, s24  }
0x481: {  	[hbm4b:s30+s3] =	stream.linear.scatter [tilespmem:s31], [sflag:$0x1], $0x80, $0x38;
	[tilespmem:$0x6C00] =	vst v63  }
0x482: {  	s29 =	sadd.s32 $0xD0, s23;
	s28 =	sadd.s32 $0x2E00, s24  }
0x483: {  	[hbm4b:s29+s3] =	stream.linear.scatter [tilespmem:s28], [sflag:$0x1], $0x80, $0x38;
	[tilespmem:$0x6C00] =	vst v63  }
0x484: {  	s30 =	sadd.s32 $0x3000, s24;
	s31 =	sadd.s32 $0x150, s23  }
0x485: {  	[hbm4b:s31+s3] =	stream.linear.scatter [tilespmem:s30], [sflag:$0x1], $0x80, $0x38;
	[tilespmem:$0x6C00] =	vst v63  }
0x486: {  	s28 =	sadd.s32 $0x3200, s24;
	s29 =	sadd.s32 $0x1D0, s23  }
0x487: {  	[hbm4b:s29+s3] =	stream.linear.scatter [tilespmem:s28], [sflag:$0x1], $0x80, $0x38;
	[tilespmem:$0x6C00] =	vst v63  }
0x488: {  	s30 =	sadd.s32 $0x3400, s24;
	s31 =	sadd.s32 $0x250, s23  }
0x489: {  	[hbm4b:s31+s3] =	stream.linear.scatter [tilespmem:s30], [sflag:$0x1], $0x80, $0x38;
	[tilespmem:$0x6C00] =	vst v63  }
0x48a: {  	s28 =	sadd.s32 $0x3600, s24;
	s29 =	sadd.s32 $0x2D0, s23  }
0x48b: {  	[hbm4b:s29+s3] =	stream.linear.scatter [tilespmem:s28], [sflag:$0x1], $0x80, $0x38;
	[tilespmem:$0x6C00] =	vst v63  }
0x48c: {  	s30 =	sadd.s32 $0x3800, s24;
	s31 =	sadd.s32 $0x350, s23  }
0x48d: {  	[hbm4b:s31+s3] =	stream.linear.scatter [tilespmem:s30], [sflag:$0x1], $0x80, $0x38;
	[tilespmem:$0x6C00] =	vst v63  }
0x48e: {  	s28 =	sadd.s32 $0x3A00, s24;
	s29 =	sadd.s32 $0x3D0, s23  }
0x48f: {  	(v2sf) =	vpush v0, $0xE;
	[hbm4b:s29+s3] =	stream.linear.scatter [tilespmem:s28], [sflag:$0x1], $0x80, $0x38;
	[tilespmem:$0x6C00] =	vst v63  }
0x490: {  	s30 =	sadd.s32 $0x3C00, s24;
	s31 =	sadd.s32 $0x450, s23  }
0x491: {  	[hbm4b:s31+s3] =	stream.linear.scatter [tilespmem:s30], [sflag:$0x1], $0x80, $0x38;
	[tilespmem:$0x6C00] =	vst v63  }
0x492: {  	s28 =	sadd.s32 $0x3E00, s24;
	s29 =	sadd.s32 $0x4D0, s23  }
0x493: {  	[hbm4b:s29+s3] =	stream.linear.scatter [tilespmem:s28], [sflag:$0x1], $0x80, $0x38;
	[tilespmem:$0x6C00] =	vst v63  }
0x494: {  	s30 =	sadd.s32 $0x4000, s24;
	s31 =	sadd.s32 $0x550, s23  }
0x495: {  	[hbm4b:s31+s3] =	stream.linear.scatter [tilespmem:s30], [sflag:$0x1], $0x80, $0x38;
	[tilespmem:$0x6C00] =	vst v63  }
0x496: {  	s28 =	sadd.s32 $0x4200, s24;
	s29 =	sadd.s32 $0x5D0, s23  }
0x497: {  	[hbm4b:s29+s3] =	stream.linear.scatter [tilespmem:s28], [sflag:$0x1], $0x80, $0x38;
	[tilespmem:$0x6C00] =	vst v63  }
0x498: {  	s30 =	sadd.s32 $0x4400, s24;
	s31 =	sadd.s32 $0x650, s23  }
0x499: {  	[hbm4b:s31+s3] =	stream.linear.scatter [tilespmem:s30], [sflag:$0x1], $0x80, $0x38;
	[tilespmem:$0x6C00] =	vst v63  }
0x49a: {  	s28 =	sadd.s32 $0x4600, s24;
	s29 =	sadd.s32 $0x6D0, s23  }
0x49b: {  	[hbm4b:s29+s3] =	stream.linear.scatter [tilespmem:s28], [sflag:$0x1], $0x80, $0x38;
	[tilespmem:$0x6C00] =	vst v63  }
0x49c: {  	s30 =	sadd.s32 $0x4800, s24;
	s31 =	sadd.s32 $0x750, s23  }
0x49d: {  	[hbm4b:s31+s3] =	stream.linear.scatter [tilespmem:s30], [sflag:$0x1], $0x80, $0x38;
	[tilespmem:$0x6C00] =	vst v63  }
0x49e: {  	s26 =	sadd.s32 $0x7D0, s23;
	s24 =	sadd.s32 $0x4A00, s24;
	s28 =	spop (v2sf)  }
0x49f: {  	[hbm4b:s26+s3] =	stream.linear.scatter [tilespmem:s24], [sflag:$0x1], $0x80, $0x38;
	[tilespmem:$0x6C00] =	vst v63  }
0x4a0: {  	s29 =	sshll.u32 s28, $0xB;
	s24 =	sshll.u32 s28, $0x7  }
0x4a1: {  	s25 =	sand.u32 $0xFFFFE000, s29;
	s24 =	sand.u32 $0x180, s24  }
0x4a2: {  	s24 =	sor.u32 s24, s25  }
0x4a3: {  	s30 =	sadd.s32 $0x60, s23;
	s31 =	sadd.s32 $0x2C00, s24  }
0x4a4: {  	[hbm4b:s30+s3] =	stream.linear.scatter [tilespmem:s31], [sflag:$0x1], $0x80, $0x38;
	[tilespmem:$0x6C00] =	vst v63  }
0x4a5: {  	s29 =	sadd.s32 $0xE0, s23;
	s28 =	sadd.s32 $0x2E00, s24  }
0x4a6: {  	[hbm4b:s29+s3] =	stream.linear.scatter [tilespmem:s28], [sflag:$0x1], $0x80, $0x38;
	[tilespmem:$0x6C00] =	vst v63  }
0x4a7: {  	s30 =	sadd.s32 $0x3000, s24;
	s31 =	sadd.s32 $0x160, s23  }
0x4a8: {  	[hbm4b:s31+s3] =	stream.linear.scatter [tilespmem:s30], [sflag:$0x1], $0x80, $0x38;
	[tilespmem:$0x6C00] =	vst v63  }
0x4a9: {  	s28 =	sadd.s32 $0x3200, s24;
	s29 =	sadd.s32 $0x1E0, s23  }
0x4aa: {  	[hbm4b:s29+s3] =	stream.linear.scatter [tilespmem:s28], [sflag:$0x1], $0x80, $0x38;
	[tilespmem:$0x6C00] =	vst v63  }
0x4ab: {  	s30 =	sadd.s32 $0x3400, s24;
	s31 =	sadd.s32 $0x260, s23  }
0x4ac: {  	[hbm4b:s31+s3] =	stream.linear.scatter [tilespmem:s30], [sflag:$0x1], $0x80, $0x38;
	[tilespmem:$0x6C00] =	vst v63  }
0x4ad: {  	s28 =	sadd.s32 $0x3600, s24;
	s29 =	sadd.s32 $0x2E0, s23  }
0x4ae: {  	[hbm4b:s29+s3] =	stream.linear.scatter [tilespmem:s28], [sflag:$0x1], $0x80, $0x38;
	[tilespmem:$0x6C00] =	vst v63  }
0x4af: {  	s30 =	sadd.s32 $0x3800, s24;
	s31 =	sadd.s32 $0x360, s23  }
0x4b0: {  	[hbm4b:s31+s3] =	stream.linear.scatter [tilespmem:s30], [sflag:$0x1], $0x80, $0x38;
	[tilespmem:$0x6C00] =	vst v63  }
0x4b1: {  	s28 =	sadd.s32 $0x3A00, s24;
	s29 =	sadd.s32 $0x3E0, s23  }
0x4b2: {  	(v2sf) =	vpush v0, $0xF;
	[hbm4b:s29+s3] =	stream.linear.scatter [tilespmem:s28], [sflag:$0x1], $0x80, $0x38;
	[tilespmem:$0x6C00] =	vst v63  }
0x4b3: {  	s30 =	sadd.s32 $0x3C00, s24;
	s31 =	sadd.s32 $0x460, s23  }
0x4b4: {  	[hbm4b:s31+s3] =	stream.linear.scatter [tilespmem:s30], [sflag:$0x1], $0x80, $0x38;
	[tilespmem:$0x6C00] =	vst v63  }
0x4b5: {  	s28 =	sadd.s32 $0x3E00, s24;
	s29 =	sadd.s32 $0x4E0, s23  }
0x4b6: {  	[hbm4b:s29+s3] =	stream.linear.scatter [tilespmem:s28], [sflag:$0x1], $0x80, $0x38;
	[tilespmem:$0x6C00] =	vst v63  }
0x4b7: {  	s30 =	sadd.s32 $0x4000, s24;
	s31 =	sadd.s32 $0x560, s23  }
0x4b8: {  	[hbm4b:s31+s3] =	stream.linear.scatter [tilespmem:s30], [sflag:$0x1], $0x80, $0x38;
	[tilespmem:$0x6C00] =	vst v63  }
0x4b9: {  	s28 =	sadd.s32 $0x4200, s24;
	s29 =	sadd.s32 $0x5E0, s23  }
0x4ba: {  	[hbm4b:s29+s3] =	stream.linear.scatter [tilespmem:s28], [sflag:$0x1], $0x80, $0x38;
	[tilespmem:$0x6C00] =	vst v63  }
0x4bb: {  	s30 =	sadd.s32 $0x4400, s24;
	s31 =	sadd.s32 $0x660, s23  }
0x4bc: {  	[hbm4b:s31+s3] =	stream.linear.scatter [tilespmem:s30], [sflag:$0x1], $0x80, $0x38;
	[tilespmem:$0x6C00] =	vst v63  }
0x4bd: {  	s28 =	sadd.s32 $0x4600, s24;
	s29 =	sadd.s32 $0x6E0, s23  }
0x4be: {  	[hbm4b:s29+s3] =	stream.linear.scatter [tilespmem:s28], [sflag:$0x1], $0x80, $0x38;
	[tilespmem:$0x6C00] =	vst v63  }
0x4bf: {  	s30 =	sadd.s32 $0x4800, s24;
	s31 =	sadd.s32 $0x760, s23  }
0x4c0: {  	[hbm4b:s31+s3] =	stream.linear.scatter [tilespmem:s30], [sflag:$0x1], $0x80, $0x38;
	[tilespmem:$0x6C00] =	vst v63  }
0x4c1: {  	s26 =	sadd.s32 $0x7E0, s23;
	s24 =	sadd.s32 $0x4A00, s24;
	s28 =	spop (v2sf)  }
0x4c2: {  	[hbm4b:s26+s3] =	stream.linear.scatter [tilespmem:s24], [sflag:$0x1], $0x80, $0x38;
	[tilespmem:$0x6C00] =	vst v63  }
0x4c3: {  	s29 =	sshll.u32 s28, $0xB;
	s24 =	sshll.u32 s28, $0x7  }
0x4c4: {  	s25 =	sand.u32 $0xFFFFE000, s29;
	s24 =	sand.u32 $0x180, s24  }
0x4c5: {  	s24 =	sor.u32 s24, s25  }
0x4c6: {  	s30 =	sadd.s32 $0x70, s23;
	s31 =	sadd.s32 $0x2C00, s24  }
0x4c7: {  	[hbm4b:s30+s3] =	stream.linear.scatter [tilespmem:s31], [sflag:$0x1], $0x80, $0x38;
	[tilespmem:$0x6C00] =	vst v63  }
0x4c8: {  	s29 =	sadd.s32 $0xF0, s23;
	s28 =	sadd.s32 $0x2E00, s24  }
0x4c9: {  	[hbm4b:s29+s3] =	stream.linear.scatter [tilespmem:s28], [sflag:$0x1], $0x80, $0x38;
	[tilespmem:$0x6C00] =	vst v63  }
0x4ca: {  	s30 =	sadd.s32 $0x3000, s24;
	s31 =	sadd.s32 $0x170, s23  }
0x4cb: {  	[hbm4b:s31+s3] =	stream.linear.scatter [tilespmem:s30], [sflag:$0x1], $0x80, $0x38;
	[tilespmem:$0x6C00] =	vst v63  }
0x4cc: {  	s28 =	sadd.s32 $0x3200, s24;
	s29 =	sadd.s32 $0x1F0, s23  }
0x4cd: {  	[hbm4b:s29+s3] =	stream.linear.scatter [tilespmem:s28], [sflag:$0x1], $0x80, $0x38;
	[tilespmem:$0x6C00] =	vst v63  }
0x4ce: {  	s30 =	sadd.s32 $0x3400, s24;
	s31 =	sadd.s32 $0x270, s23  }
0x4cf: {  	[hbm4b:s31+s3] =	stream.linear.scatter [tilespmem:s30], [sflag:$0x1], $0x80, $0x38;
	[tilespmem:$0x6C00] =	vst v63  }
0x4d0: {  	s28 =	sadd.s32 $0x3600, s24;
	s29 =	sadd.s32 $0x2F0, s23  }
0x4d1: {  	[hbm4b:s29+s3] =	stream.linear.scatter [tilespmem:s28], [sflag:$0x1], $0x80, $0x38;
	[tilespmem:$0x6C00] =	vst v63  }
0x4d2: {  	s30 =	sadd.s32 $0x3800, s24;
	s31 =	sadd.s32 $0x370, s23  }
0x4d3: {  	[hbm4b:s31+s3] =	stream.linear.scatter [tilespmem:s30], [sflag:$0x1], $0x80, $0x38;
	[tilespmem:$0x6C00] =	vst v63  }
0x4d4: {  	s28 =	sadd.s32 $0x3A00, s24;
	s29 =	sadd.s32 $0x3F0, s23  }
0x4d5: {  	[hbm4b:s29+s3] =	stream.linear.scatter [tilespmem:s28], [sflag:$0x1], $0x80, $0x38;
	[tilespmem:$0x6C00] =	vst v63  }
0x4d6: {  	s30 =	sadd.s32 $0x3C00, s24;
	s31 =	sadd.s32 $0x470, s23  }
0x4d7: {  	[hbm4b:s31+s3] =	stream.linear.scatter [tilespmem:s30], [sflag:$0x1], $0x80, $0x38;
	[tilespmem:$0x6C00] =	vst v63  }
0x4d8: {  	s28 =	sadd.s32 $0x3E00, s24;
	s29 =	sadd.s32 $0x4F0, s23  }
0x4d9: {  	[hbm4b:s29+s3] =	stream.linear.scatter [tilespmem:s28], [sflag:$0x1], $0x80, $0x38;
	[tilespmem:$0x6C00] =	vst v63  }
0x4da: {  	s30 =	sadd.s32 $0x4000, s24;
	s31 =	sadd.s32 $0x570, s23  }
0x4db: {  	[hbm4b:s31+s3] =	stream.linear.scatter [tilespmem:s30], [sflag:$0x1], $0x80, $0x38;
	[tilespmem:$0x6C00] =	vst v63  }
0x4dc: {  	s28 =	sadd.s32 $0x4200, s24;
	s29 =	sadd.s32 $0x5F0, s23  }
0x4dd: {  	[hbm4b:s29+s3] =	stream.linear.scatter [tilespmem:s28], [sflag:$0x1], $0x80, $0x38;
	[tilespmem:$0x6C00] =	vst v63  }
0x4de: {  	s30 =	sadd.s32 $0x4400, s24;
	s31 =	sadd.s32 $0x670, s23  }
0x4df: {  	[hbm4b:s31+s3] =	stream.linear.scatter [tilespmem:s30], [sflag:$0x1], $0x80, $0x38;
	[tilespmem:$0x6C00] =	vst v63  }
0x4e0: {  	s28 =	sadd.s32 $0x4600, s24;
	s29 =	sadd.s32 $0x6F0, s23  }
0x4e1: {  	[hbm4b:s29+s3] =	stream.linear.scatter [tilespmem:s28], [sflag:$0x1], $0x80, $0x38;
	[tilespmem:$0x6C00] =	vst v63  }
0x4e2: {  	s30 =	sadd.s32 $0x4800, s24;
	s31 =	sadd.s32 $0x770, s23  }
0x4e3: {  	[hbm4b:s31+s3] =	stream.linear.scatter [tilespmem:s30], [sflag:$0x1], $0x80, $0x38;
	[tilespmem:$0x6C00] =	vst v63  }
0x4e4: {  	p0 =	slt.u32 s22, $0x3;
	s24 =	sadd.s32 $0x4A00, s24;
	s23 =	sadd.s32 $0x7F0, s23  }
0x4e5: {  	[hbm4b:s23+s3] =	stream.linear.scatter [tilespmem:s24], [sflag:$0x1], $0x80, $0x38;
	[tilespmem:$0x6C00] =	vst v63  }
0x4e6: {  	s23 =	simm.s32 @!p0 $0x1  }
0x4e7: {  	_ =	swait.ge @!p0 [sflag:s23], $0x800  }
0x4e8: {  	[sflag:s23] =	ssyncset.done @!p0 $0x0  }
0x4e9: {  	[sflag:s23] =	ssyncadd.s32 @!p0 $0xFFFFF800  }
0x4ea: {  	_ =	swait.ge @!p0 [sflag:s23], $0x800  }
0x4eb: {  	[sflag:s23] =	ssyncset.done @!p0 $0x0  }
0x4ec: {  	[sflag:s23] =	ssyncadd.s32 @!p0 $0xFFFFF800  }
0x4ed: {  	_ =	swait.ge @!p0 [sflag:s23], $0x800  }
0x4ee: {  	[sflag:s23] =	ssyncset.done @!p0 $0x0  }
0x4ef: {  	[sflag:s23] =	ssyncadd.s32 @!p0 $0xFFFFF800  }
0x4f0: {  	_ =	swait.ge @!p0 [sflag:s23], $0x800  }
0x4f1: {  	[sflag:s23] =	ssyncset.done @!p0 $0x0  }
0x4f2: {  	[sflag:s23] =	ssyncadd.s32 @!p0 $0xFFFFF800  }
0x4f3: {  	_ =	swait.ge @!p0 [sflag:s23], $0x800  }
0x4f4: {  	[sflag:s23] =	ssyncset.done @!p0 $0x0  }
0x4f5: {  	[sflag:s23] =	ssyncadd.s32 @!p0 $0xFFFFF800  }
0x4f6: {  	_ =	swait.ge @!p0 [sflag:s23], $0x800  }
0x4f7: {  	[sflag:s23] =	ssyncset.done @!p0 $0x0  }
0x4f8: {  	[sflag:s23] =	ssyncadd.s32 @!p0 $0xFFFFF800  }
0x4f9: {  	_ =	swait.ge @!p0 [sflag:s23], $0x800  }
0x4fa: {  	[sflag:s23] =	ssyncset.done @!p0 $0x0  }
0x4fb: {  	[sflag:s23] =	ssyncadd.s32 @!p0 $0xFFFFF800  }
0x4fc: {  	_ =	swait.ge @!p0 [sflag:s23], $0x800  }
0x4fd: {  	[sflag:s23] =	ssyncset.done @!p0 $0x0  }
0x4fe: {  	[sflag:s23] =	ssyncadd.s32 @!p0 $0xFFFFF800  }
0x4ff: {  	_ =	swait.ge @!p0 [sflag:s23], $0x800  }
0x500: {  	[sflag:s23] =	ssyncset.done @!p0 $0x0  }
0x501: {  	[sflag:s23] =	ssyncadd.s32 @!p0 $0xFFFFF800  }
0x502: {  	_ =	swait.ge @!p0 [sflag:s23], $0x800  }
0x503: {  	[sflag:s23] =	ssyncset.done @!p0 $0x0  }
0x504: {  	[sflag:s23] =	ssyncadd.s32 @!p0 $0xFFFFF800  }
0x505: {  	_ =	swait.ge @!p0 [sflag:s23], $0x800  }
0x506: {  	[sflag:s23] =	ssyncset.done @!p0 $0x0  }
0x507: {  	[sflag:s23] =	ssyncadd.s32 @!p0 $0xFFFFF800  }
0x508: {  	_ =	swait.ge @!p0 [sflag:s23], $0x800  }
0x509: {  	[sflag:s23] =	ssyncset.done @!p0 $0x0  }
0x50a: {  	[sflag:s23] =	ssyncadd.s32 @!p0 $0xFFFFF800  }
0x50b: {  	_ =	swait.ge @!p0 [sflag:s23], $0x800  }
0x50c: {  	[sflag:s23] =	ssyncset.done @!p0 $0x0  }
0x50d: {  	[sflag:s23] =	ssyncadd.s32 @!p0 $0xFFFFF800  }
0x50e: {  	_ =	swait.ge @!p0 [sflag:s23], $0x800  }
0x50f: {  	[sflag:s23] =	ssyncset.done @!p0 $0x0  }
0x510: {  	s21 =	sadd.s32 $0x1000, s21;
	[sflag:s23] =	ssyncadd.s32 @!p0 $0xFFFFF800  }
0x511: {  	p1 =	sne.s32 s21, $0x10000;
	_ =	swait.ge @!p0 [sflag:s23], $0x800  }
.Ltmp3:
0x512: {  	[sflag:s23] =	ssyncset.done @!p0 $0x0;
	(pc) =	sbr.rel @p1 .LBB2_8-.Ltmp3, $4  }
0x513: {  	[sflag:s23] =	ssyncadd.s32 @!p0 $0xFFFFF800  }
0x514: {  	_ =	swait.ge @!p0 [sflag:s23], $0x800  }
0x515: {  	[sflag:s23] =	ssyncset.done @!p0 $0x0  }
0x516: {  	s22 =	sadd.s32 $0x1, s22;
	s20 =	sadd.s32 $0x10, s20;
	[sflag:s23] =	ssyncadd.s32 @!p0 $0xFFFFF800  }
0x517: {  	s20 =	sor.u32 $0xB80, s9;
	s24 =	simm.s32 $0x0;
	v1 =	vld.msk [tilespmem:s9+$0xB8C ss:$0x0], $0xffff;
	s22 =	simm.s32 $0x10  }
0x518: {  	s23 =	simm.s32 $0x0;
	s21 =	simm.s32 $0x0;
	v0 =	vld.msk [tilespmem:s20+$0x0 ss:$0x0], $0xffff;
	s20 =	simm.s32 $0x0  }
.LBB2_10:
0x519: {  	p0 =	sne.s32 s22, $0x7F0;
	v2 =	vld [tilespmem:s24+$0x0];
	_ =	sdelay $0x4  }
0x51a: {  	s24 =	sand.u32 $0x70, s23;
	s25 =	sand.u32 $0x1E00, s21;
	s23 =	smov.u32 s22;
	vm0 =	veq.s32 v2, $0x0;
	vm1 =	veq.s32 v2, $0x1;
	vm2 =	veq.s32 v2, $0x2  }
.Ltmp4:
0x51b: {  	s25 =	sor.u32 s24, s25;
	v3 =	vsel vm0, v1, v0;
	v4 =	vsel vm1, v1, v0;
	v5 =	vsel vm2, v1, v0;
	(pc) =	sbr.rel @p0 .LBB2_10-.Ltmp4, $4  }
0x51c: {  	vm0 =	veq.s32 v2, $0x3;
	[tilespmem:s25+$0x4C00] =	vst v3  }
0x51d: {  	v2 =	vsel vm0, v1, v0;
	[tilespmem:s25+$0x4C80] =	vst v4  }
0x51e: {  	s21 =	sadd.s32 $0x40, s21;
	[tilespmem:s25+$0x4D00] =	vst v5  }
0x51f: {  	s22 =	sadd.s32 $0x10, s22;
	s24 =	sshra.s32 s21, $0x2;
	[tilespmem:s25+$0x4D80] =	vst v2  }
0x520: {  	v2 =	vld [tilespmem:s24+$0x0];
	_ =	sdelay $0x4  }
0x521: {  	s22 =	sand.u32 $0x70, s23;
	s21 =	sand.u32 $0x1E00, s21;
	vm0 =	veq.s32 v2, $0x0  }
0x522: {  	s21 =	sor.u32 s22, s21;
	vm1 =	veq.s32 v2, $0x1;
	v3 =	vsel vm0, v1, v0  }
0x523: {  	vm14 =	veq.s32 v2, $0x2;
	v4 =	vsel vm1, v1, v0;
	[tilespmem:s21+$0x4C00] =	vst v3  }
0x524: {  	vm15 =	veq.s32 v2, $0x3;
	v62 =	vsel vm14, v1, v0;
	[tilespmem:s21+$0x4C80] =	vst v4  }
0x525: {  	v63 =	vsel vm15, v1, v0;
	[tilespmem:s21+$0x4D00] =	vst v62  }
0x526: {  	s22 =	simm.s32 $0x0;
	[tilespmem:s21+$0x4D80] =	vst v63;
	s21 =	simm.s32 $0x0  }
.LBB2_12:
0x527: {  	s23 =	sand.u32 $0xF0, s20  }
0x528: {  	v0 =	vld [tilespmem:s23+$0xA00];
	_ =	sdelay $0x4  }
0x529: {  	(v2sf) =	vpush v0, $0x0;
	_ =	sdelay $0xe  }
0x52a: {  	s26 =	spop (v2sf)  }
0x52b: {  	s25 =	sshll.u32 s26, $0xB;
	s23 =	sshll.u32 s26, $0x7  }
0x52c: {  	s25 =	sand.u32 $0xFFFFE000, s25;
	s23 =	sand.u32 $0x180, s23  }
0x52d: {  	s24 =	rddreg [dreg:$0x8];
	s25 =	sor.u32 s23, s25  }
0x52e: {  	s23 =	sadd.s32 s21, s24;
	s28 =	sadd.s32 $0x4C00, s25  }
0x52f: {  	[hbm4b:s23+s3] =	stream.linear.scatter [tilespmem:s28], [sflag:$0x1], $0x80, $0x38;
	[tilespmem:$0x6C00] =	vst v63  }
0x530: {  	s29 =	sadd.s32 $0x4E00, s25;
	s26 =	sadd.s32 $0x80, s23  }
0x531: {  	[hbm4b:s26+s3] =	stream.linear.scatter [tilespmem:s29], [sflag:$0x1], $0x80, $0x38;
	[tilespmem:$0x6C00] =	vst v63  }
0x532: {  	s30 =	sadd.s32 $0x5000, s25;
	s31 =	sadd.s32 $0x100, s23  }
0x533: {  	[hbm4b:s31+s3] =	stream.linear.scatter [tilespmem:s30], [sflag:$0x1], $0x80, $0x38;
	[tilespmem:$0x6C00] =	vst v63  }
0x534: {  	s28 =	sadd.s32 $0x5200, s25;
	s29 =	sadd.s32 $0x180, s23  }
0x535: {  	[hbm4b:s29+s3] =	stream.linear.scatter [tilespmem:s28], [sflag:$0x1], $0x80, $0x38;
	[tilespmem:$0x6C00] =	vst v63  }
0x536: {  	s30 =	sadd.s32 $0x5400, s25;
	s31 =	sadd.s32 $0x200, s23  }
0x537: {  	[hbm4b:s31+s3] =	stream.linear.scatter [tilespmem:s30], [sflag:$0x1], $0x80, $0x38;
	[tilespmem:$0x6C00] =	vst v63  }
0x538: {  	s28 =	sadd.s32 $0x5600, s25;
	s29 =	sadd.s32 $0x280, s23  }
0x539: {  	[hbm4b:s29+s3] =	stream.linear.scatter [tilespmem:s28], [sflag:$0x1], $0x80, $0x38;
	[tilespmem:$0x6C00] =	vst v63  }
0x53a: {  	s30 =	sadd.s32 $0x5800, s25;
	s31 =	sadd.s32 $0x300, s23  }
0x53b: {  	(v2sf) =	vpush v0, $0x1;
	[hbm4b:s31+s3] =	stream.linear.scatter [tilespmem:s30], [sflag:$0x1], $0x80, $0x38;
	[tilespmem:$0x6C00] =	vst v63  }
0x53c: {  	s28 =	sadd.s32 $0x5A00, s25;
	s29 =	sadd.s32 $0x380, s23  }
0x53d: {  	[hbm4b:s29+s3] =	stream.linear.scatter [tilespmem:s28], [sflag:$0x1], $0x80, $0x38;
	[tilespmem:$0x6C00] =	vst v63  }
0x53e: {  	s30 =	sadd.s32 $0x5C00, s25;
	s31 =	sadd.s32 $0x400, s23  }
0x53f: {  	[hbm4b:s31+s3] =	stream.linear.scatter [tilespmem:s30], [sflag:$0x1], $0x80, $0x38;
	[tilespmem:$0x6C00] =	vst v63  }
0x540: {  	s28 =	sadd.s32 $0x5E00, s25;
	s29 =	sadd.s32 $0x480, s23  }
0x541: {  	[hbm4b:s29+s3] =	stream.linear.scatter [tilespmem:s28], [sflag:$0x1], $0x80, $0x38;
	[tilespmem:$0x6C00] =	vst v63  }
0x542: {  	s30 =	sadd.s32 $0x6000, s25;
	s31 =	sadd.s32 $0x500, s23  }
0x543: {  	[hbm4b:s31+s3] =	stream.linear.scatter [tilespmem:s30], [sflag:$0x1], $0x80, $0x38;
	[tilespmem:$0x6C00] =	vst v63  }
0x544: {  	s28 =	sadd.s32 $0x6200, s25;
	s29 =	sadd.s32 $0x580, s23  }
0x545: {  	[hbm4b:s29+s3] =	stream.linear.scatter [tilespmem:s28], [sflag:$0x1], $0x80, $0x38;
	[tilespmem:$0x6C00] =	vst v63  }
0x546: {  	s30 =	sadd.s32 $0x6400, s25;
	s31 =	sadd.s32 $0x600, s23  }
0x547: {  	[hbm4b:s31+s3] =	stream.linear.scatter [tilespmem:s30], [sflag:$0x1], $0x80, $0x38;
	[tilespmem:$0x6C00] =	vst v63  }
0x548: {  	s26 =	sadd.s32 $0x780, s23;
	s28 =	sadd.s32 $0x6600, s25;
	s29 =	sadd.s32 $0x680, s23  }
0x549: {  	[hbm4b:s29+s3] =	stream.linear.scatter [tilespmem:s28], [sflag:$0x1], $0x80, $0x38;
	[tilespmem:$0x6C00] =	vst v63  }
0x54a: {  	s30 =	sadd.s32 $0x6800, s25;
	s31 =	sadd.s32 $0x700, s23;
	s28 =	spop (v2sf)  }
0x54b: {  	[hbm4b:s31+s3] =	stream.linear.scatter [tilespmem:s30], [sflag:$0x1], $0x80, $0x38;
	[tilespmem:$0x6C00] =	vst v63  }
0x54c: {  	s25 =	sadd.s32 $0x6A00, s25;
	s29 =	sshll.u32 s28, $0xB;
	s24 =	sshll.u32 s28, $0x7  }
0x54d: {  	[hbm4b:s26+s3] =	stream.linear.scatter [tilespmem:s25], [sflag:$0x1], $0x80, $0x38;
	[tilespmem:$0x6C00] =	vst v63  }
0x54e: {  	s24 =	sand.u32 $0x180, s24;
	s25 =	sand.u32 $0xFFFFE000, s29  }
0x54f: {  	s24 =	sor.u32 s24, s25  }
0x550: {  	s30 =	sadd.s32 $0x10, s23;
	s31 =	sadd.s32 $0x4C00, s24  }
0x551: {  	[hbm4b:s30+s3] =	stream.linear.scatter [tilespmem:s31], [sflag:$0x1], $0x80, $0x38;
	[tilespmem:$0x6C00] =	vst v63  }
0x552: {  	s29 =	sadd.s32 $0x90, s23;
	s28 =	sadd.s32 $0x4E00, s24  }
0x553: {  	[hbm4b:s29+s3] =	stream.linear.scatter [tilespmem:s28], [sflag:$0x1], $0x80, $0x38;
	[tilespmem:$0x6C00] =	vst v63  }
0x554: {  	s30 =	sadd.s32 $0x5000, s24;
	s31 =	sadd.s32 $0x110, s23  }
0x555: {  	[hbm4b:s31+s3] =	stream.linear.scatter [tilespmem:s30], [sflag:$0x1], $0x80, $0x38;
	[tilespmem:$0x6C00] =	vst v63  }
0x556: {  	s28 =	sadd.s32 $0x5200, s24;
	s29 =	sadd.s32 $0x190, s23  }
0x557: {  	[hbm4b:s29+s3] =	stream.linear.scatter [tilespmem:s28], [sflag:$0x1], $0x80, $0x38;
	[tilespmem:$0x6C00] =	vst v63  }
0x558: {  	s30 =	sadd.s32 $0x5400, s24;
	s31 =	sadd.s32 $0x210, s23  }
0x559: {  	[hbm4b:s31+s3] =	stream.linear.scatter [tilespmem:s30], [sflag:$0x1], $0x80, $0x38;
	[tilespmem:$0x6C00] =	vst v63  }
0x55a: {  	s28 =	sadd.s32 $0x5600, s24;
	s29 =	sadd.s32 $0x290, s23  }
0x55b: {  	[hbm4b:s29+s3] =	stream.linear.scatter [tilespmem:s28], [sflag:$0x1], $0x80, $0x38;
	[tilespmem:$0x6C00] =	vst v63  }
0x55c: {  	s30 =	sadd.s32 $0x5800, s24;
	s31 =	sadd.s32 $0x310, s23  }
0x55d: {  	[hbm4b:s31+s3] =	stream.linear.scatter [tilespmem:s30], [sflag:$0x1], $0x80, $0x38;
	[tilespmem:$0x6C00] =	vst v63  }
0x55e: {  	s28 =	sadd.s32 $0x5A00, s24;
	s29 =	sadd.s32 $0x390, s23  }
0x55f: {  	(v2sf) =	vpush v0, $0x2;
	[hbm4b:s29+s3] =	stream.linear.scatter [tilespmem:s28], [sflag:$0x1], $0x80, $0x38;
	[tilespmem:$0x6C00] =	vst v63  }
0x560: {  	s30 =	sadd.s32 $0x5C00, s24;
	s31 =	sadd.s32 $0x410, s23  }
0x561: {  	[hbm4b:s31+s3] =	stream.linear.scatter [tilespmem:s30], [sflag:$0x1], $0x80, $0x38;
	[tilespmem:$0x6C00] =	vst v63  }
0x562: {  	s28 =	sadd.s32 $0x5E00, s24;
	s29 =	sadd.s32 $0x490, s23  }
0x563: {  	[hbm4b:s29+s3] =	stream.linear.scatter [tilespmem:s28], [sflag:$0x1], $0x80, $0x38;
	[tilespmem:$0x6C00] =	vst v63  }
0x564: {  	s30 =	sadd.s32 $0x6000, s24;
	s31 =	sadd.s32 $0x510, s23  }
0x565: {  	[hbm4b:s31+s3] =	stream.linear.scatter [tilespmem:s30], [sflag:$0x1], $0x80, $0x38;
	[tilespmem:$0x6C00] =	vst v63  }
0x566: {  	s28 =	sadd.s32 $0x6200, s24;
	s29 =	sadd.s32 $0x590, s23  }
0x567: {  	[hbm4b:s29+s3] =	stream.linear.scatter [tilespmem:s28], [sflag:$0x1], $0x80, $0x38;
	[tilespmem:$0x6C00] =	vst v63  }
0x568: {  	s30 =	sadd.s32 $0x6400, s24;
	s31 =	sadd.s32 $0x610, s23  }
0x569: {  	[hbm4b:s31+s3] =	stream.linear.scatter [tilespmem:s30], [sflag:$0x1], $0x80, $0x38;
	[tilespmem:$0x6C00] =	vst v63  }
0x56a: {  	s28 =	sadd.s32 $0x6600, s24;
	s29 =	sadd.s32 $0x690, s23  }
0x56b: {  	[hbm4b:s29+s3] =	stream.linear.scatter [tilespmem:s28], [sflag:$0x1], $0x80, $0x38;
	[tilespmem:$0x6C00] =	vst v63  }
0x56c: {  	s30 =	sadd.s32 $0x6800, s24;
	s31 =	sadd.s32 $0x710, s23  }
0x56d: {  	[hbm4b:s31+s3] =	stream.linear.scatter [tilespmem:s30], [sflag:$0x1], $0x80, $0x38;
	[tilespmem:$0x6C00] =	vst v63  }
0x56e: {  	s26 =	sadd.s32 $0x790, s23;
	s24 =	sadd.s32 $0x6A00, s24;
	s28 =	spop (v2sf)  }
0x56f: {  	[hbm4b:s26+s3] =	stream.linear.scatter [tilespmem:s24], [sflag:$0x1], $0x80, $0x38;
	[tilespmem:$0x6C00] =	vst v63  }
0x570: {  	s29 =	sshll.u32 s28, $0xB;
	s24 =	sshll.u32 s28, $0x7  }
0x571: {  	s25 =	sand.u32 $0xFFFFE000, s29;
	s24 =	sand.u32 $0x180, s24  }
0x572: {  	s24 =	sor.u32 s24, s25  }
0x573: {  	s30 =	sadd.s32 $0x20, s23;
	s31 =	sadd.s32 $0x4C00, s24  }
0x574: {  	[hbm4b:s30+s3] =	stream.linear.scatter [tilespmem:s31], [sflag:$0x1], $0x80, $0x38;
	[tilespmem:$0x6C00] =	vst v63  }
0x575: {  	s29 =	sadd.s32 $0xA0, s23;
	s28 =	sadd.s32 $0x4E00, s24  }
0x576: {  	[hbm4b:s29+s3] =	stream.linear.scatter [tilespmem:s28], [sflag:$0x1], $0x80, $0x38;
	[tilespmem:$0x6C00] =	vst v63  }
0x577: {  	s30 =	sadd.s32 $0x5000, s24;
	s31 =	sadd.s32 $0x120, s23  }
0x578: {  	[hbm4b:s31+s3] =	stream.linear.scatter [tilespmem:s30], [sflag:$0x1], $0x80, $0x38;
	[tilespmem:$0x6C00] =	vst v63  }
0x579: {  	s28 =	sadd.s32 $0x5200, s24;
	s29 =	sadd.s32 $0x1A0, s23  }
0x57a: {  	[hbm4b:s29+s3] =	stream.linear.scatter [tilespmem:s28], [sflag:$0x1], $0x80, $0x38;
	[tilespmem:$0x6C00] =	vst v63  }
0x57b: {  	s30 =	sadd.s32 $0x5400, s24;
	s31 =	sadd.s32 $0x220, s23  }
0x57c: {  	[hbm4b:s31+s3] =	stream.linear.scatter [tilespmem:s30], [sflag:$0x1], $0x80, $0x38;
	[tilespmem:$0x6C00] =	vst v63  }
0x57d: {  	s28 =	sadd.s32 $0x5600, s24;
	s29 =	sadd.s32 $0x2A0, s23  }
0x57e: {  	[hbm4b:s29+s3] =	stream.linear.scatter [tilespmem:s28], [sflag:$0x1], $0x80, $0x38;
	[tilespmem:$0x6C00] =	vst v63  }
0x57f: {  	s30 =	sadd.s32 $0x5800, s24;
	s31 =	sadd.s32 $0x320, s23  }
0x580: {  	[hbm4b:s31+s3] =	stream.linear.scatter [tilespmem:s30], [sflag:$0x1], $0x80, $0x38;
	[tilespmem:$0x6C00] =	vst v63  }
0x581: {  	s28 =	sadd.s32 $0x5A00, s24;
	s29 =	sadd.s32 $0x3A0, s23  }
0x582: {  	(v2sf) =	vpush v0, $0x3;
	[hbm4b:s29+s3] =	stream.linear.scatter [tilespmem:s28], [sflag:$0x1], $0x80, $0x38;
	[tilespmem:$0x6C00] =	vst v63  }
0x583: {  	s30 =	sadd.s32 $0x5C00, s24;
	s31 =	sadd.s32 $0x420, s23  }
0x584: {  	[hbm4b:s31+s3] =	stream.linear.scatter [tilespmem:s30], [sflag:$0x1], $0x80, $0x38;
	[tilespmem:$0x6C00] =	vst v63  }
0x585: {  	s28 =	sadd.s32 $0x5E00, s24;
	s29 =	sadd.s32 $0x4A0, s23  }
0x586: {  	[hbm4b:s29+s3] =	stream.linear.scatter [tilespmem:s28], [sflag:$0x1], $0x80, $0x38;
	[tilespmem:$0x6C00] =	vst v63  }
0x587: {  	s30 =	sadd.s32 $0x6000, s24;
	s31 =	sadd.s32 $0x520, s23  }
0x588: {  	[hbm4b:s31+s3] =	stream.linear.scatter [tilespmem:s30], [sflag:$0x1], $0x80, $0x38;
	[tilespmem:$0x6C00] =	vst v63  }
0x589: {  	s28 =	sadd.s32 $0x6200, s24;
	s29 =	sadd.s32 $0x5A0, s23  }
0x58a: {  	[hbm4b:s29+s3] =	stream.linear.scatter [tilespmem:s28], [sflag:$0x1], $0x80, $0x38;
	[tilespmem:$0x6C00] =	vst v63  }
0x58b: {  	s30 =	sadd.s32 $0x6400, s24;
	s31 =	sadd.s32 $0x620, s23  }
0x58c: {  	[hbm4b:s31+s3] =	stream.linear.scatter [tilespmem:s30], [sflag:$0x1], $0x80, $0x38;
	[tilespmem:$0x6C00] =	vst v63  }
0x58d: {  	s28 =	sadd.s32 $0x6600, s24;
	s29 =	sadd.s32 $0x6A0, s23  }
0x58e: {  	[hbm4b:s29+s3] =	stream.linear.scatter [tilespmem:s28], [sflag:$0x1], $0x80, $0x38;
	[tilespmem:$0x6C00] =	vst v63  }
0x58f: {  	s30 =	sadd.s32 $0x6800, s24;
	s31 =	sadd.s32 $0x720, s23  }
0x590: {  	[hbm4b:s31+s3] =	stream.linear.scatter [tilespmem:s30], [sflag:$0x1], $0x80, $0x38;
	[tilespmem:$0x6C00] =	vst v63  }
0x591: {  	s26 =	sadd.s32 $0x7A0, s23;
	s24 =	sadd.s32 $0x6A00, s24;
	s28 =	spop (v2sf)  }
0x592: {  	[hbm4b:s26+s3] =	stream.linear.scatter [tilespmem:s24], [sflag:$0x1], $0x80, $0x38;
	[tilespmem:$0x6C00] =	vst v63  }
0x593: {  	s29 =	sshll.u32 s28, $0xB;
	s24 =	sshll.u32 s28, $0x7  }
0x594: {  	s25 =	sand.u32 $0xFFFFE000, s29;
	s24 =	sand.u32 $0x180, s24  }
0x595: {  	s24 =	sor.u32 s24, s25  }
0x596: {  	s30 =	sadd.s32 $0x30, s23;
	s31 =	sadd.s32 $0x4C00, s24  }
0x597: {  	[hbm4b:s30+s3] =	stream.linear.scatter [tilespmem:s31], [sflag:$0x1], $0x80, $0x38;
	[tilespmem:$0x6C00] =	vst v63  }
0x598: {  	s29 =	sadd.s32 $0xB0, s23;
	s28 =	sadd.s32 $0x4E00, s24  }
0x599: {  	[hbm4b:s29+s3] =	stream.linear.scatter [tilespmem:s28], [sflag:$0x1], $0x80, $0x38;
	[tilespmem:$0x6C00] =	vst v63  }
0x59a: {  	s30 =	sadd.s32 $0x5000, s24;
	s31 =	sadd.s32 $0x130, s23  }
0x59b: {  	[hbm4b:s31+s3] =	stream.linear.scatter [tilespmem:s30], [sflag:$0x1], $0x80, $0x38;
	[tilespmem:$0x6C00] =	vst v63  }
0x59c: {  	s28 =	sadd.s32 $0x5200, s24;
	s29 =	sadd.s32 $0x1B0, s23  }
0x59d: {  	[hbm4b:s29+s3] =	stream.linear.scatter [tilespmem:s28], [sflag:$0x1], $0x80, $0x38;
	[tilespmem:$0x6C00] =	vst v63  }
0x59e: {  	s30 =	sadd.s32 $0x5400, s24;
	s31 =	sadd.s32 $0x230, s23  }
0x59f: {  	[hbm4b:s31+s3] =	stream.linear.scatter [tilespmem:s30], [sflag:$0x1], $0x80, $0x38;
	[tilespmem:$0x6C00] =	vst v63  }
0x5a0: {  	s28 =	sadd.s32 $0x5600, s24;
	s29 =	sadd.s32 $0x2B0, s23  }
0x5a1: {  	[hbm4b:s29+s3] =	stream.linear.scatter [tilespmem:s28], [sflag:$0x1], $0x80, $0x38;
	[tilespmem:$0x6C00] =	vst v63  }
0x5a2: {  	s30 =	sadd.s32 $0x5800, s24;
	s31 =	sadd.s32 $0x330, s23  }
0x5a3: {  	[hbm4b:s31+s3] =	stream.linear.scatter [tilespmem:s30], [sflag:$0x1], $0x80, $0x38;
	[tilespmem:$0x6C00] =	vst v63  }
0x5a4: {  	s28 =	sadd.s32 $0x5A00, s24;
	s29 =	sadd.s32 $0x3B0, s23  }
0x5a5: {  	(v2sf) =	vpush v0, $0x4;
	[hbm4b:s29+s3] =	stream.linear.scatter [tilespmem:s28], [sflag:$0x1], $0x80, $0x38;
	[tilespmem:$0x6C00] =	vst v63  }
0x5a6: {  	s30 =	sadd.s32 $0x5C00, s24;
	s31 =	sadd.s32 $0x430, s23  }
0x5a7: {  	[hbm4b:s31+s3] =	stream.linear.scatter [tilespmem:s30], [sflag:$0x1], $0x80, $0x38;
	[tilespmem:$0x6C00] =	vst v63  }
0x5a8: {  	s28 =	sadd.s32 $0x5E00, s24;
	s29 =	sadd.s32 $0x4B0, s23  }
0x5a9: {  	[hbm4b:s29+s3] =	stream.linear.scatter [tilespmem:s28], [sflag:$0x1], $0x80, $0x38;
	[tilespmem:$0x6C00] =	vst v63  }
0x5aa: {  	s30 =	sadd.s32 $0x6000, s24;
	s31 =	sadd.s32 $0x530, s23  }
0x5ab: {  	[hbm4b:s31+s3] =	stream.linear.scatter [tilespmem:s30], [sflag:$0x1], $0x80, $0x38;
	[tilespmem:$0x6C00] =	vst v63  }
0x5ac: {  	s28 =	sadd.s32 $0x6200, s24;
	s29 =	sadd.s32 $0x5B0, s23  }
0x5ad: {  	[hbm4b:s29+s3] =	stream.linear.scatter [tilespmem:s28], [sflag:$0x1], $0x80, $0x38;
	[tilespmem:$0x6C00] =	vst v63  }
0x5ae: {  	s30 =	sadd.s32 $0x6400, s24;
	s31 =	sadd.s32 $0x630, s23  }
0x5af: {  	[hbm4b:s31+s3] =	stream.linear.scatter [tilespmem:s30], [sflag:$0x1], $0x80, $0x38;
	[tilespmem:$0x6C00] =	vst v63  }
0x5b0: {  	s28 =	sadd.s32 $0x6600, s24;
	s29 =	sadd.s32 $0x6B0, s23  }
0x5b1: {  	[hbm4b:s29+s3] =	stream.linear.scatter [tilespmem:s28], [sflag:$0x1], $0x80, $0x38;
	[tilespmem:$0x6C00] =	vst v63  }
0x5b2: {  	s30 =	sadd.s32 $0x6800, s24;
	s31 =	sadd.s32 $0x730, s23  }
0x5b3: {  	[hbm4b:s31+s3] =	stream.linear.scatter [tilespmem:s30], [sflag:$0x1], $0x80, $0x38;
	[tilespmem:$0x6C00] =	vst v63  }
0x5b4: {  	s26 =	sadd.s32 $0x7B0, s23;
	s24 =	sadd.s32 $0x6A00, s24;
	s28 =	spop (v2sf)  }
0x5b5: {  	[hbm4b:s26+s3] =	stream.linear.scatter [tilespmem:s24], [sflag:$0x1], $0x80, $0x38;
	[tilespmem:$0x6C00] =	vst v63  }
0x5b6: {  	s29 =	sshll.u32 s28, $0xB;
	s24 =	sshll.u32 s28, $0x7  }
0x5b7: {  	s25 =	sand.u32 $0xFFFFE000, s29;
	s24 =	sand.u32 $0x180, s24  }
0x5b8: {  	s24 =	sor.u32 s24, s25  }
0x5b9: {  	s30 =	sadd.s32 $0x40, s23;
	s31 =	sadd.s32 $0x4C00, s24  }
0x5ba: {  	[hbm4b:s30+s3] =	stream.linear.scatter [tilespmem:s31], [sflag:$0x1], $0x80, $0x38;
	[tilespmem:$0x6C00] =	vst v63  }
0x5bb: {  	s29 =	sadd.s32 $0xC0, s23;
	s28 =	sadd.s32 $0x4E00, s24  }
0x5bc: {  	[hbm4b:s29+s3] =	stream.linear.scatter [tilespmem:s28], [sflag:$0x1], $0x80, $0x38;
	[tilespmem:$0x6C00] =	vst v63  }
0x5bd: {  	s30 =	sadd.s32 $0x5000, s24;
	s31 =	sadd.s32 $0x140, s23  }
0x5be: {  	[hbm4b:s31+s3] =	stream.linear.scatter [tilespmem:s30], [sflag:$0x1], $0x80, $0x38;
	[tilespmem:$0x6C00] =	vst v63  }
0x5bf: {  	s28 =	sadd.s32 $0x5200, s24;
	s29 =	sadd.s32 $0x1C0, s23  }
0x5c0: {  	[hbm4b:s29+s3] =	stream.linear.scatter [tilespmem:s28], [sflag:$0x1], $0x80, $0x38;
	[tilespmem:$0x6C00] =	vst v63  }
0x5c1: {  	s30 =	sadd.s32 $0x5400, s24;
	s31 =	sadd.s32 $0x240, s23  }
0x5c2: {  	[hbm4b:s31+s3] =	stream.linear.scatter [tilespmem:s30], [sflag:$0x1], $0x80, $0x38;
	[tilespmem:$0x6C00] =	vst v63  }
0x5c3: {  	s28 =	sadd.s32 $0x5600, s24;
	s29 =	sadd.s32 $0x2C0, s23  }
0x5c4: {  	[hbm4b:s29+s3] =	stream.linear.scatter [tilespmem:s28], [sflag:$0x1], $0x80, $0x38;
	[tilespmem:$0x6C00] =	vst v63  }
0x5c5: {  	s30 =	sadd.s32 $0x5800, s24;
	s31 =	sadd.s32 $0x340, s23  }
0x5c6: {  	[hbm4b:s31+s3] =	stream.linear.scatter [tilespmem:s30], [sflag:$0x1], $0x80, $0x38;
	[tilespmem:$0x6C00] =	vst v63  }
0x5c7: {  	s28 =	sadd.s32 $0x5A00, s24;
	s29 =	sadd.s32 $0x3C0, s23  }
0x5c8: {  	(v2sf) =	vpush v0, $0x5;
	[hbm4b:s29+s3] =	stream.linear.scatter [tilespmem:s28], [sflag:$0x1], $0x80, $0x38;
	[tilespmem:$0x6C00] =	vst v63  }
0x5c9: {  	s30 =	sadd.s32 $0x5C00, s24;
	s31 =	sadd.s32 $0x440, s23  }
0x5ca: {  	[hbm4b:s31+s3] =	stream.linear.scatter [tilespmem:s30], [sflag:$0x1], $0x80, $0x38;
	[tilespmem:$0x6C00] =	vst v63  }
0x5cb: {  	s28 =	sadd.s32 $0x5E00, s24;
	s29 =	sadd.s32 $0x4C0, s23  }
0x5cc: {  	[hbm4b:s29+s3] =	stream.linear.scatter [tilespmem:s28], [sflag:$0x1], $0x80, $0x38;
	[tilespmem:$0x6C00] =	vst v63  }
0x5cd: {  	s30 =	sadd.s32 $0x6000, s24;
	s31 =	sadd.s32 $0x540, s23  }
0x5ce: {  	[hbm4b:s31+s3] =	stream.linear.scatter [tilespmem:s30], [sflag:$0x1], $0x80, $0x38;
	[tilespmem:$0x6C00] =	vst v63  }
0x5cf: {  	s28 =	sadd.s32 $0x6200, s24;
	s29 =	sadd.s32 $0x5C0, s23  }
0x5d0: {  	[hbm4b:s29+s3] =	stream.linear.scatter [tilespmem:s28], [sflag:$0x1], $0x80, $0x38;
	[tilespmem:$0x6C00] =	vst v63  }
0x5d1: {  	s30 =	sadd.s32 $0x6400, s24;
	s31 =	sadd.s32 $0x640, s23  }
0x5d2: {  	[hbm4b:s31+s3] =	stream.linear.scatter [tilespmem:s30], [sflag:$0x1], $0x80, $0x38;
	[tilespmem:$0x6C00] =	vst v63  }
0x5d3: {  	s28 =	sadd.s32 $0x6600, s24;
	s29 =	sadd.s32 $0x6C0, s23  }
0x5d4: {  	[hbm4b:s29+s3] =	stream.linear.scatter [tilespmem:s28], [sflag:$0x1], $0x80, $0x38;
	[tilespmem:$0x6C00] =	vst v63  }
0x5d5: {  	s30 =	sadd.s32 $0x6800, s24;
	s31 =	sadd.s32 $0x740, s23  }
0x5d6: {  	[hbm4b:s31+s3] =	stream.linear.scatter [tilespmem:s30], [sflag:$0x1], $0x80, $0x38;
	[tilespmem:$0x6C00] =	vst v63  }
0x5d7: {  	s26 =	sadd.s32 $0x7C0, s23;
	s24 =	sadd.s32 $0x6A00, s24;
	s28 =	spop (v2sf)  }
0x5d8: {  	[hbm4b:s26+s3] =	stream.linear.scatter [tilespmem:s24], [sflag:$0x1], $0x80, $0x38;
	[tilespmem:$0x6C00] =	vst v63  }
0x5d9: {  	s29 =	sshll.u32 s28, $0xB;
	s24 =	sshll.u32 s28, $0x7  }
0x5da: {  	s25 =	sand.u32 $0xFFFFE000, s29;
	s24 =	sand.u32 $0x180, s24  }
0x5db: {  	s24 =	sor.u32 s24, s25  }
0x5dc: {  	s30 =	sadd.s32 $0x50, s23;
	s31 =	sadd.s32 $0x4C00, s24  }
0x5dd: {  	[hbm4b:s30+s3] =	stream.linear.scatter [tilespmem:s31], [sflag:$0x1], $0x80, $0x38;
	[tilespmem:$0x6C00] =	vst v63  }
0x5de: {  	s29 =	sadd.s32 $0xD0, s23;
	s28 =	sadd.s32 $0x4E00, s24  }
0x5df: {  	[hbm4b:s29+s3] =	stream.linear.scatter [tilespmem:s28], [sflag:$0x1], $0x80, $0x38;
	[tilespmem:$0x6C00] =	vst v63  }
0x5e0: {  	s30 =	sadd.s32 $0x5000, s24;
	s31 =	sadd.s32 $0x150, s23  }
0x5e1: {  	[hbm4b:s31+s3] =	stream.linear.scatter [tilespmem:s30], [sflag:$0x1], $0x80, $0x38;
	[tilespmem:$0x6C00] =	vst v63  }
0x5e2: {  	s28 =	sadd.s32 $0x5200, s24;
	s29 =	sadd.s32 $0x1D0, s23  }
0x5e3: {  	[hbm4b:s29+s3] =	stream.linear.scatter [tilespmem:s28], [sflag:$0x1], $0x80, $0x38;
	[tilespmem:$0x6C00] =	vst v63  }
0x5e4: {  	s30 =	sadd.s32 $0x5400, s24;
	s31 =	sadd.s32 $0x250, s23  }
0x5e5: {  	[hbm4b:s31+s3] =	stream.linear.scatter [tilespmem:s30], [sflag:$0x1], $0x80, $0x38;
	[tilespmem:$0x6C00] =	vst v63  }
0x5e6: {  	s28 =	sadd.s32 $0x5600, s24;
	s29 =	sadd.s32 $0x2D0, s23  }
0x5e7: {  	[hbm4b:s29+s3] =	stream.linear.scatter [tilespmem:s28], [sflag:$0x1], $0x80, $0x38;
	[tilespmem:$0x6C00] =	vst v63  }
0x5e8: {  	s30 =	sadd.s32 $0x5800, s24;
	s31 =	sadd.s32 $0x350, s23  }
0x5e9: {  	[hbm4b:s31+s3] =	stream.linear.scatter [tilespmem:s30], [sflag:$0x1], $0x80, $0x38;
	[tilespmem:$0x6C00] =	vst v63  }
0x5ea: {  	s28 =	sadd.s32 $0x5A00, s24;
	s29 =	sadd.s32 $0x3D0, s23  }
0x5eb: {  	(v2sf) =	vpush v0, $0x6;
	[hbm4b:s29+s3] =	stream.linear.scatter [tilespmem:s28], [sflag:$0x1], $0x80, $0x38;
	[tilespmem:$0x6C00] =	vst v63  }
0x5ec: {  	s30 =	sadd.s32 $0x5C00, s24;
	s31 =	sadd.s32 $0x450, s23  }
0x5ed: {  	[hbm4b:s31+s3] =	stream.linear.scatter [tilespmem:s30], [sflag:$0x1], $0x80, $0x38;
	[tilespmem:$0x6C00] =	vst v63  }
0x5ee: {  	s28 =	sadd.s32 $0x5E00, s24;
	s29 =	sadd.s32 $0x4D0, s23  }
0x5ef: {  	[hbm4b:s29+s3] =	stream.linear.scatter [tilespmem:s28], [sflag:$0x1], $0x80, $0x38;
	[tilespmem:$0x6C00] =	vst v63  }
0x5f0: {  	s30 =	sadd.s32 $0x6000, s24;
	s31 =	sadd.s32 $0x550, s23  }
0x5f1: {  	[hbm4b:s31+s3] =	stream.linear.scatter [tilespmem:s30], [sflag:$0x1], $0x80, $0x38;
	[tilespmem:$0x6C00] =	vst v63  }
0x5f2: {  	s28 =	sadd.s32 $0x6200, s24;
	s29 =	sadd.s32 $0x5D0, s23  }
0x5f3: {  	[hbm4b:s29+s3] =	stream.linear.scatter [tilespmem:s28], [sflag:$0x1], $0x80, $0x38;
	[tilespmem:$0x6C00] =	vst v63  }
0x5f4: {  	s30 =	sadd.s32 $0x6400, s24;
	s31 =	sadd.s32 $0x650, s23  }
0x5f5: {  	[hbm4b:s31+s3] =	stream.linear.scatter [tilespmem:s30], [sflag:$0x1], $0x80, $0x38;
	[tilespmem:$0x6C00] =	vst v63  }
0x5f6: {  	s28 =	sadd.s32 $0x6600, s24;
	s29 =	sadd.s32 $0x6D0, s23  }
0x5f7: {  	[hbm4b:s29+s3] =	stream.linear.scatter [tilespmem:s28], [sflag:$0x1], $0x80, $0x38;
	[tilespmem:$0x6C00] =	vst v63  }
0x5f8: {  	s30 =	sadd.s32 $0x6800, s24;
	s31 =	sadd.s32 $0x750, s23  }
0x5f9: {  	[hbm4b:s31+s3] =	stream.linear.scatter [tilespmem:s30], [sflag:$0x1], $0x80, $0x38;
	[tilespmem:$0x6C00] =	vst v63  }
0x5fa: {  	s26 =	sadd.s32 $0x7D0, s23;
	s24 =	sadd.s32 $0x6A00, s24;
	s28 =	spop (v2sf)  }
0x5fb: {  	[hbm4b:s26+s3] =	stream.linear.scatter [tilespmem:s24], [sflag:$0x1], $0x80, $0x38;
	[tilespmem:$0x6C00] =	vst v63  }
0x5fc: {  	s29 =	sshll.u32 s28, $0xB;
	s24 =	sshll.u32 s28, $0x7  }
0x5fd: {  	s25 =	sand.u32 $0xFFFFE000, s29;
	s24 =	sand.u32 $0x180, s24  }
0x5fe: {  	s24 =	sor.u32 s24, s25  }
0x5ff: {  	s30 =	sadd.s32 $0x60, s23;
	s31 =	sadd.s32 $0x4C00, s24  }
0x600: {  	[hbm4b:s30+s3] =	stream.linear.scatter [tilespmem:s31], [sflag:$0x1], $0x80, $0x38;
	[tilespmem:$0x6C00] =	vst v63  }
0x601: {  	s29 =	sadd.s32 $0xE0, s23;
	s28 =	sadd.s32 $0x4E00, s24  }
0x602: {  	[hbm4b:s29+s3] =	stream.linear.scatter [tilespmem:s28], [sflag:$0x1], $0x80, $0x38;
	[tilespmem:$0x6C00] =	vst v63  }
0x603: {  	s30 =	sadd.s32 $0x5000, s24;
	s31 =	sadd.s32 $0x160, s23  }
0x604: {  	[hbm4b:s31+s3] =	stream.linear.scatter [tilespmem:s30], [sflag:$0x1], $0x80, $0x38;
	[tilespmem:$0x6C00] =	vst v63  }
0x605: {  	s28 =	sadd.s32 $0x5200, s24;
	s29 =	sadd.s32 $0x1E0, s23  }
0x606: {  	[hbm4b:s29+s3] =	stream.linear.scatter [tilespmem:s28], [sflag:$0x1], $0x80, $0x38;
	[tilespmem:$0x6C00] =	vst v63  }
0x607: {  	s30 =	sadd.s32 $0x5400, s24;
	s31 =	sadd.s32 $0x260, s23  }
0x608: {  	[hbm4b:s31+s3] =	stream.linear.scatter [tilespmem:s30], [sflag:$0x1], $0x80, $0x38;
	[tilespmem:$0x6C00] =	vst v63  }
0x609: {  	s28 =	sadd.s32 $0x5600, s24;
	s29 =	sadd.s32 $0x2E0, s23  }
0x60a: {  	[hbm4b:s29+s3] =	stream.linear.scatter [tilespmem:s28], [sflag:$0x1], $0x80, $0x38;
	[tilespmem:$0x6C00] =	vst v63  }
0x60b: {  	s30 =	sadd.s32 $0x5800, s24;
	s31 =	sadd.s32 $0x360, s23  }
0x60c: {  	[hbm4b:s31+s3] =	stream.linear.scatter [tilespmem:s30], [sflag:$0x1], $0x80, $0x38;
	[tilespmem:$0x6C00] =	vst v63  }
0x60d: {  	s28 =	sadd.s32 $0x5A00, s24;
	s29 =	sadd.s32 $0x3E0, s23  }
0x60e: {  	(v2sf) =	vpush v0, $0x7;
	[hbm4b:s29+s3] =	stream.linear.scatter [tilespmem:s28], [sflag:$0x1], $0x80, $0x38;
	[tilespmem:$0x6C00] =	vst v63  }
0x60f: {  	s30 =	sadd.s32 $0x5C00, s24;
	s31 =	sadd.s32 $0x460, s23  }
0x610: {  	[hbm4b:s31+s3] =	stream.linear.scatter [tilespmem:s30], [sflag:$0x1], $0x80, $0x38;
	[tilespmem:$0x6C00] =	vst v63  }
0x611: {  	s28 =	sadd.s32 $0x5E00, s24;
	s29 =	sadd.s32 $0x4E0, s23  }
0x612: {  	[hbm4b:s29+s3] =	stream.linear.scatter [tilespmem:s28], [sflag:$0x1], $0x80, $0x38;
	[tilespmem:$0x6C00] =	vst v63  }
0x613: {  	s30 =	sadd.s32 $0x6000, s24;
	s31 =	sadd.s32 $0x560, s23  }
0x614: {  	[hbm4b:s31+s3] =	stream.linear.scatter [tilespmem:s30], [sflag:$0x1], $0x80, $0x38;
	[tilespmem:$0x6C00] =	vst v63  }
0x615: {  	s28 =	sadd.s32 $0x6200, s24;
	s29 =	sadd.s32 $0x5E0, s23  }
0x616: {  	[hbm4b:s29+s3] =	stream.linear.scatter [tilespmem:s28], [sflag:$0x1], $0x80, $0x38;
	[tilespmem:$0x6C00] =	vst v63  }
0x617: {  	s30 =	sadd.s32 $0x6400, s24;
	s31 =	sadd.s32 $0x660, s23  }
0x618: {  	[hbm4b:s31+s3] =	stream.linear.scatter [tilespmem:s30], [sflag:$0x1], $0x80, $0x38;
	[tilespmem:$0x6C00] =	vst v63  }
0x619: {  	s26 =	sadd.s32 $0x6600, s24;
	s28 =	sadd.s32 $0x6E0, s23  }
0x61a: {  	[hbm4b:s28+s3] =	stream.linear.scatter [tilespmem:s26], [sflag:$0x1], $0x80, $0x38;
	[tilespmem:$0x6C00] =	vst v63  }
0x61b: {  	s29 =	sadd.s32 $0x6800, s24;
	s30 =	sadd.s32 $0x760, s23  }
0x61c: {  	[hbm4b:s30+s3] =	stream.linear.scatter [tilespmem:s29], [sflag:$0x1], $0x80, $0x38;
	[tilespmem:$0x6C00] =	vst v63  }
0x61d: {  	s25 =	spop (v2sf);
	s24 =	sadd.s32 $0x6A00, s24;
	s31 =	sadd.s32 $0x7E0, s23  }
0x61e: {  	[hbm4b:s31+s3] =	stream.linear.scatter [tilespmem:s24], [sflag:$0x1], $0x80, $0x38;
	[tilespmem:$0x6C00] =	vst v63  }
0x61f: {  	s26 =	sshll.u32 s25, $0xB;
	s24 =	sshll.u32 s25, $0x7  }
0x620: {  	s25 =	sand.u32 $0xFFFFE000, s26;
	s24 =	sand.u32 $0x180, s24  }
0x621: {  	s24 =	sor.u32 s24, s25  }
0x622: {  	s28 =	sadd.s32 $0x70, s23;
	s29 =	sadd.s32 $0x4C00, s24  }
0x623: {  	[hbm4b:s28+s3] =	stream.linear.scatter [tilespmem:s29], [sflag:$0x1], $0x80, $0x38;
	[tilespmem:$0x6C00] =	vst v63  }
0x624: {  	s31 =	sadd.s32 $0xF0, s23;
	s30 =	sadd.s32 $0x4E00, s24  }
0x625: {  	[hbm4b:s31+s3] =	stream.linear.scatter [tilespmem:s30], [sflag:$0x1], $0x80, $0x38;
	[tilespmem:$0x6C00] =	vst v63  }
0x626: {  	s28 =	sadd.s32 $0x5000, s24;
	s29 =	sadd.s32 $0x170, s23  }
0x627: {  	[hbm4b:s29+s3] =	stream.linear.scatter [tilespmem:s28], [sflag:$0x1], $0x80, $0x38;
	[tilespmem:$0x6C00] =	vst v63  }
0x628: {  	s30 =	sadd.s32 $0x5200, s24;
	s31 =	sadd.s32 $0x1F0, s23  }
0x629: {  	[hbm4b:s31+s3] =	stream.linear.scatter [tilespmem:s30], [sflag:$0x1], $0x80, $0x38;
	[tilespmem:$0x6C00] =	vst v63  }
0x62a: {  	s28 =	sadd.s32 $0x5400, s24;
	s29 =	sadd.s32 $0x270, s23  }
0x62b: {  	[hbm4b:s29+s3] =	stream.linear.scatter [tilespmem:s28], [sflag:$0x1], $0x80, $0x38;
	[tilespmem:$0x6C00] =	vst v63  }
0x62c: {  	s30 =	sadd.s32 $0x5600, s24;
	s31 =	sadd.s32 $0x2F0, s23  }
0x62d: {  	[hbm4b:s31+s3] =	stream.linear.scatter [tilespmem:s30], [sflag:$0x1], $0x80, $0x38;
	[tilespmem:$0x6C00] =	vst v63  }
0x62e: {  	s28 =	sadd.s32 $0x5800, s24;
	s29 =	sadd.s32 $0x370, s23  }
0x62f: {  	[hbm4b:s29+s3] =	stream.linear.scatter [tilespmem:s28], [sflag:$0x1], $0x80, $0x38;
	[tilespmem:$0x6C00] =	vst v63  }
0x630: {  	s30 =	sadd.s32 $0x5A00, s24;
	s31 =	sadd.s32 $0x3F0, s23  }
0x631: {  	(v2sf) =	vpush v0, $0x8;
	[hbm4b:s31+s3] =	stream.linear.scatter [tilespmem:s30], [sflag:$0x1], $0x80, $0x38;
	[tilespmem:$0x6C00] =	vst v63  }
0x632: {  	s28 =	sadd.s32 $0x5C00, s24;
	s29 =	sadd.s32 $0x470, s23  }
0x633: {  	[hbm4b:s29+s3] =	stream.linear.scatter [tilespmem:s28], [sflag:$0x1], $0x80, $0x38;
	[tilespmem:$0x6C00] =	vst v63  }
0x634: {  	s30 =	sadd.s32 $0x5E00, s24;
	s31 =	sadd.s32 $0x4F0, s23  }
0x635: {  	[hbm4b:s31+s3] =	stream.linear.scatter [tilespmem:s30], [sflag:$0x1], $0x80, $0x38;
	[tilespmem:$0x6C00] =	vst v63  }
0x636: {  	s28 =	sadd.s32 $0x6000, s24;
	s29 =	sadd.s32 $0x570, s23  }
0x637: {  	[hbm4b:s29+s3] =	stream.linear.scatter [tilespmem:s28], [sflag:$0x1], $0x80, $0x38;
	[tilespmem:$0x6C00] =	vst v63  }
0x638: {  	s30 =	sadd.s32 $0x6200, s24;
	s31 =	sadd.s32 $0x5F0, s23  }
0x639: {  	[hbm4b:s31+s3] =	stream.linear.scatter [tilespmem:s30], [sflag:$0x1], $0x80, $0x38;
	[tilespmem:$0x6C00] =	vst v63  }
0x63a: {  	s28 =	sadd.s32 $0x6400, s24;
	s29 =	sadd.s32 $0x670, s23  }
0x63b: {  	[hbm4b:s29+s3] =	stream.linear.scatter [tilespmem:s28], [sflag:$0x1], $0x80, $0x38;
	[tilespmem:$0x6C00] =	vst v63  }
0x63c: {  	s30 =	sadd.s32 $0x6600, s24;
	s31 =	sadd.s32 $0x6F0, s23  }
0x63d: {  	[hbm4b:s31+s3] =	stream.linear.scatter [tilespmem:s30], [sflag:$0x1], $0x80, $0x38;
	[tilespmem:$0x6C00] =	vst v63  }
0x63e: {  	s26 =	sadd.s32 $0x6800, s24;
	s28 =	sadd.s32 $0x770, s23  }
0x63f: {  	[hbm4b:s28+s3] =	stream.linear.scatter [tilespmem:s26], [sflag:$0x1], $0x80, $0x38;
	[tilespmem:$0x6C00] =	vst v63  }
0x640: {  	s24 =	sadd.s32 $0x6A00, s24;
	s23 =	sadd.s32 $0x7F0, s23;
	s29 =	spop (v2sf)  }
0x641: {  	[hbm4b:s23+s3] =	stream.linear.scatter [tilespmem:s24], [sflag:$0x1], $0x80, $0x38;
	[tilespmem:$0x6C00] =	vst v63  }
0x642: {  	s31 =	sshll.u32 s29, $0xB;
	s23 =	sshll.u32 s29, $0x7  }
0x643: {  	s25 =	sand.u32 $0xFFFFE000, s31;
	s23 =	sand.u32 $0x180, s23  }
0x644: {  	s30 =	rddreg [dreg:$0x9];
	s25 =	sor.u32 s23, s25  }
0x645: {  	s23 =	sadd.s32 s21, s30;
	s26 =	sadd.s32 $0x4C00, s25  }
0x646: {  	[hbm4b:s23+s3] =	stream.linear.scatter [tilespmem:s26], [sflag:$0x1], $0x80, $0x38;
	[tilespmem:$0x6C00] =	vst v63  }
0x647: {  	s28 =	sadd.s32 $0x4E00, s25;
	s29 =	sadd.s32 $0x80, s23  }
0x648: {  	[hbm4b:s29+s3] =	stream.linear.scatter [tilespmem:s28], [sflag:$0x1], $0x80, $0x38;
	[tilespmem:$0x6C00] =	vst v63  }
0x649: {  	s30 =	sadd.s32 $0x5000, s25;
	s31 =	sadd.s32 $0x100, s23  }
0x64a: {  	[hbm4b:s31+s3] =	stream.linear.scatter [tilespmem:s30], [sflag:$0x1], $0x80, $0x38;
	[tilespmem:$0x6C00] =	vst v63  }
0x64b: {  	s28 =	sadd.s32 $0x5200, s25;
	s29 =	sadd.s32 $0x180, s23  }
0x64c: {  	[hbm4b:s29+s3] =	stream.linear.scatter [tilespmem:s28], [sflag:$0x1], $0x80, $0x38;
	[tilespmem:$0x6C00] =	vst v63  }
0x64d: {  	s30 =	sadd.s32 $0x5400, s25;
	s31 =	sadd.s32 $0x200, s23  }
0x64e: {  	[hbm4b:s31+s3] =	stream.linear.scatter [tilespmem:s30], [sflag:$0x1], $0x80, $0x38;
	[tilespmem:$0x6C00] =	vst v63  }
0x64f: {  	s28 =	sadd.s32 $0x5600, s25;
	s29 =	sadd.s32 $0x280, s23  }
0x650: {  	[hbm4b:s29+s3] =	stream.linear.scatter [tilespmem:s28], [sflag:$0x1], $0x80, $0x38;
	[tilespmem:$0x6C00] =	vst v63  }
0x651: {  	s30 =	sadd.s32 $0x5800, s25;
	s31 =	sadd.s32 $0x300, s23  }
0x652: {  	(v2sf) =	vpush v0, $0x9;
	[hbm4b:s31+s3] =	stream.linear.scatter [tilespmem:s30], [sflag:$0x1], $0x80, $0x38;
	[tilespmem:$0x6C00] =	vst v63  }
0x653: {  	s28 =	sadd.s32 $0x5A00, s25;
	s29 =	sadd.s32 $0x380, s23  }
0x654: {  	[hbm4b:s29+s3] =	stream.linear.scatter [tilespmem:s28], [sflag:$0x1], $0x80, $0x38;
	[tilespmem:$0x6C00] =	vst v63  }
0x655: {  	s30 =	sadd.s32 $0x5C00, s25;
	s31 =	sadd.s32 $0x400, s23  }
0x656: {  	[hbm4b:s31+s3] =	stream.linear.scatter [tilespmem:s30], [sflag:$0x1], $0x80, $0x38;
	[tilespmem:$0x6C00] =	vst v63  }
0x657: {  	s28 =	sadd.s32 $0x5E00, s25;
	s29 =	sadd.s32 $0x480, s23  }
0x658: {  	[hbm4b:s29+s3] =	stream.linear.scatter [tilespmem:s28], [sflag:$0x1], $0x80, $0x38;
	[tilespmem:$0x6C00] =	vst v63  }
0x659: {  	s30 =	sadd.s32 $0x6000, s25;
	s31 =	sadd.s32 $0x500, s23  }
0x65a: {  	[hbm4b:s31+s3] =	stream.linear.scatter [tilespmem:s30], [sflag:$0x1], $0x80, $0x38;
	[tilespmem:$0x6C00] =	vst v63  }
0x65b: {  	s28 =	sadd.s32 $0x6200, s25;
	s29 =	sadd.s32 $0x580, s23  }
0x65c: {  	[hbm4b:s29+s3] =	stream.linear.scatter [tilespmem:s28], [sflag:$0x1], $0x80, $0x38;
	[tilespmem:$0x6C00] =	vst v63  }
0x65d: {  	s30 =	sadd.s32 $0x6400, s25;
	s31 =	sadd.s32 $0x600, s23  }
0x65e: {  	[hbm4b:s31+s3] =	stream.linear.scatter [tilespmem:s30], [sflag:$0x1], $0x80, $0x38;
	[tilespmem:$0x6C00] =	vst v63  }
0x65f: {  	s26 =	sadd.s32 $0x780, s23;
	s28 =	sadd.s32 $0x6600, s25;
	s29 =	sadd.s32 $0x680, s23  }
0x660: {  	[hbm4b:s29+s3] =	stream.linear.scatter [tilespmem:s28], [sflag:$0x1], $0x80, $0x38;
	[tilespmem:$0x6C00] =	vst v63  }
0x661: {  	s30 =	sadd.s32 $0x6800, s25;
	s31 =	sadd.s32 $0x700, s23;
	s28 =	spop (v2sf)  }
0x662: {  	[hbm4b:s31+s3] =	stream.linear.scatter [tilespmem:s30], [sflag:$0x1], $0x80, $0x38;
	[tilespmem:$0x6C00] =	vst v63  }
0x663: {  	s25 =	sadd.s32 $0x6A00, s25;
	s29 =	sshll.u32 s28, $0xB;
	s24 =	sshll.u32 s28, $0x7  }
0x664: {  	[hbm4b:s26+s3] =	stream.linear.scatter [tilespmem:s25], [sflag:$0x1], $0x80, $0x38;
	[tilespmem:$0x6C00] =	vst v63  }
0x665: {  	s24 =	sand.u32 $0x180, s24;
	s25 =	sand.u32 $0xFFFFE000, s29  }
0x666: {  	s24 =	sor.u32 s24, s25  }
0x667: {  	s30 =	sadd.s32 $0x10, s23;
	s31 =	sadd.s32 $0x4C00, s24  }
0x668: {  	[hbm4b:s30+s3] =	stream.linear.scatter [tilespmem:s31], [sflag:$0x1], $0x80, $0x38;
	[tilespmem:$0x6C00] =	vst v63  }
0x669: {  	s29 =	sadd.s32 $0x90, s23;
	s28 =	sadd.s32 $0x4E00, s24  }
0x66a: {  	[hbm4b:s29+s3] =	stream.linear.scatter [tilespmem:s28], [sflag:$0x1], $0x80, $0x38;
	[tilespmem:$0x6C00] =	vst v63  }
0x66b: {  	s30 =	sadd.s32 $0x5000, s24;
	s31 =	sadd.s32 $0x110, s23  }
0x66c: {  	[hbm4b:s31+s3] =	stream.linear.scatter [tilespmem:s30], [sflag:$0x1], $0x80, $0x38;
	[tilespmem:$0x6C00] =	vst v63  }
0x66d: {  	s28 =	sadd.s32 $0x5200, s24;
	s29 =	sadd.s32 $0x190, s23  }
0x66e: {  	[hbm4b:s29+s3] =	stream.linear.scatter [tilespmem:s28], [sflag:$0x1], $0x80, $0x38;
	[tilespmem:$0x6C00] =	vst v63  }
0x66f: {  	s30 =	sadd.s32 $0x5400, s24;
	s31 =	sadd.s32 $0x210, s23  }
0x670: {  	[hbm4b:s31+s3] =	stream.linear.scatter [tilespmem:s30], [sflag:$0x1], $0x80, $0x38;
	[tilespmem:$0x6C00] =	vst v63  }
0x671: {  	s28 =	sadd.s32 $0x5600, s24;
	s29 =	sadd.s32 $0x290, s23  }
0x672: {  	[hbm4b:s29+s3] =	stream.linear.scatter [tilespmem:s28], [sflag:$0x1], $0x80, $0x38;
	[tilespmem:$0x6C00] =	vst v63  }
0x673: {  	s30 =	sadd.s32 $0x5800, s24;
	s31 =	sadd.s32 $0x310, s23  }
0x674: {  	[hbm4b:s31+s3] =	stream.linear.scatter [tilespmem:s30], [sflag:$0x1], $0x80, $0x38;
	[tilespmem:$0x6C00] =	vst v63  }
0x675: {  	s28 =	sadd.s32 $0x5A00, s24;
	s29 =	sadd.s32 $0x390, s23  }
0x676: {  	(v2sf) =	vpush v0, $0xA;
	[hbm4b:s29+s3] =	stream.linear.scatter [tilespmem:s28], [sflag:$0x1], $0x80, $0x38;
	[tilespmem:$0x6C00] =	vst v63  }
0x677: {  	s30 =	sadd.s32 $0x5C00, s24;
	s31 =	sadd.s32 $0x410, s23  }
0x678: {  	[hbm4b:s31+s3] =	stream.linear.scatter [tilespmem:s30], [sflag:$0x1], $0x80, $0x38;
	[tilespmem:$0x6C00] =	vst v63  }
0x679: {  	s28 =	sadd.s32 $0x5E00, s24;
	s29 =	sadd.s32 $0x490, s23  }
0x67a: {  	[hbm4b:s29+s3] =	stream.linear.scatter [tilespmem:s28], [sflag:$0x1], $0x80, $0x38;
	[tilespmem:$0x6C00] =	vst v63  }
0x67b: {  	s30 =	sadd.s32 $0x6000, s24;
	s31 =	sadd.s32 $0x510, s23  }
0x67c: {  	[hbm4b:s31+s3] =	stream.linear.scatter [tilespmem:s30], [sflag:$0x1], $0x80, $0x38;
	[tilespmem:$0x6C00] =	vst v63  }
0x67d: {  	s28 =	sadd.s32 $0x6200, s24;
	s29 =	sadd.s32 $0x590, s23  }
0x67e: {  	[hbm4b:s29+s3] =	stream.linear.scatter [tilespmem:s28], [sflag:$0x1], $0x80, $0x38;
	[tilespmem:$0x6C00] =	vst v63  }
0x67f: {  	s30 =	sadd.s32 $0x6400, s24;
	s31 =	sadd.s32 $0x610, s23  }
0x680: {  	[hbm4b:s31+s3] =	stream.linear.scatter [tilespmem:s30], [sflag:$0x1], $0x80, $0x38;
	[tilespmem:$0x6C00] =	vst v63  }
0x681: {  	s28 =	sadd.s32 $0x6600, s24;
	s29 =	sadd.s32 $0x690, s23  }
0x682: {  	[hbm4b:s29+s3] =	stream.linear.scatter [tilespmem:s28], [sflag:$0x1], $0x80, $0x38;
	[tilespmem:$0x6C00] =	vst v63  }
0x683: {  	s30 =	sadd.s32 $0x6800, s24;
	s31 =	sadd.s32 $0x710, s23  }
0x684: {  	[hbm4b:s31+s3] =	stream.linear.scatter [tilespmem:s30], [sflag:$0x1], $0x80, $0x38;
	[tilespmem:$0x6C00] =	vst v63  }
0x685: {  	s26 =	sadd.s32 $0x790, s23;
	s24 =	sadd.s32 $0x6A00, s24;
	s28 =	spop (v2sf)  }
0x686: {  	[hbm4b:s26+s3] =	stream.linear.scatter [tilespmem:s24], [sflag:$0x1], $0x80, $0x38;
	[tilespmem:$0x6C00] =	vst v63  }
0x687: {  	s29 =	sshll.u32 s28, $0xB;
	s24 =	sshll.u32 s28, $0x7  }
0x688: {  	s25 =	sand.u32 $0xFFFFE000, s29;
	s24 =	sand.u32 $0x180, s24  }
0x689: {  	s24 =	sor.u32 s24, s25  }
0x68a: {  	s30 =	sadd.s32 $0x20, s23;
	s31 =	sadd.s32 $0x4C00, s24  }
0x68b: {  	[hbm4b:s30+s3] =	stream.linear.scatter [tilespmem:s31], [sflag:$0x1], $0x80, $0x38;
	[tilespmem:$0x6C00] =	vst v63  }
0x68c: {  	s29 =	sadd.s32 $0xA0, s23;
	s28 =	sadd.s32 $0x4E00, s24  }
0x68d: {  	[hbm4b:s29+s3] =	stream.linear.scatter [tilespmem:s28], [sflag:$0x1], $0x80, $0x38;
	[tilespmem:$0x6C00] =	vst v63  }
0x68e: {  	s30 =	sadd.s32 $0x5000, s24;
	s31 =	sadd.s32 $0x120, s23  }
0x68f: {  	[hbm4b:s31+s3] =	stream.linear.scatter [tilespmem:s30], [sflag:$0x1], $0x80, $0x38;
	[tilespmem:$0x6C00] =	vst v63  }
0x690: {  	s28 =	sadd.s32 $0x5200, s24;
	s29 =	sadd.s32 $0x1A0, s23  }
0x691: {  	[hbm4b:s29+s3] =	stream.linear.scatter [tilespmem:s28], [sflag:$0x1], $0x80, $0x38;
	[tilespmem:$0x6C00] =	vst v63  }
0x692: {  	s30 =	sadd.s32 $0x5400, s24;
	s31 =	sadd.s32 $0x220, s23  }
0x693: {  	[hbm4b:s31+s3] =	stream.linear.scatter [tilespmem:s30], [sflag:$0x1], $0x80, $0x38;
	[tilespmem:$0x6C00] =	vst v63  }
0x694: {  	s28 =	sadd.s32 $0x5600, s24;
	s29 =	sadd.s32 $0x2A0, s23  }
0x695: {  	[hbm4b:s29+s3] =	stream.linear.scatter [tilespmem:s28], [sflag:$0x1], $0x80, $0x38;
	[tilespmem:$0x6C00] =	vst v63  }
0x696: {  	s30 =	sadd.s32 $0x5800, s24;
	s31 =	sadd.s32 $0x320, s23  }
0x697: {  	[hbm4b:s31+s3] =	stream.linear.scatter [tilespmem:s30], [sflag:$0x1], $0x80, $0x38;
	[tilespmem:$0x6C00] =	vst v63  }
0x698: {  	s28 =	sadd.s32 $0x5A00, s24;
	s29 =	sadd.s32 $0x3A0, s23  }
0x699: {  	(v2sf) =	vpush v0, $0xB;
	[hbm4b:s29+s3] =	stream.linear.scatter [tilespmem:s28], [sflag:$0x1], $0x80, $0x38;
	[tilespmem:$0x6C00] =	vst v63  }
0x69a: {  	s30 =	sadd.s32 $0x5C00, s24;
	s31 =	sadd.s32 $0x420, s23  }
0x69b: {  	[hbm4b:s31+s3] =	stream.linear.scatter [tilespmem:s30], [sflag:$0x1], $0x80, $0x38;
	[tilespmem:$0x6C00] =	vst v63  }
0x69c: {  	s28 =	sadd.s32 $0x5E00, s24;
	s29 =	sadd.s32 $0x4A0, s23  }
0x69d: {  	[hbm4b:s29+s3] =	stream.linear.scatter [tilespmem:s28], [sflag:$0x1], $0x80, $0x38;
	[tilespmem:$0x6C00] =	vst v63  }
0x69e: {  	s30 =	sadd.s32 $0x6000, s24;
	s31 =	sadd.s32 $0x520, s23  }
0x69f: {  	[hbm4b:s31+s3] =	stream.linear.scatter [tilespmem:s30], [sflag:$0x1], $0x80, $0x38;
	[tilespmem:$0x6C00] =	vst v63  }
0x6a0: {  	s28 =	sadd.s32 $0x6200, s24;
	s29 =	sadd.s32 $0x5A0, s23  }
0x6a1: {  	[hbm4b:s29+s3] =	stream.linear.scatter [tilespmem:s28], [sflag:$0x1], $0x80, $0x38;
	[tilespmem:$0x6C00] =	vst v63  }
0x6a2: {  	s30 =	sadd.s32 $0x6400, s24;
	s31 =	sadd.s32 $0x620, s23  }
0x6a3: {  	[hbm4b:s31+s3] =	stream.linear.scatter [tilespmem:s30], [sflag:$0x1], $0x80, $0x38;
	[tilespmem:$0x6C00] =	vst v63  }
0x6a4: {  	s28 =	sadd.s32 $0x6600, s24;
	s29 =	sadd.s32 $0x6A0, s23  }
0x6a5: {  	[hbm4b:s29+s3] =	stream.linear.scatter [tilespmem:s28], [sflag:$0x1], $0x80, $0x38;
	[tilespmem:$0x6C00] =	vst v63  }
0x6a6: {  	s30 =	sadd.s32 $0x6800, s24;
	s31 =	sadd.s32 $0x720, s23  }
0x6a7: {  	[hbm4b:s31+s3] =	stream.linear.scatter [tilespmem:s30], [sflag:$0x1], $0x80, $0x38;
	[tilespmem:$0x6C00] =	vst v63  }
0x6a8: {  	s26 =	sadd.s32 $0x7A0, s23;
	s24 =	sadd.s32 $0x6A00, s24;
	s28 =	spop (v2sf)  }
0x6a9: {  	[hbm4b:s26+s3] =	stream.linear.scatter [tilespmem:s24], [sflag:$0x1], $0x80, $0x38;
	[tilespmem:$0x6C00] =	vst v63  }
0x6aa: {  	s29 =	sshll.u32 s28, $0xB;
	s24 =	sshll.u32 s28, $0x7  }
0x6ab: {  	s25 =	sand.u32 $0xFFFFE000, s29;
	s24 =	sand.u32 $0x180, s24  }
0x6ac: {  	s24 =	sor.u32 s24, s25  }
0x6ad: {  	s30 =	sadd.s32 $0x30, s23;
	s31 =	sadd.s32 $0x4C00, s24  }
0x6ae: {  	[hbm4b:s30+s3] =	stream.linear.scatter [tilespmem:s31], [sflag:$0x1], $0x80, $0x38;
	[tilespmem:$0x6C00] =	vst v63  }
0x6af: {  	s29 =	sadd.s32 $0xB0, s23;
	s28 =	sadd.s32 $0x4E00, s24  }
0x6b0: {  	[hbm4b:s29+s3] =	stream.linear.scatter [tilespmem:s28], [sflag:$0x1], $0x80, $0x38;
	[tilespmem:$0x6C00] =	vst v63  }
0x6b1: {  	s30 =	sadd.s32 $0x5000, s24;
	s31 =	sadd.s32 $0x130, s23  }
0x6b2: {  	[hbm4b:s31+s3] =	stream.linear.scatter [tilespmem:s30], [sflag:$0x1], $0x80, $0x38;
	[tilespmem:$0x6C00] =	vst v63  }
0x6b3: {  	s28 =	sadd.s32 $0x5200, s24;
	s29 =	sadd.s32 $0x1B0, s23  }
0x6b4: {  	[hbm4b:s29+s3] =	stream.linear.scatter [tilespmem:s28], [sflag:$0x1], $0x80, $0x38;
	[tilespmem:$0x6C00] =	vst v63  }
0x6b5: {  	s30 =	sadd.s32 $0x5400, s24;
	s31 =	sadd.s32 $0x230, s23  }
0x6b6: {  	[hbm4b:s31+s3] =	stream.linear.scatter [tilespmem:s30], [sflag:$0x1], $0x80, $0x38;
	[tilespmem:$0x6C00] =	vst v63  }
0x6b7: {  	s28 =	sadd.s32 $0x5600, s24;
	s29 =	sadd.s32 $0x2B0, s23  }
0x6b8: {  	[hbm4b:s29+s3] =	stream.linear.scatter [tilespmem:s28], [sflag:$0x1], $0x80, $0x38;
	[tilespmem:$0x6C00] =	vst v63  }
0x6b9: {  	s30 =	sadd.s32 $0x5800, s24;
	s31 =	sadd.s32 $0x330, s23  }
0x6ba: {  	[hbm4b:s31+s3] =	stream.linear.scatter [tilespmem:s30], [sflag:$0x1], $0x80, $0x38;
	[tilespmem:$0x6C00] =	vst v63  }
0x6bb: {  	s28 =	sadd.s32 $0x5A00, s24;
	s29 =	sadd.s32 $0x3B0, s23  }
0x6bc: {  	(v2sf) =	vpush v0, $0xC;
	[hbm4b:s29+s3] =	stream.linear.scatter [tilespmem:s28], [sflag:$0x1], $0x80, $0x38;
	[tilespmem:$0x6C00] =	vst v63  }
0x6bd: {  	s30 =	sadd.s32 $0x5C00, s24;
	s31 =	sadd.s32 $0x430, s23  }
0x6be: {  	[hbm4b:s31+s3] =	stream.linear.scatter [tilespmem:s30], [sflag:$0x1], $0x80, $0x38;
	[tilespmem:$0x6C00] =	vst v63  }
0x6bf: {  	s28 =	sadd.s32 $0x5E00, s24;
	s29 =	sadd.s32 $0x4B0, s23  }
0x6c0: {  	[hbm4b:s29+s3] =	stream.linear.scatter [tilespmem:s28], [sflag:$0x1], $0x80, $0x38;
	[tilespmem:$0x6C00] =	vst v63  }
0x6c1: {  	s30 =	sadd.s32 $0x6000, s24;
	s31 =	sadd.s32 $0x530, s23  }
0x6c2: {  	[hbm4b:s31+s3] =	stream.linear.scatter [tilespmem:s30], [sflag:$0x1], $0x80, $0x38;
	[tilespmem:$0x6C00] =	vst v63  }
0x6c3: {  	s28 =	sadd.s32 $0x6200, s24;
	s29 =	sadd.s32 $0x5B0, s23  }
0x6c4: {  	[hbm4b:s29+s3] =	stream.linear.scatter [tilespmem:s28], [sflag:$0x1], $0x80, $0x38;
	[tilespmem:$0x6C00] =	vst v63  }
0x6c5: {  	s30 =	sadd.s32 $0x6400, s24;
	s31 =	sadd.s32 $0x630, s23  }
0x6c6: {  	[hbm4b:s31+s3] =	stream.linear.scatter [tilespmem:s30], [sflag:$0x1], $0x80, $0x38;
	[tilespmem:$0x6C00] =	vst v63  }
0x6c7: {  	s28 =	sadd.s32 $0x6600, s24;
	s29 =	sadd.s32 $0x6B0, s23  }
0x6c8: {  	[hbm4b:s29+s3] =	stream.linear.scatter [tilespmem:s28], [sflag:$0x1], $0x80, $0x38;
	[tilespmem:$0x6C00] =	vst v63  }
0x6c9: {  	s30 =	sadd.s32 $0x6800, s24;
	s31 =	sadd.s32 $0x730, s23  }
0x6ca: {  	[hbm4b:s31+s3] =	stream.linear.scatter [tilespmem:s30], [sflag:$0x1], $0x80, $0x38;
	[tilespmem:$0x6C00] =	vst v63  }
0x6cb: {  	s26 =	sadd.s32 $0x7B0, s23;
	s24 =	sadd.s32 $0x6A00, s24;
	s28 =	spop (v2sf)  }
0x6cc: {  	[hbm4b:s26+s3] =	stream.linear.scatter [tilespmem:s24], [sflag:$0x1], $0x80, $0x38;
	[tilespmem:$0x6C00] =	vst v63  }
0x6cd: {  	s29 =	sshll.u32 s28, $0xB;
	s24 =	sshll.u32 s28, $0x7  }
0x6ce: {  	s25 =	sand.u32 $0xFFFFE000, s29;
	s24 =	sand.u32 $0x180, s24  }
0x6cf: {  	s24 =	sor.u32 s24, s25  }
0x6d0: {  	s30 =	sadd.s32 $0x40, s23;
	s31 =	sadd.s32 $0x4C00, s24  }
0x6d1: {  	[hbm4b:s30+s3] =	stream.linear.scatter [tilespmem:s31], [sflag:$0x1], $0x80, $0x38;
	[tilespmem:$0x6C00] =	vst v63  }
0x6d2: {  	s29 =	sadd.s32 $0xC0, s23;
	s28 =	sadd.s32 $0x4E00, s24  }
0x6d3: {  	[hbm4b:s29+s3] =	stream.linear.scatter [tilespmem:s28], [sflag:$0x1], $0x80, $0x38;
	[tilespmem:$0x6C00] =	vst v63  }
0x6d4: {  	s30 =	sadd.s32 $0x5000, s24;
	s31 =	sadd.s32 $0x140, s23  }
0x6d5: {  	[hbm4b:s31+s3] =	stream.linear.scatter [tilespmem:s30], [sflag:$0x1], $0x80, $0x38;
	[tilespmem:$0x6C00] =	vst v63  }
0x6d6: {  	s28 =	sadd.s32 $0x5200, s24;
	s29 =	sadd.s32 $0x1C0, s23  }
0x6d7: {  	[hbm4b:s29+s3] =	stream.linear.scatter [tilespmem:s28], [sflag:$0x1], $0x80, $0x38;
	[tilespmem:$0x6C00] =	vst v63  }
0x6d8: {  	s30 =	sadd.s32 $0x5400, s24;
	s31 =	sadd.s32 $0x240, s23  }
0x6d9: {  	[hbm4b:s31+s3] =	stream.linear.scatter [tilespmem:s30], [sflag:$0x1], $0x80, $0x38;
	[tilespmem:$0x6C00] =	vst v63  }
0x6da: {  	s28 =	sadd.s32 $0x5600, s24;
	s29 =	sadd.s32 $0x2C0, s23  }
0x6db: {  	[hbm4b:s29+s3] =	stream.linear.scatter [tilespmem:s28], [sflag:$0x1], $0x80, $0x38;
	[tilespmem:$0x6C00] =	vst v63  }
0x6dc: {  	s30 =	sadd.s32 $0x5800, s24;
	s31 =	sadd.s32 $0x340, s23  }
0x6dd: {  	[hbm4b:s31+s3] =	stream.linear.scatter [tilespmem:s30], [sflag:$0x1], $0x80, $0x38;
	[tilespmem:$0x6C00] =	vst v63  }
0x6de: {  	s28 =	sadd.s32 $0x5A00, s24;
	s29 =	sadd.s32 $0x3C0, s23  }
0x6df: {  	(v2sf) =	vpush v0, $0xD;
	[hbm4b:s29+s3] =	stream.linear.scatter [tilespmem:s28], [sflag:$0x1], $0x80, $0x38;
	[tilespmem:$0x6C00] =	vst v63  }
0x6e0: {  	s30 =	sadd.s32 $0x5C00, s24;
	s31 =	sadd.s32 $0x440, s23  }
0x6e1: {  	[hbm4b:s31+s3] =	stream.linear.scatter [tilespmem:s30], [sflag:$0x1], $0x80, $0x38;
	[tilespmem:$0x6C00] =	vst v63  }
0x6e2: {  	s28 =	sadd.s32 $0x5E00, s24;
	s29 =	sadd.s32 $0x4C0, s23  }
0x6e3: {  	[hbm4b:s29+s3] =	stream.linear.scatter [tilespmem:s28], [sflag:$0x1], $0x80, $0x38;
	[tilespmem:$0x6C00] =	vst v63  }
0x6e4: {  	s30 =	sadd.s32 $0x6000, s24;
	s31 =	sadd.s32 $0x540, s23  }
0x6e5: {  	[hbm4b:s31+s3] =	stream.linear.scatter [tilespmem:s30], [sflag:$0x1], $0x80, $0x38;
	[tilespmem:$0x6C00] =	vst v63  }
0x6e6: {  	s28 =	sadd.s32 $0x6200, s24;
	s29 =	sadd.s32 $0x5C0, s23  }
0x6e7: {  	[hbm4b:s29+s3] =	stream.linear.scatter [tilespmem:s28], [sflag:$0x1], $0x80, $0x38;
	[tilespmem:$0x6C00] =	vst v63  }
0x6e8: {  	s30 =	sadd.s32 $0x6400, s24;
	s31 =	sadd.s32 $0x640, s23  }
0x6e9: {  	[hbm4b:s31+s3] =	stream.linear.scatter [tilespmem:s30], [sflag:$0x1], $0x80, $0x38;
	[tilespmem:$0x6C00] =	vst v63  }
0x6ea: {  	s28 =	sadd.s32 $0x6600, s24;
	s29 =	sadd.s32 $0x6C0, s23  }
0x6eb: {  	[hbm4b:s29+s3] =	stream.linear.scatter [tilespmem:s28], [sflag:$0x1], $0x80, $0x38;
	[tilespmem:$0x6C00] =	vst v63  }
0x6ec: {  	s30 =	sadd.s32 $0x6800, s24;
	s31 =	sadd.s32 $0x740, s23  }
0x6ed: {  	[hbm4b:s31+s3] =	stream.linear.scatter [tilespmem:s30], [sflag:$0x1], $0x80, $0x38;
	[tilespmem:$0x6C00] =	vst v63  }
0x6ee: {  	s26 =	sadd.s32 $0x7C0, s23;
	s24 =	sadd.s32 $0x6A00, s24;
	s28 =	spop (v2sf)  }
0x6ef: {  	[hbm4b:s26+s3] =	stream.linear.scatter [tilespmem:s24], [sflag:$0x1], $0x80, $0x38;
	[tilespmem:$0x6C00] =	vst v63  }
0x6f0: {  	s29 =	sshll.u32 s28, $0xB;
	s24 =	sshll.u32 s28, $0x7  }
0x6f1: {  	s25 =	sand.u32 $0xFFFFE000, s29;
	s24 =	sand.u32 $0x180, s24  }
0x6f2: {  	s24 =	sor.u32 s24, s25  }
0x6f3: {  	s30 =	sadd.s32 $0x50, s23;
	s31 =	sadd.s32 $0x4C00, s24  }
0x6f4: {  	[hbm4b:s30+s3] =	stream.linear.scatter [tilespmem:s31], [sflag:$0x1], $0x80, $0x38;
	[tilespmem:$0x6C00] =	vst v63  }
0x6f5: {  	s29 =	sadd.s32 $0xD0, s23;
	s28 =	sadd.s32 $0x4E00, s24  }
0x6f6: {  	[hbm4b:s29+s3] =	stream.linear.scatter [tilespmem:s28], [sflag:$0x1], $0x80, $0x38;
	[tilespmem:$0x6C00] =	vst v63  }
0x6f7: {  	s30 =	sadd.s32 $0x5000, s24;
	s31 =	sadd.s32 $0x150, s23  }
0x6f8: {  	[hbm4b:s31+s3] =	stream.linear.scatter [tilespmem:s30], [sflag:$0x1], $0x80, $0x38;
	[tilespmem:$0x6C00] =	vst v63  }
0x6f9: {  	s28 =	sadd.s32 $0x5200, s24;
	s29 =	sadd.s32 $0x1D0, s23  }
0x6fa: {  	[hbm4b:s29+s3] =	stream.linear.scatter [tilespmem:s28], [sflag:$0x1], $0x80, $0x38;
	[tilespmem:$0x6C00] =	vst v63  }
0x6fb: {  	s30 =	sadd.s32 $0x5400, s24;
	s31 =	sadd.s32 $0x250, s23  }
0x6fc: {  	[hbm4b:s31+s3] =	stream.linear.scatter [tilespmem:s30], [sflag:$0x1], $0x80, $0x38;
	[tilespmem:$0x6C00] =	vst v63  }
0x6fd: {  	s28 =	sadd.s32 $0x5600, s24;
	s29 =	sadd.s32 $0x2D0, s23  }
0x6fe: {  	[hbm4b:s29+s3] =	stream.linear.scatter [tilespmem:s28], [sflag:$0x1], $0x80, $0x38;
	[tilespmem:$0x6C00] =	vst v63  }
0x6ff: {  	s30 =	sadd.s32 $0x5800, s24;
	s31 =	sadd.s32 $0x350, s23  }
0x700: {  	[hbm4b:s31+s3] =	stream.linear.scatter [tilespmem:s30], [sflag:$0x1], $0x80, $0x38;
	[tilespmem:$0x6C00] =	vst v63  }
0x701: {  	s28 =	sadd.s32 $0x5A00, s24;
	s29 =	sadd.s32 $0x3D0, s23  }
0x702: {  	(v2sf) =	vpush v0, $0xE;
	[hbm4b:s29+s3] =	stream.linear.scatter [tilespmem:s28], [sflag:$0x1], $0x80, $0x38;
	[tilespmem:$0x6C00] =	vst v63  }
0x703: {  	s30 =	sadd.s32 $0x5C00, s24;
	s31 =	sadd.s32 $0x450, s23  }
0x704: {  	[hbm4b:s31+s3] =	stream.linear.scatter [tilespmem:s30], [sflag:$0x1], $0x80, $0x38;
	[tilespmem:$0x6C00] =	vst v63  }
0x705: {  	s28 =	sadd.s32 $0x5E00, s24;
	s29 =	sadd.s32 $0x4D0, s23  }
0x706: {  	[hbm4b:s29+s3] =	stream.linear.scatter [tilespmem:s28], [sflag:$0x1], $0x80, $0x38;
	[tilespmem:$0x6C00] =	vst v63  }
0x707: {  	s30 =	sadd.s32 $0x6000, s24;
	s31 =	sadd.s32 $0x550, s23  }
0x708: {  	[hbm4b:s31+s3] =	stream.linear.scatter [tilespmem:s30], [sflag:$0x1], $0x80, $0x38;
	[tilespmem:$0x6C00] =	vst v63  }
0x709: {  	s28 =	sadd.s32 $0x6200, s24;
	s29 =	sadd.s32 $0x5D0, s23  }
0x70a: {  	[hbm4b:s29+s3] =	stream.linear.scatter [tilespmem:s28], [sflag:$0x1], $0x80, $0x38;
	[tilespmem:$0x6C00] =	vst v63  }
0x70b: {  	s30 =	sadd.s32 $0x6400, s24;
	s31 =	sadd.s32 $0x650, s23  }
0x70c: {  	[hbm4b:s31+s3] =	stream.linear.scatter [tilespmem:s30], [sflag:$0x1], $0x80, $0x38;
	[tilespmem:$0x6C00] =	vst v63  }
0x70d: {  	s28 =	sadd.s32 $0x6600, s24;
	s29 =	sadd.s32 $0x6D0, s23  }
0x70e: {  	[hbm4b:s29+s3] =	stream.linear.scatter [tilespmem:s28], [sflag:$0x1], $0x80, $0x38;
	[tilespmem:$0x6C00] =	vst v63  }
0x70f: {  	s30 =	sadd.s32 $0x6800, s24;
	s31 =	sadd.s32 $0x750, s23  }
0x710: {  	[hbm4b:s31+s3] =	stream.linear.scatter [tilespmem:s30], [sflag:$0x1], $0x80, $0x38;
	[tilespmem:$0x6C00] =	vst v63  }
0x711: {  	s26 =	sadd.s32 $0x7D0, s23;
	s24 =	sadd.s32 $0x6A00, s24;
	s28 =	spop (v2sf)  }
0x712: {  	[hbm4b:s26+s3] =	stream.linear.scatter [tilespmem:s24], [sflag:$0x1], $0x80, $0x38;
	[tilespmem:$0x6C00] =	vst v63  }
0x713: {  	s29 =	sshll.u32 s28, $0xB;
	s24 =	sshll.u32 s28, $0x7  }
0x714: {  	s25 =	sand.u32 $0xFFFFE000, s29;
	s24 =	sand.u32 $0x180, s24  }
0x715: {  	s24 =	sor.u32 s24, s25  }
0x716: {  	s30 =	sadd.s32 $0x60, s23;
	s31 =	sadd.s32 $0x4C00, s24  }
0x717: {  	[hbm4b:s30+s3] =	stream.linear.scatter [tilespmem:s31], [sflag:$0x1], $0x80, $0x38;
	[tilespmem:$0x6C00] =	vst v63  }
0x718: {  	s29 =	sadd.s32 $0xE0, s23;
	s28 =	sadd.s32 $0x4E00, s24  }
0x719: {  	[hbm4b:s29+s3] =	stream.linear.scatter [tilespmem:s28], [sflag:$0x1], $0x80, $0x38;
	[tilespmem:$0x6C00] =	vst v63  }
0x71a: {  	s30 =	sadd.s32 $0x5000, s24;
	s31 =	sadd.s32 $0x160, s23  }
0x71b: {  	[hbm4b:s31+s3] =	stream.linear.scatter [tilespmem:s30], [sflag:$0x1], $0x80, $0x38;
	[tilespmem:$0x6C00] =	vst v63  }
0x71c: {  	s28 =	sadd.s32 $0x5200, s24;
	s29 =	sadd.s32 $0x1E0, s23  }
0x71d: {  	[hbm4b:s29+s3] =	stream.linear.scatter [tilespmem:s28], [sflag:$0x1], $0x80, $0x38;
	[tilespmem:$0x6C00] =	vst v63  }
0x71e: {  	s30 =	sadd.s32 $0x5400, s24;
	s31 =	sadd.s32 $0x260, s23  }
0x71f: {  	[hbm4b:s31+s3] =	stream.linear.scatter [tilespmem:s30], [sflag:$0x1], $0x80, $0x38;
	[tilespmem:$0x6C00] =	vst v63  }
0x720: {  	s28 =	sadd.s32 $0x5600, s24;
	s29 =	sadd.s32 $0x2E0, s23  }
0x721: {  	[hbm4b:s29+s3] =	stream.linear.scatter [tilespmem:s28], [sflag:$0x1], $0x80, $0x38;
	[tilespmem:$0x6C00] =	vst v63  }
0x722: {  	s30 =	sadd.s32 $0x5800, s24;
	s31 =	sadd.s32 $0x360, s23  }
0x723: {  	[hbm4b:s31+s3] =	stream.linear.scatter [tilespmem:s30], [sflag:$0x1], $0x80, $0x38;
	[tilespmem:$0x6C00] =	vst v63  }
0x724: {  	s28 =	sadd.s32 $0x5A00, s24;
	s29 =	sadd.s32 $0x3E0, s23  }
0x725: {  	(v2sf) =	vpush v0, $0xF;
	[hbm4b:s29+s3] =	stream.linear.scatter [tilespmem:s28], [sflag:$0x1], $0x80, $0x38;
	[tilespmem:$0x6C00] =	vst v63  }
0x726: {  	s30 =	sadd.s32 $0x5C00, s24;
	s31 =	sadd.s32 $0x460, s23  }
0x727: {  	[hbm4b:s31+s3] =	stream.linear.scatter [tilespmem:s30], [sflag:$0x1], $0x80, $0x38;
	[tilespmem:$0x6C00] =	vst v63  }
0x728: {  	s28 =	sadd.s32 $0x5E00, s24;
	s29 =	sadd.s32 $0x4E0, s23  }
0x729: {  	[hbm4b:s29+s3] =	stream.linear.scatter [tilespmem:s28], [sflag:$0x1], $0x80, $0x38;
	[tilespmem:$0x6C00] =	vst v63  }
0x72a: {  	s30 =	sadd.s32 $0x6000, s24;
	s31 =	sadd.s32 $0x560, s23  }
0x72b: {  	[hbm4b:s31+s3] =	stream.linear.scatter [tilespmem:s30], [sflag:$0x1], $0x80, $0x38;
	[tilespmem:$0x6C00] =	vst v63  }
0x72c: {  	s28 =	sadd.s32 $0x6200, s24;
	s29 =	sadd.s32 $0x5E0, s23  }
0x72d: {  	[hbm4b:s29+s3] =	stream.linear.scatter [tilespmem:s28], [sflag:$0x1], $0x80, $0x38;
	[tilespmem:$0x6C00] =	vst v63  }
0x72e: {  	s30 =	sadd.s32 $0x6400, s24;
	s31 =	sadd.s32 $0x660, s23  }
0x72f: {  	[hbm4b:s31+s3] =	stream.linear.scatter [tilespmem:s30], [sflag:$0x1], $0x80, $0x38;
	[tilespmem:$0x6C00] =	vst v63  }
0x730: {  	s28 =	sadd.s32 $0x6600, s24;
	s29 =	sadd.s32 $0x6E0, s23  }
0x731: {  	[hbm4b:s29+s3] =	stream.linear.scatter [tilespmem:s28], [sflag:$0x1], $0x80, $0x38;
	[tilespmem:$0x6C00] =	vst v63  }
0x732: {  	s30 =	sadd.s32 $0x6800, s24;
	s31 =	sadd.s32 $0x760, s23  }
0x733: {  	[hbm4b:s31+s3] =	stream.linear.scatter [tilespmem:s30], [sflag:$0x1], $0x80, $0x38;
	[tilespmem:$0x6C00] =	vst v63  }
0x734: {  	s26 =	sadd.s32 $0x7E0, s23;
	s24 =	sadd.s32 $0x6A00, s24;
	s28 =	spop (v2sf)  }
0x735: {  	[hbm4b:s26+s3] =	stream.linear.scatter [tilespmem:s24], [sflag:$0x1], $0x80, $0x38;
	[tilespmem:$0x6C00] =	vst v63  }
0x736: {  	s29 =	sshll.u32 s28, $0xB;
	s24 =	sshll.u32 s28, $0x7  }
0x737: {  	s25 =	sand.u32 $0xFFFFE000, s29;
	s24 =	sand.u32 $0x180, s24  }
0x738: {  	s24 =	sor.u32 s24, s25  }
0x739: {  	s30 =	sadd.s32 $0x70, s23;
	s31 =	sadd.s32 $0x4C00, s24  }
0x73a: {  	[hbm4b:s30+s3] =	stream.linear.scatter [tilespmem:s31], [sflag:$0x1], $0x80, $0x38;
	[tilespmem:$0x6C00] =	vst v63  }
0x73b: {  	s29 =	sadd.s32 $0xF0, s23;
	s28 =	sadd.s32 $0x4E00, s24  }
0x73c: {  	[hbm4b:s29+s3] =	stream.linear.scatter [tilespmem:s28], [sflag:$0x1], $0x80, $0x38;
	[tilespmem:$0x6C00] =	vst v63  }
0x73d: {  	s30 =	sadd.s32 $0x5000, s24;
	s31 =	sadd.s32 $0x170, s23  }
0x73e: {  	[hbm4b:s31+s3] =	stream.linear.scatter [tilespmem:s30], [sflag:$0x1], $0x80, $0x38;
	[tilespmem:$0x6C00] =	vst v63  }
0x73f: {  	s28 =	sadd.s32 $0x5200, s24;
	s29 =	sadd.s32 $0x1F0, s23  }
0x740: {  	[hbm4b:s29+s3] =	stream.linear.scatter [tilespmem:s28], [sflag:$0x1], $0x80, $0x38;
	[tilespmem:$0x6C00] =	vst v63  }
0x741: {  	s30 =	sadd.s32 $0x5400, s24;
	s31 =	sadd.s32 $0x270, s23  }
0x742: {  	[hbm4b:s31+s3] =	stream.linear.scatter [tilespmem:s30], [sflag:$0x1], $0x80, $0x38;
	[tilespmem:$0x6C00] =	vst v63  }
0x743: {  	s28 =	sadd.s32 $0x5600, s24;
	s29 =	sadd.s32 $0x2F0, s23  }
0x744: {  	[hbm4b:s29+s3] =	stream.linear.scatter [tilespmem:s28], [sflag:$0x1], $0x80, $0x38;
	[tilespmem:$0x6C00] =	vst v63  }
0x745: {  	s30 =	sadd.s32 $0x5800, s24;
	s31 =	sadd.s32 $0x370, s23  }
0x746: {  	[hbm4b:s31+s3] =	stream.linear.scatter [tilespmem:s30], [sflag:$0x1], $0x80, $0x38;
	[tilespmem:$0x6C00] =	vst v63  }
0x747: {  	s28 =	sadd.s32 $0x5A00, s24;
	s29 =	sadd.s32 $0x3F0, s23  }
0x748: {  	[hbm4b:s29+s3] =	stream.linear.scatter [tilespmem:s28], [sflag:$0x1], $0x80, $0x38;
	[tilespmem:$0x6C00] =	vst v63  }
0x749: {  	s30 =	sadd.s32 $0x5C00, s24;
	s31 =	sadd.s32 $0x470, s23  }
0x74a: {  	[hbm4b:s31+s3] =	stream.linear.scatter [tilespmem:s30], [sflag:$0x1], $0x80, $0x38;
	[tilespmem:$0x6C00] =	vst v63  }
0x74b: {  	s28 =	sadd.s32 $0x5E00, s24;
	s29 =	sadd.s32 $0x4F0, s23  }
0x74c: {  	[hbm4b:s29+s3] =	stream.linear.scatter [tilespmem:s28], [sflag:$0x1], $0x80, $0x38;
	[tilespmem:$0x6C00] =	vst v63  }
0x74d: {  	s30 =	sadd.s32 $0x6000, s24;
	s31 =	sadd.s32 $0x570, s23  }
0x74e: {  	[hbm4b:s31+s3] =	stream.linear.scatter [tilespmem:s30], [sflag:$0x1], $0x80, $0x38;
	[tilespmem:$0x6C00] =	vst v63  }
0x74f: {  	s28 =	sadd.s32 $0x6200, s24;
	s29 =	sadd.s32 $0x5F0, s23  }
0x750: {  	[hbm4b:s29+s3] =	stream.linear.scatter [tilespmem:s28], [sflag:$0x1], $0x80, $0x38;
	[tilespmem:$0x6C00] =	vst v63  }
0x751: {  	s30 =	sadd.s32 $0x6400, s24;
	s31 =	sadd.s32 $0x670, s23  }
0x752: {  	[hbm4b:s31+s3] =	stream.linear.scatter [tilespmem:s30], [sflag:$0x1], $0x80, $0x38;
	[tilespmem:$0x6C00] =	vst v63  }
0x753: {  	s28 =	sadd.s32 $0x6600, s24;
	s29 =	sadd.s32 $0x6F0, s23  }
0x754: {  	[hbm4b:s29+s3] =	stream.linear.scatter [tilespmem:s28], [sflag:$0x1], $0x80, $0x38;
	[tilespmem:$0x6C00] =	vst v63  }
0x755: {  	s30 =	sadd.s32 $0x6800, s24;
	s31 =	sadd.s32 $0x770, s23  }
0x756: {  	[hbm4b:s31+s3] =	stream.linear.scatter [tilespmem:s30], [sflag:$0x1], $0x80, $0x38;
	[tilespmem:$0x6C00] =	vst v63  }
0x757: {  	p0 =	slt.u32 s22, $0x3;
	s24 =	sadd.s32 $0x6A00, s24;
	s23 =	sadd.s32 $0x7F0, s23  }
0x758: {  	[hbm4b:s23+s3] =	stream.linear.scatter [tilespmem:s24], [sflag:$0x1], $0x80, $0x38;
	[tilespmem:$0x6C00] =	vst v63  }
0x759: {  	s23 =	simm.s32 @!p0 $0x1  }
0x75a: {  	_ =	swait.ge @!p0 [sflag:s23], $0x800  }
0x75b: {  	[sflag:s23] =	ssyncset.done @!p0 $0x0  }
0x75c: {  	[sflag:s23] =	ssyncadd.s32 @!p0 $0xFFFFF800  }
0x75d: {  	_ =	swait.ge @!p0 [sflag:s23], $0x800  }
0x75e: {  	[sflag:s23] =	ssyncset.done @!p0 $0x0  }
0x75f: {  	[sflag:s23] =	ssyncadd.s32 @!p0 $0xFFFFF800  }
0x760: {  	_ =	swait.ge @!p0 [sflag:s23], $0x800  }
0x761: {  	[sflag:s23] =	ssyncset.done @!p0 $0x0  }
0x762: {  	[sflag:s23] =	ssyncadd.s32 @!p0 $0xFFFFF800  }
0x763: {  	_ =	swait.ge @!p0 [sflag:s23], $0x800  }
0x764: {  	[sflag:s23] =	ssyncset.done @!p0 $0x0  }
0x765: {  	[sflag:s23] =	ssyncadd.s32 @!p0 $0xFFFFF800  }
0x766: {  	_ =	swait.ge @!p0 [sflag:s23], $0x800  }
0x767: {  	[sflag:s23] =	ssyncset.done @!p0 $0x0  }
0x768: {  	[sflag:s23] =	ssyncadd.s32 @!p0 $0xFFFFF800  }
0x769: {  	_ =	swait.ge @!p0 [sflag:s23], $0x800  }
0x76a: {  	[sflag:s23] =	ssyncset.done @!p0 $0x0  }
0x76b: {  	[sflag:s23] =	ssyncadd.s32 @!p0 $0xFFFFF800  }
0x76c: {  	_ =	swait.ge @!p0 [sflag:s23], $0x800  }
0x76d: {  	[sflag:s23] =	ssyncset.done @!p0 $0x0  }
0x76e: {  	[sflag:s23] =	ssyncadd.s32 @!p0 $0xFFFFF800  }
0x76f: {  	_ =	swait.ge @!p0 [sflag:s23], $0x800  }
0x770: {  	[sflag:s23] =	ssyncset.done @!p0 $0x0  }
0x771: {  	[sflag:s23] =	ssyncadd.s32 @!p0 $0xFFFFF800  }
0x772: {  	_ =	swait.ge @!p0 [sflag:s23], $0x800  }
0x773: {  	[sflag:s23] =	ssyncset.done @!p0 $0x0  }
0x774: {  	[sflag:s23] =	ssyncadd.s32 @!p0 $0xFFFFF800  }
0x775: {  	_ =	swait.ge @!p0 [sflag:s23], $0x800  }
0x776: {  	[sflag:s23] =	ssyncset.done @!p0 $0x0  }
0x777: {  	[sflag:s23] =	ssyncadd.s32 @!p0 $0xFFFFF800  }
0x778: {  	_ =	swait.ge @!p0 [sflag:s23], $0x800  }
0x779: {  	[sflag:s23] =	ssyncset.done @!p0 $0x0  }
0x77a: {  	[sflag:s23] =	ssyncadd.s32 @!p0 $0xFFFFF800  }
0x77b: {  	_ =	swait.ge @!p0 [sflag:s23], $0x800  }
0x77c: {  	[sflag:s23] =	ssyncset.done @!p0 $0x0  }
0x77d: {  	[sflag:s23] =	ssyncadd.s32 @!p0 $0xFFFFF800  }
0x77e: {  	_ =	swait.ge @!p0 [sflag:s23], $0x800  }
0x77f: {  	[sflag:s23] =	ssyncset.done @!p0 $0x0  }
0x780: {  	[sflag:s23] =	ssyncadd.s32 @!p0 $0xFFFFF800  }
0x781: {  	_ =	swait.ge @!p0 [sflag:s23], $0x800  }
0x782: {  	[sflag:s23] =	ssyncset.done @!p0 $0x0  }
0x783: {  	s21 =	sadd.s32 $0x1000, s21;
	[sflag:s23] =	ssyncadd.s32 @!p0 $0xFFFFF800  }
0x784: {  	p1 =	sne.s32 s21, $0x10000;
	_ =	swait.ge @!p0 [sflag:s23], $0x800  }
.Ltmp5:
0x785: {  	[sflag:s23] =	ssyncset.done @!p0 $0x0;
	(pc) =	sbr.rel @p1 .LBB2_12-.Ltmp5, $4  }
0x786: {  	[sflag:s23] =	ssyncadd.s32 @!p0 $0xFFFFF800  }
0x787: {  	_ =	swait.ge @!p0 [sflag:s23], $0x800  }
0x788: {  	[sflag:s23] =	ssyncset.done @!p0 $0x0  }
0x789: {  	s22 =	sadd.s32 $0x1, s22;
	s20 =	sadd.s32 $0x10, s20;
	[sflag:s23] =	ssyncadd.s32 @!p0 $0xFFFFF800  }
0x78a: {  	_ =	swait.ge [sflag:s18], $0x800  }
0x78b: {  	s20 =	simm.s32 $0x8F;
	[sflag:s18] =	ssyncset.done $0x0  }
.LBB2_14:
0x78c: {  	p0 =	sne.s32 s20, $0x1;
	s20 =	sadd.s32 $0xFFFFFFFF, s20;
	[sflag:s18] =	ssyncadd.s32 $0xFFFFF800  }
.Ltmp6:
0x78d: {  	(pc) =	sbr.rel @p0 .LBB2_14-.Ltmp6, $3  }
0x78e: {  	_ =	sdelay $0x1  }
0x78f: {  	_ =	swait.ge [sflag:s18], $0x800  }
0x790: {  	[sflag:s18] =	ssyncset.done $0x0  }
0x791: {  	s19 =	sadd.s32 $0x1, s19  }
0x792: {  	p0 =	sne.s32 s19, s10  }
.Ltmp7:
0x793: {  	_ = 	snop;
	(pc) =	sbr.rel @p0 .LBB2_1-.Ltmp7, $2  }
0x794: {  	_ =	sdelay $0x2  }
0x795: {  	[sflag:s18] =	ssyncadd.s32 $0xFFFFF800  }
0x796: {  	_ =	sfence.sel $0x180000  }
0x797: {  	[bflag:$0x0] =	sbarrier.arrive $0xFFFF  }
0x798: {  	p0 =	sne.s32 s2, $0x0;
	_ =	strace $0x90000047  }
0x799: {  	s0 =	sadd.s32 @!p0 $0x100000, s0;
	[bflag:$0x2] =	sbarrier.arrive $0xFFFF  }
0x79a: {  	[sflag:s0] =	ssyncadd.tile.s32 @!p0 $0x1;
	_ =	shalt  }
.Lfunc_end2:
_tile_overlayer_lowered:
.L_overlay_start_2:
0x79b: {  	(tag) =	ssettag $0x2  }
0x79c: {  	s0 =	rddreg [dreg:$0x0];
	s2 =	stileid.u32  }
0x79d: {  	s1 =	rddreg [dreg:$0x1];
	p0 =	sne.s32 s2, $0x0  }
0x79e: {  	s3 =	rddreg [dreg:$0x2];
	[bflag:$0x3] =	sbarrier.arrive $0xFFFF;
	s2 =	simm.s32 @!p0 $0x1C03  }
0x79f: {  	[timem:s3], [sflag:s2] =	dma.local @!p0 [hbm:s0], s1  }
0x7a0: {  	s0 =	simm.s32 @!p0 $0x3  }
0x7a1: {  	_ =	swait.ge @!p0 [sflag:s0], s1  }
0x7a2: {  	s1 =	ssub.s32 @!p0 $0x0, s1;
	[sflag:s0] =	ssyncset.done @!p0 $0x0  }
0x7a3: {  	[sflag:s0] =	ssyncadd.s32 @!p0 s1  }
0x7a4: {  	[bflag:$0x3] =	sbarrier.arrive $0xFFFF  }
0x7a5: {  	_ =	shalt  }

</sc_bundles>
